<compile_context>
chip_gen: v7x
topology: tpu7x:2x2x1
jax: 0.10.2.dev20260603
libtpu: 0.0.44.dev20260713+nightly
codegen_flags: <defaults>
</compile_context>

<pallas_src>
import dataclasses
import functools

import jax
import jax.numpy as jnp
from jax import lax
from jax.experimental import pallas as pl
from jax.experimental.pallas import tpu as pltpu
from jax.experimental.pallas import tpu_sc as plsc

N_NODES = 10000
N_EDGES = 320000
N_GRAPHS = 256

NC, NS = 2, 16
NW = NC * NS
N_PAD = 10240
NPT = N_PAD // NW
EPW = 10240
NE_PAD = EPW * NW
EPT = NE_PAD // NS
NROW = N_PAD // 16
G_PAD = 264

_MESH = plsc.VectorSubcoreMesh(
    core_axis_name="c", subcore_axis_name="s", num_cores=NC, num_subcores=NS
)
_CP = dataclasses.replace(
    pltpu.CompilerParams(), use_tc_tiling_on_sc=False, needs_layout_passes=False
)
_F32 = jnp.float32
_HIGHEST = jax.lax.Precision.HIGHEST


def _rsqrt_newton(x):
    i = plsc.bitcast(x, jnp.int32)
    y = plsc.bitcast(jnp.int32(0x5F3759DF) - (i >> 1), _F32)
    for _ in range(3):
        y = y * (1.5 - 0.5 * x * y * y)
    return y


def _degree_scales(src_e, dst_e, iden):

    @functools.partial(
        pl.kernel,
        out_type=(jax.ShapeDtypeStruct((NROW, 16), _F32),
                  jax.ShapeDtypeStruct((NROW, 16), _F32)),
        mesh=_MESH,
        scratch_types=[
            pltpu.VMEM((EPT,), jnp.int32),
            pltpu.VMEM((NROW, 16), _F32),
            pltpu.VMEM((40, 16), _F32),
            pltpu.VMEM((40, 16), _F32),
            pltpu.VMEM((5, 128), jnp.int32),
            pltpu.VMEM_SHARED((NROW, 16), _F32),
        ],
        compiler_params=_CP,
    )
    def k(src_hbm, dst_hbm, iden_hbm, so_hbm, si_hbm, e_v, hist_v, buf_v,
          s_v, iden_v, hist_sh):
        cid = lax.axis_index("c")
        sid = lax.axis_index("s")
        zeros16 = jnp.zeros((16,), _F32)
        ones16 = jnp.ones((16,), _F32)

        def work(edge_hbm, out_hbm):
            pltpu.sync_copy(edge_hbm.at[sid], e_v)
            pltpu.sync_copy(iden_hbm, iden_v)

            @pl.loop(0, NROW)
            def _(r):
                hist_v[r, :] = zeros16

            @pl.loop(0, 40)
            def _(r):
                buf_v[r, :] = zeros16

            @pl.loop(0, EPT // 16)
            def _(i):
                idx = e_v[pl.ds(i * 16, 16)]
                plsc.addupdate_scatter(hist_v, [idx >> 4, idx & 15], ones16)

            pltpu.sync_copy(buf_v, hist_sh.at[pl.ds(sid * 40, 40)])
            plsc.subcore_barrier()
            for j in range(5):
                pltpu.sync_copy(hist_v.at[pl.ds(j * 128, 128)],
                                hist_sh.at[iden_v.at[j]], add=True)
            plsc.subcore_barrier()

            pltpu.sync_copy(hist_sh.at[pl.ds(sid * 40, 40)], buf_v)

            @pl.loop(0, 40)
            def _(r):
                x = jnp.maximum(buf_v[r, :], 1.0)
                s_v[r, :] = _rsqrt_newton(x)

            pltpu.sync_copy(s_v, out_hbm.at[pl.ds(sid * 40, 40)])

        @pl.when(cid == 0)
        def _():
            work(src_hbm, so_hbm)

        @pl.when(cid == 1)
        def _():
            work(dst_hbm, si_hbm)

    return k(src_e, dst_e, iden)


def _embed_scale(emb, text, s_out):

    @functools.partial(
        pl.kernel,
        out_type=jax.ShapeDtypeStruct((NC, N_PAD, 64), _F32),
        mesh=_MESH,
        scratch_types=[
            pltpu.VMEM((NPT,), jnp.int32),
            pltpu.VMEM((NPT, 64), _F32),
            pltpu.VMEM((NPT // 16, 16), _F32),
            pltpu.SemaphoreType.DMA,
        ],
        compiler_params=_CP,
    )
    def k(emb_hbm, text_hbm, s_hbm, out_hbm, txt_v, rows_v, s_v, sem):
        cid = lax.axis_index("c")
        sid = lax.axis_index("s")
        wid = cid * NS + sid
        base = wid * NPT
        pltpu.sync_copy(text_hbm.at[pl.ds(base, NPT)], txt_v)
        pltpu.sync_copy(s_hbm.at[pl.ds(wid * (NPT // 16), NPT // 16)], s_v)
        for b in range(NPT // 64):
            pltpu.async_copy(emb_hbm.at[txt_v.at[pl.ds(b * 64, 64)]],
                             rows_v.at[pl.ds(b * 64, 64)], sem).wait()

        @pl.loop(0, NPT // 16)
        def _(r):
            v = s_v[r, :]
            for j in range(16):
                n = r * 16 + j
                sc = v[j]
                for c in range(4):
                    rows_v[n, pl.ds(c * 16, 16)] = rows_v[n, pl.ds(c * 16, 16)] * sc

        pltpu.sync_copy(rows_v, out_hbm.at[0, pl.ds(base, NPT)])
        pltpu.sync_copy(rows_v, out_hbm.at[1, pl.ds(base, NPT)])

    return k(emb, text, s_out)


def _seg_sum(src, dst, h2, eb):
    D = h2.shape[2]
    nb = EPW // eb
    src = src.reshape(NW, nb, eb)
    dst = dst.reshape(NW, nb, eb)
    rows_per_tile = N_PAD // NS
    assert rows_per_tile % eb == 0

    @functools.partial(
        pl.kernel,
        out_type=jax.ShapeDtypeStruct((NC, N_PAD, D), _F32),
        mesh=_MESH,
        scratch_types=[
            pltpu.VMEM((nb, eb), jnp.int32),
            pltpu.VMEM((nb, eb), jnp.int32),
            pltpu.VMEM((eb, D), _F32),
            pltpu.VMEM((eb, D), _F32),
            pltpu.VMEM_SHARED((N_PAD, D), _F32),
            pltpu.SemaphoreType.DMA,
            pltpu.SemaphoreType.DMA,
        ],
        compiler_params=_CP,
    )
    def k(src_hbm, dst_hbm, h_hbm, out_hbm, src_v, dst_v, rows0_v, rows1_v,
          acc_sh, sem0, sem1):
        cid = lax.axis_index("c")
        sid = lax.axis_index("s")
        wid = cid * NS + sid
        h_my = h_hbm.at[cid]

        pltpu.sync_copy(src_hbm.at[wid], src_v)
        pltpu.sync_copy(dst_hbm.at[wid], dst_v)

        zeros16 = jnp.zeros((16,), _F32)

        @pl.loop(0, eb)
        def _(r):
            @pl.loop(0, D, step=16)
            def _(cc):
                rows0_v[r, pl.ds(cc, 16)] = zeros16

        @pl.loop(0, rows_per_tile, step=eb)
        def _(j):
            pltpu.sync_copy(rows0_v, acc_sh.at[pl.ds(sid * rows_per_tile + j, eb)])

        pltpu.async_copy(h_my.at[src_v.at[0]], rows0_v, sem0)
        pltpu.async_copy(h_my.at[src_v.at[1]], rows1_v, sem1)
        plsc.subcore_barrier()

        @pl.loop(0, nb, step=2)
        def _(b):
            pltpu.make_async_copy(h_my.at[src_v.at[0]], rows0_v, sem0).wait()
            pltpu.sync_copy(rows0_v, acc_sh.at[dst_v.at[b]], add=True)

            @pl.when(b + 2 < nb)
            def _():
                pltpu.async_copy(h_my.at[src_v.at[b + 2]], rows0_v, sem0)

            pltpu.make_async_copy(h_my.at[src_v.at[1]], rows1_v, sem1).wait()
            pltpu.sync_copy(rows1_v, acc_sh.at[dst_v.at[b + 1]], add=True)

            @pl.when(b + 3 < nb)
            def _():
                pltpu.async_copy(h_my.at[src_v.at[b + 3]], rows1_v, sem1)

        plsc.subcore_barrier()
        r0 = sid * rows_per_tile
        pltpu.sync_copy(acc_sh.at[pl.ds(r0, rows_per_tile)],
                        out_hbm.at[cid, pl.ds(r0, rows_per_tile)])

    return k(src, dst, h2)


def _mm(parts, s_in, W, b, s_out=None, dup=False):
    N, D = parts.shape[1], parts.shape[2]
    F = W.shape[1]
    nblk = N // 256
    specs = [
        pl.BlockSpec((2, 256, D), lambda i: (0, i, 0)),
        pl.BlockSpec((256, 1), lambda i: (i, 0)),
        pl.BlockSpec((D, F), lambda i: (0, 0)),
        pl.BlockSpec((1, F), lambda i: (0, 0)),
    ]
    args = [parts, s_in, W, b.reshape(1, F)]
    if s_out is not None:
        specs.append(pl.BlockSpec((256, 1), lambda i: (i, 0)))
        args.append(s_out)

    def body(p_ref, si_ref, w_ref, b_ref, *rest):
        o_ref = rest[-1]
        x = (p_ref[0] + p_ref[1]) * si_ref[...]
        y = lax.dot_general(x, w_ref[...], (((1,), (0,)), ((), ())),
                            precision=_HIGHEST, preferred_element_type=_F32)
        y = jnp.maximum(y + b_ref[...], 0.0)
        if s_out is not None:
            y = y * rest[0][...]
        if dup:
            o_ref[0] = y
            o_ref[1] = y
        else:
            o_ref[...] = y

    if dup:
        out_specs = pl.BlockSpec((2, 256, F), lambda i: (0, i, 0))
        out_shape = jax.ShapeDtypeStruct((NC, N, F), _F32)
    else:
        out_specs = pl.BlockSpec((256, F), lambda i: (i, 0))
        out_shape = jax.ShapeDtypeStruct((N, F), _F32)
    return pl.pallas_call(
        body, grid=(nblk,), in_specs=specs,
        out_specs=out_specs, out_shape=out_shape,
    )(*args)


def _seg_max_partials(h2, gids):

    @functools.partial(
        pl.kernel,
        out_type=jax.ShapeDtypeStruct((NW, G_PAD, 128), _F32),
        mesh=_MESH,
        scratch_types=[
            pltpu.VMEM((NPT, 128), _F32),
            pltpu.VMEM((NPT,), jnp.int32),
            pltpu.VMEM((G_PAD, 128), _F32),
        ],
        compiler_params=_CP,
    )
    def k(h_hbm, g_hbm, out_hbm, rows_v, gid_v, part_v):
        cid = lax.axis_index("c")
        sid = lax.axis_index("s")
        wid = cid * NS + sid
        base = wid * NPT
        pltpu.sync_copy(h_hbm.at[pl.ds(base, NPT)], rows_v)
        pltpu.sync_copy(g_hbm.at[pl.ds(base, NPT)], gid_v)
        zeros16 = jnp.zeros((16,), _F32)

        @pl.loop(0, G_PAD)
        def _(r):
            @pl.loop(0, 128, step=16)
            def _(cc):
                part_v[r, pl.ds(cc, 16)] = zeros16

        @pl.loop(0, NPT // 16)
        def _(r):
            v = gid_v[pl.ds(r * 16, 16)]
            for j in range(16):
                n = r * 16 + j
                g = v[j]
                for c in range(8):
                    cur = part_v[g, pl.ds(c * 16, 16)]
                    x = rows_v[n, pl.ds(c * 16, 16)]
                    part_v[g, pl.ds(c * 16, 16)] = jnp.maximum(cur, x)

        pltpu.sync_copy(part_v, out_hbm.at[wid])

    return k(h2, gids)


def _readout(partials, Wc, bc):
    F = Wc.shape[1]

    def body(p_ref, w_ref, b_ref, o_ref, acc_ref):
        i = pl.program_id(0)
        x = p_ref[0, :N_GRAPHS, :]

        @pl.when(i == 0)
        def _():
            acc_ref[...] = x

        @pl.when(i > 0)
        def _():
            acc_ref[...] = jnp.maximum(acc_ref[...], x)

        @pl.when(i == NW - 1)
        def _():
            o_ref[...] = lax.dot_general(
                acc_ref[...], w_ref[...], (((1,), (0,)), ((), ())),
                precision=_HIGHEST, preferred_element_type=_F32) + b_ref[...]

    return pl.pallas_call(
        body, grid=(NW,),
        in_specs=[
            pl.BlockSpec((1, G_PAD, 128), lambda i: (i, 0, 0)),
            pl.BlockSpec((128, F), lambda i: (0, 0)),
            pl.BlockSpec((1, F), lambda i: (0, 0)),
        ],
        out_specs=pl.BlockSpec((N_GRAPHS, F), lambda i: (0, 0)),
        out_shape=jax.ShapeDtypeStruct((N_GRAPHS, F), _F32),
        scratch_shapes=[pltpu.VMEM((N_GRAPHS, 128), _F32)],
    )(partials, Wc, bc.reshape(1, F))


def kernel(text, edge_index, graph_ids, emb, W1, b1, W2, b2, Wc, bc):
    text = text.astype(jnp.int32)
    graph_ids = graph_ids.astype(jnp.int32)
    src = edge_index[0].astype(jnp.int32)
    dst = edge_index[1].astype(jnp.int32)

    pad_e = NE_PAD - N_EDGES
    src_p = jnp.concatenate([src, jnp.full((pad_e,), N_NODES, jnp.int32)])
    dst_p = jnp.concatenate([dst, jnp.full((pad_e,), N_NODES, jnp.int32)])
    text_p = jnp.concatenate(
        [text, jnp.zeros((N_PAD - N_NODES,), jnp.int32)])
    gids_p = jnp.concatenate(
        [graph_ids, jnp.full((N_PAD - N_NODES,), N_GRAPHS, jnp.int32)])
    iden = jnp.arange(NROW, dtype=jnp.int32).reshape(5, 128)

    s_out_g, s_in_g = _degree_scales(
        src_p.reshape(NS, EPT), dst_p.reshape(NS, EPT), iden)
    s_out_col = s_out_g.reshape(N_PAD, 1)
    s_in_col = s_in_g.reshape(N_PAD, 1)

    h0s = _embed_scale(emb, text_p, s_out_g)

    parts1 = _seg_sum(src_p, dst_p, h0s, eb=128)
    h1s = _mm(parts1, s_in_col, W1, b1, s_out=s_out_col, dup=True)
    parts2 = _seg_sum(src_p, dst_p, h1s, eb=80)
    h2 = _mm(parts2, s_in_col, W2, b2)
    partials = _seg_max_partials(h2, gids_p)
    return _readout(partials, Wc, bc)

# --- scband reference (transcript-rebuilt; emitter-appended) ---
"""Pipeline reference for scband-classifier-87540023427318 (READ-ONLY COPY).

The authoritative reference and input builder live on the scoring server;
editing this copy changes nothing except your own understanding.
"""

import jax, jax.numpy as jnp
import numpy as np

N_NODES = 10000
N_EDGES = 320000
N_GRAPHS = 256


def setup_inputs(seed: int = 0) -> dict:
    key = jax.random.key(seed)
    ks = jax.random.split(key, 8)
    text = jax.random.randint(ks[0], (N_NODES,), 0, 512)
    edge_index = jax.random.randint(ks[1], (2, N_EDGES), 0, N_NODES)
    graph_ids = jnp.sort(jax.random.randint(ks[2], (N_NODES,), 0, N_GRAPHS))
    emb = jax.random.normal(ks[3], (512, 64), dtype=jnp.float32)
    W1 = jax.random.normal(ks[4], (64, 128), dtype=jnp.float32) * 0.1
    b1 = jnp.zeros((128,), dtype=jnp.float32)
    W2 = jax.random.normal(ks[5], (128, 128), dtype=jnp.float32) * 0.1
    b2 = jnp.zeros((128,), dtype=jnp.float32)
    Wc = jax.random.normal(ks[6], (128, 106), dtype=jnp.float32) * 0.1
    bc = jnp.zeros((106,), dtype=jnp.float32)
    return {"text": text, "edge_index": edge_index, "graph_ids": graph_ids,
            "emb": emb, "W1": W1, "b1": b1, "W2": W2, "b2": b2, "Wc": Wc, "bc": bc}


def _graph_conv(h, src, dst, n_nodes, W, b):
    # DGL GraphConv with norm='both', allow_zero_in_degree=True
    deg_out = jnp.clip(jnp.bincount(src, length=n_nodes), 1).astype(jnp.float32)
    deg_in = jnp.clip(jnp.bincount(dst, length=n_nodes), 1).astype(jnp.float32)
    h = h * (deg_out ** -0.5)[:, None]
    agg = jax.ops.segment_sum(h[src], dst, num_segments=n_nodes)
    agg = agg * (deg_in ** -0.5)[:, None]
    return agg @ W + b


def reference(text, edge_index, graph_ids, emb, W1, b1, W2, b2, Wc, bc):
    n_nodes = text.shape[0]
    src, dst = edge_index[0], edge_index[1]
    h = emb[text]
    h = jax.nn.relu(_graph_conv(h, src, dst, n_nodes, W1, b1))
    h = jax.nn.relu(_graph_conv(h, src, dst, n_nodes, W2, b2))
    # dgl.max_nodes: per-graph max readout over batched graph
    hg = jax.ops.segment_max(h, graph_ids, num_segments=N_GRAPHS)
    hg = jnp.maximum(hg, 0.0)  # guard empty graphs (-inf identity); h>=0 after relu so faithful
    return hg @ Wc + bc

if __name__ == "__main__":
    import jax
    _d = setup_inputs()
    print(jax.jit(kernel)(*tuple(_d.values())))

</pallas_src>

<mosaic_0001>
#map = affine_map<(d0, d1) -> (0, 0, 0)>
module attributes {stable_mosaic.version = 14 : i64} {
  func.func @k(%arg0: i32, %arg1: i32, %arg2: memref<32x128x80xi32, #tpu.memory_space<hbm>>, %arg3: memref<32x128x80xi32, #tpu.memory_space<hbm>>, %arg4: memref<2x10240x128xf32, #tpu.memory_space<hbm>>, %arg5: memref<2x10240x128xf32, #tpu.memory_space<hbm>>, %arg6: memref<128x80xi32, #tpu.memory_space<vmem>>, %arg7: memref<128x80xi32, #tpu.memory_space<vmem>>, %arg8: memref<80x128xf32, #tpu.memory_space<vmem>>, %arg9: memref<80x128xf32, #tpu.memory_space<vmem>>, %arg10: memref<10240x128xf32, #tpu.memory_space<vmem_shared>>, %arg11: memref<!tpu.dma_semaphore, #tpu.memory_space<semaphore_mem>>, %arg12: memref<!tpu.dma_semaphore, #tpu.memory_space<semaphore_mem>>) attributes {dimension_semantics = [#tpu.dimension_semantics<core_parallel>, #tpu.dimension_semantics<subcore_parallel>], iteration_bounds = array<i64: 2, 16>, scalar_prefetch = 0 : i64, scratch_operands = 7 : i64, tpu.core_type = #tpu.core_type<sc_vector_subcore>, window_params = [{transform_indices = #map}, {transform_indices = #map}, {transform_indices = #map}, {transform_indices = #map}]} {
    %mul3A = arith.constant 16 : i32
    %mul3A_0 = arith.muli %arg0, %mul3A : i32
    %add3A = arith.addi %mul3A_0, %arg1 : i32
    "tpu.region"() ({
      %run_scoped3A = tpu.sem_alloc : memref<!tpu.dma_semaphore, #tpu.memory_space<semaphore_mem>>
      %dma_start3A_40 = arith.constant 0 : i32
      %dma_start3A_41 = arith.constant 0 : i32
      %dma_start3A_42 = tpu.memref_slice %arg2[%add3A, %dma_start3A_40, %dma_start3A_41] : memref<32x128x80xi32, #tpu.memory_space<hbm>> -> memref<1x128x80xi32, #tpu.memory_space<hbm>>
      %dma_start3A_43 = tpu.memref_squeeze %dma_start3A_42 : memref<1x128x80xi32, #tpu.memory_space<hbm>> -> memref<128x80xi32, #tpu.memory_space<hbm>>
      %dma_start3A_44 = arith.constant 0 : i32
      %dma_start3A_45 = arith.constant 0 : i32
      %dma_start3A_46 = tpu.memref_slice %arg2[%add3A, %dma_start3A_44, %dma_start3A_45] : memref<32x128x80xi32, #tpu.memory_space<hbm>> -> memref<1x128x80xi32, #tpu.memory_space<hbm>>
      %dma_start3A_47 = tpu.memref_squeeze %dma_start3A_46 : memref<1x128x80xi32, #tpu.memory_space<hbm>> -> memref<128x80xi32, #tpu.memory_space<hbm>>
      tpu.enqueue_dma source(%dma_start3A_47 : memref<128x80xi32, #tpu.memory_space<hbm>>) target(%arg6 : memref<128x80xi32, #tpu.memory_space<vmem>>) target_semaphore(%run_scoped3A : memref<!tpu.dma_semaphore, #tpu.memory_space<semaphore_mem>>)
      %dma_wait3A = arith.constant 0 : i32
      %dma_wait3A_48 = arith.constant 0 : i32
      %dma_wait3A_49 = tpu.memref_slice %arg2[%add3A, %dma_wait3A, %dma_wait3A_48] : memref<32x128x80xi32, #tpu.memory_space<hbm>> -> memref<1x128x80xi32, #tpu.memory_space<hbm>>
      %dma_wait3A_50 = tpu.memref_squeeze %dma_wait3A_49 : memref<1x128x80xi32, #tpu.memory_space<hbm>> -> memref<128x80xi32, #tpu.memory_space<hbm>>
      %dma_wait3A_51 = arith.constant 0 : i32
      %dma_wait3A_52 = arith.constant 0 : i32
      %dma_wait3A_53 = tpu.memref_slice %arg2[%add3A, %dma_wait3A_51, %dma_wait3A_52] : memref<32x128x80xi32, #tpu.memory_space<hbm>> -> memref<1x128x80xi32, #tpu.memory_space<hbm>>
      %dma_wait3A_54 = tpu.memref_squeeze %dma_wait3A_53 : memref<1x128x80xi32, #tpu.memory_space<hbm>> -> memref<128x80xi32, #tpu.memory_space<hbm>>
      tpu.wait_dma2 semaphore(%run_scoped3A : memref<!tpu.dma_semaphore, #tpu.memory_space<semaphore_mem>>) src(%dma_wait3A_54 : memref<128x80xi32, #tpu.memory_space<hbm>>) dst(%arg6 : memref<128x80xi32, #tpu.memory_space<vmem>>)
      tpu.yield
    }) : () -> ()
    "tpu.region"() ({
      %run_scoped3A = tpu.sem_alloc : memref<!tpu.dma_semaphore, #tpu.memory_space<semaphore_mem>>
      %dma_start3A_40 = arith.constant 0 : i32
      %dma_start3A_41 = arith.constant 0 : i32
      %dma_start3A_42 = tpu.memref_slice %arg3[%add3A, %dma_start3A_40, %dma_start3A_41] : memref<32x128x80xi32, #tpu.memory_space<hbm>> -> memref<1x128x80xi32, #tpu.memory_space<hbm>>
      %dma_start3A_43 = tpu.memref_squeeze %dma_start3A_42 : memref<1x128x80xi32, #tpu.memory_space<hbm>> -> memref<128x80xi32, #tpu.memory_space<hbm>>
      %dma_start3A_44 = arith.constant 0 : i32
      %dma_start3A_45 = arith.constant 0 : i32
      %dma_start3A_46 = tpu.memref_slice %arg3[%add3A, %dma_start3A_44, %dma_start3A_45] : memref<32x128x80xi32, #tpu.memory_space<hbm>> -> memref<1x128x80xi32, #tpu.memory_space<hbm>>
      %dma_start3A_47 = tpu.memref_squeeze %dma_start3A_46 : memref<1x128x80xi32, #tpu.memory_space<hbm>> -> memref<128x80xi32, #tpu.memory_space<hbm>>
      tpu.enqueue_dma source(%dma_start3A_47 : memref<128x80xi32, #tpu.memory_space<hbm>>) target(%arg7 : memref<128x80xi32, #tpu.memory_space<vmem>>) target_semaphore(%run_scoped3A : memref<!tpu.dma_semaphore, #tpu.memory_space<semaphore_mem>>)
      %dma_wait3A = arith.constant 0 : i32
      %dma_wait3A_48 = arith.constant 0 : i32
      %dma_wait3A_49 = tpu.memref_slice %arg3[%add3A, %dma_wait3A, %dma_wait3A_48] : memref<32x128x80xi32, #tpu.memory_space<hbm>> -> memref<1x128x80xi32, #tpu.memory_space<hbm>>
      %dma_wait3A_50 = tpu.memref_squeeze %dma_wait3A_49 : memref<1x128x80xi32, #tpu.memory_space<hbm>> -> memref<128x80xi32, #tpu.memory_space<hbm>>
      %dma_wait3A_51 = arith.constant 0 : i32
      %dma_wait3A_52 = arith.constant 0 : i32
      %dma_wait3A_53 = tpu.memref_slice %arg3[%add3A, %dma_wait3A_51, %dma_wait3A_52] : memref<32x128x80xi32, #tpu.memory_space<hbm>> -> memref<1x128x80xi32, #tpu.memory_space<hbm>>
      %dma_wait3A_54 = tpu.memref_squeeze %dma_wait3A_53 : memref<1x128x80xi32, #tpu.memory_space<hbm>> -> memref<128x80xi32, #tpu.memory_space<hbm>>
      tpu.wait_dma2 semaphore(%run_scoped3A : memref<!tpu.dma_semaphore, #tpu.memory_space<semaphore_mem>>) src(%dma_wait3A_54 : memref<128x80xi32, #tpu.memory_space<hbm>>) dst(%arg7 : memref<128x80xi32, #tpu.memory_space<vmem>>)
      tpu.yield
    }) : () -> ()
    %broadcast_in_dim3A = arith.constant 0.000000e+00 : f32
    %broadcast_in_dim3A_1 = vector.broadcast %broadcast_in_dim3A : f32 to vector<16xf32>
    %scan3A = arith.constant 0 : i32
    %scan3A_2 = arith.constant 80 : i32
    %scan3A_3 = arith.addi %scan3A, %scan3A_2 : i32
    %scan3A_4 = arith.constant 1 : i32
    scf.for %scan3A_40 = %scan3A to %scan3A_3 step %scan3A_4  : i32 {
      %mul3A_41 = arith.constant 1 : i32
      %mul3A_42 = arith.muli %scan3A_40, %mul3A_41 : i32
      %add3A_43 = arith.constant 0 : i32
      %add3A_44 = arith.addi %add3A_43, %mul3A_42 : i32
      %scan3A_45 = arith.constant 0 : i32
      %scan3A_46 = arith.constant 8 : i32
      %scan3A_47 = arith.addi %scan3A_45, %scan3A_46 : i32
      %scan3A_48 = arith.constant 1 : i32
      scf.for %scan3A_50 = %scan3A_45 to %scan3A_47 step %scan3A_48  : i32 {
        %mul3A_51 = arith.constant 16 : i32
        %mul3A_52 = arith.muli %scan3A_50, %mul3A_51 : i32
        %add3A_53 = arith.constant 0 : i32
        %add3A_54 = arith.addi %add3A_53, %mul3A_52 : i32
        %swap3A = arith.index_cast %add3A_44 : i32 to index
        %swap3A_55 = arith.index_cast %add3A_54 : i32 to index
        %swap3A_56 = tpu.vector_load %arg8[%swap3A, %swap3A_55] {strides = array<i32>} : memref<80x128xf32, #tpu.memory_space<vmem>>, vector<16xf32>,
        tpu.vector_store %arg8[%swap3A, %swap3A_55], %broadcast_in_dim3A_1 {strides = array<i32>} : memref<80x128xf32, #tpu.memory_space<vmem>>, vector<16xf32>,
      }
      %scan3A_49 = arith.constant 8 : i32
    }
    %scan3A_5 = arith.constant 80 : i32
    %scan3A_6 = arith.constant 0 : i32
    %scan3A_7 = arith.constant 8 : i32
    %scan3A_8 = arith.addi %scan3A_6, %scan3A_7 : i32
    %scan3A_9 = arith.constant 1 : i32
    scf.for %scan3A_40 = %scan3A_6 to %scan3A_8 step %scan3A_9  : i32 {
      %mul3A_41 = arith.constant 80 : i32
      %mul3A_42 = arith.muli %scan3A_40, %mul3A_41 : i32
      %add3A_43 = arith.constant 0 : i32
      %add3A_44 = arith.addi %add3A_43, %mul3A_42 : i32
      %mul3A_45 = arith.constant 640 : i32
      %mul3A_46 = arith.muli %arg1, %mul3A_45 : i32
      %add3A_47 = arith.addi %mul3A_46, %add3A_44 : i32
      "tpu.region"() ({
        %run_scoped3A = tpu.sem_alloc : memref<!tpu.dma_semaphore, #tpu.memory_space<semaphore_mem>>
        %dma_start3A_48 = arith.constant 0 : i32
        %dma_start3A_49 = tpu.memref_slice %arg10[%add3A_47, %dma_start3A_48] : memref<10240x128xf32, #tpu.memory_space<vmem_shared>> -> memref<80x128xf32, #tpu.memory_space<vmem_shared>>
        %dma_start3A_50 = arith.constant 0 : i32
        %dma_start3A_51 = tpu.memref_slice %arg10[%add3A_47, %dma_start3A_50] : memref<10240x128xf32, #tpu.memory_space<vmem_shared>> -> memref<80x128xf32, #tpu.memory_space<vmem_shared>>
        tpu.enqueue_dma source(%arg8 : memref<80x128xf32, #tpu.memory_space<vmem>>) target(%dma_start3A_51 : memref<80x128xf32, #tpu.memory_space<vmem_shared>>) target_semaphore(%run_scoped3A : memref<!tpu.dma_semaphore, #tpu.memory_space<semaphore_mem>>)
        %dma_wait3A = arith.constant 0 : i32
        %dma_wait3A_52 = tpu.memref_slice %arg10[%add3A_47, %dma_wait3A] : memref<10240x128xf32, #tpu.memory_space<vmem_shared>> -> memref<80x128xf32, #tpu.memory_space<vmem_shared>>
        %dma_wait3A_53 = arith.constant 0 : i32
        %dma_wait3A_54 = tpu.memref_slice %arg10[%add3A_47, %dma_wait3A_53] : memref<10240x128xf32, #tpu.memory_space<vmem_shared>> -> memref<80x128xf32, #tpu.memory_space<vmem_shared>>
        tpu.wait_dma2 semaphore(%run_scoped3A : memref<!tpu.dma_semaphore, #tpu.memory_space<semaphore_mem>>) src(%arg8 : memref<80x128xf32, #tpu.memory_space<vmem>>) dst(%dma_wait3A_54 : memref<80x128xf32, #tpu.memory_space<vmem_shared>>)
        tpu.yield
      }) : () -> ()
    }
    %scan3A_10 = arith.constant 8 : i32
    %dma_start3A = arith.constant 0 : i32
    %dma_start3A_11 = arith.constant 0 : i32
    %dma_start3A_12 = tpu.memref_slice %arg6[%dma_start3A, %dma_start3A_11] : memref<128x80xi32, #tpu.memory_space<vmem>> -> memref<1x80xi32, #tpu.memory_space<vmem>>
    %dma_start3A_13 = tpu.memref_squeeze %dma_start3A_12 : memref<1x80xi32, #tpu.memory_space<vmem>> -> memref<80xi32, #tpu.memory_space<vmem>>
    %dma_start3A_14 = arith.constant 0 : i32
    %dma_start3A_15 = arith.constant 0 : i32
    %dma_start3A_16 = tpu.memref_slice %arg4[%arg0, %dma_start3A_14, %dma_start3A_15] : memref<2x10240x128xf32, #tpu.memory_space<hbm>> -> memref<1x10240x128xf32, #tpu.memory_space<hbm>>
    %dma_start3A_17 = tpu.memref_squeeze %dma_start3A_16 : memref<1x10240x128xf32, #tpu.memory_space<hbm>> -> memref<10240x128xf32, #tpu.memory_space<hbm>>
    %dma_start3A_18 = arith.constant 0 : i32
    %dma_start3A_19 = arith.constant 0 : i32
    %dma_start3A_20 = tpu.memref_slice %dma_start3A_17[%dma_start3A_18, %dma_start3A_19] : memref<10240x128xf32, #tpu.memory_space<hbm>> -> memref<10240x128xf32, #tpu.memory_space<hbm>>
    tpu.enqueue_indirect_dma source(%dma_start3A_20 : memref<10240x128xf32, #tpu.memory_space<hbm>>) target(%arg8 : memref<80x128xf32, #tpu.memory_space<vmem>>) offsets(%dma_start3A_13 : memref<80xi32, #tpu.memory_space<vmem>>) semaphore(%arg11 : memref<!tpu.dma_semaphore, #tpu.memory_space<semaphore_mem>>)
    %dma_start3A_21 = arith.constant 1 : i32
    %dma_start3A_22 = arith.constant 0 : i32
    %dma_start3A_23 = tpu.memref_slice %arg6[%dma_start3A_21, %dma_start3A_22] : memref<128x80xi32, #tpu.memory_space<vmem>> -> memref<1x80xi32, #tpu.memory_space<vmem>>
    %dma_start3A_24 = tpu.memref_squeeze %dma_start3A_23 : memref<1x80xi32, #tpu.memory_space<vmem>> -> memref<80xi32, #tpu.memory_space<vmem>>
    %dma_start3A_25 = arith.constant 0 : i32
    %dma_start3A_26 = arith.constant 0 : i32
    %dma_start3A_27 = tpu.memref_slice %arg4[%arg0, %dma_start3A_25, %dma_start3A_26] : memref<2x10240x128xf32, #tpu.memory_space<hbm>> -> memref<1x10240x128xf32, #tpu.memory_space<hbm>>
    %dma_start3A_28 = tpu.memref_squeeze %dma_start3A_27 : memref<1x10240x128xf32, #tpu.memory_space<hbm>> -> memref<10240x128xf32, #tpu.memory_space<hbm>>
    %dma_start3A_29 = arith.constant 0 : i32
    %dma_start3A_30 = arith.constant 0 : i32
    %dma_start3A_31 = tpu.memref_slice %dma_start3A_28[%dma_start3A_29, %dma_start3A_30] : memref<10240x128xf32, #tpu.memory_space<hbm>> -> memref<10240x128xf32, #tpu.memory_space<hbm>>
    tpu.enqueue_indirect_dma source(%dma_start3A_31 : memref<10240x128xf32, #tpu.memory_space<hbm>>) target(%arg9 : memref<80x128xf32, #tpu.memory_space<vmem>>) offsets(%dma_start3A_24 : memref<80xi32, #tpu.memory_space<vmem>>) semaphore(%arg12 : memref<!tpu.dma_semaphore, #tpu.memory_space<semaphore_mem>>)
    %barrier3A = arith.constant 0 : index
    tpu.barrier barrier_id(%barrier3A)
    %scan3A_32 = arith.constant 0 : i32
    %scan3A_33 = arith.constant 64 : i32
    %scan3A_34 = arith.addi %scan3A_32, %scan3A_33 : i32
    %scan3A_35 = arith.constant 1 : i32
    scf.for %scan3A_40 = %scan3A_32 to %scan3A_34 step %scan3A_35  : i32 {
      %mul3A_41 = arith.constant 2 : i32
      %mul3A_42 = arith.muli %scan3A_40, %mul3A_41 : i32
      %add3A_43 = arith.constant 0 : i32
      %add3A_44 = arith.addi %add3A_43, %mul3A_42 : i32
      %dma_wait3A = arith.constant 0 : i32
      %dma_wait3A_45 = arith.constant 0 : i32
      %dma_wait3A_46 = tpu.memref_slice %arg6[%dma_wait3A, %dma_wait3A_45] : memref<128x80xi32, #tpu.memory_space<vmem>> -> memref<1x80xi32, #tpu.memory_space<vmem>>
      %dma_wait3A_47 = tpu.memref_squeeze %dma_wait3A_46 : memref<1x80xi32, #tpu.memory_space<vmem>> -> memref<80xi32, #tpu.memory_space<vmem>>
      %dma_wait3A_48 = arith.constant 0 : i32
      %dma_wait3A_49 = arith.constant 0 : i32
      %dma_wait3A_50 = tpu.memref_slice %arg4[%arg0, %dma_wait3A_48, %dma_wait3A_49] : memref<2x10240x128xf32, #tpu.memory_space<hbm>> -> memref<1x10240x128xf32, #tpu.memory_space<hbm>>
      %dma_wait3A_51 = tpu.memref_squeeze %dma_wait3A_50 : memref<1x10240x128xf32, #tpu.memory_space<hbm>> -> memref<10240x128xf32, #tpu.memory_space<hbm>>
      %dma_wait3A_52 = arith.constant 0 : i32
      %dma_wait3A_53 = arith.constant 0 : i32
      %dma_wait3A_54 = tpu.memref_slice %dma_wait3A_51[%dma_wait3A_52, %dma_wait3A_53] : memref<10240x128xf32, #tpu.memory_space<hbm>> -> memref<10240x128xf32, #tpu.memory_space<hbm>>
      tpu.wait_indirect_dma semaphore(%arg11 : memref<!tpu.dma_semaphore, #tpu.memory_space<semaphore_mem>>) src(%dma_wait3A_54 : memref<10240x128xf32, #tpu.memory_space<hbm>>) dst(%arg8 : memref<80x128xf32, #tpu.memory_space<vmem>>)
      "tpu.region"() ({
        %run_scoped3A = tpu.sem_alloc : memref<!tpu.dma_semaphore, #tpu.memory_space<semaphore_mem>>
        %dma_start3A_79 = arith.constant 0 : i32
        %dma_start3A_80 = tpu.memref_slice %arg7[%add3A_44, %dma_start3A_79] : memref<128x80xi32, #tpu.memory_space<vmem>> -> memref<1x80xi32, #tpu.memory_space<vmem>>
        %dma_start3A_81 = tpu.memref_squeeze %dma_start3A_80 : memref<1x80xi32, #tpu.memory_space<vmem>> -> memref<80xi32, #tpu.memory_space<vmem>>
        %dma_start3A_82 = arith.constant 0 : i32
        %dma_start3A_83 = arith.constant 0 : i32
        %dma_start3A_84 = tpu.memref_slice %arg10[%dma_start3A_82, %dma_start3A_83] : memref<10240x128xf32, #tpu.memory_space<vmem_shared>> -> memref<10240x128xf32, #tpu.memory_space<vmem_shared>>
        tpu.enqueue_indirect_dma source(%arg8 : memref<80x128xf32, #tpu.memory_space<vmem>>) target(%dma_start3A_84 : memref<10240x128xf32, #tpu.memory_space<vmem_shared>>) offsets(%dma_start3A_81 : memref<80xi32, #tpu.memory_space<vmem>>) semaphore(%run_scoped3A : memref<!tpu.dma_semaphore, #tpu.memory_space<semaphore_mem>>) {add = true}
        %dma_wait3A_85 = arith.constant 0 : i32
        %dma_wait3A_86 = tpu.memref_slice %arg7[%add3A_44, %dma_wait3A_85] : memref<128x80xi32, #tpu.memory_space<vmem>> -> memref<1x80xi32, #tpu.memory_space<vmem>>
        %dma_wait3A_87 = tpu.memref_squeeze %dma_wait3A_86 : memref<1x80xi32, #tpu.memory_space<vmem>> -> memref<80xi32, #tpu.memory_space<vmem>>
        %dma_wait3A_88 = arith.constant 0 : i32
        %dma_wait3A_89 = arith.constant 0 : i32
        %dma_wait3A_90 = tpu.memref_slice %arg10[%dma_wait3A_88, %dma_wait3A_89] : memref<10240x128xf32, #tpu.memory_space<vmem_shared>> -> memref<10240x128xf32, #tpu.memory_space<vmem_shared>>
        tpu.wait_indirect_dma semaphore(%run_scoped3A : memref<!tpu.dma_semaphore, #tpu.memory_space<semaphore_mem>>) src(%arg8 : memref<80x128xf32, #tpu.memory_space<vmem>>) dst(%dma_wait3A_90 : memref<10240x128xf32, #tpu.memory_space<vmem_shared>>)
        tpu.yield
      }) : () -> ()
      %add3A_55 = arith.constant 2 : i32
      %add3A_56 = arith.addi %add3A_44, %add3A_55 : i32
      %lt3A = arith.constant 128 : i32
      %lt3A_57 = arith.cmpi slt, %add3A_56, %lt3A : i32
      %convert_element_type3A = arith.extui %lt3A_57 : i1 to i32
      %cond3A = arith.constant 0 : i32
      %cond3A_58 = arith.cmpi ne, %convert_element_type3A, %cond3A : i32
      scf.if %cond3A_58 {
        %add3A_79 = arith.constant 2 : i32
        %add3A_80 = arith.addi %add3A_44, %add3A_79 : i32
        %dma_start3A_81 = arith.constant 0 : i32
        %dma_start3A_82 = tpu.memref_slice %arg6[%add3A_80, %dma_start3A_81] : memref<128x80xi32, #tpu.memory_space<vmem>> -> memref<1x80xi32, #tpu.memory_space<vmem>>
        %dma_start3A_83 = tpu.memref_squeeze %dma_start3A_82 : memref<1x80xi32, #tpu.memory_space<vmem>> -> memref<80xi32, #tpu.memory_space<vmem>>
        %dma_start3A_84 = arith.constant 0 : i32
        %dma_start3A_85 = arith.constant 0 : i32
        %dma_start3A_86 = tpu.memref_slice %arg4[%arg0, %dma_start3A_84, %dma_start3A_85] : memref<2x10240x128xf32, #tpu.memory_space<hbm>> -> memref<1x10240x128xf32, #tpu.memory_space<hbm>>
        %dma_start3A_87 = tpu.memref_squeeze %dma_start3A_86 : memref<1x10240x128xf32, #tpu.memory_space<hbm>> -> memref<10240x128xf32, #tpu.memory_space<hbm>>
        %dma_start3A_88 = arith.constant 0 : i32
        %dma_start3A_89 = arith.constant 0 : i32
        %dma_start3A_90 = tpu.memref_slice %dma_start3A_87[%dma_start3A_88, %dma_start3A_89] : memref<10240x128xf32, #tpu.memory_space<hbm>> -> memref<10240x128xf32, #tpu.memory_space<hbm>>
        tpu.enqueue_indirect_dma source(%dma_start3A_90 : memref<10240x128xf32, #tpu.memory_space<hbm>>) target(%arg8 : memref<80x128xf32, #tpu.memory_space<vmem>>) offsets(%dma_start3A_83 : memref<80xi32, #tpu.memory_space<vmem>>) semaphore(%arg11 : memref<!tpu.dma_semaphore, #tpu.memory_space<semaphore_mem>>)
      } else {
      }
      %dma_wait3A_59 = arith.constant 1 : i32
      %dma_wait3A_60 = arith.constant 0 : i32
      %dma_wait3A_61 = tpu.memref_slice %arg6[%dma_wait3A_59, %dma_wait3A_60] : memref<128x80xi32, #tpu.memory_space<vmem>> -> memref<1x80xi32, #tpu.memory_space<vmem>>
      %dma_wait3A_62 = tpu.memref_squeeze %dma_wait3A_61 : memref<1x80xi32, #tpu.memory_space<vmem>> -> memref<80xi32, #tpu.memory_space<vmem>>
      %dma_wait3A_63 = arith.constant 0 : i32
      %dma_wait3A_64 = arith.constant 0 : i32
      %dma_wait3A_65 = tpu.memref_slice %arg4[%arg0, %dma_wait3A_63, %dma_wait3A_64] : memref<2x10240x128xf32, #tpu.memory_space<hbm>> -> memref<1x10240x128xf32, #tpu.memory_space<hbm>>
      %dma_wait3A_66 = tpu.memref_squeeze %dma_wait3A_65 : memref<1x10240x128xf32, #tpu.memory_space<hbm>> -> memref<10240x128xf32, #tpu.memory_space<hbm>>
      %dma_wait3A_67 = arith.constant 0 : i32
      %dma_wait3A_68 = arith.constant 0 : i32
      %dma_wait3A_69 = tpu.memref_slice %dma_wait3A_66[%dma_wait3A_67, %dma_wait3A_68] : memref<10240x128xf32, #tpu.memory_space<hbm>> -> memref<10240x128xf32, #tpu.memory_space<hbm>>
      tpu.wait_indirect_dma semaphore(%arg12 : memref<!tpu.dma_semaphore, #tpu.memory_space<semaphore_mem>>) src(%dma_wait3A_69 : memref<10240x128xf32, #tpu.memory_space<hbm>>) dst(%arg9 : memref<80x128xf32, #tpu.memory_space<vmem>>)
      %add3A_70 = arith.constant 1 : i32
      %add3A_71 = arith.addi %add3A_44, %add3A_70 : i32
      "tpu.region"() ({
        %run_scoped3A = tpu.sem_alloc : memref<!tpu.dma_semaphore, #tpu.memory_space<semaphore_mem>>
        %dma_start3A_79 = arith.constant 0 : i32
        %dma_start3A_80 = tpu.memref_slice %arg7[%add3A_71, %dma_start3A_79] : memref<128x80xi32, #tpu.memory_space<vmem>> -> memref<1x80xi32, #tpu.memory_space<vmem>>
        %dma_start3A_81 = tpu.memref_squeeze %dma_start3A_80 : memref<1x80xi32, #tpu.memory_space<vmem>> -> memref<80xi32, #tpu.memory_space<vmem>>
        %dma_start3A_82 = arith.constant 0 : i32
        %dma_start3A_83 = arith.constant 0 : i32
        %dma_start3A_84 = tpu.memref_slice %arg10[%dma_start3A_82, %dma_start3A_83] : memref<10240x128xf32, #tpu.memory_space<vmem_shared>> -> memref<10240x128xf32, #tpu.memory_space<vmem_shared>>
        tpu.enqueue_indirect_dma source(%arg9 : memref<80x128xf32, #tpu.memory_space<vmem>>) target(%dma_start3A_84 : memref<10240x128xf32, #tpu.memory_space<vmem_shared>>) offsets(%dma_start3A_81 : memref<80xi32, #tpu.memory_space<vmem>>) semaphore(%run_scoped3A : memref<!tpu.dma_semaphore, #tpu.memory_space<semaphore_mem>>) {add = true}
        %dma_wait3A_85 = arith.constant 0 : i32
        %dma_wait3A_86 = tpu.memref_slice %arg7[%add3A_71, %dma_wait3A_85] : memref<128x80xi32, #tpu.memory_space<vmem>> -> memref<1x80xi32, #tpu.memory_space<vmem>>
        %dma_wait3A_87 = tpu.memref_squeeze %dma_wait3A_86 : memref<1x80xi32, #tpu.memory_space<vmem>> -> memref<80xi32, #tpu.memory_space<vmem>>
        %dma_wait3A_88 = arith.constant 0 : i32
        %dma_wait3A_89 = arith.constant 0 : i32
        %dma_wait3A_90 = tpu.memref_slice %arg10[%dma_wait3A_88, %dma_wait3A_89] : memref<10240x128xf32, #tpu.memory_space<vmem_shared>> -> memref<10240x128xf32, #tpu.memory_space<vmem_shared>>
        tpu.wait_indirect_dma semaphore(%run_scoped3A : memref<!tpu.dma_semaphore, #tpu.memory_space<semaphore_mem>>) src(%arg9 : memref<80x128xf32, #tpu.memory_space<vmem>>) dst(%dma_wait3A_90 : memref<10240x128xf32, #tpu.memory_space<vmem_shared>>)
        tpu.yield
      }) : () -> ()
      %add3A_72 = arith.constant 3 : i32
      %add3A_73 = arith.addi %add3A_44, %add3A_72 : i32
      %lt3A_74 = arith.constant 128 : i32
      %lt3A_75 = arith.cmpi slt, %add3A_73, %lt3A_74 : i32
      %convert_element_type3A_76 = arith.extui %lt3A_75 : i1 to i32
      %cond3A_77 = arith.constant 0 : i32
      %cond3A_78 = arith.cmpi ne, %convert_element_type3A_76, %cond3A_77 : i32
      scf.if %cond3A_78 {
        %add3A_79 = arith.constant 3 : i32
        %add3A_80 = arith.addi %add3A_44, %add3A_79 : i32
        %dma_start3A_81 = arith.constant 0 : i32
        %dma_start3A_82 = tpu.memref_slice %arg6[%add3A_80, %dma_start3A_81] : memref<128x80xi32, #tpu.memory_space<vmem>> -> memref<1x80xi32, #tpu.memory_space<vmem>>
        %dma_start3A_83 = tpu.memref_squeeze %dma_start3A_82 : memref<1x80xi32, #tpu.memory_space<vmem>> -> memref<80xi32, #tpu.memory_space<vmem>>
        %dma_start3A_84 = arith.constant 0 : i32
        %dma_start3A_85 = arith.constant 0 : i32
        %dma_start3A_86 = tpu.memref_slice %arg4[%arg0, %dma_start3A_84, %dma_start3A_85] : memref<2x10240x128xf32, #tpu.memory_space<hbm>> -> memref<1x10240x128xf32, #tpu.memory_space<hbm>>
        %dma_start3A_87 = tpu.memref_squeeze %dma_start3A_86 : memref<1x10240x128xf32, #tpu.memory_space<hbm>> -> memref<10240x128xf32, #tpu.memory_space<hbm>>
        %dma_start3A_88 = arith.constant 0 : i32
        %dma_start3A_89 = arith.constant 0 : i32
        %dma_start3A_90 = tpu.memref_slice %dma_start3A_87[%dma_start3A_88, %dma_start3A_89] : memref<10240x128xf32, #tpu.memory_space<hbm>> -> memref<10240x128xf32, #tpu.memory_space<hbm>>
        tpu.enqueue_indirect_dma source(%dma_start3A_90 : memref<10240x128xf32, #tpu.memory_space<hbm>>) target(%arg9 : memref<80x128xf32, #tpu.memory_space<vmem>>) offsets(%dma_start3A_83 : memref<80xi32, #tpu.memory_space<vmem>>) semaphore(%arg12 : memref<!tpu.dma_semaphore, #tpu.memory_space<semaphore_mem>>)
      } else {
      }
    }
    %scan3A_36 = arith.constant 64 : i32
    %barrier3A_37 = arith.constant 0 : index
    tpu.barrier barrier_id(%barrier3A_37)
    %mul3A_38 = arith.constant 640 : i32
    %mul3A_39 = arith.muli %arg1, %mul3A_38 : i32
    "tpu.region"() ({
      %run_scoped3A = tpu.sem_alloc : memref<!tpu.dma_semaphore, #tpu.memory_space<semaphore_mem>>
      %dma_start3A_40 = arith.constant 0 : i32
      %dma_start3A_41 = tpu.memref_slice %arg5[%arg0, %mul3A_39, %dma_start3A_40] : memref<2x10240x128xf32, #tpu.memory_space<hbm>> -> memref<1x640x128xf32, #tpu.memory_space<hbm>>
      %dma_start3A_42 = tpu.memref_squeeze %dma_start3A_41 : memref<1x640x128xf32, #tpu.memory_space<hbm>> -> memref<640x128xf32, #tpu.memory_space<hbm>>
      %dma_start3A_43 = arith.constant 0 : i32
      %dma_start3A_44 = tpu.memref_slice %arg10[%mul3A_39, %dma_start3A_43] : memref<10240x128xf32, #tpu.memory_space<vmem_shared>> -> memref<640x128xf32, #tpu.memory_space<vmem_shared>>
      tpu.enqueue_dma source(%dma_start3A_44 : memref<640x128xf32, #tpu.memory_space<vmem_shared>>) target(%dma_start3A_42 : memref<640x128xf32, #tpu.memory_space<hbm>>) target_semaphore(%run_scoped3A : memref<!tpu.dma_semaphore, #tpu.memory_space<semaphore_mem>>)
      %dma_wait3A = arith.constant 0 : i32
      %dma_wait3A_45 = tpu.memref_slice %arg5[%arg0, %mul3A_39, %dma_wait3A] : memref<2x10240x128xf32, #tpu.memory_space<hbm>> -> memref<1x640x128xf32, #tpu.memory_space<hbm>>
      %dma_wait3A_46 = tpu.memref_squeeze %dma_wait3A_45 : memref<1x640x128xf32, #tpu.memory_space<hbm>> -> memref<640x128xf32, #tpu.memory_space<hbm>>
      %dma_wait3A_47 = arith.constant 0 : i32
      %dma_wait3A_48 = tpu.memref_slice %arg10[%mul3A_39, %dma_wait3A_47] : memref<10240x128xf32, #tpu.memory_space<vmem_shared>> -> memref<640x128xf32, #tpu.memory_space<vmem_shared>>
      tpu.wait_dma2 semaphore(%run_scoped3A : memref<!tpu.dma_semaphore, #tpu.memory_space<semaphore_mem>>) src(%dma_wait3A_48 : memref<640x128xf32, #tpu.memory_space<vmem_shared>>) dst(%dma_wait3A_46 : memref<640x128xf32, #tpu.memory_space<hbm>>)
      tpu.yield
    }) : () -> ()
    return
  }
}

#map = affine_map<(d0, d1) -> (0, 0, 0)>
module attributes {stable_mosaic.version = 14 : i64} {
  func.func @k(%arg0: i32, %arg1: i32, %arg2: memref<32x80x128xi32, #tpu.memory_space<hbm>>, %arg3: memref<32x80x128xi32, #tpu.memory_space<hbm>>, %arg4: memref<2x10240x64xf32, #tpu.memory_space<hbm>>, %arg5: memref<2x10240x64xf32, #tpu.memory_space<hbm>>, %arg6: memref<80x128xi32, #tpu.memory_space<vmem>>, %arg7: memref<80x128xi32, #tpu.memory_space<vmem>>, %arg8: memref<128x64xf32, #tpu.memory_space<vmem>>, %arg9: memref<128x64xf32, #tpu.memory_space<vmem>>, %arg10: memref<10240x64xf32, #tpu.memory_space<vmem_shared>>, %arg11: memref<!tpu.dma_semaphore, #tpu.memory_space<semaphore_mem>>, %arg12: memref<!tpu.dma_semaphore, #tpu.memory_space<semaphore_mem>>) attributes {dimension_semantics = [#tpu.dimension_semantics<core_parallel>, #tpu.dimension_semantics<subcore_parallel>], iteration_bounds = array<i64: 2, 16>, scalar_prefetch = 0 : i64, scratch_operands = 7 : i64, tpu.core_type = #tpu.core_type<sc_vector_subcore>, window_params = [{transform_indices = #map}, {transform_indices = #map}, {transform_indices = #map}, {transform_indices = #map}]} {
    %mul3A = arith.constant 16 : i32
    %mul3A_0 = arith.muli %arg0, %mul3A : i32
    %add3A = arith.addi %mul3A_0, %arg1 : i32
    "tpu.region"() ({
      %run_scoped3A = tpu.sem_alloc : memref<!tpu.dma_semaphore, #tpu.memory_space<semaphore_mem>>
      %dma_start3A_40 = arith.constant 0 : i32
      %dma_start3A_41 = arith.constant 0 : i32
      %dma_start3A_42 = tpu.memref_slice %arg2[%add3A, %dma_start3A_40, %dma_start3A_41] : memref<32x80x128xi32, #tpu.memory_space<hbm>> -> memref<1x80x128xi32, #tpu.memory_space<hbm>>
      %dma_start3A_43 = tpu.memref_squeeze %dma_start3A_42 : memref<1x80x128xi32, #tpu.memory_space<hbm>> -> memref<80x128xi32, #tpu.memory_space<hbm>>
      %dma_start3A_44 = arith.constant 0 : i32
      %dma_start3A_45 = arith.constant 0 : i32
      %dma_start3A_46 = tpu.memref_slice %arg2[%add3A, %dma_start3A_44, %dma_start3A_45] : memref<32x80x128xi32, #tpu.memory_space<hbm>> -> memref<1x80x128xi32, #tpu.memory_space<hbm>>
      %dma_start3A_47 = tpu.memref_squeeze %dma_start3A_46 : memref<1x80x128xi32, #tpu.memory_space<hbm>> -> memref<80x128xi32, #tpu.memory_space<hbm>>
      tpu.enqueue_dma source(%dma_start3A_47 : memref<80x128xi32, #tpu.memory_space<hbm>>) target(%arg6 : memref<80x128xi32, #tpu.memory_space<vmem>>) target_semaphore(%run_scoped3A : memref<!tpu.dma_semaphore, #tpu.memory_space<semaphore_mem>>)
      %dma_wait3A = arith.constant 0 : i32
      %dma_wait3A_48 = arith.constant 0 : i32
      %dma_wait3A_49 = tpu.memref_slice %arg2[%add3A, %dma_wait3A, %dma_wait3A_48] : memref<32x80x128xi32, #tpu.memory_space<hbm>> -> memref<1x80x128xi32, #tpu.memory_space<hbm>>
      %dma_wait3A_50 = tpu.memref_squeeze %dma_wait3A_49 : memref<1x80x128xi32, #tpu.memory_space<hbm>> -> memref<80x128xi32, #tpu.memory_space<hbm>>
      %dma_wait3A_51 = arith.constant 0 : i32
      %dma_wait3A_52 = arith.constant 0 : i32
      %dma_wait3A_53 = tpu.memref_slice %arg2[%add3A, %dma_wait3A_51, %dma_wait3A_52] : memref<32x80x128xi32, #tpu.memory_space<hbm>> -> memref<1x80x128xi32, #tpu.memory_space<hbm>>
      %dma_wait3A_54 = tpu.memref_squeeze %dma_wait3A_53 : memref<1x80x128xi32, #tpu.memory_space<hbm>> -> memref<80x128xi32, #tpu.memory_space<hbm>>
      tpu.wait_dma2 semaphore(%run_scoped3A : memref<!tpu.dma_semaphore, #tpu.memory_space<semaphore_mem>>) src(%dma_wait3A_54 : memref<80x128xi32, #tpu.memory_space<hbm>>) dst(%arg6 : memref<80x128xi32, #tpu.memory_space<vmem>>)
      tpu.yield
    }) : () -> ()
    "tpu.region"() ({
      %run_scoped3A = tpu.sem_alloc : memref<!tpu.dma_semaphore, #tpu.memory_space<semaphore_mem>>
      %dma_start3A_40 = arith.constant 0 : i32
      %dma_start3A_41 = arith.constant 0 : i32
      %dma_start3A_42 = tpu.memref_slice %arg3[%add3A, %dma_start3A_40, %dma_start3A_41] : memref<32x80x128xi32, #tpu.memory_space<hbm>> -> memref<1x80x128xi32, #tpu.memory_space<hbm>>
      %dma_start3A_43 = tpu.memref_squeeze %dma_start3A_42 : memref<1x80x128xi32, #tpu.memory_space<hbm>> -> memref<80x128xi32, #tpu.memory_space<hbm>>
      %dma_start3A_44 = arith.constant 0 : i32
      %dma_start3A_45 = arith.constant 0 : i32
      %dma_start3A_46 = tpu.memref_slice %arg3[%add3A, %dma_start3A_44, %dma_start3A_45] : memref<32x80x128xi32, #tpu.memory_space<hbm>> -> memref<1x80x128xi32, #tpu.memory_space<hbm>>
      %dma_start3A_47 = tpu.memref_squeeze %dma_start3A_46 : memref<1x80x128xi32, #tpu.memory_space<hbm>> -> memref<80x128xi32, #tpu.memory_space<hbm>>
      tpu.enqueue_dma source(%dma_start3A_47 : memref<80x128xi32, #tpu.memory_space<hbm>>) target(%arg7 : memref<80x128xi32, #tpu.memory_space<vmem>>) target_semaphore(%run_scoped3A : memref<!tpu.dma_semaphore, #tpu.memory_space<semaphore_mem>>)
      %dma_wait3A = arith.constant 0 : i32
      %dma_wait3A_48 = arith.constant 0 : i32
      %dma_wait3A_49 = tpu.memref_slice %arg3[%add3A, %dma_wait3A, %dma_wait3A_48] : memref<32x80x128xi32, #tpu.memory_space<hbm>> -> memref<1x80x128xi32, #tpu.memory_space<hbm>>
      %dma_wait3A_50 = tpu.memref_squeeze %dma_wait3A_49 : memref<1x80x128xi32, #tpu.memory_space<hbm>> -> memref<80x128xi32, #tpu.memory_space<hbm>>
      %dma_wait3A_51 = arith.constant 0 : i32
      %dma_wait3A_52 = arith.constant 0 : i32
      %dma_wait3A_53 = tpu.memref_slice %arg3[%add3A, %dma_wait3A_51, %dma_wait3A_52] : memref<32x80x128xi32, #tpu.memory_space<hbm>> -> memref<1x80x128xi32, #tpu.memory_space<hbm>>
      %dma_wait3A_54 = tpu.memref_squeeze %dma_wait3A_53 : memref<1x80x128xi32, #tpu.memory_space<hbm>> -> memref<80x128xi32, #tpu.memory_space<hbm>>
      tpu.wait_dma2 semaphore(%run_scoped3A : memref<!tpu.dma_semaphore, #tpu.memory_space<semaphore_mem>>) src(%dma_wait3A_54 : memref<80x128xi32, #tpu.memory_space<hbm>>) dst(%arg7 : memref<80x128xi32, #tpu.memory_space<vmem>>)
      tpu.yield
    }) : () -> ()
    %broadcast_in_dim3A = arith.constant 0.000000e+00 : f32
    %broadcast_in_dim3A_1 = vector.broadcast %broadcast_in_dim3A : f32 to vector<16xf32>
    %scan3A = arith.constant 0 : i32
    %scan3A_2 = arith.constant 128 : i32
    %scan3A_3 = arith.addi %scan3A, %scan3A_2 : i32
    %scan3A_4 = arith.constant 1 : i32
    scf.for %scan3A_40 = %scan3A to %scan3A_3 step %scan3A_4  : i32 {
      %mul3A_41 = arith.constant 1 : i32
      %mul3A_42 = arith.muli %scan3A_40, %mul3A_41 : i32
      %add3A_43 = arith.constant 0 : i32
      %add3A_44 = arith.addi %add3A_43, %mul3A_42 : i32
      %scan3A_45 = arith.constant 0 : i32
      %scan3A_46 = arith.constant 4 : i32
      %scan3A_47 = arith.addi %scan3A_45, %scan3A_46 : i32
      %scan3A_48 = arith.constant 1 : i32
      scf.for %scan3A_50 = %scan3A_45 to %scan3A_47 step %scan3A_48  : i32 {
        %mul3A_51 = arith.constant 16 : i32
        %mul3A_52 = arith.muli %scan3A_50, %mul3A_51 : i32
        %add3A_53 = arith.constant 0 : i32
        %add3A_54 = arith.addi %add3A_53, %mul3A_52 : i32
        %swap3A = arith.index_cast %add3A_44 : i32 to index
        %swap3A_55 = arith.index_cast %add3A_54 : i32 to index
        %swap3A_56 = tpu.vector_load %arg8[%swap3A, %swap3A_55] {strides = array<i32>} : memref<128x64xf32, #tpu.memory_space<vmem>>, vector<16xf32>,
        tpu.vector_store %arg8[%swap3A, %swap3A_55], %broadcast_in_dim3A_1 {strides = array<i32>} : memref<128x64xf32, #tpu.memory_space<vmem>>, vector<16xf32>,
      }
      %scan3A_49 = arith.constant 4 : i32
    }
    %scan3A_5 = arith.constant 128 : i32
    %scan3A_6 = arith.constant 0 : i32
    %scan3A_7 = arith.constant 5 : i32
    %scan3A_8 = arith.addi %scan3A_6, %scan3A_7 : i32
    %scan3A_9 = arith.constant 1 : i32
    scf.for %scan3A_40 = %scan3A_6 to %scan3A_8 step %scan3A_9  : i32 {
      %mul3A_41 = arith.constant 128 : i32
      %mul3A_42 = arith.muli %scan3A_40, %mul3A_41 : i32
      %add3A_43 = arith.constant 0 : i32
      %add3A_44 = arith.addi %add3A_43, %mul3A_42 : i32
      %mul3A_45 = arith.constant 640 : i32
      %mul3A_46 = arith.muli %arg1, %mul3A_45 : i32
      %add3A_47 = arith.addi %mul3A_46, %add3A_44 : i32
      "tpu.region"() ({
        %run_scoped3A = tpu.sem_alloc : memref<!tpu.dma_semaphore, #tpu.memory_space<semaphore_mem>>
        %dma_start3A_48 = arith.constant 0 : i32
        %dma_start3A_49 = tpu.memref_slice %arg10[%add3A_47, %dma_start3A_48] : memref<10240x64xf32, #tpu.memory_space<vmem_shared>> -> memref<128x64xf32, #tpu.memory_space<vmem_shared>>
        %dma_start3A_50 = arith.constant 0 : i32
        %dma_start3A_51 = tpu.memref_slice %arg10[%add3A_47, %dma_start3A_50] : memref<10240x64xf32, #tpu.memory_space<vmem_shared>> -> memref<128x64xf32, #tpu.memory_space<vmem_shared>>
        tpu.enqueue_dma source(%arg8 : memref<128x64xf32, #tpu.memory_space<vmem>>) target(%dma_start3A_51 : memref<128x64xf32, #tpu.memory_space<vmem_shared>>) target_semaphore(%run_scoped3A : memref<!tpu.dma_semaphore, #tpu.memory_space<semaphore_mem>>)
        %dma_wait3A = arith.constant 0 : i32
        %dma_wait3A_52 = tpu.memref_slice %arg10[%add3A_47, %dma_wait3A] : memref<10240x64xf32, #tpu.memory_space<vmem_shared>> -> memref<128x64xf32, #tpu.memory_space<vmem_shared>>
        %dma_wait3A_53 = arith.constant 0 : i32
        %dma_wait3A_54 = tpu.memref_slice %arg10[%add3A_47, %dma_wait3A_53] : memref<10240x64xf32, #tpu.memory_space<vmem_shared>> -> memref<128x64xf32, #tpu.memory_space<vmem_shared>>
        tpu.wait_dma2 semaphore(%run_scoped3A : memref<!tpu.dma_semaphore, #tpu.memory_space<semaphore_mem>>) src(%arg8 : memref<128x64xf32, #tpu.memory_space<vmem>>) dst(%dma_wait3A_54 : memref<128x64xf32, #tpu.memory_space<vmem_shared>>)
        tpu.yield
      }) : () -> ()
    }
    %scan3A_10 = arith.constant 5 : i32
    %dma_start3A = arith.constant 0 : i32
    %dma_start3A_11 = arith.constant 0 : i32
    %dma_start3A_12 = tpu.memref_slice %arg6[%dma_start3A, %dma_start3A_11] : memref<80x128xi32, #tpu.memory_space<vmem>> -> memref<1x128xi32, #tpu.memory_space<vmem>>
    %dma_start3A_13 = tpu.memref_squeeze %dma_start3A_12 : memref<1x128xi32, #tpu.memory_space<vmem>> -> memref<128xi32, #tpu.memory_space<vmem>>
    %dma_start3A_14 = arith.constant 0 : i32
    %dma_start3A_15 = arith.constant 0 : i32
    %dma_start3A_16 = tpu.memref_slice %arg4[%arg0, %dma_start3A_14, %dma_start3A_15] : memref<2x10240x64xf32, #tpu.memory_space<hbm>> -> memref<1x10240x64xf32, #tpu.memory_space<hbm>>
    %dma_start3A_17 = tpu.memref_squeeze %dma_start3A_16 : memref<1x10240x64xf32, #tpu.memory_space<hbm>> -> memref<10240x64xf32, #tpu.memory_space<hbm>>
    %dma_start3A_18 = arith.constant 0 : i32
    %dma_start3A_19 = arith.constant 0 : i32
    %dma_start3A_20 = tpu.memref_slice %dma_start3A_17[%dma_start3A_18, %dma_start3A_19] : memref<10240x64xf32, #tpu.memory_space<hbm>> -> memref<10240x64xf32, #tpu.memory_space<hbm>>
    tpu.enqueue_indirect_dma source(%dma_start3A_20 : memref<10240x64xf32, #tpu.memory_space<hbm>>) target(%arg8 : memref<128x64xf32, #tpu.memory_space<vmem>>) offsets(%dma_start3A_13 : memref<128xi32, #tpu.memory_space<vmem>>) semaphore(%arg11 : memref<!tpu.dma_semaphore, #tpu.memory_space<semaphore_mem>>)
    %dma_start3A_21 = arith.constant 1 : i32
    %dma_start3A_22 = arith.constant 0 : i32
    %dma_start3A_23 = tpu.memref_slice %arg6[%dma_start3A_21, %dma_start3A_22] : memref<80x128xi32, #tpu.memory_space<vmem>> -> memref<1x128xi32, #tpu.memory_space<vmem>>
    %dma_start3A_24 = tpu.memref_squeeze %dma_start3A_23 : memref<1x128xi32, #tpu.memory_space<vmem>> -> memref<128xi32, #tpu.memory_space<vmem>>
    %dma_start3A_25 = arith.constant 0 : i32
    %dma_start3A_26 = arith.constant 0 : i32
    %dma_start3A_27 = tpu.memref_slice %arg4[%arg0, %dma_start3A_25, %dma_start3A_26] : memref<2x10240x64xf32, #tpu.memory_space<hbm>> -> memref<1x10240x64xf32, #tpu.memory_space<hbm>>
    %dma_start3A_28 = tpu.memref_squeeze %dma_start3A_27 : memref<1x10240x64xf32, #tpu.memory_space<hbm>> -> memref<10240x64xf32, #tpu.memory_space<hbm>>
    %dma_start3A_29 = arith.constant 0 : i32
    %dma_start3A_30 = arith.constant 0 : i32
    %dma_start3A_31 = tpu.memref_slice %dma_start3A_28[%dma_start3A_29, %dma_start3A_30] : memref<10240x64xf32, #tpu.memory_space<hbm>> -> memref<10240x64xf32, #tpu.memory_space<hbm>>
    tpu.enqueue_indirect_dma source(%dma_start3A_31 : memref<10240x64xf32, #tpu.memory_space<hbm>>) target(%arg9 : memref<128x64xf32, #tpu.memory_space<vmem>>) offsets(%dma_start3A_24 : memref<128xi32, #tpu.memory_space<vmem>>) semaphore(%arg12 : memref<!tpu.dma_semaphore, #tpu.memory_space<semaphore_mem>>)
    %barrier3A = arith.constant 0 : index
    tpu.barrier barrier_id(%barrier3A)
    %scan3A_32 = arith.constant 0 : i32
    %scan3A_33 = arith.constant 40 : i32
    %scan3A_34 = arith.addi %scan3A_32, %scan3A_33 : i32
    %scan3A_35 = arith.constant 1 : i32
    scf.for %scan3A_40 = %scan3A_32 to %scan3A_34 step %scan3A_35  : i32 {
      %mul3A_41 = arith.constant 2 : i32
      %mul3A_42 = arith.muli %scan3A_40, %mul3A_41 : i32
      %add3A_43 = arith.constant 0 : i32
      %add3A_44 = arith.addi %add3A_43, %mul3A_42 : i32
      %dma_wait3A = arith.constant 0 : i32
      %dma_wait3A_45 = arith.constant 0 : i32
      %dma_wait3A_46 = tpu.memref_slice %arg6[%dma_wait3A, %dma_wait3A_45] : memref<80x128xi32, #tpu.memory_space<vmem>> -> memref<1x128xi32, #tpu.memory_space<vmem>>
      %dma_wait3A_47 = tpu.memref_squeeze %dma_wait3A_46 : memref<1x128xi32, #tpu.memory_space<vmem>> -> memref<128xi32, #tpu.memory_space<vmem>>
      %dma_wait3A_48 = arith.constant 0 : i32
      %dma_wait3A_49 = arith.constant 0 : i32
      %dma_wait3A_50 = tpu.memref_slice %arg4[%arg0, %dma_wait3A_48, %dma_wait3A_49] : memref<2x10240x64xf32, #tpu.memory_space<hbm>> -> memref<1x10240x64xf32, #tpu.memory_space<hbm>>
      %dma_wait3A_51 = tpu.memref_squeeze %dma_wait3A_50 : memref<1x10240x64xf32, #tpu.memory_space<hbm>> -> memref<10240x64xf32, #tpu.memory_space<hbm>>
      %dma_wait3A_52 = arith.constant 0 : i32
      %dma_wait3A_53 = arith.constant 0 : i32
      %dma_wait3A_54 = tpu.memref_slice %dma_wait3A_51[%dma_wait3A_52, %dma_wait3A_53] : memref<10240x64xf32, #tpu.memory_space<hbm>> -> memref<10240x64xf32, #tpu.memory_space<hbm>>
      tpu.wait_indirect_dma semaphore(%arg11 : memref<!tpu.dma_semaphore, #tpu.memory_space<semaphore_mem>>) src(%dma_wait3A_54 : memref<10240x64xf32, #tpu.memory_space<hbm>>) dst(%arg8 : memref<128x64xf32, #tpu.memory_space<vmem>>)
      "tpu.region"() ({
        %run_scoped3A = tpu.sem_alloc : memref<!tpu.dma_semaphore, #tpu.memory_space<semaphore_mem>>
        %dma_start3A_79 = arith.constant 0 : i32
        %dma_start3A_80 = tpu.memref_slice %arg7[%add3A_44, %dma_start3A_79] : memref<80x128xi32, #tpu.memory_space<vmem>> -> memref<1x128xi32, #tpu.memory_space<vmem>>
        %dma_start3A_81 = tpu.memref_squeeze %dma_start3A_80 : memref<1x128xi32, #tpu.memory_space<vmem>> -> memref<128xi32, #tpu.memory_space<vmem>>
        %dma_start3A_82 = arith.constant 0 : i32
        %dma_start3A_83 = arith.constant 0 : i32
        %dma_start3A_84 = tpu.memref_slice %arg10[%dma_start3A_82, %dma_start3A_83] : memref<10240x64xf32, #tpu.memory_space<vmem_shared>> -> memref<10240x64xf32, #tpu.memory_space<vmem_shared>>
        tpu.enqueue_indirect_dma source(%arg8 : memref<128x64xf32, #tpu.memory_space<vmem>>) target(%dma_start3A_84 : memref<10240x64xf32, #tpu.memory_space<vmem_shared>>) offsets(%dma_start3A_81 : memref<128xi32, #tpu.memory_space<vmem>>) semaphore(%run_scoped3A : memref<!tpu.dma_semaphore, #tpu.memory_space<semaphore_mem>>) {add = true}
        %dma_wait3A_85 = arith.constant 0 : i32
        %dma_wait3A_86 = tpu.memref_slice %arg7[%add3A_44, %dma_wait3A_85] : memref<80x128xi32, #tpu.memory_space<vmem>> -> memref<1x128xi32, #tpu.memory_space<vmem>>
        %dma_wait3A_87 = tpu.memref_squeeze %dma_wait3A_86 : memref<1x128xi32, #tpu.memory_space<vmem>> -> memref<128xi32, #tpu.memory_space<vmem>>
        %dma_wait3A_88 = arith.constant 0 : i32
        %dma_wait3A_89 = arith.constant 0 : i32
        %dma_wait3A_90 = tpu.memref_slice %arg10[%dma_wait3A_88, %dma_wait3A_89] : memref<10240x64xf32, #tpu.memory_space<vmem_shared>> -> memref<10240x64xf32, #tpu.memory_space<vmem_shared>>
        tpu.wait_indirect_dma semaphore(%run_scoped3A : memref<!tpu.dma_semaphore, #tpu.memory_space<semaphore_mem>>) src(%arg8 : memref<128x64xf32, #tpu.memory_space<vmem>>) dst(%dma_wait3A_90 : memref<10240x64xf32, #tpu.memory_space<vmem_shared>>)
        tpu.yield
      }) : () -> ()
      %add3A_55 = arith.constant 2 : i32
      %add3A_56 = arith.addi %add3A_44, %add3A_55 : i32
      %lt3A = arith.constant 80 : i32
      %lt3A_57 = arith.cmpi slt, %add3A_56, %lt3A : i32
      %convert_element_type3A = arith.extui %lt3A_57 : i1 to i32
      %cond3A = arith.constant 0 : i32
      %cond3A_58 = arith.cmpi ne, %convert_element_type3A, %cond3A : i32
      scf.if %cond3A_58 {
        %add3A_79 = arith.constant 2 : i32
        %add3A_80 = arith.addi %add3A_44, %add3A_79 : i32
        %dma_start3A_81 = arith.constant 0 : i32
        %dma_start3A_82 = tpu.memref_slice %arg6[%add3A_80, %dma_start3A_81] : memref<80x128xi32, #tpu.memory_space<vmem>> -> memref<1x128xi32, #tpu.memory_space<vmem>>
        %dma_start3A_83 = tpu.memref_squeeze %dma_start3A_82 : memref<1x128xi32, #tpu.memory_space<vmem>> -> memref<128xi32, #tpu.memory_space<vmem>>
        %dma_start3A_84 = arith.constant 0 : i32
        %dma_start3A_85 = arith.constant 0 : i32
        %dma_start3A_86 = tpu.memref_slice %arg4[%arg0, %dma_start3A_84, %dma_start3A_85] : memref<2x10240x64xf32, #tpu.memory_space<hbm>> -> memref<1x10240x64xf32, #tpu.memory_space<hbm>>
        %dma_start3A_87 = tpu.memref_squeeze %dma_start3A_86 : memref<1x10240x64xf32, #tpu.memory_space<hbm>> -> memref<10240x64xf32, #tpu.memory_space<hbm>>
        %dma_start3A_88 = arith.constant 0 : i32
        %dma_start3A_89 = arith.constant 0 : i32
        %dma_start3A_90 = tpu.memref_slice %dma_start3A_87[%dma_start3A_88, %dma_start3A_89] : memref<10240x64xf32, #tpu.memory_space<hbm>> -> memref<10240x64xf32, #tpu.memory_space<hbm>>
        tpu.enqueue_indirect_dma source(%dma_start3A_90 : memref<10240x64xf32, #tpu.memory_space<hbm>>) target(%arg8 : memref<128x64xf32, #tpu.memory_space<vmem>>) offsets(%dma_start3A_83 : memref<128xi32, #tpu.memory_space<vmem>>) semaphore(%arg11 : memref<!tpu.dma_semaphore, #tpu.memory_space<semaphore_mem>>)
      } else {
      }
      %dma_wait3A_59 = arith.constant 1 : i32
      %dma_wait3A_60 = arith.constant 0 : i32
      %dma_wait3A_61 = tpu.memref_slice %arg6[%dma_wait3A_59, %dma_wait3A_60] : memref<80x128xi32, #tpu.memory_space<vmem>> -> memref<1x128xi32, #tpu.memory_space<vmem>>
      %dma_wait3A_62 = tpu.memref_squeeze %dma_wait3A_61 : memref<1x128xi32, #tpu.memory_space<vmem>> -> memref<128xi32, #tpu.memory_space<vmem>>
      %dma_wait3A_63 = arith.constant 0 : i32
      %dma_wait3A_64 = arith.constant 0 : i32
      %dma_wait3A_65 = tpu.memref_slice %arg4[%arg0, %dma_wait3A_63, %dma_wait3A_64] : memref<2x10240x64xf32, #tpu.memory_space<hbm>> -> memref<1x10240x64xf32, #tpu.memory_space<hbm>>
      %dma_wait3A_66 = tpu.memref_squeeze %dma_wait3A_65 : memref<1x10240x64xf32, #tpu.memory_space<hbm>> -> memref<10240x64xf32, #tpu.memory_space<hbm>>
      %dma_wait3A_67 = arith.constant 0 : i32
      %dma_wait3A_68 = arith.constant 0 : i32
      %dma_wait3A_69 = tpu.memref_slice %dma_wait3A_66[%dma_wait3A_67, %dma_wait3A_68] : memref<10240x64xf32, #tpu.memory_space<hbm>> -> memref<10240x64xf32, #tpu.memory_space<hbm>>
      tpu.wait_indirect_dma semaphore(%arg12 : memref<!tpu.dma_semaphore, #tpu.memory_space<semaphore_mem>>) src(%dma_wait3A_69 : memref<10240x64xf32, #tpu.memory_space<hbm>>) dst(%arg9 : memref<128x64xf32, #tpu.memory_space<vmem>>)
      %add3A_70 = arith.constant 1 : i32
      %add3A_71 = arith.addi %add3A_44, %add3A_70 : i32
      "tpu.region"() ({
        %run_scoped3A = tpu.sem_alloc : memref<!tpu.dma_semaphore, #tpu.memory_space<semaphore_mem>>
        %dma_start3A_79 = arith.constant 0 : i32
        %dma_start3A_80 = tpu.memref_slice %arg7[%add3A_71, %dma_start3A_79] : memref<80x128xi32, #tpu.memory_space<vmem>> -> memref<1x128xi32, #tpu.memory_space<vmem>>
        %dma_start3A_81 = tpu.memref_squeeze %dma_start3A_80 : memref<1x128xi32, #tpu.memory_space<vmem>> -> memref<128xi32, #tpu.memory_space<vmem>>
        %dma_start3A_82 = arith.constant 0 : i32
        %dma_start3A_83 = arith.constant 0 : i32
        %dma_start3A_84 = tpu.memref_slice %arg10[%dma_start3A_82, %dma_start3A_83] : memref<10240x64xf32, #tpu.memory_space<vmem_shared>> -> memref<10240x64xf32, #tpu.memory_space<vmem_shared>>
        tpu.enqueue_indirect_dma source(%arg9 : memref<128x64xf32, #tpu.memory_space<vmem>>) target(%dma_start3A_84 : memref<10240x64xf32, #tpu.memory_space<vmem_shared>>) offsets(%dma_start3A_81 : memref<128xi32, #tpu.memory_space<vmem>>) semaphore(%run_scoped3A : memref<!tpu.dma_semaphore, #tpu.memory_space<semaphore_mem>>) {add = true}
        %dma_wait3A_85 = arith.constant 0 : i32
        %dma_wait3A_86 = tpu.memref_slice %arg7[%add3A_71, %dma_wait3A_85] : memref<80x128xi32, #tpu.memory_space<vmem>> -> memref<1x128xi32, #tpu.memory_space<vmem>>
        %dma_wait3A_87 = tpu.memref_squeeze %dma_wait3A_86 : memref<1x128xi32, #tpu.memory_space<vmem>> -> memref<128xi32, #tpu.memory_space<vmem>>
        %dma_wait3A_88 = arith.constant 0 : i32
        %dma_wait3A_89 = arith.constant 0 : i32
        %dma_wait3A_90 = tpu.memref_slice %arg10[%dma_wait3A_88, %dma_wait3A_89] : memref<10240x64xf32, #tpu.memory_space<vmem_shared>> -> memref<10240x64xf32, #tpu.memory_space<vmem_shared>>
        tpu.wait_indirect_dma semaphore(%run_scoped3A : memref<!tpu.dma_semaphore, #tpu.memory_space<semaphore_mem>>) src(%arg9 : memref<128x64xf32, #tpu.memory_space<vmem>>) dst(%dma_wait3A_90 : memref<10240x64xf32, #tpu.memory_space<vmem_shared>>)
        tpu.yield
      }) : () -> ()
      %add3A_72 = arith.constant 3 : i32
      %add3A_73 = arith.addi %add3A_44, %add3A_72 : i32
      %lt3A_74 = arith.constant 80 : i32
      %lt3A_75 = arith.cmpi slt, %add3A_73, %lt3A_74 : i32
      %convert_element_type3A_76 = arith.extui %lt3A_75 : i1 to i32
      %cond3A_77 = arith.constant 0 : i32
      %cond3A_78 = arith.cmpi ne, %convert_element_type3A_76, %cond3A_77 : i32
      scf.if %cond3A_78 {
        %add3A_79 = arith.constant 3 : i32
        %add3A_80 = arith.addi %add3A_44, %add3A_79 : i32
        %dma_start3A_81 = arith.constant 0 : i32
        %dma_start3A_82 = tpu.memref_slice %arg6[%add3A_80, %dma_start3A_81] : memref<80x128xi32, #tpu.memory_space<vmem>> -> memref<1x128xi32, #tpu.memory_space<vmem>>
        %dma_start3A_83 = tpu.memref_squeeze %dma_start3A_82 : memref<1x128xi32, #tpu.memory_space<vmem>> -> memref<128xi32, #tpu.memory_space<vmem>>
        %dma_start3A_84 = arith.constant 0 : i32
        %dma_start3A_85 = arith.constant 0 : i32
        %dma_start3A_86 = tpu.memref_slice %arg4[%arg0, %dma_start3A_84, %dma_start3A_85] : memref<2x10240x64xf32, #tpu.memory_space<hbm>> -> memref<1x10240x64xf32, #tpu.memory_space<hbm>>
        %dma_start3A_87 = tpu.memref_squeeze %dma_start3A_86 : memref<1x10240x64xf32, #tpu.memory_space<hbm>> -> memref<10240x64xf32, #tpu.memory_space<hbm>>
        %dma_start3A_88 = arith.constant 0 : i32
        %dma_start3A_89 = arith.constant 0 : i32
        %dma_start3A_90 = tpu.memref_slice %dma_start3A_87[%dma_start3A_88, %dma_start3A_89] : memref<10240x64xf32, #tpu.memory_space<hbm>> -> memref<10240x64xf32, #tpu.memory_space<hbm>>
        tpu.enqueue_indirect_dma source(%dma_start3A_90 : memref<10240x64xf32, #tpu.memory_space<hbm>>) target(%arg9 : memref<128x64xf32, #tpu.memory_space<vmem>>) offsets(%dma_start3A_83 : memref<128xi32, #tpu.memory_space<vmem>>) semaphore(%arg12 : memref<!tpu.dma_semaphore, #tpu.memory_space<semaphore_mem>>)
      } else {
      }
    }
    %scan3A_36 = arith.constant 40 : i32
    %barrier3A_37 = arith.constant 0 : index
    tpu.barrier barrier_id(%barrier3A_37)
    %mul3A_38 = arith.constant 640 : i32
    %mul3A_39 = arith.muli %arg1, %mul3A_38 : i32
    "tpu.region"() ({
      %run_scoped3A = tpu.sem_alloc : memref<!tpu.dma_semaphore, #tpu.memory_space<semaphore_mem>>
      %dma_start3A_40 = arith.constant 0 : i32
      %dma_start3A_41 = tpu.memref_slice %arg5[%arg0, %mul3A_39, %dma_start3A_40] : memref<2x10240x64xf32, #tpu.memory_space<hbm>> -> memref<1x640x64xf32, #tpu.memory_space<hbm>>
      %dma_start3A_42 = tpu.memref_squeeze %dma_start3A_41 : memref<1x640x64xf32, #tpu.memory_space<hbm>> -> memref<640x64xf32, #tpu.memory_space<hbm>>
      %dma_start3A_43 = arith.constant 0 : i32
      %dma_start3A_44 = tpu.memref_slice %arg10[%mul3A_39, %dma_start3A_43] : memref<10240x64xf32, #tpu.memory_space<vmem_shared>> -> memref<640x64xf32, #tpu.memory_space<vmem_shared>>
      tpu.enqueue_dma source(%dma_start3A_44 : memref<640x64xf32, #tpu.memory_space<vmem_shared>>) target(%dma_start3A_42 : memref<640x64xf32, #tpu.memory_space<hbm>>) target_semaphore(%run_scoped3A : memref<!tpu.dma_semaphore, #tpu.memory_space<semaphore_mem>>)
      %dma_wait3A = arith.constant 0 : i32
      %dma_wait3A_45 = tpu.memref_slice %arg5[%arg0, %mul3A_39, %dma_wait3A] : memref<2x10240x64xf32, #tpu.memory_space<hbm>> -> memref<1x640x64xf32, #tpu.memory_space<hbm>>
      %dma_wait3A_46 = tpu.memref_squeeze %dma_wait3A_45 : memref<1x640x64xf32, #tpu.memory_space<hbm>> -> memref<640x64xf32, #tpu.memory_space<hbm>>
      %dma_wait3A_47 = arith.constant 0 : i32
      %dma_wait3A_48 = tpu.memref_slice %arg10[%mul3A_39, %dma_wait3A_47] : memref<10240x64xf32, #tpu.memory_space<vmem_shared>> -> memref<640x64xf32, #tpu.memory_space<vmem_shared>>
      tpu.wait_dma2 semaphore(%run_scoped3A : memref<!tpu.dma_semaphore, #tpu.memory_space<semaphore_mem>>) src(%dma_wait3A_48 : memref<640x64xf32, #tpu.memory_space<vmem_shared>>) dst(%dma_wait3A_46 : memref<640x64xf32, #tpu.memory_space<hbm>>)
      tpu.yield
    }) : () -> ()
    return
  }
}

#map = affine_map<(d0, d1) -> (0, 0)>
module attributes {stable_mosaic.version = 14 : i64} {
  func.func @k(%arg0: i32, %arg1: i32, %arg2: memref<16x20480xi32, #tpu.memory_space<hbm>>, %arg3: memref<16x20480xi32, #tpu.memory_space<hbm>>, %arg4: memref<5x128xi32, #tpu.memory_space<hbm>>, %arg5: memref<640x16xf32, #tpu.memory_space<hbm>>, %arg6: memref<640x16xf32, #tpu.memory_space<hbm>>, %arg7: memref<20480xi32, #tpu.memory_space<vmem>>, %arg8: memref<640x16xf32, #tpu.memory_space<vmem>>, %arg9: memref<40x16xf32, #tpu.memory_space<vmem>>, %arg10: memref<40x16xf32, #tpu.memory_space<vmem>>, %arg11: memref<5x128xi32, #tpu.memory_space<vmem>>, %arg12: memref<640x16xf32, #tpu.memory_space<vmem_shared>>) attributes {dimension_semantics = [#tpu.dimension_semantics<core_parallel>, #tpu.dimension_semantics<subcore_parallel>], iteration_bounds = array<i64: 2, 16>, scalar_prefetch = 0 : i64, scratch_operands = 6 : i64, tpu.core_type = #tpu.core_type<sc_vector_subcore>, window_params = [{transform_indices = #map}, {transform_indices = #map}, {transform_indices = #map}, {transform_indices = #map}, {transform_indices = #map}]} {
    %broadcast_in_dim3A = arith.constant 0.000000e+00 : f32
    %broadcast_in_dim3A_0 = vector.broadcast %broadcast_in_dim3A : f32 to vector<16xf32>
    %broadcast_in_dim3A_1 = arith.constant 1.000000e+00 : f32
    %broadcast_in_dim3A_2 = vector.broadcast %broadcast_in_dim3A_1 : f32 to vector<16xf32>
    %eq3A = arith.constant 0 : i32
    %eq3A_3 = arith.cmpi eq, %arg0, %eq3A : i32
    %convert_element_type3A = arith.extui %eq3A_3 : i1 to i32
    %cond3A = arith.constant 0 : i32
    %cond3A_4 = arith.cmpi ne, %convert_element_type3A, %cond3A : i32
    scf.if %cond3A_4 {
      "tpu.region"() ({
        %run_scoped3A_39 = tpu.sem_alloc : memref<!tpu.dma_semaphore, #tpu.memory_space<semaphore_mem>>
        %dma_start3A = arith.constant 0 : i32
        %dma_start3A_40 = tpu.memref_slice %arg2[%arg1, %dma_start3A] : memref<16x20480xi32, #tpu.memory_space<hbm>> -> memref<1x20480xi32, #tpu.memory_space<hbm>>
        %dma_start3A_41 = tpu.memref_squeeze %dma_start3A_40 : memref<1x20480xi32, #tpu.memory_space<hbm>> -> memref<20480xi32, #tpu.memory_space<hbm>>
        %dma_start3A_42 = arith.constant 0 : i32
        %dma_start3A_43 = tpu.memref_slice %arg2[%arg1, %dma_start3A_42] : memref<16x20480xi32, #tpu.memory_space<hbm>> -> memref<1x20480xi32, #tpu.memory_space<hbm>>
        %dma_start3A_44 = tpu.memref_squeeze %dma_start3A_43 : memref<1x20480xi32, #tpu.memory_space<hbm>> -> memref<20480xi32, #tpu.memory_space<hbm>>
        tpu.enqueue_dma source(%dma_start3A_44 : memref<20480xi32, #tpu.memory_space<hbm>>) target(%arg7 : memref<20480xi32, #tpu.memory_space<vmem>>) target_semaphore(%run_scoped3A_39 : memref<!tpu.dma_semaphore, #tpu.memory_space<semaphore_mem>>)
        %dma_wait3A = arith.constant 0 : i32
        %dma_wait3A_45 = tpu.memref_slice %arg2[%arg1, %dma_wait3A] : memref<16x20480xi32, #tpu.memory_space<hbm>> -> memref<1x20480xi32, #tpu.memory_space<hbm>>
        %dma_wait3A_46 = tpu.memref_squeeze %dma_wait3A_45 : memref<1x20480xi32, #tpu.memory_space<hbm>> -> memref<20480xi32, #tpu.memory_space<hbm>>
        %dma_wait3A_47 = arith.constant 0 : i32
        %dma_wait3A_48 = tpu.memref_slice %arg2[%arg1, %dma_wait3A_47] : memref<16x20480xi32, #tpu.memory_space<hbm>> -> memref<1x20480xi32, #tpu.memory_space<hbm>>
        %dma_wait3A_49 = tpu.memref_squeeze %dma_wait3A_48 : memref<1x20480xi32, #tpu.memory_space<hbm>> -> memref<20480xi32, #tpu.memory_space<hbm>>
        tpu.wait_dma2 semaphore(%run_scoped3A_39 : memref<!tpu.dma_semaphore, #tpu.memory_space<semaphore_mem>>) src(%dma_wait3A_49 : memref<20480xi32, #tpu.memory_space<hbm>>) dst(%arg7 : memref<20480xi32, #tpu.memory_space<vmem>>)
        tpu.yield
      }) : () -> ()
      "tpu.region"() ({
        %run_scoped3A_39 = tpu.sem_alloc : memref<!tpu.dma_semaphore, #tpu.memory_space<semaphore_mem>>
        tpu.enqueue_dma source(%arg4 : memref<5x128xi32, #tpu.memory_space<hbm>>) target(%arg11 : memref<5x128xi32, #tpu.memory_space<vmem>>) target_semaphore(%run_scoped3A_39 : memref<!tpu.dma_semaphore, #tpu.memory_space<semaphore_mem>>)
        tpu.wait_dma2 semaphore(%run_scoped3A_39 : memref<!tpu.dma_semaphore, #tpu.memory_space<semaphore_mem>>) src(%arg4 : memref<5x128xi32, #tpu.memory_space<hbm>>) dst(%arg11 : memref<5x128xi32, #tpu.memory_space<vmem>>)
        tpu.yield
      }) : () -> ()
      %scan3A = arith.constant 0 : i32
      %scan3A_10 = arith.constant 640 : i32
      %scan3A_11 = arith.addi %scan3A, %scan3A_10 : i32
      %scan3A_12 = arith.constant 1 : i32
      scf.for %scan3A_39 = %scan3A to %scan3A_11 step %scan3A_12  : i32 {
        %mul3A_40 = arith.constant 1 : i32
        %mul3A_41 = arith.muli %scan3A_39, %mul3A_40 : i32
        %add3A = arith.constant 0 : i32
        %add3A_42 = arith.addi %add3A, %mul3A_41 : i32
        %swap3A = arith.index_cast %add3A_42 : i32 to index
        %swap3A_43 = arith.constant 0 : index
        %swap3A_44 = tpu.vector_load %arg8[%swap3A, %swap3A_43] {strides = array<i32>} : memref<640x16xf32, #tpu.memory_space<vmem>>, vector<16xf32>,
        tpu.vector_store %arg8[%swap3A, %swap3A_43], %broadcast_in_dim3A_0 {strides = array<i32>} : memref<640x16xf32, #tpu.memory_space<vmem>>, vector<16xf32>,
      }
      %scan3A_13 = arith.constant 640 : i32
      %scan3A_14 = arith.constant 0 : i32
      %scan3A_15 = arith.constant 40 : i32
      %scan3A_16 = arith.addi %scan3A_14, %scan3A_15 : i32
      %scan3A_17 = arith.constant 1 : i32
      scf.for %scan3A_39 = %scan3A_14 to %scan3A_16 step %scan3A_17  : i32 {
        %mul3A_40 = arith.constant 1 : i32
        %mul3A_41 = arith.muli %scan3A_39, %mul3A_40 : i32
        %add3A = arith.constant 0 : i32
        %add3A_42 = arith.addi %add3A, %mul3A_41 : i32
        %swap3A = arith.index_cast %add3A_42 : i32 to index
        %swap3A_43 = arith.constant 0 : index
        %swap3A_44 = tpu.vector_load %arg9[%swap3A, %swap3A_43] {strides = array<i32>} : memref<40x16xf32, #tpu.memory_space<vmem>>, vector<16xf32>,
        tpu.vector_store %arg9[%swap3A, %swap3A_43], %broadcast_in_dim3A_0 {strides = array<i32>} : memref<40x16xf32, #tpu.memory_space<vmem>>, vector<16xf32>,
      }
      %scan3A_18 = arith.constant 40 : i32
      %scan3A_19 = arith.constant 0 : i32
      %scan3A_20 = arith.constant 1280 : i32
      %scan3A_21 = arith.addi %scan3A_19, %scan3A_20 : i32
      %scan3A_22 = arith.constant 1 : i32
      scf.for %scan3A_39 = %scan3A_19 to %scan3A_21 step %scan3A_22  : i32 {
        %mul3A_40 = arith.constant 1 : i32
        %mul3A_41 = arith.muli %scan3A_39, %mul3A_40 : i32
        %add3A = arith.constant 0 : i32
        %add3A_42 = arith.addi %add3A, %mul3A_41 : i32
        %mul3A_43 = arith.constant 16 : i32
        %mul3A_44 = arith.muli %add3A_42, %mul3A_43 : i32
        %get3A = arith.index_cast %mul3A_44 : i32 to index
        %get3A_45 = tpu.vector_load %arg7[%get3A] {strides = array<i32>} : memref<20480xi32, #tpu.memory_space<vmem>>, vector<16xi32>,
        %shift_right_arithmetic3A = arith.constant 4 : i32
        %shift_right_arithmetic3A_46 = vector.broadcast %shift_right_arithmetic3A : i32 to vector<16xi32>
        %shift_right_arithmetic3A_47 = arith.shrsi %get3A_45, %shift_right_arithmetic3A_46 : vector<16xi32>
        %and3A = arith.constant 15 : i32
        %and3A_48 = vector.broadcast %and3A : i32 to vector<16xi32>
        %and3A_49 = arith.andi %get3A_45, %and3A_48 : vector<16xi32>
        tpu.vector_store_idx %arg8[%shift_right_arithmetic3A_47, %and3A_49], %broadcast_in_dim3A_2 {add = true} : memref<640x16xf32, #tpu.memory_space<vmem>>[vector<16xi32>, vector<16xi32>], vector<16xf32>,
      }
      %scan3A_23 = arith.constant 1280 : i32
      %mul3A = arith.constant 40 : i32
      %mul3A_24 = arith.muli %arg1, %mul3A : i32
      "tpu.region"() ({
        %run_scoped3A_39 = tpu.sem_alloc : memref<!tpu.dma_semaphore, #tpu.memory_space<semaphore_mem>>
        %dma_start3A = arith.constant 0 : i32
        %dma_start3A_40 = tpu.memref_slice %arg12[%mul3A_24, %dma_start3A] : memref<640x16xf32, #tpu.memory_space<vmem_shared>> -> memref<40x16xf32, #tpu.memory_space<vmem_shared>>
        %dma_start3A_41 = arith.constant 0 : i32
        %dma_start3A_42 = tpu.memref_slice %arg12[%mul3A_24, %dma_start3A_41] : memref<640x16xf32, #tpu.memory_space<vmem_shared>> -> memref<40x16xf32, #tpu.memory_space<vmem_shared>>
        tpu.enqueue_dma source(%arg9 : memref<40x16xf32, #tpu.memory_space<vmem>>) target(%dma_start3A_42 : memref<40x16xf32, #tpu.memory_space<vmem_shared>>) target_semaphore(%run_scoped3A_39 : memref<!tpu.dma_semaphore, #tpu.memory_space<semaphore_mem>>)
        %dma_wait3A = arith.constant 0 : i32
        %dma_wait3A_43 = tpu.memref_slice %arg12[%mul3A_24, %dma_wait3A] : memref<640x16xf32, #tpu.memory_space<vmem_shared>> -> memref<40x16xf32, #tpu.memory_space<vmem_shared>>
        %dma_wait3A_44 = arith.constant 0 : i32
        %dma_wait3A_45 = tpu.memref_slice %arg12[%mul3A_24, %dma_wait3A_44] : memref<640x16xf32, #tpu.memory_space<vmem_shared>> -> memref<40x16xf32, #tpu.memory_space<vmem_shared>>
        tpu.wait_dma2 semaphore(%run_scoped3A_39 : memref<!tpu.dma_semaphore, #tpu.memory_space<semaphore_mem>>) src(%arg9 : memref<40x16xf32, #tpu.memory_space<vmem>>) dst(%dma_wait3A_45 : memref<40x16xf32, #tpu.memory_space<vmem_shared>>)
        tpu.yield
      }) : () -> ()
      %barrier3A = arith.constant 0 : index
      tpu.barrier barrier_id(%barrier3A)
      %run_scoped3A = arith.constant 0 : i32
      "tpu.region"() ({
        %run_scoped3A_39 = tpu.sem_alloc : memref<!tpu.dma_semaphore, #tpu.memory_space<semaphore_mem>>
        %dma_start3A = arith.constant 0 : i32
        %dma_start3A_40 = arith.constant 0 : i32
        %dma_start3A_41 = tpu.memref_slice %arg8[%dma_start3A, %dma_start3A_40] : memref<640x16xf32, #tpu.memory_space<vmem>> -> memref<128x16xf32, #tpu.memory_space<vmem>>
        %dma_start3A_42 = arith.constant 0 : i32
        %dma_start3A_43 = tpu.memref_slice %arg11[%run_scoped3A, %dma_start3A_42] : memref<5x128xi32, #tpu.memory_space<vmem>> -> memref<1x128xi32, #tpu.memory_space<vmem>>
        %dma_start3A_44 = tpu.memref_squeeze %dma_start3A_43 : memref<1x128xi32, #tpu.memory_space<vmem>> -> memref<128xi32, #tpu.memory_space<vmem>>
        %dma_start3A_45 = arith.constant 0 : i32
        %dma_start3A_46 = arith.constant 0 : i32
        %dma_start3A_47 = tpu.memref_slice %arg12[%dma_start3A_45, %dma_start3A_46] : memref<640x16xf32, #tpu.memory_space<vmem_shared>> -> memref<640x16xf32, #tpu.memory_space<vmem_shared>>
        tpu.enqueue_indirect_dma source(%dma_start3A_41 : memref<128x16xf32, #tpu.memory_space<vmem>>) target(%dma_start3A_47 : memref<640x16xf32, #tpu.memory_space<vmem_shared>>) offsets(%dma_start3A_44 : memref<128xi32, #tpu.memory_space<vmem>>) semaphore(%run_scoped3A_39 : memref<!tpu.dma_semaphore, #tpu.memory_space<semaphore_mem>>) {add = true}
        %dma_wait3A = arith.constant 0 : i32
        %dma_wait3A_48 = arith.constant 0 : i32
        %dma_wait3A_49 = tpu.memref_slice %arg8[%dma_wait3A, %dma_wait3A_48] : memref<640x16xf32, #tpu.memory_space<vmem>> -> memref<128x16xf32, #tpu.memory_space<vmem>>
        %dma_wait3A_50 = arith.constant 0 : i32
        %dma_wait3A_51 = tpu.memref_slice %arg11[%run_scoped3A, %dma_wait3A_50] : memref<5x128xi32, #tpu.memory_space<vmem>> -> memref<1x128xi32, #tpu.memory_space<vmem>>
        %dma_wait3A_52 = tpu.memref_squeeze %dma_wait3A_51 : memref<1x128xi32, #tpu.memory_space<vmem>> -> memref<128xi32, #tpu.memory_space<vmem>>
        %dma_wait3A_53 = arith.constant 0 : i32
        %dma_wait3A_54 = arith.constant 0 : i32
        %dma_wait3A_55 = tpu.memref_slice %arg12[%dma_wait3A_53, %dma_wait3A_54] : memref<640x16xf32, #tpu.memory_space<vmem_shared>> -> memref<640x16xf32, #tpu.memory_space<vmem_shared>>
        tpu.wait_indirect_dma semaphore(%run_scoped3A_39 : memref<!tpu.dma_semaphore, #tpu.memory_space<semaphore_mem>>) src(%dma_wait3A_49 : memref<128x16xf32, #tpu.memory_space<vmem>>) dst(%dma_wait3A_55 : memref<640x16xf32, #tpu.memory_space<vmem_shared>>)
        tpu.yield
      }) : () -> ()
      %run_scoped3A_25 = arith.constant 1 : i32
      "tpu.region"() ({
        %run_scoped3A_39 = tpu.sem_alloc : memref<!tpu.dma_semaphore, #tpu.memory_space<semaphore_mem>>
        %dma_start3A = arith.constant 128 : i32
        %dma_start3A_40 = arith.constant 0 : i32
        %dma_start3A_41 = tpu.memref_slice %arg8[%dma_start3A, %dma_start3A_40] : memref<640x16xf32, #tpu.memory_space<vmem>> -> memref<128x16xf32, #tpu.memory_space<vmem>>
        %dma_start3A_42 = arith.constant 0 : i32
        %dma_start3A_43 = tpu.memref_slice %arg11[%run_scoped3A_25, %dma_start3A_42] : memref<5x128xi32, #tpu.memory_space<vmem>> -> memref<1x128xi32, #tpu.memory_space<vmem>>
        %dma_start3A_44 = tpu.memref_squeeze %dma_start3A_43 : memref<1x128xi32, #tpu.memory_space<vmem>> -> memref<128xi32, #tpu.memory_space<vmem>>
        %dma_start3A_45 = arith.constant 0 : i32
        %dma_start3A_46 = arith.constant 0 : i32
        %dma_start3A_47 = tpu.memref_slice %arg12[%dma_start3A_45, %dma_start3A_46] : memref<640x16xf32, #tpu.memory_space<vmem_shared>> -> memref<640x16xf32, #tpu.memory_space<vmem_shared>>
        tpu.enqueue_indirect_dma source(%dma_start3A_41 : memref<128x16xf32, #tpu.memory_space<vmem>>) target(%dma_start3A_47 : memref<640x16xf32, #tpu.memory_space<vmem_shared>>) offsets(%dma_start3A_44 : memref<128xi32, #tpu.memory_space<vmem>>) semaphore(%run_scoped3A_39 : memref<!tpu.dma_semaphore, #tpu.memory_space<semaphore_mem>>) {add = true}
        %dma_wait3A = arith.constant 128 : i32
        %dma_wait3A_48 = arith.constant 0 : i32
        %dma_wait3A_49 = tpu.memref_slice %arg8[%dma_wait3A, %dma_wait3A_48] : memref<640x16xf32, #tpu.memory_space<vmem>> -> memref<128x16xf32, #tpu.memory_space<vmem>>
        %dma_wait3A_50 = arith.constant 0 : i32
        %dma_wait3A_51 = tpu.memref_slice %arg11[%run_scoped3A_25, %dma_wait3A_50] : memref<5x128xi32, #tpu.memory_space<vmem>> -> memref<1x128xi32, #tpu.memory_space<vmem>>
        %dma_wait3A_52 = tpu.memref_squeeze %dma_wait3A_51 : memref<1x128xi32, #tpu.memory_space<vmem>> -> memref<128xi32, #tpu.memory_space<vmem>>
        %dma_wait3A_53 = arith.constant 0 : i32
        %dma_wait3A_54 = arith.constant 0 : i32
        %dma_wait3A_55 = tpu.memref_slice %arg12[%dma_wait3A_53, %dma_wait3A_54] : memref<640x16xf32, #tpu.memory_space<vmem_shared>> -> memref<640x16xf32, #tpu.memory_space<vmem_shared>>
        tpu.wait_indirect_dma semaphore(%run_scoped3A_39 : memref<!tpu.dma_semaphore, #tpu.memory_space<semaphore_mem>>) src(%dma_wait3A_49 : memref<128x16xf32, #tpu.memory_space<vmem>>) dst(%dma_wait3A_55 : memref<640x16xf32, #tpu.memory_space<vmem_shared>>)
        tpu.yield
      }) : () -> ()
      %run_scoped3A_26 = arith.constant 2 : i32
      "tpu.region"() ({
        %run_scoped3A_39 = tpu.sem_alloc : memref<!tpu.dma_semaphore, #tpu.memory_space<semaphore_mem>>
        %dma_start3A = arith.constant 256 : i32
        %dma_start3A_40 = arith.constant 0 : i32
        %dma_start3A_41 = tpu.memref_slice %arg8[%dma_start3A, %dma_start3A_40] : memref<640x16xf32, #tpu.memory_space<vmem>> -> memref<128x16xf32, #tpu.memory_space<vmem>>
        %dma_start3A_42 = arith.constant 0 : i32
        %dma_start3A_43 = tpu.memref_slice %arg11[%run_scoped3A_26, %dma_start3A_42] : memref<5x128xi32, #tpu.memory_space<vmem>> -> memref<1x128xi32, #tpu.memory_space<vmem>>
        %dma_start3A_44 = tpu.memref_squeeze %dma_start3A_43 : memref<1x128xi32, #tpu.memory_space<vmem>> -> memref<128xi32, #tpu.memory_space<vmem>>
        %dma_start3A_45 = arith.constant 0 : i32
        %dma_start3A_46 = arith.constant 0 : i32
        %dma_start3A_47 = tpu.memref_slice %arg12[%dma_start3A_45, %dma_start3A_46] : memref<640x16xf32, #tpu.memory_space<vmem_shared>> -> memref<640x16xf32, #tpu.memory_space<vmem_shared>>
        tpu.enqueue_indirect_dma source(%dma_start3A_41 : memref<128x16xf32, #tpu.memory_space<vmem>>) target(%dma_start3A_47 : memref<640x16xf32, #tpu.memory_space<vmem_shared>>) offsets(%dma_start3A_44 : memref<128xi32, #tpu.memory_space<vmem>>) semaphore(%run_scoped3A_39 : memref<!tpu.dma_semaphore, #tpu.memory_space<semaphore_mem>>) {add = true}
        %dma_wait3A = arith.constant 256 : i32
        %dma_wait3A_48 = arith.constant 0 : i32
        %dma_wait3A_49 = tpu.memref_slice %arg8[%dma_wait3A, %dma_wait3A_48] : memref<640x16xf32, #tpu.memory_space<vmem>> -> memref<128x16xf32, #tpu.memory_space<vmem>>
        %dma_wait3A_50 = arith.constant 0 : i32
        %dma_wait3A_51 = tpu.memref_slice %arg11[%run_scoped3A_26, %dma_wait3A_50] : memref<5x128xi32, #tpu.memory_space<vmem>> -> memref<1x128xi32, #tpu.memory_space<vmem>>
        %dma_wait3A_52 = tpu.memref_squeeze %dma_wait3A_51 : memref<1x128xi32, #tpu.memory_space<vmem>> -> memref<128xi32, #tpu.memory_space<vmem>>
        %dma_wait3A_53 = arith.constant 0 : i32
        %dma_wait3A_54 = arith.constant 0 : i32
        %dma_wait3A_55 = tpu.memref_slice %arg12[%dma_wait3A_53, %dma_wait3A_54] : memref<640x16xf32, #tpu.memory_space<vmem_shared>> -> memref<640x16xf32, #tpu.memory_space<vmem_shared>>
        tpu.wait_indirect_dma semaphore(%run_scoped3A_39 : memref<!tpu.dma_semaphore, #tpu.memory_space<semaphore_mem>>) src(%dma_wait3A_49 : memref<128x16xf32, #tpu.memory_space<vmem>>) dst(%dma_wait3A_55 : memref<640x16xf32, #tpu.memory_space<vmem_shared>>)
        tpu.yield
      }) : () -> ()
      %run_scoped3A_27 = arith.constant 3 : i32
      "tpu.region"() ({
        %run_scoped3A_39 = tpu.sem_alloc : memref<!tpu.dma_semaphore, #tpu.memory_space<semaphore_mem>>
        %dma_start3A = arith.constant 384 : i32
        %dma_start3A_40 = arith.constant 0 : i32
        %dma_start3A_41 = tpu.memref_slice %arg8[%dma_start3A, %dma_start3A_40] : memref<640x16xf32, #tpu.memory_space<vmem>> -> memref<128x16xf32, #tpu.memory_space<vmem>>
        %dma_start3A_42 = arith.constant 0 : i32
        %dma_start3A_43 = tpu.memref_slice %arg11[%run_scoped3A_27, %dma_start3A_42] : memref<5x128xi32, #tpu.memory_space<vmem>> -> memref<1x128xi32, #tpu.memory_space<vmem>>
        %dma_start3A_44 = tpu.memref_squeeze %dma_start3A_43 : memref<1x128xi32, #tpu.memory_space<vmem>> -> memref<128xi32, #tpu.memory_space<vmem>>
        %dma_start3A_45 = arith.constant 0 : i32
        %dma_start3A_46 = arith.constant 0 : i32
        %dma_start3A_47 = tpu.memref_slice %arg12[%dma_start3A_45, %dma_start3A_46] : memref<640x16xf32, #tpu.memory_space<vmem_shared>> -> memref<640x16xf32, #tpu.memory_space<vmem_shared>>
        tpu.enqueue_indirect_dma source(%dma_start3A_41 : memref<128x16xf32, #tpu.memory_space<vmem>>) target(%dma_start3A_47 : memref<640x16xf32, #tpu.memory_space<vmem_shared>>) offsets(%dma_start3A_44 : memref<128xi32, #tpu.memory_space<vmem>>) semaphore(%run_scoped3A_39 : memref<!tpu.dma_semaphore, #tpu.memory_space<semaphore_mem>>) {add = true}
        %dma_wait3A = arith.constant 384 : i32
        %dma_wait3A_48 = arith.constant 0 : i32
        %dma_wait3A_49 = tpu.memref_slice %arg8[%dma_wait3A, %dma_wait3A_48] : memref<640x16xf32, #tpu.memory_space<vmem>> -> memref<128x16xf32, #tpu.memory_space<vmem>>
        %dma_wait3A_50 = arith.constant 0 : i32
        %dma_wait3A_51 = tpu.memref_slice %arg11[%run_scoped3A_27, %dma_wait3A_50] : memref<5x128xi32, #tpu.memory_space<vmem>> -> memref<1x128xi32, #tpu.memory_space<vmem>>
        %dma_wait3A_52 = tpu.memref_squeeze %dma_wait3A_51 : memref<1x128xi32, #tpu.memory_space<vmem>> -> memref<128xi32, #tpu.memory_space<vmem>>
        %dma_wait3A_53 = arith.constant 0 : i32
        %dma_wait3A_54 = arith.constant 0 : i32
        %dma_wait3A_55 = tpu.memref_slice %arg12[%dma_wait3A_53, %dma_wait3A_54] : memref<640x16xf32, #tpu.memory_space<vmem_shared>> -> memref<640x16xf32, #tpu.memory_space<vmem_shared>>
        tpu.wait_indirect_dma semaphore(%run_scoped3A_39 : memref<!tpu.dma_semaphore, #tpu.memory_space<semaphore_mem>>) src(%dma_wait3A_49 : memref<128x16xf32, #tpu.memory_space<vmem>>) dst(%dma_wait3A_55 : memref<640x16xf32, #tpu.memory_space<vmem_shared>>)
        tpu.yield
      }) : () -> ()
      %run_scoped3A_28 = arith.constant 4 : i32
      "tpu.region"() ({
        %run_scoped3A_39 = tpu.sem_alloc : memref<!tpu.dma_semaphore, #tpu.memory_space<semaphore_mem>>
        %dma_start3A = arith.constant 512 : i32
        %dma_start3A_40 = arith.constant 0 : i32
        %dma_start3A_41 = tpu.memref_slice %arg8[%dma_start3A, %dma_start3A_40] : memref<640x16xf32, #tpu.memory_space<vmem>> -> memref<128x16xf32, #tpu.memory_space<vmem>>
        %dma_start3A_42 = arith.constant 0 : i32
        %dma_start3A_43 = tpu.memref_slice %arg11[%run_scoped3A_28, %dma_start3A_42] : memref<5x128xi32, #tpu.memory_space<vmem>> -> memref<1x128xi32, #tpu.memory_space<vmem>>
        %dma_start3A_44 = tpu.memref_squeeze %dma_start3A_43 : memref<1x128xi32, #tpu.memory_space<vmem>> -> memref<128xi32, #tpu.memory_space<vmem>>
        %dma_start3A_45 = arith.constant 0 : i32
        %dma_start3A_46 = arith.constant 0 : i32
        %dma_start3A_47 = tpu.memref_slice %arg12[%dma_start3A_45, %dma_start3A_46] : memref<640x16xf32, #tpu.memory_space<vmem_shared>> -> memref<640x16xf32, #tpu.memory_space<vmem_shared>>
        tpu.enqueue_indirect_dma source(%dma_start3A_41 : memref<128x16xf32, #tpu.memory_space<vmem>>) target(%dma_start3A_47 : memref<640x16xf32, #tpu.memory_space<vmem_shared>>) offsets(%dma_start3A_44 : memref<128xi32, #tpu.memory_space<vmem>>) semaphore(%run_scoped3A_39 : memref<!tpu.dma_semaphore, #tpu.memory_space<semaphore_mem>>) {add = true}
        %dma_wait3A = arith.constant 512 : i32
        %dma_wait3A_48 = arith.constant 0 : i32
        %dma_wait3A_49 = tpu.memref_slice %arg8[%dma_wait3A, %dma_wait3A_48] : memref<640x16xf32, #tpu.memory_space<vmem>> -> memref<128x16xf32, #tpu.memory_space<vmem>>
        %dma_wait3A_50 = arith.constant 0 : i32
        %dma_wait3A_51 = tpu.memref_slice %arg11[%run_scoped3A_28, %dma_wait3A_50] : memref<5x128xi32, #tpu.memory_space<vmem>> -> memref<1x128xi32, #tpu.memory_space<vmem>>
        %dma_wait3A_52 = tpu.memref_squeeze %dma_wait3A_51 : memref<1x128xi32, #tpu.memory_space<vmem>> -> memref<128xi32, #tpu.memory_space<vmem>>
        %dma_wait3A_53 = arith.constant 0 : i32
        %dma_wait3A_54 = arith.constant 0 : i32
        %dma_wait3A_55 = tpu.memref_slice %arg12[%dma_wait3A_53, %dma_wait3A_54] : memref<640x16xf32, #tpu.memory_space<vmem_shared>> -> memref<640x16xf32, #tpu.memory_space<vmem_shared>>
        tpu.wait_indirect_dma semaphore(%run_scoped3A_39 : memref<!tpu.dma_semaphore, #tpu.memory_space<semaphore_mem>>) src(%dma_wait3A_49 : memref<128x16xf32, #tpu.memory_space<vmem>>) dst(%dma_wait3A_55 : memref<640x16xf32, #tpu.memory_space<vmem_shared>>)
        tpu.yield
      }) : () -> ()
      %barrier3A_29 = arith.constant 0 : index
      tpu.barrier barrier_id(%barrier3A_29)
      %mul3A_30 = arith.constant 40 : i32
      %mul3A_31 = arith.muli %arg1, %mul3A_30 : i32
      "tpu.region"() ({
        %run_scoped3A_39 = tpu.sem_alloc : memref<!tpu.dma_semaphore, #tpu.memory_space<semaphore_mem>>
        %dma_start3A = arith.constant 0 : i32
        %dma_start3A_40 = tpu.memref_slice %arg12[%mul3A_31, %dma_start3A] : memref<640x16xf32, #tpu.memory_space<vmem_shared>> -> memref<40x16xf32, #tpu.memory_space<vmem_shared>>
        %dma_start3A_41 = arith.constant 0 : i32
        %dma_start3A_42 = tpu.memref_slice %arg12[%mul3A_31, %dma_start3A_41] : memref<640x16xf32, #tpu.memory_space<vmem_shared>> -> memref<40x16xf32, #tpu.memory_space<vmem_shared>>
        tpu.enqueue_dma source(%dma_start3A_42 : memref<40x16xf32, #tpu.memory_space<vmem_shared>>) target(%arg9 : memref<40x16xf32, #tpu.memory_space<vmem>>) target_semaphore(%run_scoped3A_39 : memref<!tpu.dma_semaphore, #tpu.memory_space<semaphore_mem>>)
        %dma_wait3A = arith.constant 0 : i32
        %dma_wait3A_43 = tpu.memref_slice %arg12[%mul3A_31, %dma_wait3A] : memref<640x16xf32, #tpu.memory_space<vmem_shared>> -> memref<40x16xf32, #tpu.memory_space<vmem_shared>>
        %dma_wait3A_44 = arith.constant 0 : i32
        %dma_wait3A_45 = tpu.memref_slice %arg12[%mul3A_31, %dma_wait3A_44] : memref<640x16xf32, #tpu.memory_space<vmem_shared>> -> memref<40x16xf32, #tpu.memory_space<vmem_shared>>
        tpu.wait_dma2 semaphore(%run_scoped3A_39 : memref<!tpu.dma_semaphore, #tpu.memory_space<semaphore_mem>>) src(%dma_wait3A_45 : memref<40x16xf32, #tpu.memory_space<vmem_shared>>) dst(%arg9 : memref<40x16xf32, #tpu.memory_space<vmem>>)
        tpu.yield
      }) : () -> ()
      %scan3A_32 = arith.constant 0 : i32
      %scan3A_33 = arith.constant 40 : i32
      %scan3A_34 = arith.addi %scan3A_32, %scan3A_33 : i32
      %scan3A_35 = arith.constant 1 : i32
      scf.for %scan3A_39 = %scan3A_32 to %scan3A_34 step %scan3A_35  : i32 {
        %mul3A_40 = arith.constant 1 : i32
        %mul3A_41 = arith.muli %scan3A_39, %mul3A_40 : i32
        %add3A = arith.constant 0 : i32
        %add3A_42 = arith.addi %add3A, %mul3A_41 : i32
        %get3A = arith.index_cast %add3A_42 : i32 to index
        %get3A_43 = arith.constant 0 : index
        %get3A_44 = tpu.vector_load %arg9[%get3A, %get3A_43] {strides = array<i32>} : memref<40x16xf32, #tpu.memory_space<vmem>>, vector<16xf32>,
        %max3A = arith.constant 1.000000e+00 : f32
        %max3A_45 = vector.broadcast %max3A : f32 to vector<16xf32>
        %max3A_46 = arith.maximumf %get3A_44, %max3A_45 : vector<16xf32>
        %bitcast3A = vector.bitcast %max3A_46 : vector<16xf32> to vector<16xi32>
        %shift_right_arithmetic3A = arith.constant 1 : i32
        %shift_right_arithmetic3A_47 = vector.broadcast %shift_right_arithmetic3A : i32 to vector<16xi32>
        %shift_right_arithmetic3A_48 = arith.shrsi %bitcast3A, %shift_right_arithmetic3A_47 : vector<16xi32>
        %sub3A = arith.constant 1597463007 : i32
        %sub3A_49 = vector.broadcast %sub3A : i32 to vector<16xi32>
        %sub3A_50 = arith.subi %sub3A_49, %shift_right_arithmetic3A_48 : vector<16xi32>
        %bitcast3A_51 = vector.bitcast %sub3A_50 : vector<16xi32> to vector<16xf32>
        %mul3A_52 = arith.constant 5.000000e-01 : f32
        %mul3A_53 = vector.broadcast %mul3A_52 : f32 to vector<16xf32>
        %mul3A_54 = arith.mulf %mul3A_53, %max3A_46 : vector<16xf32>
        %mul3A_55 = arith.mulf %mul3A_54, %bitcast3A_51 : vector<16xf32>
        %mul3A_56 = arith.mulf %mul3A_55, %bitcast3A_51 : vector<16xf32>
        %sub3A_57 = arith.constant 1.500000e+00 : f32
        %sub3A_58 = vector.broadcast %sub3A_57 : f32 to vector<16xf32>
        %sub3A_59 = arith.subf %sub3A_58, %mul3A_56 : vector<16xf32>
        %mul3A_60 = arith.mulf %bitcast3A_51, %sub3A_59 : vector<16xf32>
        %mul3A_61 = arith.constant 5.000000e-01 : f32
        %mul3A_62 = vector.broadcast %mul3A_61 : f32 to vector<16xf32>
        %mul3A_63 = arith.mulf %mul3A_62, %max3A_46 : vector<16xf32>
        %mul3A_64 = arith.mulf %mul3A_63, %mul3A_60 : vector<16xf32>
        %mul3A_65 = arith.mulf %mul3A_64, %mul3A_60 : vector<16xf32>
        %sub3A_66 = arith.constant 1.500000e+00 : f32
        %sub3A_67 = vector.broadcast %sub3A_66 : f32 to vector<16xf32>
        %sub3A_68 = arith.subf %sub3A_67, %mul3A_65 : vector<16xf32>
        %mul3A_69 = arith.mulf %mul3A_60, %sub3A_68 : vector<16xf32>
        %mul3A_70 = arith.constant 5.000000e-01 : f32
        %mul3A_71 = vector.broadcast %mul3A_70 : f32 to vector<16xf32>
        %mul3A_72 = arith.mulf %mul3A_71, %max3A_46 : vector<16xf32>
        %mul3A_73 = arith.mulf %mul3A_72, %mul3A_69 : vector<16xf32>
        %mul3A_74 = arith.mulf %mul3A_73, %mul3A_69 : vector<16xf32>
        %sub3A_75 = arith.constant 1.500000e+00 : f32
        %sub3A_76 = vector.broadcast %sub3A_75 : f32 to vector<16xf32>
        %sub3A_77 = arith.subf %sub3A_76, %mul3A_74 : vector<16xf32>
        %mul3A_78 = arith.mulf %mul3A_69, %sub3A_77 : vector<16xf32>
        %swap3A = arith.index_cast %add3A_42 : i32 to index
        %swap3A_79 = arith.constant 0 : index
        %swap3A_80 = tpu.vector_load %arg10[%swap3A, %swap3A_79] {strides = array<i32>} : memref<40x16xf32, #tpu.memory_space<vmem>>, vector<16xf32>,
        tpu.vector_store %arg10[%swap3A, %swap3A_79], %mul3A_78 {strides = array<i32>} : memref<40x16xf32, #tpu.memory_space<vmem>>, vector<16xf32>,
      }
      %scan3A_36 = arith.constant 40 : i32
      %mul3A_37 = arith.constant 40 : i32
      %mul3A_38 = arith.muli %arg1, %mul3A_37 : i32
      "tpu.region"() ({
        %run_scoped3A_39 = tpu.sem_alloc : memref<!tpu.dma_semaphore, #tpu.memory_space<semaphore_mem>>
        %dma_start3A = arith.constant 0 : i32
        %dma_start3A_40 = tpu.memref_slice %arg5[%mul3A_38, %dma_start3A] : memref<640x16xf32, #tpu.memory_space<hbm>> -> memref<40x16xf32, #tpu.memory_space<hbm>>
        %dma_start3A_41 = arith.constant 0 : i32
        %dma_start3A_42 = tpu.memref_slice %arg5[%mul3A_38, %dma_start3A_41] : memref<640x16xf32, #tpu.memory_space<hbm>> -> memref<40x16xf32, #tpu.memory_space<hbm>>
        tpu.enqueue_dma source(%arg10 : memref<40x16xf32, #tpu.memory_space<vmem>>) target(%dma_start3A_42 : memref<40x16xf32, #tpu.memory_space<hbm>>) target_semaphore(%run_scoped3A_39 : memref<!tpu.dma_semaphore, #tpu.memory_space<semaphore_mem>>)
        %dma_wait3A = arith.constant 0 : i32
        %dma_wait3A_43 = tpu.memref_slice %arg5[%mul3A_38, %dma_wait3A] : memref<640x16xf32, #tpu.memory_space<hbm>> -> memref<40x16xf32, #tpu.memory_space<hbm>>
        %dma_wait3A_44 = arith.constant 0 : i32
        %dma_wait3A_45 = tpu.memref_slice %arg5[%mul3A_38, %dma_wait3A_44] : memref<640x16xf32, #tpu.memory_space<hbm>> -> memref<40x16xf32, #tpu.memory_space<hbm>>
        tpu.wait_dma2 semaphore(%run_scoped3A_39 : memref<!tpu.dma_semaphore, #tpu.memory_space<semaphore_mem>>) src(%arg10 : memref<40x16xf32, #tpu.memory_space<vmem>>) dst(%dma_wait3A_45 : memref<40x16xf32, #tpu.memory_space<hbm>>)
        tpu.yield
      }) : () -> ()
    } else {
    }
    %eq3A_5 = arith.constant 1 : i32
    %eq3A_6 = arith.cmpi eq, %arg0, %eq3A_5 : i32
    %convert_element_type3A_7 = arith.extui %eq3A_6 : i1 to i32
    %cond3A_8 = arith.constant 0 : i32
    %cond3A_9 = arith.cmpi ne, %convert_element_type3A_7, %cond3A_8 : i32
    scf.if %cond3A_9 {
      "tpu.region"() ({
        %run_scoped3A_39 = tpu.sem_alloc : memref<!tpu.dma_semaphore, #tpu.memory_space<semaphore_mem>>
        %dma_start3A = arith.constant 0 : i32
        %dma_start3A_40 = tpu.memref_slice %arg3[%arg1, %dma_start3A] : memref<16x20480xi32, #tpu.memory_space<hbm>> -> memref<1x20480xi32, #tpu.memory_space<hbm>>
        %dma_start3A_41 = tpu.memref_squeeze %dma_start3A_40 : memref<1x20480xi32, #tpu.memory_space<hbm>> -> memref<20480xi32, #tpu.memory_space<hbm>>
        %dma_start3A_42 = arith.constant 0 : i32
        %dma_start3A_43 = tpu.memref_slice %arg3[%arg1, %dma_start3A_42] : memref<16x20480xi32, #tpu.memory_space<hbm>> -> memref<1x20480xi32, #tpu.memory_space<hbm>>
        %dma_start3A_44 = tpu.memref_squeeze %dma_start3A_43 : memref<1x20480xi32, #tpu.memory_space<hbm>> -> memref<20480xi32, #tpu.memory_space<hbm>>
        tpu.enqueue_dma source(%dma_start3A_44 : memref<20480xi32, #tpu.memory_space<hbm>>) target(%arg7 : memref<20480xi32, #tpu.memory_space<vmem>>) target_semaphore(%run_scoped3A_39 : memref<!tpu.dma_semaphore, #tpu.memory_space<semaphore_mem>>)
        %dma_wait3A = arith.constant 0 : i32
        %dma_wait3A_45 = tpu.memref_slice %arg3[%arg1, %dma_wait3A] : memref<16x20480xi32, #tpu.memory_space<hbm>> -> memref<1x20480xi32, #tpu.memory_space<hbm>>
        %dma_wait3A_46 = tpu.memref_squeeze %dma_wait3A_45 : memref<1x20480xi32, #tpu.memory_space<hbm>> -> memref<20480xi32, #tpu.memory_space<hbm>>
        %dma_wait3A_47 = arith.constant 0 : i32
        %dma_wait3A_48 = tpu.memref_slice %arg3[%arg1, %dma_wait3A_47] : memref<16x20480xi32, #tpu.memory_space<hbm>> -> memref<1x20480xi32, #tpu.memory_space<hbm>>
        %dma_wait3A_49 = tpu.memref_squeeze %dma_wait3A_48 : memref<1x20480xi32, #tpu.memory_space<hbm>> -> memref<20480xi32, #tpu.memory_space<hbm>>
        tpu.wait_dma2 semaphore(%run_scoped3A_39 : memref<!tpu.dma_semaphore, #tpu.memory_space<semaphore_mem>>) src(%dma_wait3A_49 : memref<20480xi32, #tpu.memory_space<hbm>>) dst(%arg7 : memref<20480xi32, #tpu.memory_space<vmem>>)
        tpu.yield
      }) : () -> ()
      "tpu.region"() ({
        %run_scoped3A_39 = tpu.sem_alloc : memref<!tpu.dma_semaphore, #tpu.memory_space<semaphore_mem>>
        tpu.enqueue_dma source(%arg4 : memref<5x128xi32, #tpu.memory_space<hbm>>) target(%arg11 : memref<5x128xi32, #tpu.memory_space<vmem>>) target_semaphore(%run_scoped3A_39 : memref<!tpu.dma_semaphore, #tpu.memory_space<semaphore_mem>>)
        tpu.wait_dma2 semaphore(%run_scoped3A_39 : memref<!tpu.dma_semaphore, #tpu.memory_space<semaphore_mem>>) src(%arg4 : memref<5x128xi32, #tpu.memory_space<hbm>>) dst(%arg11 : memref<5x128xi32, #tpu.memory_space<vmem>>)
        tpu.yield
      }) : () -> ()
      %scan3A = arith.constant 0 : i32
      %scan3A_10 = arith.constant 640 : i32
      %scan3A_11 = arith.addi %scan3A, %scan3A_10 : i32
      %scan3A_12 = arith.constant 1 : i32
      scf.for %scan3A_39 = %scan3A to %scan3A_11 step %scan3A_12  : i32 {
        %mul3A_40 = arith.constant 1 : i32
        %mul3A_41 = arith.muli %scan3A_39, %mul3A_40 : i32
        %add3A = arith.constant 0 : i32
        %add3A_42 = arith.addi %add3A, %mul3A_41 : i32
        %swap3A = arith.index_cast %add3A_42 : i32 to index
        %swap3A_43 = arith.constant 0 : index
        %swap3A_44 = tpu.vector_load %arg8[%swap3A, %swap3A_43] {strides = array<i32>} : memref<640x16xf32, #tpu.memory_space<vmem>>, vector<16xf32>,
        tpu.vector_store %arg8[%swap3A, %swap3A_43], %broadcast_in_dim3A_0 {strides = array<i32>} : memref<640x16xf32, #tpu.memory_space<vmem>>, vector<16xf32>,
      }
      %scan3A_13 = arith.constant 640 : i32
      %scan3A_14 = arith.constant 0 : i32
      %scan3A_15 = arith.constant 40 : i32
      %scan3A_16 = arith.addi %scan3A_14, %scan3A_15 : i32
      %scan3A_17 = arith.constant 1 : i32
      scf.for %scan3A_39 = %scan3A_14 to %scan3A_16 step %scan3A_17  : i32 {
        %mul3A_40 = arith.constant 1 : i32
        %mul3A_41 = arith.muli %scan3A_39, %mul3A_40 : i32
        %add3A = arith.constant 0 : i32
        %add3A_42 = arith.addi %add3A, %mul3A_41 : i32
        %swap3A = arith.index_cast %add3A_42 : i32 to index
        %swap3A_43 = arith.constant 0 : index
        %swap3A_44 = tpu.vector_load %arg9[%swap3A, %swap3A_43] {strides = array<i32>} : memref<40x16xf32, #tpu.memory_space<vmem>>, vector<16xf32>,
        tpu.vector_store %arg9[%swap3A, %swap3A_43], %broadcast_in_dim3A_0 {strides = array<i32>} : memref<40x16xf32, #tpu.memory_space<vmem>>, vector<16xf32>,
      }
      %scan3A_18 = arith.constant 40 : i32
      %scan3A_19 = arith.constant 0 : i32
      %scan3A_20 = arith.constant 1280 : i32
      %scan3A_21 = arith.addi %scan3A_19, %scan3A_20 : i32
      %scan3A_22 = arith.constant 1 : i32
      scf.for %scan3A_39 = %scan3A_19 to %scan3A_21 step %scan3A_22  : i32 {
        %mul3A_40 = arith.constant 1 : i32
        %mul3A_41 = arith.muli %scan3A_39, %mul3A_40 : i32
        %add3A = arith.constant 0 : i32
        %add3A_42 = arith.addi %add3A, %mul3A_41 : i32
        %mul3A_43 = arith.constant 16 : i32
        %mul3A_44 = arith.muli %add3A_42, %mul3A_43 : i32
        %get3A = arith.index_cast %mul3A_44 : i32 to index
        %get3A_45 = tpu.vector_load %arg7[%get3A] {strides = array<i32>} : memref<20480xi32, #tpu.memory_space<vmem>>, vector<16xi32>,
        %shift_right_arithmetic3A = arith.constant 4 : i32
        %shift_right_arithmetic3A_46 = vector.broadcast %shift_right_arithmetic3A : i32 to vector<16xi32>
        %shift_right_arithmetic3A_47 = arith.shrsi %get3A_45, %shift_right_arithmetic3A_46 : vector<16xi32>
        %and3A = arith.constant 15 : i32
        %and3A_48 = vector.broadcast %and3A : i32 to vector<16xi32>
        %and3A_49 = arith.andi %get3A_45, %and3A_48 : vector<16xi32>
        tpu.vector_store_idx %arg8[%shift_right_arithmetic3A_47, %and3A_49], %broadcast_in_dim3A_2 {add = true} : memref<640x16xf32, #tpu.memory_space<vmem>>[vector<16xi32>, vector<16xi32>], vector<16xf32>,
      }
      %scan3A_23 = arith.constant 1280 : i32
      %mul3A = arith.constant 40 : i32
      %mul3A_24 = arith.muli %arg1, %mul3A : i32
      "tpu.region"() ({
        %run_scoped3A_39 = tpu.sem_alloc : memref<!tpu.dma_semaphore, #tpu.memory_space<semaphore_mem>>
        %dma_start3A = arith.constant 0 : i32
        %dma_start3A_40 = tpu.memref_slice %arg12[%mul3A_24, %dma_start3A] : memref<640x16xf32, #tpu.memory_space<vmem_shared>> -> memref<40x16xf32, #tpu.memory_space<vmem_shared>>
        %dma_start3A_41 = arith.constant 0 : i32
        %dma_start3A_42 = tpu.memref_slice %arg12[%mul3A_24, %dma_start3A_41] : memref<640x16xf32, #tpu.memory_space<vmem_shared>> -> memref<40x16xf32, #tpu.memory_space<vmem_shared>>
        tpu.enqueue_dma source(%arg9 : memref<40x16xf32, #tpu.memory_space<vmem>>) target(%dma_start3A_42 : memref<40x16xf32, #tpu.memory_space<vmem_shared>>) target_semaphore(%run_scoped3A_39 : memref<!tpu.dma_semaphore, #tpu.memory_space<semaphore_mem>>)
        %dma_wait3A = arith.constant 0 : i32
        %dma_wait3A_43 = tpu.memref_slice %arg12[%mul3A_24, %dma_wait3A] : memref<640x16xf32, #tpu.memory_space<vmem_shared>> -> memref<40x16xf32, #tpu.memory_space<vmem_shared>>
        %dma_wait3A_44 = arith.constant 0 : i32
        %dma_wait3A_45 = tpu.memref_slice %arg12[%mul3A_24, %dma_wait3A_44] : memref<640x16xf32, #tpu.memory_space<vmem_shared>> -> memref<40x16xf32, #tpu.memory_space<vmem_shared>>
        tpu.wait_dma2 semaphore(%run_scoped3A_39 : memref<!tpu.dma_semaphore, #tpu.memory_space<semaphore_mem>>) src(%arg9 : memref<40x16xf32, #tpu.memory_space<vmem>>) dst(%dma_wait3A_45 : memref<40x16xf32, #tpu.memory_space<vmem_shared>>)
        tpu.yield
      }) : () -> ()
      %barrier3A = arith.constant 0 : index
      tpu.barrier barrier_id(%barrier3A)
      %run_scoped3A = arith.constant 0 : i32
      "tpu.region"() ({
        %run_scoped3A_39 = tpu.sem_alloc : memref<!tpu.dma_semaphore, #tpu.memory_space<semaphore_mem>>
        %dma_start3A = arith.constant 0 : i32
        %dma_start3A_40 = arith.constant 0 : i32
        %dma_start3A_41 = tpu.memref_slice %arg8[%dma_start3A, %dma_start3A_40] : memref<640x16xf32, #tpu.memory_space<vmem>> -> memref<128x16xf32, #tpu.memory_space<vmem>>
        %dma_start3A_42 = arith.constant 0 : i32
        %dma_start3A_43 = tpu.memref_slice %arg11[%run_scoped3A, %dma_start3A_42] : memref<5x128xi32, #tpu.memory_space<vmem>> -> memref<1x128xi32, #tpu.memory_space<vmem>>
        %dma_start3A_44 = tpu.memref_squeeze %dma_start3A_43 : memref<1x128xi32, #tpu.memory_space<vmem>> -> memref<128xi32, #tpu.memory_space<vmem>>
        %dma_start3A_45 = arith.constant 0 : i32
        %dma_start3A_46 = arith.constant 0 : i32
        %dma_start3A_47 = tpu.memref_slice %arg12[%dma_start3A_45, %dma_start3A_46] : memref<640x16xf32, #tpu.memory_space<vmem_shared>> -> memref<640x16xf32, #tpu.memory_space<vmem_shared>>
        tpu.enqueue_indirect_dma source(%dma_start3A_41 : memref<128x16xf32, #tpu.memory_space<vmem>>) target(%dma_start3A_47 : memref<640x16xf32, #tpu.memory_space<vmem_shared>>) offsets(%dma_start3A_44 : memref<128xi32, #tpu.memory_space<vmem>>) semaphore(%run_scoped3A_39 : memref<!tpu.dma_semaphore, #tpu.memory_space<semaphore_mem>>) {add = true}
        %dma_wait3A = arith.constant 0 : i32
        %dma_wait3A_48 = arith.constant 0 : i32
        %dma_wait3A_49 = tpu.memref_slice %arg8[%dma_wait3A, %dma_wait3A_48] : memref<640x16xf32, #tpu.memory_space<vmem>> -> memref<128x16xf32, #tpu.memory_space<vmem>>
        %dma_wait3A_50 = arith.constant 0 : i32
        %dma_wait3A_51 = tpu.memref_slice %arg11[%run_scoped3A, %dma_wait3A_50] : memref<5x128xi32, #tpu.memory_space<vmem>> -> memref<1x128xi32, #tpu.memory_space<vmem>>
        %dma_wait3A_52 = tpu.memref_squeeze %dma_wait3A_51 : memref<1x128xi32, #tpu.memory_space<vmem>> -> memref<128xi32, #tpu.memory_space<vmem>>
        %dma_wait3A_53 = arith.constant 0 : i32
        %dma_wait3A_54 = arith.constant 0 : i32
        %dma_wait3A_55 = tpu.memref_slice %arg12[%dma_wait3A_53, %dma_wait3A_54] : memref<640x16xf32, #tpu.memory_space<vmem_shared>> -> memref<640x16xf32, #tpu.memory_space<vmem_shared>>
        tpu.wait_indirect_dma semaphore(%run_scoped3A_39 : memref<!tpu.dma_semaphore, #tpu.memory_space<semaphore_mem>>) src(%dma_wait3A_49 : memref<128x16xf32, #tpu.memory_space<vmem>>) dst(%dma_wait3A_55 : memref<640x16xf32, #tpu.memory_space<vmem_shared>>)
        tpu.yield
      }) : () -> ()
      %run_scoped3A_25 = arith.constant 1 : i32
      "tpu.region"() ({
        %run_scoped3A_39 = tpu.sem_alloc : memref<!tpu.dma_semaphore, #tpu.memory_space<semaphore_mem>>
        %dma_start3A = arith.constant 128 : i32
        %dma_start3A_40 = arith.constant 0 : i32
        %dma_start3A_41 = tpu.memref_slice %arg8[%dma_start3A, %dma_start3A_40] : memref<640x16xf32, #tpu.memory_space<vmem>> -> memref<128x16xf32, #tpu.memory_space<vmem>>
        %dma_start3A_42 = arith.constant 0 : i32
        %dma_start3A_43 = tpu.memref_slice %arg11[%run_scoped3A_25, %dma_start3A_42] : memref<5x128xi32, #tpu.memory_space<vmem>> -> memref<1x128xi32, #tpu.memory_space<vmem>>
        %dma_start3A_44 = tpu.memref_squeeze %dma_start3A_43 : memref<1x128xi32, #tpu.memory_space<vmem>> -> memref<128xi32, #tpu.memory_space<vmem>>
        %dma_start3A_45 = arith.constant 0 : i32
        %dma_start3A_46 = arith.constant 0 : i32
        %dma_start3A_47 = tpu.memref_slice %arg12[%dma_start3A_45, %dma_start3A_46] : memref<640x16xf32, #tpu.memory_space<vmem_shared>> -> memref<640x16xf32, #tpu.memory_space<vmem_shared>>
        tpu.enqueue_indirect_dma source(%dma_start3A_41 : memref<128x16xf32, #tpu.memory_space<vmem>>) target(%dma_start3A_47 : memref<640x16xf32, #tpu.memory_space<vmem_shared>>) offsets(%dma_start3A_44 : memref<128xi32, #tpu.memory_space<vmem>>) semaphore(%run_scoped3A_39 : memref<!tpu.dma_semaphore, #tpu.memory_space<semaphore_mem>>) {add = true}
        %dma_wait3A = arith.constant 128 : i32
        %dma_wait3A_48 = arith.constant 0 : i32
        %dma_wait3A_49 = tpu.memref_slice %arg8[%dma_wait3A, %dma_wait3A_48] : memref<640x16xf32, #tpu.memory_space<vmem>> -> memref<128x16xf32, #tpu.memory_space<vmem>>
        %dma_wait3A_50 = arith.constant 0 : i32
        %dma_wait3A_51 = tpu.memref_slice %arg11[%run_scoped3A_25, %dma_wait3A_50] : memref<5x128xi32, #tpu.memory_space<vmem>> -> memref<1x128xi32, #tpu.memory_space<vmem>>
        %dma_wait3A_52 = tpu.memref_squeeze %dma_wait3A_51 : memref<1x128xi32, #tpu.memory_space<vmem>> -> memref<128xi32, #tpu.memory_space<vmem>>
        %dma_wait3A_53 = arith.constant 0 : i32
        %dma_wait3A_54 = arith.constant 0 : i32
        %dma_wait3A_55 = tpu.memref_slice %arg12[%dma_wait3A_53, %dma_wait3A_54] : memref<640x16xf32, #tpu.memory_space<vmem_shared>> -> memref<640x16xf32, #tpu.memory_space<vmem_shared>>
        tpu.wait_indirect_dma semaphore(%run_scoped3A_39 : memref<!tpu.dma_semaphore, #tpu.memory_space<semaphore_mem>>) src(%dma_wait3A_49 : memref<128x16xf32, #tpu.memory_space<vmem>>) dst(%dma_wait3A_55 : memref<640x16xf32, #tpu.memory_space<vmem_shared>>)
        tpu.yield
      }) : () -> ()
      %run_scoped3A_26 = arith.constant 2 : i32
      "tpu.region"() ({
        %run_scoped3A_39 = tpu.sem_alloc : memref<!tpu.dma_semaphore, #tpu.memory_space<semaphore_mem>>
        %dma_start3A = arith.constant 256 : i32
        %dma_start3A_40 = arith.constant 0 : i32
        %dma_start3A_41 = tpu.memref_slice %arg8[%dma_start3A, %dma_start3A_40] : memref<640x16xf32, #tpu.memory_space<vmem>> -> memref<128x16xf32, #tpu.memory_space<vmem>>
        %dma_start3A_42 = arith.constant 0 : i32
        %dma_start3A_43 = tpu.memref_slice %arg11[%run_scoped3A_26, %dma_start3A_42] : memref<5x128xi32, #tpu.memory_space<vmem>> -> memref<1x128xi32, #tpu.memory_space<vmem>>
        %dma_start3A_44 = tpu.memref_squeeze %dma_start3A_43 : memref<1x128xi32, #tpu.memory_space<vmem>> -> memref<128xi32, #tpu.memory_space<vmem>>
        %dma_start3A_45 = arith.constant 0 : i32
        %dma_start3A_46 = arith.constant 0 : i32
        %dma_start3A_47 = tpu.memref_slice %arg12[%dma_start3A_45, %dma_start3A_46] : memref<640x16xf32, #tpu.memory_space<vmem_shared>> -> memref<640x16xf32, #tpu.memory_space<vmem_shared>>
        tpu.enqueue_indirect_dma source(%dma_start3A_41 : memref<128x16xf32, #tpu.memory_space<vmem>>) target(%dma_start3A_47 : memref<640x16xf32, #tpu.memory_space<vmem_shared>>) offsets(%dma_start3A_44 : memref<128xi32, #tpu.memory_space<vmem>>) semaphore(%run_scoped3A_39 : memref<!tpu.dma_semaphore, #tpu.memory_space<semaphore_mem>>) {add = true}
        %dma_wait3A = arith.constant 256 : i32
        %dma_wait3A_48 = arith.constant 0 : i32
        %dma_wait3A_49 = tpu.memref_slice %arg8[%dma_wait3A, %dma_wait3A_48] : memref<640x16xf32, #tpu.memory_space<vmem>> -> memref<128x16xf32, #tpu.memory_space<vmem>>
        %dma_wait3A_50 = arith.constant 0 : i32
        %dma_wait3A_51 = tpu.memref_slice %arg11[%run_scoped3A_26, %dma_wait3A_50] : memref<5x128xi32, #tpu.memory_space<vmem>> -> memref<1x128xi32, #tpu.memory_space<vmem>>
        %dma_wait3A_52 = tpu.memref_squeeze %dma_wait3A_51 : memref<1x128xi32, #tpu.memory_space<vmem>> -> memref<128xi32, #tpu.memory_space<vmem>>
        %dma_wait3A_53 = arith.constant 0 : i32
        %dma_wait3A_54 = arith.constant 0 : i32
        %dma_wait3A_55 = tpu.memref_slice %arg12[%dma_wait3A_53, %dma_wait3A_54] : memref<640x16xf32, #tpu.memory_space<vmem_shared>> -> memref<640x16xf32, #tpu.memory_space<vmem_shared>>
        tpu.wait_indirect_dma semaphore(%run_scoped3A_39 : memref<!tpu.dma_semaphore, #tpu.memory_space<semaphore_mem>>) src(%dma_wait3A_49 : memref<128x16xf32, #tpu.memory_space<vmem>>) dst(%dma_wait3A_55 : memref<640x16xf32, #tpu.memory_space<vmem_shared>>)
        tpu.yield
      }) : () -> ()
      %run_scoped3A_27 = arith.constant 3 : i32
      "tpu.region"() ({
        %run_scoped3A_39 = tpu.sem_alloc : memref<!tpu.dma_semaphore, #tpu.memory_space<semaphore_mem>>
        %dma_start3A = arith.constant 384 : i32
        %dma_start3A_40 = arith.constant 0 : i32
        %dma_start3A_41 = tpu.memref_slice %arg8[%dma_start3A, %dma_start3A_40] : memref<640x16xf32, #tpu.memory_space<vmem>> -> memref<128x16xf32, #tpu.memory_space<vmem>>
        %dma_start3A_42 = arith.constant 0 : i32
        %dma_start3A_43 = tpu.memref_slice %arg11[%run_scoped3A_27, %dma_start3A_42] : memref<5x128xi32, #tpu.memory_space<vmem>> -> memref<1x128xi32, #tpu.memory_space<vmem>>
        %dma_start3A_44 = tpu.memref_squeeze %dma_start3A_43 : memref<1x128xi32, #tpu.memory_space<vmem>> -> memref<128xi32, #tpu.memory_space<vmem>>
        %dma_start3A_45 = arith.constant 0 : i32
        %dma_start3A_46 = arith.constant 0 : i32
        %dma_start3A_47 = tpu.memref_slice %arg12[%dma_start3A_45, %dma_start3A_46] : memref<640x16xf32, #tpu.memory_space<vmem_shared>> -> memref<640x16xf32, #tpu.memory_space<vmem_shared>>
        tpu.enqueue_indirect_dma source(%dma_start3A_41 : memref<128x16xf32, #tpu.memory_space<vmem>>) target(%dma_start3A_47 : memref<640x16xf32, #tpu.memory_space<vmem_shared>>) offsets(%dma_start3A_44 : memref<128xi32, #tpu.memory_space<vmem>>) semaphore(%run_scoped3A_39 : memref<!tpu.dma_semaphore, #tpu.memory_space<semaphore_mem>>) {add = true}
        %dma_wait3A = arith.constant 384 : i32
        %dma_wait3A_48 = arith.constant 0 : i32
        %dma_wait3A_49 = tpu.memref_slice %arg8[%dma_wait3A, %dma_wait3A_48] : memref<640x16xf32, #tpu.memory_space<vmem>> -> memref<128x16xf32, #tpu.memory_space<vmem>>
        %dma_wait3A_50 = arith.constant 0 : i32
        %dma_wait3A_51 = tpu.memref_slice %arg11[%run_scoped3A_27, %dma_wait3A_50] : memref<5x128xi32, #tpu.memory_space<vmem>> -> memref<1x128xi32, #tpu.memory_space<vmem>>
        %dma_wait3A_52 = tpu.memref_squeeze %dma_wait3A_51 : memref<1x128xi32, #tpu.memory_space<vmem>> -> memref<128xi32, #tpu.memory_space<vmem>>
        %dma_wait3A_53 = arith.constant 0 : i32
        %dma_wait3A_54 = arith.constant 0 : i32
        %dma_wait3A_55 = tpu.memref_slice %arg12[%dma_wait3A_53, %dma_wait3A_54] : memref<640x16xf32, #tpu.memory_space<vmem_shared>> -> memref<640x16xf32, #tpu.memory_space<vmem_shared>>
        tpu.wait_indirect_dma semaphore(%run_scoped3A_39 : memref<!tpu.dma_semaphore, #tpu.memory_space<semaphore_mem>>) src(%dma_wait3A_49 : memref<128x16xf32, #tpu.memory_space<vmem>>) dst(%dma_wait3A_55 : memref<640x16xf32, #tpu.memory_space<vmem_shared>>)
        tpu.yield
      }) : () -> ()
      %run_scoped3A_28 = arith.constant 4 : i32
      "tpu.region"() ({
        %run_scoped3A_39 = tpu.sem_alloc : memref<!tpu.dma_semaphore, #tpu.memory_space<semaphore_mem>>
        %dma_start3A = arith.constant 512 : i32
        %dma_start3A_40 = arith.constant 0 : i32
        %dma_start3A_41 = tpu.memref_slice %arg8[%dma_start3A, %dma_start3A_40] : memref<640x16xf32, #tpu.memory_space<vmem>> -> memref<128x16xf32, #tpu.memory_space<vmem>>
        %dma_start3A_42 = arith.constant 0 : i32
        %dma_start3A_43 = tpu.memref_slice %arg11[%run_scoped3A_28, %dma_start3A_42] : memref<5x128xi32, #tpu.memory_space<vmem>> -> memref<1x128xi32, #tpu.memory_space<vmem>>
        %dma_start3A_44 = tpu.memref_squeeze %dma_start3A_43 : memref<1x128xi32, #tpu.memory_space<vmem>> -> memref<128xi32, #tpu.memory_space<vmem>>
        %dma_start3A_45 = arith.constant 0 : i32
        %dma_start3A_46 = arith.constant 0 : i32
        %dma_start3A_47 = tpu.memref_slice %arg12[%dma_start3A_45, %dma_start3A_46] : memref<640x16xf32, #tpu.memory_space<vmem_shared>> -> memref<640x16xf32, #tpu.memory_space<vmem_shared>>
        tpu.enqueue_indirect_dma source(%dma_start3A_41 : memref<128x16xf32, #tpu.memory_space<vmem>>) target(%dma_start3A_47 : memref<640x16xf32, #tpu.memory_space<vmem_shared>>) offsets(%dma_start3A_44 : memref<128xi32, #tpu.memory_space<vmem>>) semaphore(%run_scoped3A_39 : memref<!tpu.dma_semaphore, #tpu.memory_space<semaphore_mem>>) {add = true}
        %dma_wait3A = arith.constant 512 : i32
        %dma_wait3A_48 = arith.constant 0 : i32
        %dma_wait3A_49 = tpu.memref_slice %arg8[%dma_wait3A, %dma_wait3A_48] : memref<640x16xf32, #tpu.memory_space<vmem>> -> memref<128x16xf32, #tpu.memory_space<vmem>>
        %dma_wait3A_50 = arith.constant 0 : i32
        %dma_wait3A_51 = tpu.memref_slice %arg11[%run_scoped3A_28, %dma_wait3A_50] : memref<5x128xi32, #tpu.memory_space<vmem>> -> memref<1x128xi32, #tpu.memory_space<vmem>>
        %dma_wait3A_52 = tpu.memref_squeeze %dma_wait3A_51 : memref<1x128xi32, #tpu.memory_space<vmem>> -> memref<128xi32, #tpu.memory_space<vmem>>
        %dma_wait3A_53 = arith.constant 0 : i32
        %dma_wait3A_54 = arith.constant 0 : i32
        %dma_wait3A_55 = tpu.memref_slice %arg12[%dma_wait3A_53, %dma_wait3A_54] : memref<640x16xf32, #tpu.memory_space<vmem_shared>> -> memref<640x16xf32, #tpu.memory_space<vmem_shared>>
        tpu.wait_indirect_dma semaphore(%run_scoped3A_39 : memref<!tpu.dma_semaphore, #tpu.memory_space<semaphore_mem>>) src(%dma_wait3A_49 : memref<128x16xf32, #tpu.memory_space<vmem>>) dst(%dma_wait3A_55 : memref<640x16xf32, #tpu.memory_space<vmem_shared>>)
        tpu.yield
      }) : () -> ()
      %barrier3A_29 = arith.constant 0 : index
      tpu.barrier barrier_id(%barrier3A_29)
      %mul3A_30 = arith.constant 40 : i32
      %mul3A_31 = arith.muli %arg1, %mul3A_30 : i32
      "tpu.region"() ({
        %run_scoped3A_39 = tpu.sem_alloc : memref<!tpu.dma_semaphore, #tpu.memory_space<semaphore_mem>>
        %dma_start3A = arith.constant 0 : i32
        %dma_start3A_40 = tpu.memref_slice %arg12[%mul3A_31, %dma_start3A] : memref<640x16xf32, #tpu.memory_space<vmem_shared>> -> memref<40x16xf32, #tpu.memory_space<vmem_shared>>
        %dma_start3A_41 = arith.constant 0 : i32
        %dma_start3A_42 = tpu.memref_slice %arg12[%mul3A_31, %dma_start3A_41] : memref<640x16xf32, #tpu.memory_space<vmem_shared>> -> memref<40x16xf32, #tpu.memory_space<vmem_shared>>
        tpu.enqueue_dma source(%dma_start3A_42 : memref<40x16xf32, #tpu.memory_space<vmem_shared>>) target(%arg9 : memref<40x16xf32, #tpu.memory_space<vmem>>) target_semaphore(%run_scoped3A_39 : memref<!tpu.dma_semaphore, #tpu.memory_space<semaphore_mem>>)
        %dma_wait3A = arith.constant 0 : i32
        %dma_wait3A_43 = tpu.memref_slice %arg12[%mul3A_31, %dma_wait3A] : memref<640x16xf32, #tpu.memory_space<vmem_shared>> -> memref<40x16xf32, #tpu.memory_space<vmem_shared>>
        %dma_wait3A_44 = arith.constant 0 : i32
        %dma_wait3A_45 = tpu.memref_slice %arg12[%mul3A_31, %dma_wait3A_44] : memref<640x16xf32, #tpu.memory_space<vmem_shared>> -> memref<40x16xf32, #tpu.memory_space<vmem_shared>>
        tpu.wait_dma2 semaphore(%run_scoped3A_39 : memref<!tpu.dma_semaphore, #tpu.memory_space<semaphore_mem>>) src(%dma_wait3A_45 : memref<40x16xf32, #tpu.memory_space<vmem_shared>>) dst(%arg9 : memref<40x16xf32, #tpu.memory_space<vmem>>)
        tpu.yield
      }) : () -> ()
      %scan3A_32 = arith.constant 0 : i32
      %scan3A_33 = arith.constant 40 : i32
      %scan3A_34 = arith.addi %scan3A_32, %scan3A_33 : i32
      %scan3A_35 = arith.constant 1 : i32
      scf.for %scan3A_39 = %scan3A_32 to %scan3A_34 step %scan3A_35  : i32 {
        %mul3A_40 = arith.constant 1 : i32
        %mul3A_41 = arith.muli %scan3A_39, %mul3A_40 : i32
        %add3A = arith.constant 0 : i32
        %add3A_42 = arith.addi %add3A, %mul3A_41 : i32
        %get3A = arith.index_cast %add3A_42 : i32 to index
        %get3A_43 = arith.constant 0 : index
        %get3A_44 = tpu.vector_load %arg9[%get3A, %get3A_43] {strides = array<i32>} : memref<40x16xf32, #tpu.memory_space<vmem>>, vector<16xf32>,
        %max3A = arith.constant 1.000000e+00 : f32
        %max3A_45 = vector.broadcast %max3A : f32 to vector<16xf32>
        %max3A_46 = arith.maximumf %get3A_44, %max3A_45 : vector<16xf32>
        %bitcast3A = vector.bitcast %max3A_46 : vector<16xf32> to vector<16xi32>
        %shift_right_arithmetic3A = arith.constant 1 : i32
        %shift_right_arithmetic3A_47 = vector.broadcast %shift_right_arithmetic3A : i32 to vector<16xi32>
        %shift_right_arithmetic3A_48 = arith.shrsi %bitcast3A, %shift_right_arithmetic3A_47 : vector<16xi32>
        %sub3A = arith.constant 1597463007 : i32
        %sub3A_49 = vector.broadcast %sub3A : i32 to vector<16xi32>
        %sub3A_50 = arith.subi %sub3A_49, %shift_right_arithmetic3A_48 : vector<16xi32>
        %bitcast3A_51 = vector.bitcast %sub3A_50 : vector<16xi32> to vector<16xf32>
        %mul3A_52 = arith.constant 5.000000e-01 : f32
        %mul3A_53 = vector.broadcast %mul3A_52 : f32 to vector<16xf32>
        %mul3A_54 = arith.mulf %mul3A_53, %max3A_46 : vector<16xf32>
        %mul3A_55 = arith.mulf %mul3A_54, %bitcast3A_51 : vector<16xf32>
        %mul3A_56 = arith.mulf %mul3A_55, %bitcast3A_51 : vector<16xf32>
        %sub3A_57 = arith.constant 1.500000e+00 : f32
        %sub3A_58 = vector.broadcast %sub3A_57 : f32 to vector<16xf32>
        %sub3A_59 = arith.subf %sub3A_58, %mul3A_56 : vector<16xf32>
        %mul3A_60 = arith.mulf %bitcast3A_51, %sub3A_59 : vector<16xf32>
        %mul3A_61 = arith.constant 5.000000e-01 : f32
        %mul3A_62 = vector.broadcast %mul3A_61 : f32 to vector<16xf32>
        %mul3A_63 = arith.mulf %mul3A_62, %max3A_46 : vector<16xf32>
        %mul3A_64 = arith.mulf %mul3A_63, %mul3A_60 : vector<16xf32>
        %mul3A_65 = arith.mulf %mul3A_64, %mul3A_60 : vector<16xf32>
        %sub3A_66 = arith.constant 1.500000e+00 : f32
        %sub3A_67 = vector.broadcast %sub3A_66 : f32 to vector<16xf32>
        %sub3A_68 = arith.subf %sub3A_67, %mul3A_65 : vector<16xf32>
        %mul3A_69 = arith.mulf %mul3A_60, %sub3A_68 : vector<16xf32>
        %mul3A_70 = arith.constant 5.000000e-01 : f32
        %mul3A_71 = vector.broadcast %mul3A_70 : f32 to vector<16xf32>
        %mul3A_72 = arith.mulf %mul3A_71, %max3A_46 : vector<16xf32>
        %mul3A_73 = arith.mulf %mul3A_72, %mul3A_69 : vector<16xf32>
        %mul3A_74 = arith.mulf %mul3A_73, %mul3A_69 : vector<16xf32>
        %sub3A_75 = arith.constant 1.500000e+00 : f32
        %sub3A_76 = vector.broadcast %sub3A_75 : f32 to vector<16xf32>
        %sub3A_77 = arith.subf %sub3A_76, %mul3A_74 : vector<16xf32>
        %mul3A_78 = arith.mulf %mul3A_69, %sub3A_77 : vector<16xf32>
        %swap3A = arith.index_cast %add3A_42 : i32 to index
        %swap3A_79 = arith.constant 0 : index
        %swap3A_80 = tpu.vector_load %arg10[%swap3A, %swap3A_79] {strides = array<i32>} : memref<40x16xf32, #tpu.memory_space<vmem>>, vector<16xf32>,
        tpu.vector_store %arg10[%swap3A, %swap3A_79], %mul3A_78 {strides = array<i32>} : memref<40x16xf32, #tpu.memory_space<vmem>>, vector<16xf32>,
      }
      %scan3A_36 = arith.constant 40 : i32
      %mul3A_37 = arith.constant 40 : i32
      %mul3A_38 = arith.muli %arg1, %mul3A_37 : i32
      "tpu.region"() ({
        %run_scoped3A_39 = tpu.sem_alloc : memref<!tpu.dma_semaphore, #tpu.memory_space<semaphore_mem>>
        %dma_start3A = arith.constant 0 : i32
        %dma_start3A_40 = tpu.memref_slice %arg6[%mul3A_38, %dma_start3A] : memref<640x16xf32, #tpu.memory_space<hbm>> -> memref<40x16xf32, #tpu.memory_space<hbm>>
        %dma_start3A_41 = arith.constant 0 : i32
        %dma_start3A_42 = tpu.memref_slice %arg6[%mul3A_38, %dma_start3A_41] : memref<640x16xf32, #tpu.memory_space<hbm>> -> memref<40x16xf32, #tpu.memory_space<hbm>>
        tpu.enqueue_dma source(%arg10 : memref<40x16xf32, #tpu.memory_space<vmem>>) target(%dma_start3A_42 : memref<40x16xf32, #tpu.memory_space<hbm>>) target_semaphore(%run_scoped3A_39 : memref<!tpu.dma_semaphore, #tpu.memory_space<semaphore_mem>>)
        %dma_wait3A = arith.constant 0 : i32
        %dma_wait3A_43 = tpu.memref_slice %arg6[%mul3A_38, %dma_wait3A] : memref<640x16xf32, #tpu.memory_space<hbm>> -> memref<40x16xf32, #tpu.memory_space<hbm>>
        %dma_wait3A_44 = arith.constant 0 : i32
        %dma_wait3A_45 = tpu.memref_slice %arg6[%mul3A_38, %dma_wait3A_44] : memref<640x16xf32, #tpu.memory_space<hbm>> -> memref<40x16xf32, #tpu.memory_space<hbm>>
        tpu.wait_dma2 semaphore(%run_scoped3A_39 : memref<!tpu.dma_semaphore, #tpu.memory_space<semaphore_mem>>) src(%arg10 : memref<40x16xf32, #tpu.memory_space<vmem>>) dst(%dma_wait3A_45 : memref<40x16xf32, #tpu.memory_space<hbm>>)
        tpu.yield
      }) : () -> ()
    } else {
    }
    return
  }
}

#map = affine_map<(d0, d1) -> (0, 0)>
#map1 = affine_map<(d0, d1) -> (0)>
#map2 = affine_map<(d0, d1) -> (0, 0, 0)>
module attributes {stable_mosaic.version = 14 : i64} {
  func.func @k(%arg0: i32, %arg1: i32, %arg2: memref<512x64xf32, #tpu.memory_space<hbm>>, %arg3: memref<10240xi32, #tpu.memory_space<hbm>>, %arg4: memref<640x16xf32, #tpu.memory_space<hbm>>, %arg5: memref<2x10240x64xf32, #tpu.memory_space<hbm>>, %arg6: memref<320xi32, #tpu.memory_space<vmem>>, %arg7: memref<320x64xf32, #tpu.memory_space<vmem>>, %arg8: memref<20x16xf32, #tpu.memory_space<vmem>>, %arg9: memref<!tpu.dma_semaphore, #tpu.memory_space<semaphore_mem>>) attributes {dimension_semantics = [#tpu.dimension_semantics<core_parallel>, #tpu.dimension_semantics<subcore_parallel>], iteration_bounds = array<i64: 2, 16>, scalar_prefetch = 0 : i64, scratch_operands = 4 : i64, tpu.core_type = #tpu.core_type<sc_vector_subcore>, window_params = [{transform_indices = #map}, {transform_indices = #map1}, {transform_indices = #map}, {transform_indices = #map2}]} {
    %mul3A = arith.constant 16 : i32
    %mul3A_0 = arith.muli %arg0, %mul3A : i32
    %add3A = arith.addi %mul3A_0, %arg1 : i32
    %mul3A_1 = arith.constant 320 : i32
    %mul3A_2 = arith.muli %add3A, %mul3A_1 : i32
    "tpu.region"() ({
      %run_scoped3A_88 = tpu.sem_alloc : memref<!tpu.dma_semaphore, #tpu.memory_space<semaphore_mem>>
      %dma_start3A_89 = tpu.memref_slice %arg3[%mul3A_2] : memref<10240xi32, #tpu.memory_space<hbm>> -> memref<320xi32, #tpu.memory_space<hbm>>
      %dma_start3A_90 = tpu.memref_slice %arg3[%mul3A_2] : memref<10240xi32, #tpu.memory_space<hbm>> -> memref<320xi32, #tpu.memory_space<hbm>>
      tpu.enqueue_dma source(%dma_start3A_90 : memref<320xi32, #tpu.memory_space<hbm>>) target(%arg6 : memref<320xi32, #tpu.memory_space<vmem>>) target_semaphore(%run_scoped3A_88 : memref<!tpu.dma_semaphore, #tpu.memory_space<semaphore_mem>>)
      %dma_wait3A_91 = tpu.memref_slice %arg3[%mul3A_2] : memref<10240xi32, #tpu.memory_space<hbm>> -> memref<320xi32, #tpu.memory_space<hbm>>
      %dma_wait3A_92 = tpu.memref_slice %arg3[%mul3A_2] : memref<10240xi32, #tpu.memory_space<hbm>> -> memref<320xi32, #tpu.memory_space<hbm>>
      tpu.wait_dma2 semaphore(%run_scoped3A_88 : memref<!tpu.dma_semaphore, #tpu.memory_space<semaphore_mem>>) src(%dma_wait3A_92 : memref<320xi32, #tpu.memory_space<hbm>>) dst(%arg6 : memref<320xi32, #tpu.memory_space<vmem>>)
      tpu.yield
    }) : () -> ()
    %mul3A_3 = arith.constant 20 : i32
    %mul3A_4 = arith.muli %add3A, %mul3A_3 : i32
    "tpu.region"() ({
      %run_scoped3A_88 = tpu.sem_alloc : memref<!tpu.dma_semaphore, #tpu.memory_space<semaphore_mem>>
      %dma_start3A_89 = arith.constant 0 : i32
      %dma_start3A_90 = tpu.memref_slice %arg4[%mul3A_4, %dma_start3A_89] : memref<640x16xf32, #tpu.memory_space<hbm>> -> memref<20x16xf32, #tpu.memory_space<hbm>>
      %dma_start3A_91 = arith.constant 0 : i32
      %dma_start3A_92 = tpu.memref_slice %arg4[%mul3A_4, %dma_start3A_91] : memref<640x16xf32, #tpu.memory_space<hbm>> -> memref<20x16xf32, #tpu.memory_space<hbm>>
      tpu.enqueue_dma source(%dma_start3A_92 : memref<20x16xf32, #tpu.memory_space<hbm>>) target(%arg8 : memref<20x16xf32, #tpu.memory_space<vmem>>) target_semaphore(%run_scoped3A_88 : memref<!tpu.dma_semaphore, #tpu.memory_space<semaphore_mem>>)
      %dma_wait3A_93 = arith.constant 0 : i32
      %dma_wait3A_94 = tpu.memref_slice %arg4[%mul3A_4, %dma_wait3A_93] : memref<640x16xf32, #tpu.memory_space<hbm>> -> memref<20x16xf32, #tpu.memory_space<hbm>>
      %dma_wait3A_95 = arith.constant 0 : i32
      %dma_wait3A_96 = tpu.memref_slice %arg4[%mul3A_4, %dma_wait3A_95] : memref<640x16xf32, #tpu.memory_space<hbm>> -> memref<20x16xf32, #tpu.memory_space<hbm>>
      tpu.wait_dma2 semaphore(%run_scoped3A_88 : memref<!tpu.dma_semaphore, #tpu.memory_space<semaphore_mem>>) src(%dma_wait3A_96 : memref<20x16xf32, #tpu.memory_space<hbm>>) dst(%arg8 : memref<20x16xf32, #tpu.memory_space<vmem>>)
      tpu.yield
    }) : () -> ()
    %dma_start3A = arith.constant 0 : i32
    %dma_start3A_5 = arith.constant 0 : i32
    %dma_start3A_6 = tpu.memref_slice %arg7[%dma_start3A, %dma_start3A_5] : memref<320x64xf32, #tpu.memory_space<vmem>> -> memref<64x64xf32, #tpu.memory_space<vmem>>
    %dma_start3A_7 = arith.constant 0 : i32
    %dma_start3A_8 = tpu.memref_slice %arg6[%dma_start3A_7] : memref<320xi32, #tpu.memory_space<vmem>> -> memref<64xi32, #tpu.memory_space<vmem>>
    %dma_start3A_9 = arith.constant 0 : i32
    %dma_start3A_10 = arith.constant 0 : i32
    %dma_start3A_11 = tpu.memref_slice %arg2[%dma_start3A_9, %dma_start3A_10] : memref<512x64xf32, #tpu.memory_space<hbm>> -> memref<512x64xf32, #tpu.memory_space<hbm>>
    tpu.enqueue_indirect_dma source(%dma_start3A_11 : memref<512x64xf32, #tpu.memory_space<hbm>>) target(%dma_start3A_6 : memref<64x64xf32, #tpu.memory_space<vmem>>) offsets(%dma_start3A_8 : memref<64xi32, #tpu.memory_space<vmem>>) semaphore(%arg9 : memref<!tpu.dma_semaphore, #tpu.memory_space<semaphore_mem>>)
    %dma_wait3A = arith.constant 0 : i32
    %dma_wait3A_12 = arith.constant 0 : i32
    %dma_wait3A_13 = tpu.memref_slice %arg7[%dma_wait3A, %dma_wait3A_12] : memref<320x64xf32, #tpu.memory_space<vmem>> -> memref<64x64xf32, #tpu.memory_space<vmem>>
    %dma_wait3A_14 = arith.constant 0 : i32
    %dma_wait3A_15 = tpu.memref_slice %arg6[%dma_wait3A_14] : memref<320xi32, #tpu.memory_space<vmem>> -> memref<64xi32, #tpu.memory_space<vmem>>
    %dma_wait3A_16 = arith.constant 0 : i32
    %dma_wait3A_17 = arith.constant 0 : i32
    %dma_wait3A_18 = tpu.memref_slice %arg2[%dma_wait3A_16, %dma_wait3A_17] : memref<512x64xf32, #tpu.memory_space<hbm>> -> memref<512x64xf32, #tpu.memory_space<hbm>>
    tpu.wait_indirect_dma semaphore(%arg9 : memref<!tpu.dma_semaphore, #tpu.memory_space<semaphore_mem>>) src(%dma_wait3A_18 : memref<512x64xf32, #tpu.memory_space<hbm>>) dst(%dma_wait3A_13 : memref<64x64xf32, #tpu.memory_space<vmem>>)
    %dma_start3A_19 = arith.constant 64 : i32
    %dma_start3A_20 = arith.constant 0 : i32
    %dma_start3A_21 = tpu.memref_slice %arg7[%dma_start3A_19, %dma_start3A_20] : memref<320x64xf32, #tpu.memory_space<vmem>> -> memref<64x64xf32, #tpu.memory_space<vmem>>
    %dma_start3A_22 = arith.constant 64 : i32
    %dma_start3A_23 = tpu.memref_slice %arg6[%dma_start3A_22] : memref<320xi32, #tpu.memory_space<vmem>> -> memref<64xi32, #tpu.memory_space<vmem>>
    %dma_start3A_24 = arith.constant 0 : i32
    %dma_start3A_25 = arith.constant 0 : i32
    %dma_start3A_26 = tpu.memref_slice %arg2[%dma_start3A_24, %dma_start3A_25] : memref<512x64xf32, #tpu.memory_space<hbm>> -> memref<512x64xf32, #tpu.memory_space<hbm>>
    tpu.enqueue_indirect_dma source(%dma_start3A_26 : memref<512x64xf32, #tpu.memory_space<hbm>>) target(%dma_start3A_21 : memref<64x64xf32, #tpu.memory_space<vmem>>) offsets(%dma_start3A_23 : memref<64xi32, #tpu.memory_space<vmem>>) semaphore(%arg9 : memref<!tpu.dma_semaphore, #tpu.memory_space<semaphore_mem>>)
    %dma_wait3A_27 = arith.constant 64 : i32
    %dma_wait3A_28 = arith.constant 0 : i32
    %dma_wait3A_29 = tpu.memref_slice %arg7[%dma_wait3A_27, %dma_wait3A_28] : memref<320x64xf32, #tpu.memory_space<vmem>> -> memref<64x64xf32, #tpu.memory_space<vmem>>
    %dma_wait3A_30 = arith.constant 64 : i32
    %dma_wait3A_31 = tpu.memref_slice %arg6[%dma_wait3A_30] : memref<320xi32, #tpu.memory_space<vmem>> -> memref<64xi32, #tpu.memory_space<vmem>>
    %dma_wait3A_32 = arith.constant 0 : i32
    %dma_wait3A_33 = arith.constant 0 : i32
    %dma_wait3A_34 = tpu.memref_slice %arg2[%dma_wait3A_32, %dma_wait3A_33] : memref<512x64xf32, #tpu.memory_space<hbm>> -> memref<512x64xf32, #tpu.memory_space<hbm>>
    tpu.wait_indirect_dma semaphore(%arg9 : memref<!tpu.dma_semaphore, #tpu.memory_space<semaphore_mem>>) src(%dma_wait3A_34 : memref<512x64xf32, #tpu.memory_space<hbm>>) dst(%dma_wait3A_29 : memref<64x64xf32, #tpu.memory_space<vmem>>)
    %dma_start3A_35 = arith.constant 128 : i32
    %dma_start3A_36 = arith.constant 0 : i32
    %dma_start3A_37 = tpu.memref_slice %arg7[%dma_start3A_35, %dma_start3A_36] : memref<320x64xf32, #tpu.memory_space<vmem>> -> memref<64x64xf32, #tpu.memory_space<vmem>>
    %dma_start3A_38 = arith.constant 128 : i32
    %dma_start3A_39 = tpu.memref_slice %arg6[%dma_start3A_38] : memref<320xi32, #tpu.memory_space<vmem>> -> memref<64xi32, #tpu.memory_space<vmem>>
    %dma_start3A_40 = arith.constant 0 : i32
    %dma_start3A_41 = arith.constant 0 : i32
    %dma_start3A_42 = tpu.memref_slice %arg2[%dma_start3A_40, %dma_start3A_41] : memref<512x64xf32, #tpu.memory_space<hbm>> -> memref<512x64xf32, #tpu.memory_space<hbm>>
    tpu.enqueue_indirect_dma source(%dma_start3A_42 : memref<512x64xf32, #tpu.memory_space<hbm>>) target(%dma_start3A_37 : memref<64x64xf32, #tpu.memory_space<vmem>>) offsets(%dma_start3A_39 : memref<64xi32, #tpu.memory_space<vmem>>) semaphore(%arg9 : memref<!tpu.dma_semaphore, #tpu.memory_space<semaphore_mem>>)
    %dma_wait3A_43 = arith.constant 128 : i32
    %dma_wait3A_44 = arith.constant 0 : i32
    %dma_wait3A_45 = tpu.memref_slice %arg7[%dma_wait3A_43, %dma_wait3A_44] : memref<320x64xf32, #tpu.memory_space<vmem>> -> memref<64x64xf32, #tpu.memory_space<vmem>>
    %dma_wait3A_46 = arith.constant 128 : i32
    %dma_wait3A_47 = tpu.memref_slice %arg6[%dma_wait3A_46] : memref<320xi32, #tpu.memory_space<vmem>> -> memref<64xi32, #tpu.memory_space<vmem>>
    %dma_wait3A_48 = arith.constant 0 : i32
    %dma_wait3A_49 = arith.constant 0 : i32
    %dma_wait3A_50 = tpu.memref_slice %arg2[%dma_wait3A_48, %dma_wait3A_49] : memref<512x64xf32, #tpu.memory_space<hbm>> -> memref<512x64xf32, #tpu.memory_space<hbm>>
    tpu.wait_indirect_dma semaphore(%arg9 : memref<!tpu.dma_semaphore, #tpu.memory_space<semaphore_mem>>) src(%dma_wait3A_50 : memref<512x64xf32, #tpu.memory_space<hbm>>) dst(%dma_wait3A_45 : memref<64x64xf32, #tpu.memory_space<vmem>>)
    %dma_start3A_51 = arith.constant 192 : i32
    %dma_start3A_52 = arith.constant 0 : i32
    %dma_start3A_53 = tpu.memref_slice %arg7[%dma_start3A_51, %dma_start3A_52] : memref<320x64xf32, #tpu.memory_space<vmem>> -> memref<64x64xf32, #tpu.memory_space<vmem>>
    %dma_start3A_54 = arith.constant 192 : i32
    %dma_start3A_55 = tpu.memref_slice %arg6[%dma_start3A_54] : memref<320xi32, #tpu.memory_space<vmem>> -> memref<64xi32, #tpu.memory_space<vmem>>
    %dma_start3A_56 = arith.constant 0 : i32
    %dma_start3A_57 = arith.constant 0 : i32
    %dma_start3A_58 = tpu.memref_slice %arg2[%dma_start3A_56, %dma_start3A_57] : memref<512x64xf32, #tpu.memory_space<hbm>> -> memref<512x64xf32, #tpu.memory_space<hbm>>
    tpu.enqueue_indirect_dma source(%dma_start3A_58 : memref<512x64xf32, #tpu.memory_space<hbm>>) target(%dma_start3A_53 : memref<64x64xf32, #tpu.memory_space<vmem>>) offsets(%dma_start3A_55 : memref<64xi32, #tpu.memory_space<vmem>>) semaphore(%arg9 : memref<!tpu.dma_semaphore, #tpu.memory_space<semaphore_mem>>)
    %dma_wait3A_59 = arith.constant 192 : i32
    %dma_wait3A_60 = arith.constant 0 : i32
    %dma_wait3A_61 = tpu.memref_slice %arg7[%dma_wait3A_59, %dma_wait3A_60] : memref<320x64xf32, #tpu.memory_space<vmem>> -> memref<64x64xf32, #tpu.memory_space<vmem>>
    %dma_wait3A_62 = arith.constant 192 : i32
    %dma_wait3A_63 = tpu.memref_slice %arg6[%dma_wait3A_62] : memref<320xi32, #tpu.memory_space<vmem>> -> memref<64xi32, #tpu.memory_space<vmem>>
    %dma_wait3A_64 = arith.constant 0 : i32
    %dma_wait3A_65 = arith.constant 0 : i32
    %dma_wait3A_66 = tpu.memref_slice %arg2[%dma_wait3A_64, %dma_wait3A_65] : memref<512x64xf32, #tpu.memory_space<hbm>> -> memref<512x64xf32, #tpu.memory_space<hbm>>
    tpu.wait_indirect_dma semaphore(%arg9 : memref<!tpu.dma_semaphore, #tpu.memory_space<semaphore_mem>>) src(%dma_wait3A_66 : memref<512x64xf32, #tpu.memory_space<hbm>>) dst(%dma_wait3A_61 : memref<64x64xf32, #tpu.memory_space<vmem>>)
    %dma_start3A_67 = arith.constant 256 : i32
    %dma_start3A_68 = arith.constant 0 : i32
    %dma_start3A_69 = tpu.memref_slice %arg7[%dma_start3A_67, %dma_start3A_68] : memref<320x64xf32, #tpu.memory_space<vmem>> -> memref<64x64xf32, #tpu.memory_space<vmem>>
    %dma_start3A_70 = arith.constant 256 : i32
    %dma_start3A_71 = tpu.memref_slice %arg6[%dma_start3A_70] : memref<320xi32, #tpu.memory_space<vmem>> -> memref<64xi32, #tpu.memory_space<vmem>>
    %dma_start3A_72 = arith.constant 0 : i32
    %dma_start3A_73 = arith.constant 0 : i32
    %dma_start3A_74 = tpu.memref_slice %arg2[%dma_start3A_72, %dma_start3A_73] : memref<512x64xf32, #tpu.memory_space<hbm>> -> memref<512x64xf32, #tpu.memory_space<hbm>>
    tpu.enqueue_indirect_dma source(%dma_start3A_74 : memref<512x64xf32, #tpu.memory_space<hbm>>) target(%dma_start3A_69 : memref<64x64xf32, #tpu.memory_space<vmem>>) offsets(%dma_start3A_71 : memref<64xi32, #tpu.memory_space<vmem>>) semaphore(%arg9 : memref<!tpu.dma_semaphore, #tpu.memory_space<semaphore_mem>>)
    %dma_wait3A_75 = arith.constant 256 : i32
    %dma_wait3A_76 = arith.constant 0 : i32
    %dma_wait3A_77 = tpu.memref_slice %arg7[%dma_wait3A_75, %dma_wait3A_76] : memref<320x64xf32, #tpu.memory_space<vmem>> -> memref<64x64xf32, #tpu.memory_space<vmem>>
    %dma_wait3A_78 = arith.constant 256 : i32
    %dma_wait3A_79 = tpu.memref_slice %arg6[%dma_wait3A_78] : memref<320xi32, #tpu.memory_space<vmem>> -> memref<64xi32, #tpu.memory_space<vmem>>
    %dma_wait3A_80 = arith.constant 0 : i32
    %dma_wait3A_81 = arith.constant 0 : i32
    %dma_wait3A_82 = tpu.memref_slice %arg2[%dma_wait3A_80, %dma_wait3A_81] : memref<512x64xf32, #tpu.memory_space<hbm>> -> memref<512x64xf32, #tpu.memory_space<hbm>>
    tpu.wait_indirect_dma semaphore(%arg9 : memref<!tpu.dma_semaphore, #tpu.memory_space<semaphore_mem>>) src(%dma_wait3A_82 : memref<512x64xf32, #tpu.memory_space<hbm>>) dst(%dma_wait3A_77 : memref<64x64xf32, #tpu.memory_space<vmem>>)
    %scan3A = arith.constant 0 : i32
    %scan3A_83 = arith.constant 20 : i32
    %scan3A_84 = arith.addi %scan3A, %scan3A_83 : i32
    %scan3A_85 = arith.constant 1 : i32
    scf.for %scan3A_88 = %scan3A to %scan3A_84 step %scan3A_85  : i32 {
      %mul3A_89 = arith.constant 1 : i32
      %mul3A_90 = arith.muli %scan3A_88, %mul3A_89 : i32
      %add3A_91 = arith.constant 0 : i32
      %add3A_92 = arith.addi %add3A_91, %mul3A_90 : i32
      %get3A = arith.index_cast %add3A_92 : i32 to index
      %get3A_93 = arith.constant 0 : index
      %get3A_94 = tpu.vector_load %arg8[%get3A, %get3A_93] {strides = array<i32>} : memref<20x16xf32, #tpu.memory_space<vmem>>, vector<16xf32>,
      %mul3A_95 = arith.constant 16 : i32
      %mul3A_96 = arith.muli %add3A_92, %mul3A_95 : i32
      %add3A_97 = arith.constant 0 : i32
      %add3A_98 = arith.addi %mul3A_96, %add3A_97 : i32
      %slice3A = vector.extract_strided_slice %get3A_94 {offsets = [0], sizes = [1], strides = [1]} : vector<16xf32> to vector<1xf32>
      %squeeze3A = vector.extract %slice3A[0] : f32 from vector<1xf32>
      %get3A_99 = arith.index_cast %add3A_98 : i32 to index
      %get3A_100 = arith.constant 0 : index
      %get3A_101 = tpu.vector_load %arg7[%get3A_99, %get3A_100] {strides = array<i32>} : memref<320x64xf32, #tpu.memory_space<vmem>>, vector<16xf32>,
      %mul3A_102 = vector.broadcast %squeeze3A : f32 to vector<16xf32>
      %mul3A_103 = arith.mulf %get3A_101, %mul3A_102 : vector<16xf32>
      %swap3A = arith.index_cast %add3A_98 : i32 to index
      %swap3A_104 = arith.constant 0 : index
      %swap3A_105 = tpu.vector_load %arg7[%swap3A, %swap3A_104] {strides = array<i32>} : memref<320x64xf32, #tpu.memory_space<vmem>>, vector<16xf32>,
      tpu.vector_store %arg7[%swap3A, %swap3A_104], %mul3A_103 {strides = array<i32>} : memref<320x64xf32, #tpu.memory_space<vmem>>, vector<16xf32>,
      %get3A_106 = arith.index_cast %add3A_98 : i32 to index
      %get3A_107 = arith.constant 16 : index
      %get3A_108 = tpu.vector_load %arg7[%get3A_106, %get3A_107] {strides = array<i32>} : memref<320x64xf32, #tpu.memory_space<vmem>>, vector<16xf32>,
      %mul3A_109 = vector.broadcast %squeeze3A : f32 to vector<16xf32>
      %mul3A_110 = arith.mulf %get3A_108, %mul3A_109 : vector<16xf32>
      %swap3A_111 = arith.index_cast %add3A_98 : i32 to index
      %swap3A_112 = arith.constant 16 : index
      %swap3A_113 = tpu.vector_load %arg7[%swap3A_111, %swap3A_112] {strides = array<i32>} : memref<320x64xf32, #tpu.memory_space<vmem>>, vector<16xf32>,
      tpu.vector_store %arg7[%swap3A_111, %swap3A_112], %mul3A_110 {strides = array<i32>} : memref<320x64xf32, #tpu.memory_space<vmem>>, vector<16xf32>,
      %get3A_114 = arith.index_cast %add3A_98 : i32 to index
      %get3A_115 = arith.constant 32 : index
      %get3A_116 = tpu.vector_load %arg7[%get3A_114, %get3A_115] {strides = array<i32>} : memref<320x64xf32, #tpu.memory_space<vmem>>, vector<16xf32>,
      %mul3A_117 = vector.broadcast %squeeze3A : f32 to vector<16xf32>
      %mul3A_118 = arith.mulf %get3A_116, %mul3A_117 : vector<16xf32>
      %swap3A_119 = arith.index_cast %add3A_98 : i32 to index
      %swap3A_120 = arith.constant 32 : index
      %swap3A_121 = tpu.vector_load %arg7[%swap3A_119, %swap3A_120] {strides = array<i32>} : memref<320x64xf32, #tpu.memory_space<vmem>>, vector<16xf32>,
      tpu.vector_store %arg7[%swap3A_119, %swap3A_120], %mul3A_118 {strides = array<i32>} : memref<320x64xf32, #tpu.memory_space<vmem>>, vector<16xf32>,
      %get3A_122 = arith.index_cast %add3A_98 : i32 to index
      %get3A_123 = arith.constant 48 : index
      %get3A_124 = tpu.vector_load %arg7[%get3A_122, %get3A_123] {strides = array<i32>} : memref<320x64xf32, #tpu.memory_space<vmem>>, vector<16xf32>,
      %mul3A_125 = vector.broadcast %squeeze3A : f32 to vector<16xf32>
      %mul3A_126 = arith.mulf %get3A_124, %mul3A_125 : vector<16xf32>
      %swap3A_127 = arith.index_cast %add3A_98 : i32 to index
      %swap3A_128 = arith.constant 48 : index
      %swap3A_129 = tpu.vector_load %arg7[%swap3A_127, %swap3A_128] {strides = array<i32>} : memref<320x64xf32, #tpu.memory_space<vmem>>, vector<16xf32>,
      tpu.vector_store %arg7[%swap3A_127, %swap3A_128], %mul3A_126 {strides = array<i32>} : memref<320x64xf32, #tpu.memory_space<vmem>>, vector<16xf32>,
      %mul3A_130 = arith.constant 16 : i32
      %mul3A_131 = arith.muli %add3A_92, %mul3A_130 : i32
      %add3A_132 = arith.constant 1 : i32
      %add3A_133 = arith.addi %mul3A_131, %add3A_132 : i32
      %slice3A_134 = vector.extract_strided_slice %get3A_94 {offsets = [1], sizes = [1], strides = [1]} : vector<16xf32> to vector<1xf32>
      %squeeze3A_135 = vector.extract %slice3A_134[0] : f32 from vector<1xf32>
      %get3A_136 = arith.index_cast %add3A_133 : i32 to index
      %get3A_137 = arith.constant 0 : index
      %get3A_138 = tpu.vector_load %arg7[%get3A_136, %get3A_137] {strides = array<i32>} : memref<320x64xf32, #tpu.memory_space<vmem>>, vector<16xf32>,
      %mul3A_139 = vector.broadcast %squeeze3A_135 : f32 to vector<16xf32>
      %mul3A_140 = arith.mulf %get3A_138, %mul3A_139 : vector<16xf32>
      %swap3A_141 = arith.index_cast %add3A_133 : i32 to index
      %swap3A_142 = arith.constant 0 : index
      %swap3A_143 = tpu.vector_load %arg7[%swap3A_141, %swap3A_142] {strides = array<i32>} : memref<320x64xf32, #tpu.memory_space<vmem>>, vector<16xf32>,
      tpu.vector_store %arg7[%swap3A_141, %swap3A_142], %mul3A_140 {strides = array<i32>} : memref<320x64xf32, #tpu.memory_space<vmem>>, vector<16xf32>,
      %get3A_144 = arith.index_cast %add3A_133 : i32 to index
      %get3A_145 = arith.constant 16 : index
      %get3A_146 = tpu.vector_load %arg7[%get3A_144, %get3A_145] {strides = array<i32>} : memref<320x64xf32, #tpu.memory_space<vmem>>, vector<16xf32>,
      %mul3A_147 = vector.broadcast %squeeze3A_135 : f32 to vector<16xf32>
      %mul3A_148 = arith.mulf %get3A_146, %mul3A_147 : vector<16xf32>
      %swap3A_149 = arith.index_cast %add3A_133 : i32 to index
      %swap3A_150 = arith.constant 16 : index
      %swap3A_151 = tpu.vector_load %arg7[%swap3A_149, %swap3A_150] {strides = array<i32>} : memref<320x64xf32, #tpu.memory_space<vmem>>, vector<16xf32>,
      tpu.vector_store %arg7[%swap3A_149, %swap3A_150], %mul3A_148 {strides = array<i32>} : memref<320x64xf32, #tpu.memory_space<vmem>>, vector<16xf32>,
      %get3A_152 = arith.index_cast %add3A_133 : i32 to index
      %get3A_153 = arith.constant 32 : index
      %get3A_154 = tpu.vector_load %arg7[%get3A_152, %get3A_153] {strides = array<i32>} : memref<320x64xf32, #tpu.memory_space<vmem>>, vector<16xf32>,
      %mul3A_155 = vector.broadcast %squeeze3A_135 : f32 to vector<16xf32>
      %mul3A_156 = arith.mulf %get3A_154, %mul3A_155 : vector<16xf32>
      %swap3A_157 = arith.index_cast %add3A_133 : i32 to index
      %swap3A_158 = arith.constant 32 : index
      %swap3A_159 = tpu.vector_load %arg7[%swap3A_157, %swap3A_158] {strides = array<i32>} : memref<320x64xf32, #tpu.memory_space<vmem>>, vector<16xf32>,
      tpu.vector_store %arg7[%swap3A_157, %swap3A_158], %mul3A_156 {strides = array<i32>} : memref<320x64xf32, #tpu.memory_space<vmem>>, vector<16xf32>,
      %get3A_160 = arith.index_cast %add3A_133 : i32 to index
      %get3A_161 = arith.constant 48 : index
      %get3A_162 = tpu.vector_load %arg7[%get3A_160, %get3A_161] {strides = array<i32>} : memref<320x64xf32, #tpu.memory_space<vmem>>, vector<16xf32>,
      %mul3A_163 = vector.broadcast %squeeze3A_135 : f32 to vector<16xf32>
      %mul3A_164 = arith.mulf %get3A_162, %mul3A_163 : vector<16xf32>
      %swap3A_165 = arith.index_cast %add3A_133 : i32 to index
      %swap3A_166 = arith.constant 48 : index
      %swap3A_167 = tpu.vector_load %arg7[%swap3A_165, %swap3A_166] {strides = array<i32>} : memref<320x64xf32, #tpu.memory_space<vmem>>, vector<16xf32>,
      tpu.vector_store %arg7[%swap3A_165, %swap3A_166], %mul3A_164 {strides = array<i32>} : memref<320x64xf32, #tpu.memory_space<vmem>>, vector<16xf32>,
      %mul3A_168 = arith.constant 16 : i32
      %mul3A_169 = arith.muli %add3A_92, %mul3A_168 : i32
      %add3A_170 = arith.constant 2 : i32
      %add3A_171 = arith.addi %mul3A_169, %add3A_170 : i32
      %slice3A_172 = vector.extract_strided_slice %get3A_94 {offsets = [2], sizes = [1], strides = [1]} : vector<16xf32> to vector<1xf32>
      %squeeze3A_173 = vector.extract %slice3A_172[0] : f32 from vector<1xf32>
      %get3A_174 = arith.index_cast %add3A_171 : i32 to index
      %get3A_175 = arith.constant 0 : index
      %get3A_176 = tpu.vector_load %arg7[%get3A_174, %get3A_175] {strides = array<i32>} : memref<320x64xf32, #tpu.memory_space<vmem>>, vector<16xf32>,
      %mul3A_177 = vector.broadcast %squeeze3A_173 : f32 to vector<16xf32>
      %mul3A_178 = arith.mulf %get3A_176, %mul3A_177 : vector<16xf32>
      %swap3A_179 = arith.index_cast %add3A_171 : i32 to index
      %swap3A_180 = arith.constant 0 : index
      %swap3A_181 = tpu.vector_load %arg7[%swap3A_179, %swap3A_180] {strides = array<i32>} : memref<320x64xf32, #tpu.memory_space<vmem>>, vector<16xf32>,
      tpu.vector_store %arg7[%swap3A_179, %swap3A_180], %mul3A_178 {strides = array<i32>} : memref<320x64xf32, #tpu.memory_space<vmem>>, vector<16xf32>,
      %get3A_182 = arith.index_cast %add3A_171 : i32 to index
      %get3A_183 = arith.constant 16 : index
      %get3A_184 = tpu.vector_load %arg7[%get3A_182, %get3A_183] {strides = array<i32>} : memref<320x64xf32, #tpu.memory_space<vmem>>, vector<16xf32>,
      %mul3A_185 = vector.broadcast %squeeze3A_173 : f32 to vector<16xf32>
      %mul3A_186 = arith.mulf %get3A_184, %mul3A_185 : vector<16xf32>
      %swap3A_187 = arith.index_cast %add3A_171 : i32 to index
      %swap3A_188 = arith.constant 16 : index
      %swap3A_189 = tpu.vector_load %arg7[%swap3A_187, %swap3A_188] {strides = array<i32>} : memref<320x64xf32, #tpu.memory_space<vmem>>, vector<16xf32>,
      tpu.vector_store %arg7[%swap3A_187, %swap3A_188], %mul3A_186 {strides = array<i32>} : memref<320x64xf32, #tpu.memory_space<vmem>>, vector<16xf32>,
      %get3A_190 = arith.index_cast %add3A_171 : i32 to index
      %get3A_191 = arith.constant 32 : index
      %get3A_192 = tpu.vector_load %arg7[%get3A_190, %get3A_191] {strides = array<i32>} : memref<320x64xf32, #tpu.memory_space<vmem>>, vector<16xf32>,
      %mul3A_193 = vector.broadcast %squeeze3A_173 : f32 to vector<16xf32>
      %mul3A_194 = arith.mulf %get3A_192, %mul3A_193 : vector<16xf32>
      %swap3A_195 = arith.index_cast %add3A_171 : i32 to index
      %swap3A_196 = arith.constant 32 : index
      %swap3A_197 = tpu.vector_load %arg7[%swap3A_195, %swap3A_196] {strides = array<i32>} : memref<320x64xf32, #tpu.memory_space<vmem>>, vector<16xf32>,
      tpu.vector_store %arg7[%swap3A_195, %swap3A_196], %mul3A_194 {strides = array<i32>} : memref<320x64xf32, #tpu.memory_space<vmem>>, vector<16xf32>,
      %get3A_198 = arith.index_cast %add3A_171 : i32 to index
      %get3A_199 = arith.constant 48 : index
      %get3A_200 = tpu.vector_load %arg7[%get3A_198, %get3A_199] {strides = array<i32>} : memref<320x64xf32, #tpu.memory_space<vmem>>, vector<16xf32>,
      %mul3A_201 = vector.broadcast %squeeze3A_173 : f32 to vector<16xf32>
      %mul3A_202 = arith.mulf %get3A_200, %mul3A_201 : vector<16xf32>
      %swap3A_203 = arith.index_cast %add3A_171 : i32 to index
      %swap3A_204 = arith.constant 48 : index
      %swap3A_205 = tpu.vector_load %arg7[%swap3A_203, %swap3A_204] {strides = array<i32>} : memref<320x64xf32, #tpu.memory_space<vmem>>, vector<16xf32>,
      tpu.vector_store %arg7[%swap3A_203, %swap3A_204], %mul3A_202 {strides = array<i32>} : memref<320x64xf32, #tpu.memory_space<vmem>>, vector<16xf32>,
      %mul3A_206 = arith.constant 16 : i32
      %mul3A_207 = arith.muli %add3A_92, %mul3A_206 : i32
      %add3A_208 = arith.constant 3 : i32
      %add3A_209 = arith.addi %mul3A_207, %add3A_208 : i32
      %slice3A_210 = vector.extract_strided_slice %get3A_94 {offsets = [3], sizes = [1], strides = [1]} : vector<16xf32> to vector<1xf32>
      %squeeze3A_211 = vector.extract %slice3A_210[0] : f32 from vector<1xf32>
      %get3A_212 = arith.index_cast %add3A_209 : i32 to index
      %get3A_213 = arith.constant 0 : index
      %get3A_214 = tpu.vector_load %arg7[%get3A_212, %get3A_213] {strides = array<i32>} : memref<320x64xf32, #tpu.memory_space<vmem>>, vector<16xf32>,
      %mul3A_215 = vector.broadcast %squeeze3A_211 : f32 to vector<16xf32>
      %mul3A_216 = arith.mulf %get3A_214, %mul3A_215 : vector<16xf32>
      %swap3A_217 = arith.index_cast %add3A_209 : i32 to index
      %swap3A_218 = arith.constant 0 : index
      %swap3A_219 = tpu.vector_load %arg7[%swap3A_217, %swap3A_218] {strides = array<i32>} : memref<320x64xf32, #tpu.memory_space<vmem>>, vector<16xf32>,
      tpu.vector_store %arg7[%swap3A_217, %swap3A_218], %mul3A_216 {strides = array<i32>} : memref<320x64xf32, #tpu.memory_space<vmem>>, vector<16xf32>,
      %get3A_220 = arith.index_cast %add3A_209 : i32 to index
      %get3A_221 = arith.constant 16 : index
      %get3A_222 = tpu.vector_load %arg7[%get3A_220, %get3A_221] {strides = array<i32>} : memref<320x64xf32, #tpu.memory_space<vmem>>, vector<16xf32>,
      %mul3A_223 = vector.broadcast %squeeze3A_211 : f32 to vector<16xf32>
      %mul3A_224 = arith.mulf %get3A_222, %mul3A_223 : vector<16xf32>
      %swap3A_225 = arith.index_cast %add3A_209 : i32 to index
      %swap3A_226 = arith.constant 16 : index
      %swap3A_227 = tpu.vector_load %arg7[%swap3A_225, %swap3A_226] {strides = array<i32>} : memref<320x64xf32, #tpu.memory_space<vmem>>, vector<16xf32>,
      tpu.vector_store %arg7[%swap3A_225, %swap3A_226], %mul3A_224 {strides = array<i32>} : memref<320x64xf32, #tpu.memory_space<vmem>>, vector<16xf32>,
      %get3A_228 = arith.index_cast %add3A_209 : i32 to index
      %get3A_229 = arith.constant 32 : index
      %get3A_230 = tpu.vector_load %arg7[%get3A_228, %get3A_229] {strides = array<i32>} : memref<320x64xf32, #tpu.memory_space<vmem>>, vector<16xf32>,
      %mul3A_231 = vector.broadcast %squeeze3A_211 : f32 to vector<16xf32>
      %mul3A_232 = arith.mulf %get3A_230, %mul3A_231 : vector<16xf32>
      %swap3A_233 = arith.index_cast %add3A_209 : i32 to index
      %swap3A_234 = arith.constant 32 : index
      %swap3A_235 = tpu.vector_load %arg7[%swap3A_233, %swap3A_234] {strides = array<i32>} : memref<320x64xf32, #tpu.memory_space<vmem>>, vector<16xf32>,
      tpu.vector_store %arg7[%swap3A_233, %swap3A_234], %mul3A_232 {strides = array<i32>} : memref<320x64xf32, #tpu.memory_space<vmem>>, vector<16xf32>,
      %get3A_236 = arith.index_cast %add3A_209 : i32 to index
      %get3A_237 = arith.constant 48 : index
      %get3A_238 = tpu.vector_load %arg7[%get3A_236, %get3A_237] {strides = array<i32>} : memref<320x64xf32, #tpu.memory_space<vmem>>, vector<16xf32>,
      %mul3A_239 = vector.broadcast %squeeze3A_211 : f32 to vector<16xf32>
      %mul3A_240 = arith.mulf %get3A_238, %mul3A_239 : vector<16xf32>
      %swap3A_241 = arith.index_cast %add3A_209 : i32 to index
      %swap3A_242 = arith.constant 48 : index
      %swap3A_243 = tpu.vector_load %arg7[%swap3A_241, %swap3A_242] {strides = array<i32>} : memref<320x64xf32, #tpu.memory_space<vmem>>, vector<16xf32>,
      tpu.vector_store %arg7[%swap3A_241, %swap3A_242], %mul3A_240 {strides = array<i32>} : memref<320x64xf32, #tpu.memory_space<vmem>>, vector<16xf32>,
      %mul3A_244 = arith.constant 16 : i32
      %mul3A_245 = arith.muli %add3A_92, %mul3A_244 : i32
      %add3A_246 = arith.constant 4 : i32
      %add3A_247 = arith.addi %mul3A_245, %add3A_246 : i32
      %slice3A_248 = vector.extract_strided_slice %get3A_94 {offsets = [4], sizes = [1], strides = [1]} : vector<16xf32> to vector<1xf32>
      %squeeze3A_249 = vector.extract %slice3A_248[0] : f32 from vector<1xf32>
      %get3A_250 = arith.index_cast %add3A_247 : i32 to index
      %get3A_251 = arith.constant 0 : index
      %get3A_252 = tpu.vector_load %arg7[%get3A_250, %get3A_251] {strides = array<i32>} : memref<320x64xf32, #tpu.memory_space<vmem>>, vector<16xf32>,
      %mul3A_253 = vector.broadcast %squeeze3A_249 : f32 to vector<16xf32>
      %mul3A_254 = arith.mulf %get3A_252, %mul3A_253 : vector<16xf32>
      %swap3A_255 = arith.index_cast %add3A_247 : i32 to index
      %swap3A_256 = arith.constant 0 : index
      %swap3A_257 = tpu.vector_load %arg7[%swap3A_255, %swap3A_256] {strides = array<i32>} : memref<320x64xf32, #tpu.memory_space<vmem>>, vector<16xf32>,
      tpu.vector_store %arg7[%swap3A_255, %swap3A_256], %mul3A_254 {strides = array<i32>} : memref<320x64xf32, #tpu.memory_space<vmem>>, vector<16xf32>,
      %get3A_258 = arith.index_cast %add3A_247 : i32 to index
      %get3A_259 = arith.constant 16 : index
      %get3A_260 = tpu.vector_load %arg7[%get3A_258, %get3A_259] {strides = array<i32>} : memref<320x64xf32, #tpu.memory_space<vmem>>, vector<16xf32>,
      %mul3A_261 = vector.broadcast %squeeze3A_249 : f32 to vector<16xf32>
      %mul3A_262 = arith.mulf %get3A_260, %mul3A_261 : vector<16xf32>
      %swap3A_263 = arith.index_cast %add3A_247 : i32 to index
      %swap3A_264 = arith.constant 16 : index
      %swap3A_265 = tpu.vector_load %arg7[%swap3A_263, %swap3A_264] {strides = array<i32>} : memref<320x64xf32, #tpu.memory_space<vmem>>, vector<16xf32>,
      tpu.vector_store %arg7[%swap3A_263, %swap3A_264], %mul3A_262 {strides = array<i32>} : memref<320x64xf32, #tpu.memory_space<vmem>>, vector<16xf32>,
      %get3A_266 = arith.index_cast %add3A_247 : i32 to index
      %get3A_267 = arith.constant 32 : index
      %get3A_268 = tpu.vector_load %arg7[%get3A_266, %get3A_267] {strides = array<i32>} : memref<320x64xf32, #tpu.memory_space<vmem>>, vector<16xf32>,
      %mul3A_269 = vector.broadcast %squeeze3A_249 : f32 to vector<16xf32>
      %mul3A_270 = arith.mulf %get3A_268, %mul3A_269 : vector<16xf32>
      %swap3A_271 = arith.index_cast %add3A_247 : i32 to index
      %swap3A_272 = arith.constant 32 : index
      %swap3A_273 = tpu.vector_load %arg7[%swap3A_271, %swap3A_272] {strides = array<i32>} : memref<320x64xf32, #tpu.memory_space<vmem>>, vector<16xf32>,
      tpu.vector_store %arg7[%swap3A_271, %swap3A_272], %mul3A_270 {strides = array<i32>} : memref<320x64xf32, #tpu.memory_space<vmem>>, vector<16xf32>,
      %get3A_274 = arith.index_cast %add3A_247 : i32 to index
      %get3A_275 = arith.constant 48 : index
      %get3A_276 = tpu.vector_load %arg7[%get3A_274, %get3A_275] {strides = array<i32>} : memref<320x64xf32, #tpu.memory_space<vmem>>, vector<16xf32>,
      %mul3A_277 = vector.broadcast %squeeze3A_249 : f32 to vector<16xf32>
      %mul3A_278 = arith.mulf %get3A_276, %mul3A_277 : vector<16xf32>
      %swap3A_279 = arith.index_cast %add3A_247 : i32 to index
      %swap3A_280 = arith.constant 48 : index
      %swap3A_281 = tpu.vector_load %arg7[%swap3A_279, %swap3A_280] {strides = array<i32>} : memref<320x64xf32, #tpu.memory_space<vmem>>, vector<16xf32>,
      tpu.vector_store %arg7[%swap3A_279, %swap3A_280], %mul3A_278 {strides = array<i32>} : memref<320x64xf32, #tpu.memory_space<vmem>>, vector<16xf32>,
      %mul3A_282 = arith.constant 16 : i32
      %mul3A_283 = arith.muli %add3A_92, %mul3A_282 : i32
      %add3A_284 = arith.constant 5 : i32
      %add3A_285 = arith.addi %mul3A_283, %add3A_284 : i32
      %slice3A_286 = vector.extract_strided_slice %get3A_94 {offsets = [5], sizes = [1], strides = [1]} : vector<16xf32> to vector<1xf32>
      %squeeze3A_287 = vector.extract %slice3A_286[0] : f32 from vector<1xf32>
      %get3A_288 = arith.index_cast %add3A_285 : i32 to index
      %get3A_289 = arith.constant 0 : index
      %get3A_290 = tpu.vector_load %arg7[%get3A_288, %get3A_289] {strides = array<i32>} : memref<320x64xf32, #tpu.memory_space<vmem>>, vector<16xf32>,
      %mul3A_291 = vector.broadcast %squeeze3A_287 : f32 to vector<16xf32>
      %mul3A_292 = arith.mulf %get3A_290, %mul3A_291 : vector<16xf32>
      %swap3A_293 = arith.index_cast %add3A_285 : i32 to index
      %swap3A_294 = arith.constant 0 : index
      %swap3A_295 = tpu.vector_load %arg7[%swap3A_293, %swap3A_294] {strides = array<i32>} : memref<320x64xf32, #tpu.memory_space<vmem>>, vector<16xf32>,
      tpu.vector_store %arg7[%swap3A_293, %swap3A_294], %mul3A_292 {strides = array<i32>} : memref<320x64xf32, #tpu.memory_space<vmem>>, vector<16xf32>,
      %get3A_296 = arith.index_cast %add3A_285 : i32 to index
      %get3A_297 = arith.constant 16 : index
      %get3A_298 = tpu.vector_load %arg7[%get3A_296, %get3A_297] {strides = array<i32>} : memref<320x64xf32, #tpu.memory_space<vmem>>, vector<16xf32>,
      %mul3A_299 = vector.broadcast %squeeze3A_287 : f32 to vector<16xf32>
      %mul3A_300 = arith.mulf %get3A_298, %mul3A_299 : vector<16xf32>
      %swap3A_301 = arith.index_cast %add3A_285 : i32 to index
      %swap3A_302 = arith.constant 16 : index
      %swap3A_303 = tpu.vector_load %arg7[%swap3A_301, %swap3A_302] {strides = array<i32>} : memref<320x64xf32, #tpu.memory_space<vmem>>, vector<16xf32>,
      tpu.vector_store %arg7[%swap3A_301, %swap3A_302], %mul3A_300 {strides = array<i32>} : memref<320x64xf32, #tpu.memory_space<vmem>>, vector<16xf32>,
      %get3A_304 = arith.index_cast %add3A_285 : i32 to index
      %get3A_305 = arith.constant 32 : index
      %get3A_306 = tpu.vector_load %arg7[%get3A_304, %get3A_305] {strides = array<i32>} : memref<320x64xf32, #tpu.memory_space<vmem>>, vector<16xf32>,
      %mul3A_307 = vector.broadcast %squeeze3A_287 : f32 to vector<16xf32>
      %mul3A_308 = arith.mulf %get3A_306, %mul3A_307 : vector<16xf32>
      %swap3A_309 = arith.index_cast %add3A_285 : i32 to index
      %swap3A_310 = arith.constant 32 : index
      %swap3A_311 = tpu.vector_load %arg7[%swap3A_309, %swap3A_310] {strides = array<i32>} : memref<320x64xf32, #tpu.memory_space<vmem>>, vector<16xf32>,
      tpu.vector_store %arg7[%swap3A_309, %swap3A_310], %mul3A_308 {strides = array<i32>} : memref<320x64xf32, #tpu.memory_space<vmem>>, vector<16xf32>,
      %get3A_312 = arith.index_cast %add3A_285 : i32 to index
      %get3A_313 = arith.constant 48 : index
      %get3A_314 = tpu.vector_load %arg7[%get3A_312, %get3A_313] {strides = array<i32>} : memref<320x64xf32, #tpu.memory_space<vmem>>, vector<16xf32>,
      %mul3A_315 = vector.broadcast %squeeze3A_287 : f32 to vector<16xf32>
      %mul3A_316 = arith.mulf %get3A_314, %mul3A_315 : vector<16xf32>
      %swap3A_317 = arith.index_cast %add3A_285 : i32 to index
      %swap3A_318 = arith.constant 48 : index
      %swap3A_319 = tpu.vector_load %arg7[%swap3A_317, %swap3A_318] {strides = array<i32>} : memref<320x64xf32, #tpu.memory_space<vmem>>, vector<16xf32>,
      tpu.vector_store %arg7[%swap3A_317, %swap3A_318], %mul3A_316 {strides = array<i32>} : memref<320x64xf32, #tpu.memory_space<vmem>>, vector<16xf32>,
      %mul3A_320 = arith.constant 16 : i32
      %mul3A_321 = arith.muli %add3A_92, %mul3A_320 : i32
      %add3A_322 = arith.constant 6 : i32
      %add3A_323 = arith.addi %mul3A_321, %add3A_322 : i32
      %slice3A_324 = vector.extract_strided_slice %get3A_94 {offsets = [6], sizes = [1], strides = [1]} : vector<16xf32> to vector<1xf32>
      %squeeze3A_325 = vector.extract %slice3A_324[0] : f32 from vector<1xf32>
      %get3A_326 = arith.index_cast %add3A_323 : i32 to index
      %get3A_327 = arith.constant 0 : index
      %get3A_328 = tpu.vector_load %arg7[%get3A_326, %get3A_327] {strides = array<i32>} : memref<320x64xf32, #tpu.memory_space<vmem>>, vector<16xf32>,
      %mul3A_329 = vector.broadcast %squeeze3A_325 : f32 to vector<16xf32>
      %mul3A_330 = arith.mulf %get3A_328, %mul3A_329 : vector<16xf32>
      %swap3A_331 = arith.index_cast %add3A_323 : i32 to index
      %swap3A_332 = arith.constant 0 : index
      %swap3A_333 = tpu.vector_load %arg7[%swap3A_331, %swap3A_332] {strides = array<i32>} : memref<320x64xf32, #tpu.memory_space<vmem>>, vector<16xf32>,
      tpu.vector_store %arg7[%swap3A_331, %swap3A_332], %mul3A_330 {strides = array<i32>} : memref<320x64xf32, #tpu.memory_space<vmem>>, vector<16xf32>,
      %get3A_334 = arith.index_cast %add3A_323 : i32 to index
      %get3A_335 = arith.constant 16 : index
      %get3A_336 = tpu.vector_load %arg7[%get3A_334, %get3A_335] {strides = array<i32>} : memref<320x64xf32, #tpu.memory_space<vmem>>, vector<16xf32>,
      %mul3A_337 = vector.broadcast %squeeze3A_325 : f32 to vector<16xf32>
      %mul3A_338 = arith.mulf %get3A_336, %mul3A_337 : vector<16xf32>
      %swap3A_339 = arith.index_cast %add3A_323 : i32 to index
      %swap3A_340 = arith.constant 16 : index
      %swap3A_341 = tpu.vector_load %arg7[%swap3A_339, %swap3A_340] {strides = array<i32>} : memref<320x64xf32, #tpu.memory_space<vmem>>, vector<16xf32>,
      tpu.vector_store %arg7[%swap3A_339, %swap3A_340], %mul3A_338 {strides = array<i32>} : memref<320x64xf32, #tpu.memory_space<vmem>>, vector<16xf32>,
      %get3A_342 = arith.index_cast %add3A_323 : i32 to index
      %get3A_343 = arith.constant 32 : index
      %get3A_344 = tpu.vector_load %arg7[%get3A_342, %get3A_343] {strides = array<i32>} : memref<320x64xf32, #tpu.memory_space<vmem>>, vector<16xf32>,
      %mul3A_345 = vector.broadcast %squeeze3A_325 : f32 to vector<16xf32>
      %mul3A_346 = arith.mulf %get3A_344, %mul3A_345 : vector<16xf32>
      %swap3A_347 = arith.index_cast %add3A_323 : i32 to index
      %swap3A_348 = arith.constant 32 : index
      %swap3A_349 = tpu.vector_load %arg7[%swap3A_347, %swap3A_348] {strides = array<i32>} : memref<320x64xf32, #tpu.memory_space<vmem>>, vector<16xf32>,
      tpu.vector_store %arg7[%swap3A_347, %swap3A_348], %mul3A_346 {strides = array<i32>} : memref<320x64xf32, #tpu.memory_space<vmem>>, vector<16xf32>,
      %get3A_350 = arith.index_cast %add3A_323 : i32 to index
      %get3A_351 = arith.constant 48 : index
      %get3A_352 = tpu.vector_load %arg7[%get3A_350, %get3A_351] {strides = array<i32>} : memref<320x64xf32, #tpu.memory_space<vmem>>, vector<16xf32>,
      %mul3A_353 = vector.broadcast %squeeze3A_325 : f32 to vector<16xf32>
      %mul3A_354 = arith.mulf %get3A_352, %mul3A_353 : vector<16xf32>
      %swap3A_355 = arith.index_cast %add3A_323 : i32 to index
      %swap3A_356 = arith.constant 48 : index
      %swap3A_357 = tpu.vector_load %arg7[%swap3A_355, %swap3A_356] {strides = array<i32>} : memref<320x64xf32, #tpu.memory_space<vmem>>, vector<16xf32>,
      tpu.vector_store %arg7[%swap3A_355, %swap3A_356], %mul3A_354 {strides = array<i32>} : memref<320x64xf32, #tpu.memory_space<vmem>>, vector<16xf32>,
      %mul3A_358 = arith.constant 16 : i32
      %mul3A_359 = arith.muli %add3A_92, %mul3A_358 : i32
      %add3A_360 = arith.constant 7 : i32
      %add3A_361 = arith.addi %mul3A_359, %add3A_360 : i32
      %slice3A_362 = vector.extract_strided_slice %get3A_94 {offsets = [7], sizes = [1], strides = [1]} : vector<16xf32> to vector<1xf32>
      %squeeze3A_363 = vector.extract %slice3A_362[0] : f32 from vector<1xf32>
      %get3A_364 = arith.index_cast %add3A_361 : i32 to index
      %get3A_365 = arith.constant 0 : index
      %get3A_366 = tpu.vector_load %arg7[%get3A_364, %get3A_365] {strides = array<i32>} : memref<320x64xf32, #tpu.memory_space<vmem>>, vector<16xf32>,
      %mul3A_367 = vector.broadcast %squeeze3A_363 : f32 to vector<16xf32>
      %mul3A_368 = arith.mulf %get3A_366, %mul3A_367 : vector<16xf32>
      %swap3A_369 = arith.index_cast %add3A_361 : i32 to index
      %swap3A_370 = arith.constant 0 : index
      %swap3A_371 = tpu.vector_load %arg7[%swap3A_369, %swap3A_370] {strides = array<i32>} : memref<320x64xf32, #tpu.memory_space<vmem>>, vector<16xf32>,
      tpu.vector_store %arg7[%swap3A_369, %swap3A_370], %mul3A_368 {strides = array<i32>} : memref<320x64xf32, #tpu.memory_space<vmem>>, vector<16xf32>,
      %get3A_372 = arith.index_cast %add3A_361 : i32 to index
      %get3A_373 = arith.constant 16 : index
      %get3A_374 = tpu.vector_load %arg7[%get3A_372, %get3A_373] {strides = array<i32>} : memref<320x64xf32, #tpu.memory_space<vmem>>, vector<16xf32>,
      %mul3A_375 = vector.broadcast %squeeze3A_363 : f32 to vector<16xf32>
      %mul3A_376 = arith.mulf %get3A_374, %mul3A_375 : vector<16xf32>
      %swap3A_377 = arith.index_cast %add3A_361 : i32 to index
      %swap3A_378 = arith.constant 16 : index
      %swap3A_379 = tpu.vector_load %arg7[%swap3A_377, %swap3A_378] {strides = array<i32>} : memref<320x64xf32, #tpu.memory_space<vmem>>, vector<16xf32>,
      tpu.vector_store %arg7[%swap3A_377, %swap3A_378], %mul3A_376 {strides = array<i32>} : memref<320x64xf32, #tpu.memory_space<vmem>>, vector<16xf32>,
      %get3A_380 = arith.index_cast %add3A_361 : i32 to index
      %get3A_381 = arith.constant 32 : index
      %get3A_382 = tpu.vector_load %arg7[%get3A_380, %get3A_381] {strides = array<i32>} : memref<320x64xf32, #tpu.memory_space<vmem>>, vector<16xf32>,
      %mul3A_383 = vector.broadcast %squeeze3A_363 : f32 to vector<16xf32>
      %mul3A_384 = arith.mulf %get3A_382, %mul3A_383 : vector<16xf32>
      %swap3A_385 = arith.index_cast %add3A_361 : i32 to index
      %swap3A_386 = arith.constant 32 : index
      %swap3A_387 = tpu.vector_load %arg7[%swap3A_385, %swap3A_386] {strides = array<i32>} : memref<320x64xf32, #tpu.memory_space<vmem>>, vector<16xf32>,
      tpu.vector_store %arg7[%swap3A_385, %swap3A_386], %mul3A_384 {strides = array<i32>} : memref<320x64xf32, #tpu.memory_space<vmem>>, vector<16xf32>,
      %get3A_388 = arith.index_cast %add3A_361 : i32 to index
      %get3A_389 = arith.constant 48 : index
      %get3A_390 = tpu.vector_load %arg7[%get3A_388, %get3A_389] {strides = array<i32>} : memref<320x64xf32, #tpu.memory_space<vmem>>, vector<16xf32>,
      %mul3A_391 = vector.broadcast %squeeze3A_363 : f32 to vector<16xf32>
      %mul3A_392 = arith.mulf %get3A_390, %mul3A_391 : vector<16xf32>
      %swap3A_393 = arith.index_cast %add3A_361 : i32 to index
      %swap3A_394 = arith.constant 48 : index
      %swap3A_395 = tpu.vector_load %arg7[%swap3A_393, %swap3A_394] {strides = array<i32>} : memref<320x64xf32, #tpu.memory_space<vmem>>, vector<16xf32>,
      tpu.vector_store %arg7[%swap3A_393, %swap3A_394], %mul3A_392 {strides = array<i32>} : memref<320x64xf32, #tpu.memory_space<vmem>>, vector<16xf32>,
      %mul3A_396 = arith.constant 16 : i32
      %mul3A_397 = arith.muli %add3A_92, %mul3A_396 : i32
      %add3A_398 = arith.constant 8 : i32
      %add3A_399 = arith.addi %mul3A_397, %add3A_398 : i32
      %slice3A_400 = vector.extract_strided_slice %get3A_94 {offsets = [8], sizes = [1], strides = [1]} : vector<16xf32> to vector<1xf32>
      %squeeze3A_401 = vector.extract %slice3A_400[0] : f32 from vector<1xf32>
      %get3A_402 = arith.index_cast %add3A_399 : i32 to index
      %get3A_403 = arith.constant 0 : index
      %get3A_404 = tpu.vector_load %arg7[%get3A_402, %get3A_403] {strides = array<i32>} : memref<320x64xf32, #tpu.memory_space<vmem>>, vector<16xf32>,
      %mul3A_405 = vector.broadcast %squeeze3A_401 : f32 to vector<16xf32>
      %mul3A_406 = arith.mulf %get3A_404, %mul3A_405 : vector<16xf32>
      %swap3A_407 = arith.index_cast %add3A_399 : i32 to index
      %swap3A_408 = arith.constant 0 : index
      %swap3A_409 = tpu.vector_load %arg7[%swap3A_407, %swap3A_408] {strides = array<i32>} : memref<320x64xf32, #tpu.memory_space<vmem>>, vector<16xf32>,
      tpu.vector_store %arg7[%swap3A_407, %swap3A_408], %mul3A_406 {strides = array<i32>} : memref<320x64xf32, #tpu.memory_space<vmem>>, vector<16xf32>,
      %get3A_410 = arith.index_cast %add3A_399 : i32 to index
      %get3A_411 = arith.constant 16 : index
      %get3A_412 = tpu.vector_load %arg7[%get3A_410, %get3A_411] {strides = array<i32>} : memref<320x64xf32, #tpu.memory_space<vmem>>, vector<16xf32>,
      %mul3A_413 = vector.broadcast %squeeze3A_401 : f32 to vector<16xf32>
      %mul3A_414 = arith.mulf %get3A_412, %mul3A_413 : vector<16xf32>
      %swap3A_415 = arith.index_cast %add3A_399 : i32 to index
      %swap3A_416 = arith.constant 16 : index
      %swap3A_417 = tpu.vector_load %arg7[%swap3A_415, %swap3A_416] {strides = array<i32>} : memref<320x64xf32, #tpu.memory_space<vmem>>, vector<16xf32>,
      tpu.vector_store %arg7[%swap3A_415, %swap3A_416], %mul3A_414 {strides = array<i32>} : memref<320x64xf32, #tpu.memory_space<vmem>>, vector<16xf32>,
      %get3A_418 = arith.index_cast %add3A_399 : i32 to index
      %get3A_419 = arith.constant 32 : index
      %get3A_420 = tpu.vector_load %arg7[%get3A_418, %get3A_419] {strides = array<i32>} : memref<320x64xf32, #tpu.memory_space<vmem>>, vector<16xf32>,
      %mul3A_421 = vector.broadcast %squeeze3A_401 : f32 to vector<16xf32>
      %mul3A_422 = arith.mulf %get3A_420, %mul3A_421 : vector<16xf32>
      %swap3A_423 = arith.index_cast %add3A_399 : i32 to index
      %swap3A_424 = arith.constant 32 : index
      %swap3A_425 = tpu.vector_load %arg7[%swap3A_423, %swap3A_424] {strides = array<i32>} : memref<320x64xf32, #tpu.memory_space<vmem>>, vector<16xf32>,
      tpu.vector_store %arg7[%swap3A_423, %swap3A_424], %mul3A_422 {strides = array<i32>} : memref<320x64xf32, #tpu.memory_space<vmem>>, vector<16xf32>,
      %get3A_426 = arith.index_cast %add3A_399 : i32 to index
      %get3A_427 = arith.constant 48 : index
      %get3A_428 = tpu.vector_load %arg7[%get3A_426, %get3A_427] {strides = array<i32>} : memref<320x64xf32, #tpu.memory_space<vmem>>, vector<16xf32>,
      %mul3A_429 = vector.broadcast %squeeze3A_401 : f32 to vector<16xf32>
      %mul3A_430 = arith.mulf %get3A_428, %mul3A_429 : vector<16xf32>
      %swap3A_431 = arith.index_cast %add3A_399 : i32 to index
      %swap3A_432 = arith.constant 48 : index
      %swap3A_433 = tpu.vector_load %arg7[%swap3A_431, %swap3A_432] {strides = array<i32>} : memref<320x64xf32, #tpu.memory_space<vmem>>, vector<16xf32>,
      tpu.vector_store %arg7[%swap3A_431, %swap3A_432], %mul3A_430 {strides = array<i32>} : memref<320x64xf32, #tpu.memory_space<vmem>>, vector<16xf32>,
      %mul3A_434 = arith.constant 16 : i32
      %mul3A_435 = arith.muli %add3A_92, %mul3A_434 : i32
      %add3A_436 = arith.constant 9 : i32
      %add3A_437 = arith.addi %mul3A_435, %add3A_436 : i32
      %slice3A_438 = vector.extract_strided_slice %get3A_94 {offsets = [9], sizes = [1], strides = [1]} : vector<16xf32> to vector<1xf32>
      %squeeze3A_439 = vector.extract %slice3A_438[0] : f32 from vector<1xf32>
      %get3A_440 = arith.index_cast %add3A_437 : i32 to index
      %get3A_441 = arith.constant 0 : index
      %get3A_442 = tpu.vector_load %arg7[%get3A_440, %get3A_441] {strides = array<i32>} : memref<320x64xf32, #tpu.memory_space<vmem>>, vector<16xf32>,
      %mul3A_443 = vector.broadcast %squeeze3A_439 : f32 to vector<16xf32>
      %mul3A_444 = arith.mulf %get3A_442, %mul3A_443 : vector<16xf32>
      %swap3A_445 = arith.index_cast %add3A_437 : i32 to index
      %swap3A_446 = arith.constant 0 : index
      %swap3A_447 = tpu.vector_load %arg7[%swap3A_445, %swap3A_446] {strides = array<i32>} : memref<320x64xf32, #tpu.memory_space<vmem>>, vector<16xf32>,
      tpu.vector_store %arg7[%swap3A_445, %swap3A_446], %mul3A_444 {strides = array<i32>} : memref<320x64xf32, #tpu.memory_space<vmem>>, vector<16xf32>,
      %get3A_448 = arith.index_cast %add3A_437 : i32 to index
      %get3A_449 = arith.constant 16 : index
      %get3A_450 = tpu.vector_load %arg7[%get3A_448, %get3A_449] {strides = array<i32>} : memref<320x64xf32, #tpu.memory_space<vmem>>, vector<16xf32>,
      %mul3A_451 = vector.broadcast %squeeze3A_439 : f32 to vector<16xf32>
      %mul3A_452 = arith.mulf %get3A_450, %mul3A_451 : vector<16xf32>
      %swap3A_453 = arith.index_cast %add3A_437 : i32 to index
      %swap3A_454 = arith.constant 16 : index
      %swap3A_455 = tpu.vector_load %arg7[%swap3A_453, %swap3A_454] {strides = array<i32>} : memref<320x64xf32, #tpu.memory_space<vmem>>, vector<16xf32>,
      tpu.vector_store %arg7[%swap3A_453, %swap3A_454], %mul3A_452 {strides = array<i32>} : memref<320x64xf32, #tpu.memory_space<vmem>>, vector<16xf32>,
      %get3A_456 = arith.index_cast %add3A_437 : i32 to index
      %get3A_457 = arith.constant 32 : index
      %get3A_458 = tpu.vector_load %arg7[%get3A_456, %get3A_457] {strides = array<i32>} : memref<320x64xf32, #tpu.memory_space<vmem>>, vector<16xf32>,
      %mul3A_459 = vector.broadcast %squeeze3A_439 : f32 to vector<16xf32>
      %mul3A_460 = arith.mulf %get3A_458, %mul3A_459 : vector<16xf32>
      %swap3A_461 = arith.index_cast %add3A_437 : i32 to index
      %swap3A_462 = arith.constant 32 : index
      %swap3A_463 = tpu.vector_load %arg7[%swap3A_461, %swap3A_462] {strides = array<i32>} : memref<320x64xf32, #tpu.memory_space<vmem>>, vector<16xf32>,
      tpu.vector_store %arg7[%swap3A_461, %swap3A_462], %mul3A_460 {strides = array<i32>} : memref<320x64xf32, #tpu.memory_space<vmem>>, vector<16xf32>,
      %get3A_464 = arith.index_cast %add3A_437 : i32 to index
      %get3A_465 = arith.constant 48 : index
      %get3A_466 = tpu.vector_load %arg7[%get3A_464, %get3A_465] {strides = array<i32>} : memref<320x64xf32, #tpu.memory_space<vmem>>, vector<16xf32>,
      %mul3A_467 = vector.broadcast %squeeze3A_439 : f32 to vector<16xf32>
      %mul3A_468 = arith.mulf %get3A_466, %mul3A_467 : vector<16xf32>
      %swap3A_469 = arith.index_cast %add3A_437 : i32 to index
      %swap3A_470 = arith.constant 48 : index
      %swap3A_471 = tpu.vector_load %arg7[%swap3A_469, %swap3A_470] {strides = array<i32>} : memref<320x64xf32, #tpu.memory_space<vmem>>, vector<16xf32>,
      tpu.vector_store %arg7[%swap3A_469, %swap3A_470], %mul3A_468 {strides = array<i32>} : memref<320x64xf32, #tpu.memory_space<vmem>>, vector<16xf32>,
      %mul3A_472 = arith.constant 16 : i32
      %mul3A_473 = arith.muli %add3A_92, %mul3A_472 : i32
      %add3A_474 = arith.constant 10 : i32
      %add3A_475 = arith.addi %mul3A_473, %add3A_474 : i32
      %slice3A_476 = vector.extract_strided_slice %get3A_94 {offsets = [10], sizes = [1], strides = [1]} : vector<16xf32> to vector<1xf32>
      %squeeze3A_477 = vector.extract %slice3A_476[0] : f32 from vector<1xf32>
      %get3A_478 = arith.index_cast %add3A_475 : i32 to index
      %get3A_479 = arith.constant 0 : index
      %get3A_480 = tpu.vector_load %arg7[%get3A_478, %get3A_479] {strides = array<i32>} : memref<320x64xf32, #tpu.memory_space<vmem>>, vector<16xf32>,
      %mul3A_481 = vector.broadcast %squeeze3A_477 : f32 to vector<16xf32>
      %mul3A_482 = arith.mulf %get3A_480, %mul3A_481 : vector<16xf32>
      %swap3A_483 = arith.index_cast %add3A_475 : i32 to index
      %swap3A_484 = arith.constant 0 : index
      %swap3A_485 = tpu.vector_load %arg7[%swap3A_483, %swap3A_484] {strides = array<i32>} : memref<320x64xf32, #tpu.memory_space<vmem>>, vector<16xf32>,
      tpu.vector_store %arg7[%swap3A_483, %swap3A_484], %mul3A_482 {strides = array<i32>} : memref<320x64xf32, #tpu.memory_space<vmem>>, vector<16xf32>,
      %get3A_486 = arith.index_cast %add3A_475 : i32 to index
      %get3A_487 = arith.constant 16 : index
      %get3A_488 = tpu.vector_load %arg7[%get3A_486, %get3A_487] {strides = array<i32>} : memref<320x64xf32, #tpu.memory_space<vmem>>, vector<16xf32>,
      %mul3A_489 = vector.broadcast %squeeze3A_477 : f32 to vector<16xf32>
      %mul3A_490 = arith.mulf %get3A_488, %mul3A_489 : vector<16xf32>
      %swap3A_491 = arith.index_cast %add3A_475 : i32 to index
      %swap3A_492 = arith.constant 16 : index
      %swap3A_493 = tpu.vector_load %arg7[%swap3A_491, %swap3A_492] {strides = array<i32>} : memref<320x64xf32, #tpu.memory_space<vmem>>, vector<16xf32>,
      tpu.vector_store %arg7[%swap3A_491, %swap3A_492], %mul3A_490 {strides = array<i32>} : memref<320x64xf32, #tpu.memory_space<vmem>>, vector<16xf32>,
      %get3A_494 = arith.index_cast %add3A_475 : i32 to index
      %get3A_495 = arith.constant 32 : index
      %get3A_496 = tpu.vector_load %arg7[%get3A_494, %get3A_495] {strides = array<i32>} : memref<320x64xf32, #tpu.memory_space<vmem>>, vector<16xf32>,
      %mul3A_497 = vector.broadcast %squeeze3A_477 : f32 to vector<16xf32>
      %mul3A_498 = arith.mulf %get3A_496, %mul3A_497 : vector<16xf32>
      %swap3A_499 = arith.index_cast %add3A_475 : i32 to index
      %swap3A_500 = arith.constant 32 : index
      %swap3A_501 = tpu.vector_load %arg7[%swap3A_499, %swap3A_500] {strides = array<i32>} : memref<320x64xf32, #tpu.memory_space<vmem>>, vector<16xf32>,
      tpu.vector_store %arg7[%swap3A_499, %swap3A_500], %mul3A_498 {strides = array<i32>} : memref<320x64xf32, #tpu.memory_space<vmem>>, vector<16xf32>,
      %get3A_502 = arith.index_cast %add3A_475 : i32 to index
      %get3A_503 = arith.constant 48 : index
      %get3A_504 = tpu.vector_load %arg7[%get3A_502, %get3A_503] {strides = array<i32>} : memref<320x64xf32, #tpu.memory_space<vmem>>, vector<16xf32>,
      %mul3A_505 = vector.broadcast %squeeze3A_477 : f32 to vector<16xf32>
      %mul3A_506 = arith.mulf %get3A_504, %mul3A_505 : vector<16xf32>
      %swap3A_507 = arith.index_cast %add3A_475 : i32 to index
      %swap3A_508 = arith.constant 48 : index
      %swap3A_509 = tpu.vector_load %arg7[%swap3A_507, %swap3A_508] {strides = array<i32>} : memref<320x64xf32, #tpu.memory_space<vmem>>, vector<16xf32>,
      tpu.vector_store %arg7[%swap3A_507, %swap3A_508], %mul3A_506 {strides = array<i32>} : memref<320x64xf32, #tpu.memory_space<vmem>>, vector<16xf32>,
      %mul3A_510 = arith.constant 16 : i32
      %mul3A_511 = arith.muli %add3A_92, %mul3A_510 : i32
      %add3A_512 = arith.constant 11 : i32
      %add3A_513 = arith.addi %mul3A_511, %add3A_512 : i32
      %slice3A_514 = vector.extract_strided_slice %get3A_94 {offsets = [11], sizes = [1], strides = [1]} : vector<16xf32> to vector<1xf32>
      %squeeze3A_515 = vector.extract %slice3A_514[0] : f32 from vector<1xf32>
      %get3A_516 = arith.index_cast %add3A_513 : i32 to index
      %get3A_517 = arith.constant 0 : index
      %get3A_518 = tpu.vector_load %arg7[%get3A_516, %get3A_517] {strides = array<i32>} : memref<320x64xf32, #tpu.memory_space<vmem>>, vector<16xf32>,
      %mul3A_519 = vector.broadcast %squeeze3A_515 : f32 to vector<16xf32>
      %mul3A_520 = arith.mulf %get3A_518, %mul3A_519 : vector<16xf32>
      %swap3A_521 = arith.index_cast %add3A_513 : i32 to index
      %swap3A_522 = arith.constant 0 : index
      %swap3A_523 = tpu.vector_load %arg7[%swap3A_521, %swap3A_522] {strides = array<i32>} : memref<320x64xf32, #tpu.memory_space<vmem>>, vector<16xf32>,
      tpu.vector_store %arg7[%swap3A_521, %swap3A_522], %mul3A_520 {strides = array<i32>} : memref<320x64xf32, #tpu.memory_space<vmem>>, vector<16xf32>,
      %get3A_524 = arith.index_cast %add3A_513 : i32 to index
      %get3A_525 = arith.constant 16 : index
      %get3A_526 = tpu.vector_load %arg7[%get3A_524, %get3A_525] {strides = array<i32>} : memref<320x64xf32, #tpu.memory_space<vmem>>, vector<16xf32>,
      %mul3A_527 = vector.broadcast %squeeze3A_515 : f32 to vector<16xf32>
      %mul3A_528 = arith.mulf %get3A_526, %mul3A_527 : vector<16xf32>
      %swap3A_529 = arith.index_cast %add3A_513 : i32 to index
      %swap3A_530 = arith.constant 16 : index
      %swap3A_531 = tpu.vector_load %arg7[%swap3A_529, %swap3A_530] {strides = array<i32>} : memref<320x64xf32, #tpu.memory_space<vmem>>, vector<16xf32>,
      tpu.vector_store %arg7[%swap3A_529, %swap3A_530], %mul3A_528 {strides = array<i32>} : memref<320x64xf32, #tpu.memory_space<vmem>>, vector<16xf32>,
      %get3A_532 = arith.index_cast %add3A_513 : i32 to index
      %get3A_533 = arith.constant 32 : index
      %get3A_534 = tpu.vector_load %arg7[%get3A_532, %get3A_533] {strides = array<i32>} : memref<320x64xf32, #tpu.memory_space<vmem>>, vector<16xf32>,
      %mul3A_535 = vector.broadcast %squeeze3A_515 : f32 to vector<16xf32>
      %mul3A_536 = arith.mulf %get3A_534, %mul3A_535 : vector<16xf32>
      %swap3A_537 = arith.index_cast %add3A_513 : i32 to index
      %swap3A_538 = arith.constant 32 : index
      %swap3A_539 = tpu.vector_load %arg7[%swap3A_537, %swap3A_538] {strides = array<i32>} : memref<320x64xf32, #tpu.memory_space<vmem>>, vector<16xf32>,
      tpu.vector_store %arg7[%swap3A_537, %swap3A_538], %mul3A_536 {strides = array<i32>} : memref<320x64xf32, #tpu.memory_space<vmem>>, vector<16xf32>,
      %get3A_540 = arith.index_cast %add3A_513 : i32 to index
      %get3A_541 = arith.constant 48 : index
      %get3A_542 = tpu.vector_load %arg7[%get3A_540, %get3A_541] {strides = array<i32>} : memref<320x64xf32, #tpu.memory_space<vmem>>, vector<16xf32>,
      %mul3A_543 = vector.broadcast %squeeze3A_515 : f32 to vector<16xf32>
      %mul3A_544 = arith.mulf %get3A_542, %mul3A_543 : vector<16xf32>
      %swap3A_545 = arith.index_cast %add3A_513 : i32 to index
      %swap3A_546 = arith.constant 48 : index
      %swap3A_547 = tpu.vector_load %arg7[%swap3A_545, %swap3A_546] {strides = array<i32>} : memref<320x64xf32, #tpu.memory_space<vmem>>, vector<16xf32>,
      tpu.vector_store %arg7[%swap3A_545, %swap3A_546], %mul3A_544 {strides = array<i32>} : memref<320x64xf32, #tpu.memory_space<vmem>>, vector<16xf32>,
      %mul3A_548 = arith.constant 16 : i32
      %mul3A_549 = arith.muli %add3A_92, %mul3A_548 : i32
      %add3A_550 = arith.constant 12 : i32
      %add3A_551 = arith.addi %mul3A_549, %add3A_550 : i32
      %slice3A_552 = vector.extract_strided_slice %get3A_94 {offsets = [12], sizes = [1], strides = [1]} : vector<16xf32> to vector<1xf32>
      %squeeze3A_553 = vector.extract %slice3A_552[0] : f32 from vector<1xf32>
      %get3A_554 = arith.index_cast %add3A_551 : i32 to index
      %get3A_555 = arith.constant 0 : index
      %get3A_556 = tpu.vector_load %arg7[%get3A_554, %get3A_555] {strides = array<i32>} : memref<320x64xf32, #tpu.memory_space<vmem>>, vector<16xf32>,
      %mul3A_557 = vector.broadcast %squeeze3A_553 : f32 to vector<16xf32>
      %mul3A_558 = arith.mulf %get3A_556, %mul3A_557 : vector<16xf32>
      %swap3A_559 = arith.index_cast %add3A_551 : i32 to index
      %swap3A_560 = arith.constant 0 : index
      %swap3A_561 = tpu.vector_load %arg7[%swap3A_559, %swap3A_560] {strides = array<i32>} : memref<320x64xf32, #tpu.memory_space<vmem>>, vector<16xf32>,
      tpu.vector_store %arg7[%swap3A_559, %swap3A_560], %mul3A_558 {strides = array<i32>} : memref<320x64xf32, #tpu.memory_space<vmem>>, vector<16xf32>,
      %get3A_562 = arith.index_cast %add3A_551 : i32 to index
      %get3A_563 = arith.constant 16 : index
      %get3A_564 = tpu.vector_load %arg7[%get3A_562, %get3A_563] {strides = array<i32>} : memref<320x64xf32, #tpu.memory_space<vmem>>, vector<16xf32>,
      %mul3A_565 = vector.broadcast %squeeze3A_553 : f32 to vector<16xf32>
      %mul3A_566 = arith.mulf %get3A_564, %mul3A_565 : vector<16xf32>
      %swap3A_567 = arith.index_cast %add3A_551 : i32 to index
      %swap3A_568 = arith.constant 16 : index
      %swap3A_569 = tpu.vector_load %arg7[%swap3A_567, %swap3A_568] {strides = array<i32>} : memref<320x64xf32, #tpu.memory_space<vmem>>, vector<16xf32>,
      tpu.vector_store %arg7[%swap3A_567, %swap3A_568], %mul3A_566 {strides = array<i32>} : memref<320x64xf32, #tpu.memory_space<vmem>>, vector<16xf32>,
      %get3A_570 = arith.index_cast %add3A_551 : i32 to index
      %get3A_571 = arith.constant 32 : index
      %get3A_572 = tpu.vector_load %arg7[%get3A_570, %get3A_571] {strides = array<i32>} : memref<320x64xf32, #tpu.memory_space<vmem>>, vector<16xf32>,
      %mul3A_573 = vector.broadcast %squeeze3A_553 : f32 to vector<16xf32>
      %mul3A_574 = arith.mulf %get3A_572, %mul3A_573 : vector<16xf32>
      %swap3A_575 = arith.index_cast %add3A_551 : i32 to index
      %swap3A_576 = arith.constant 32 : index
      %swap3A_577 = tpu.vector_load %arg7[%swap3A_575, %swap3A_576] {strides = array<i32>} : memref<320x64xf32, #tpu.memory_space<vmem>>, vector<16xf32>,
      tpu.vector_store %arg7[%swap3A_575, %swap3A_576], %mul3A_574 {strides = array<i32>} : memref<320x64xf32, #tpu.memory_space<vmem>>, vector<16xf32>,
      %get3A_578 = arith.index_cast %add3A_551 : i32 to index
      %get3A_579 = arith.constant 48 : index
      %get3A_580 = tpu.vector_load %arg7[%get3A_578, %get3A_579] {strides = array<i32>} : memref<320x64xf32, #tpu.memory_space<vmem>>, vector<16xf32>,
      %mul3A_581 = vector.broadcast %squeeze3A_553 : f32 to vector<16xf32>
      %mul3A_582 = arith.mulf %get3A_580, %mul3A_581 : vector<16xf32>
      %swap3A_583 = arith.index_cast %add3A_551 : i32 to index
      %swap3A_584 = arith.constant 48 : index
      %swap3A_585 = tpu.vector_load %arg7[%swap3A_583, %swap3A_584] {strides = array<i32>} : memref<320x64xf32, #tpu.memory_space<vmem>>, vector<16xf32>,
      tpu.vector_store %arg7[%swap3A_583, %swap3A_584], %mul3A_582 {strides = array<i32>} : memref<320x64xf32, #tpu.memory_space<vmem>>, vector<16xf32>,
      %mul3A_586 = arith.constant 16 : i32
      %mul3A_587 = arith.muli %add3A_92, %mul3A_586 : i32
      %add3A_588 = arith.constant 13 : i32
      %add3A_589 = arith.addi %mul3A_587, %add3A_588 : i32
      %slice3A_590 = vector.extract_strided_slice %get3A_94 {offsets = [13], sizes = [1], strides = [1]} : vector<16xf32> to vector<1xf32>
      %squeeze3A_591 = vector.extract %slice3A_590[0] : f32 from vector<1xf32>
      %get3A_592 = arith.index_cast %add3A_589 : i32 to index
      %get3A_593 = arith.constant 0 : index
      %get3A_594 = tpu.vector_load %arg7[%get3A_592, %get3A_593] {strides = array<i32>} : memref<320x64xf32, #tpu.memory_space<vmem>>, vector<16xf32>,
      %mul3A_595 = vector.broadcast %squeeze3A_591 : f32 to vector<16xf32>
      %mul3A_596 = arith.mulf %get3A_594, %mul3A_595 : vector<16xf32>
      %swap3A_597 = arith.index_cast %add3A_589 : i32 to index
      %swap3A_598 = arith.constant 0 : index
      %swap3A_599 = tpu.vector_load %arg7[%swap3A_597, %swap3A_598] {strides = array<i32>} : memref<320x64xf32, #tpu.memory_space<vmem>>, vector<16xf32>,
      tpu.vector_store %arg7[%swap3A_597, %swap3A_598], %mul3A_596 {strides = array<i32>} : memref<320x64xf32, #tpu.memory_space<vmem>>, vector<16xf32>,
      %get3A_600 = arith.index_cast %add3A_589 : i32 to index
      %get3A_601 = arith.constant 16 : index
      %get3A_602 = tpu.vector_load %arg7[%get3A_600, %get3A_601] {strides = array<i32>} : memref<320x64xf32, #tpu.memory_space<vmem>>, vector<16xf32>,
      %mul3A_603 = vector.broadcast %squeeze3A_591 : f32 to vector<16xf32>
      %mul3A_604 = arith.mulf %get3A_602, %mul3A_603 : vector<16xf32>
      %swap3A_605 = arith.index_cast %add3A_589 : i32 to index
      %swap3A_606 = arith.constant 16 : index
      %swap3A_607 = tpu.vector_load %arg7[%swap3A_605, %swap3A_606] {strides = array<i32>} : memref<320x64xf32, #tpu.memory_space<vmem>>, vector<16xf32>,
      tpu.vector_store %arg7[%swap3A_605, %swap3A_606], %mul3A_604 {strides = array<i32>} : memref<320x64xf32, #tpu.memory_space<vmem>>, vector<16xf32>,
      %get3A_608 = arith.index_cast %add3A_589 : i32 to index
      %get3A_609 = arith.constant 32 : index
      %get3A_610 = tpu.vector_load %arg7[%get3A_608, %get3A_609] {strides = array<i32>} : memref<320x64xf32, #tpu.memory_space<vmem>>, vector<16xf32>,
      %mul3A_611 = vector.broadcast %squeeze3A_591 : f32 to vector<16xf32>
      %mul3A_612 = arith.mulf %get3A_610, %mul3A_611 : vector<16xf32>
      %swap3A_613 = arith.index_cast %add3A_589 : i32 to index
      %swap3A_614 = arith.constant 32 : index
      %swap3A_615 = tpu.vector_load %arg7[%swap3A_613, %swap3A_614] {strides = array<i32>} : memref<320x64xf32, #tpu.memory_space<vmem>>, vector<16xf32>,
      tpu.vector_store %arg7[%swap3A_613, %swap3A_614], %mul3A_612 {strides = array<i32>} : memref<320x64xf32, #tpu.memory_space<vmem>>, vector<16xf32>,
      %get3A_616 = arith.index_cast %add3A_589 : i32 to index
      %get3A_617 = arith.constant 48 : index
      %get3A_618 = tpu.vector_load %arg7[%get3A_616, %get3A_617] {strides = array<i32>} : memref<320x64xf32, #tpu.memory_space<vmem>>, vector<16xf32>,
      %mul3A_619 = vector.broadcast %squeeze3A_591 : f32 to vector<16xf32>
      %mul3A_620 = arith.mulf %get3A_618, %mul3A_619 : vector<16xf32>
      %swap3A_621 = arith.index_cast %add3A_589 : i32 to index
      %swap3A_622 = arith.constant 48 : index
      %swap3A_623 = tpu.vector_load %arg7[%swap3A_621, %swap3A_622] {strides = array<i32>} : memref<320x64xf32, #tpu.memory_space<vmem>>, vector<16xf32>,
      tpu.vector_store %arg7[%swap3A_621, %swap3A_622], %mul3A_620 {strides = array<i32>} : memref<320x64xf32, #tpu.memory_space<vmem>>, vector<16xf32>,
      %mul3A_624 = arith.constant 16 : i32
      %mul3A_625 = arith.muli %add3A_92, %mul3A_624 : i32
      %add3A_626 = arith.constant 14 : i32
      %add3A_627 = arith.addi %mul3A_625, %add3A_626 : i32
      %slice3A_628 = vector.extract_strided_slice %get3A_94 {offsets = [14], sizes = [1], strides = [1]} : vector<16xf32> to vector<1xf32>
      %squeeze3A_629 = vector.extract %slice3A_628[0] : f32 from vector<1xf32>
      %get3A_630 = arith.index_cast %add3A_627 : i32 to index
      %get3A_631 = arith.constant 0 : index
      %get3A_632 = tpu.vector_load %arg7[%get3A_630, %get3A_631] {strides = array<i32>} : memref<320x64xf32, #tpu.memory_space<vmem>>, vector<16xf32>,
      %mul3A_633 = vector.broadcast %squeeze3A_629 : f32 to vector<16xf32>
      %mul3A_634 = arith.mulf %get3A_632, %mul3A_633 : vector<16xf32>
      %swap3A_635 = arith.index_cast %add3A_627 : i32 to index
      %swap3A_636 = arith.constant 0 : index
      %swap3A_637 = tpu.vector_load %arg7[%swap3A_635, %swap3A_636] {strides = array<i32>} : memref<320x64xf32, #tpu.memory_space<vmem>>, vector<16xf32>,
      tpu.vector_store %arg7[%swap3A_635, %swap3A_636], %mul3A_634 {strides = array<i32>} : memref<320x64xf32, #tpu.memory_space<vmem>>, vector<16xf32>,
      %get3A_638 = arith.index_cast %add3A_627 : i32 to index
      %get3A_639 = arith.constant 16 : index
      %get3A_640 = tpu.vector_load %arg7[%get3A_638, %get3A_639] {strides = array<i32>} : memref<320x64xf32, #tpu.memory_space<vmem>>, vector<16xf32>,
      %mul3A_641 = vector.broadcast %squeeze3A_629 : f32 to vector<16xf32>
      %mul3A_642 = arith.mulf %get3A_640, %mul3A_641 : vector<16xf32>
      %swap3A_643 = arith.index_cast %add3A_627 : i32 to index
      %swap3A_644 = arith.constant 16 : index
      %swap3A_645 = tpu.vector_load %arg7[%swap3A_643, %swap3A_644] {strides = array<i32>} : memref<320x64xf32, #tpu.memory_space<vmem>>, vector<16xf32>,
      tpu.vector_store %arg7[%swap3A_643, %swap3A_644], %mul3A_642 {strides = array<i32>} : memref<320x64xf32, #tpu.memory_space<vmem>>, vector<16xf32>,
      %get3A_646 = arith.index_cast %add3A_627 : i32 to index
      %get3A_647 = arith.constant 32 : index
      %get3A_648 = tpu.vector_load %arg7[%get3A_646, %get3A_647] {strides = array<i32>} : memref<320x64xf32, #tpu.memory_space<vmem>>, vector<16xf32>,
      %mul3A_649 = vector.broadcast %squeeze3A_629 : f32 to vector<16xf32>
      %mul3A_650 = arith.mulf %get3A_648, %mul3A_649 : vector<16xf32>
      %swap3A_651 = arith.index_cast %add3A_627 : i32 to index
      %swap3A_652 = arith.constant 32 : index
      %swap3A_653 = tpu.vector_load %arg7[%swap3A_651, %swap3A_652] {strides = array<i32>} : memref<320x64xf32, #tpu.memory_space<vmem>>, vector<16xf32>,
      tpu.vector_store %arg7[%swap3A_651, %swap3A_652], %mul3A_650 {strides = array<i32>} : memref<320x64xf32, #tpu.memory_space<vmem>>, vector<16xf32>,
      %get3A_654 = arith.index_cast %add3A_627 : i32 to index
      %get3A_655 = arith.constant 48 : index
      %get3A_656 = tpu.vector_load %arg7[%get3A_654, %get3A_655] {strides = array<i32>} : memref<320x64xf32, #tpu.memory_space<vmem>>, vector<16xf32>,
      %mul3A_657 = vector.broadcast %squeeze3A_629 : f32 to vector<16xf32>
      %mul3A_658 = arith.mulf %get3A_656, %mul3A_657 : vector<16xf32>
      %swap3A_659 = arith.index_cast %add3A_627 : i32 to index
      %swap3A_660 = arith.constant 48 : index
      %swap3A_661 = tpu.vector_load %arg7[%swap3A_659, %swap3A_660] {strides = array<i32>} : memref<320x64xf32, #tpu.memory_space<vmem>>, vector<16xf32>,
      tpu.vector_store %arg7[%swap3A_659, %swap3A_660], %mul3A_658 {strides = array<i32>} : memref<320x64xf32, #tpu.memory_space<vmem>>, vector<16xf32>,
      %mul3A_662 = arith.constant 16 : i32
      %mul3A_663 = arith.muli %add3A_92, %mul3A_662 : i32
      %add3A_664 = arith.constant 15 : i32
      %add3A_665 = arith.addi %mul3A_663, %add3A_664 : i32
      %slice3A_666 = vector.extract_strided_slice %get3A_94 {offsets = [15], sizes = [1], strides = [1]} : vector<16xf32> to vector<1xf32>
      %squeeze3A_667 = vector.extract %slice3A_666[0] : f32 from vector<1xf32>
      %get3A_668 = arith.index_cast %add3A_665 : i32 to index
      %get3A_669 = arith.constant 0 : index
      %get3A_670 = tpu.vector_load %arg7[%get3A_668, %get3A_669] {strides = array<i32>} : memref<320x64xf32, #tpu.memory_space<vmem>>, vector<16xf32>,
      %mul3A_671 = vector.broadcast %squeeze3A_667 : f32 to vector<16xf32>
      %mul3A_672 = arith.mulf %get3A_670, %mul3A_671 : vector<16xf32>
      %swap3A_673 = arith.index_cast %add3A_665 : i32 to index
      %swap3A_674 = arith.constant 0 : index
      %swap3A_675 = tpu.vector_load %arg7[%swap3A_673, %swap3A_674] {strides = array<i32>} : memref<320x64xf32, #tpu.memory_space<vmem>>, vector<16xf32>,
      tpu.vector_store %arg7[%swap3A_673, %swap3A_674], %mul3A_672 {strides = array<i32>} : memref<320x64xf32, #tpu.memory_space<vmem>>, vector<16xf32>,
      %get3A_676 = arith.index_cast %add3A_665 : i32 to index
      %get3A_677 = arith.constant 16 : index
      %get3A_678 = tpu.vector_load %arg7[%get3A_676, %get3A_677] {strides = array<i32>} : memref<320x64xf32, #tpu.memory_space<vmem>>, vector<16xf32>,
      %mul3A_679 = vector.broadcast %squeeze3A_667 : f32 to vector<16xf32>
      %mul3A_680 = arith.mulf %get3A_678, %mul3A_679 : vector<16xf32>
      %swap3A_681 = arith.index_cast %add3A_665 : i32 to index
      %swap3A_682 = arith.constant 16 : index
      %swap3A_683 = tpu.vector_load %arg7[%swap3A_681, %swap3A_682] {strides = array<i32>} : memref<320x64xf32, #tpu.memory_space<vmem>>, vector<16xf32>,
      tpu.vector_store %arg7[%swap3A_681, %swap3A_682], %mul3A_680 {strides = array<i32>} : memref<320x64xf32, #tpu.memory_space<vmem>>, vector<16xf32>,
      %get3A_684 = arith.index_cast %add3A_665 : i32 to index
      %get3A_685 = arith.constant 32 : index
      %get3A_686 = tpu.vector_load %arg7[%get3A_684, %get3A_685] {strides = array<i32>} : memref<320x64xf32, #tpu.memory_space<vmem>>, vector<16xf32>,
      %mul3A_687 = vector.broadcast %squeeze3A_667 : f32 to vector<16xf32>
      %mul3A_688 = arith.mulf %get3A_686, %mul3A_687 : vector<16xf32>
      %swap3A_689 = arith.index_cast %add3A_665 : i32 to index
      %swap3A_690 = arith.constant 32 : index
      %swap3A_691 = tpu.vector_load %arg7[%swap3A_689, %swap3A_690] {strides = array<i32>} : memref<320x64xf32, #tpu.memory_space<vmem>>, vector<16xf32>,
      tpu.vector_store %arg7[%swap3A_689, %swap3A_690], %mul3A_688 {strides = array<i32>} : memref<320x64xf32, #tpu.memory_space<vmem>>, vector<16xf32>,
      %get3A_692 = arith.index_cast %add3A_665 : i32 to index
      %get3A_693 = arith.constant 48 : index
      %get3A_694 = tpu.vector_load %arg7[%get3A_692, %get3A_693] {strides = array<i32>} : memref<320x64xf32, #tpu.memory_space<vmem>>, vector<16xf32>,
      %mul3A_695 = vector.broadcast %squeeze3A_667 : f32 to vector<16xf32>
      %mul3A_696 = arith.mulf %get3A_694, %mul3A_695 : vector<16xf32>
      %swap3A_697 = arith.index_cast %add3A_665 : i32 to index
      %swap3A_698 = arith.constant 48 : index
      %swap3A_699 = tpu.vector_load %arg7[%swap3A_697, %swap3A_698] {strides = array<i32>} : memref<320x64xf32, #tpu.memory_space<vmem>>, vector<16xf32>,
      tpu.vector_store %arg7[%swap3A_697, %swap3A_698], %mul3A_696 {strides = array<i32>} : memref<320x64xf32, #tpu.memory_space<vmem>>, vector<16xf32>,
    }
    %scan3A_86 = arith.constant 20 : i32
    %run_scoped3A = arith.constant 0 : i32
    "tpu.region"() ({
      %run_scoped3A_88 = tpu.sem_alloc : memref<!tpu.dma_semaphore, #tpu.memory_space<semaphore_mem>>
      %dma_start3A_89 = arith.constant 0 : i32
      %dma_start3A_90 = tpu.memref_slice %arg5[%run_scoped3A, %mul3A_2, %dma_start3A_89] : memref<2x10240x64xf32, #tpu.memory_space<hbm>> -> memref<1x320x64xf32, #tpu.memory_space<hbm>>
      %dma_start3A_91 = tpu.memref_squeeze %dma_start3A_90 : memref<1x320x64xf32, #tpu.memory_space<hbm>> -> memref<320x64xf32, #tpu.memory_space<hbm>>
      %dma_start3A_92 = arith.constant 0 : i32
      %dma_start3A_93 = tpu.memref_slice %arg5[%run_scoped3A, %mul3A_2, %dma_start3A_92] : memref<2x10240x64xf32, #tpu.memory_space<hbm>> -> memref<1x320x64xf32, #tpu.memory_space<hbm>>
      %dma_start3A_94 = tpu.memref_squeeze %dma_start3A_93 : memref<1x320x64xf32, #tpu.memory_space<hbm>> -> memref<320x64xf32, #tpu.memory_space<hbm>>
      tpu.enqueue_dma source(%arg7 : memref<320x64xf32, #tpu.memory_space<vmem>>) target(%dma_start3A_94 : memref<320x64xf32, #tpu.memory_space<hbm>>) target_semaphore(%run_scoped3A_88 : memref<!tpu.dma_semaphore, #tpu.memory_space<semaphore_mem>>)
      %dma_wait3A_95 = arith.constant 0 : i32
      %dma_wait3A_96 = tpu.memref_slice %arg5[%run_scoped3A, %mul3A_2, %dma_wait3A_95] : memref<2x10240x64xf32, #tpu.memory_space<hbm>> -> memref<1x320x64xf32, #tpu.memory_space<hbm>>
      %dma_wait3A_97 = tpu.memref_squeeze %dma_wait3A_96 : memref<1x320x64xf32, #tpu.memory_space<hbm>> -> memref<320x64xf32, #tpu.memory_space<hbm>>
      %dma_wait3A_98 = arith.constant 0 : i32
      %dma_wait3A_99 = tpu.memref_slice %arg5[%run_scoped3A, %mul3A_2, %dma_wait3A_98] : memref<2x10240x64xf32, #tpu.memory_space<hbm>> -> memref<1x320x64xf32, #tpu.memory_space<hbm>>
      %dma_wait3A_100 = tpu.memref_squeeze %dma_wait3A_99 : memref<1x320x64xf32, #tpu.memory_space<hbm>> -> memref<320x64xf32, #tpu.memory_space<hbm>>
      tpu.wait_dma2 semaphore(%run_scoped3A_88 : memref<!tpu.dma_semaphore, #tpu.memory_space<semaphore_mem>>) src(%arg7 : memref<320x64xf32, #tpu.memory_space<vmem>>) dst(%dma_wait3A_100 : memref<320x64xf32, #tpu.memory_space<hbm>>)
      tpu.yield
    }) : () -> ()
    %run_scoped3A_87 = arith.constant 1 : i32
    "tpu.region"() ({
      %run_scoped3A_88 = tpu.sem_alloc : memref<!tpu.dma_semaphore, #tpu.memory_space<semaphore_mem>>
      %dma_start3A_89 = arith.constant 0 : i32
      %dma_start3A_90 = tpu.memref_slice %arg5[%run_scoped3A_87, %mul3A_2, %dma_start3A_89] : memref<2x10240x64xf32, #tpu.memory_space<hbm>> -> memref<1x320x64xf32, #tpu.memory_space<hbm>>
      %dma_start3A_91 = tpu.memref_squeeze %dma_start3A_90 : memref<1x320x64xf32, #tpu.memory_space<hbm>> -> memref<320x64xf32, #tpu.memory_space<hbm>>
      %dma_start3A_92 = arith.constant 0 : i32
      %dma_start3A_93 = tpu.memref_slice %arg5[%run_scoped3A_87, %mul3A_2, %dma_start3A_92] : memref<2x10240x64xf32, #tpu.memory_space<hbm>> -> memref<1x320x64xf32, #tpu.memory_space<hbm>>
      %dma_start3A_94 = tpu.memref_squeeze %dma_start3A_93 : memref<1x320x64xf32, #tpu.memory_space<hbm>> -> memref<320x64xf32, #tpu.memory_space<hbm>>
      tpu.enqueue_dma source(%arg7 : memref<320x64xf32, #tpu.memory_space<vmem>>) target(%dma_start3A_94 : memref<320x64xf32, #tpu.memory_space<hbm>>) target_semaphore(%run_scoped3A_88 : memref<!tpu.dma_semaphore, #tpu.memory_space<semaphore_mem>>)
      %dma_wait3A_95 = arith.constant 0 : i32
      %dma_wait3A_96 = tpu.memref_slice %arg5[%run_scoped3A_87, %mul3A_2, %dma_wait3A_95] : memref<2x10240x64xf32, #tpu.memory_space<hbm>> -> memref<1x320x64xf32, #tpu.memory_space<hbm>>
      %dma_wait3A_97 = tpu.memref_squeeze %dma_wait3A_96 : memref<1x320x64xf32, #tpu.memory_space<hbm>> -> memref<320x64xf32, #tpu.memory_space<hbm>>
      %dma_wait3A_98 = arith.constant 0 : i32
      %dma_wait3A_99 = tpu.memref_slice %arg5[%run_scoped3A_87, %mul3A_2, %dma_wait3A_98] : memref<2x10240x64xf32, #tpu.memory_space<hbm>> -> memref<1x320x64xf32, #tpu.memory_space<hbm>>
      %dma_wait3A_100 = tpu.memref_squeeze %dma_wait3A_99 : memref<1x320x64xf32, #tpu.memory_space<hbm>> -> memref<320x64xf32, #tpu.memory_space<hbm>>
      tpu.wait_dma2 semaphore(%run_scoped3A_88 : memref<!tpu.dma_semaphore, #tpu.memory_space<semaphore_mem>>) src(%arg7 : memref<320x64xf32, #tpu.memory_space<vmem>>) dst(%dma_wait3A_100 : memref<320x64xf32, #tpu.memory_space<hbm>>)
      tpu.yield
    }) : () -> ()
    return
  }
}

#map = affine_map<(d0, d1) -> (0, 0)>
#map1 = affine_map<(d0, d1) -> (0)>
#map2 = affine_map<(d0, d1) -> (0, 0, 0)>
module attributes {stable_mosaic.version = 14 : i64} {
  func.func @k(%arg0: i32, %arg1: i32, %arg2: memref<10240x128xf32, #tpu.memory_space<hbm>>, %arg3: memref<10240xi32, #tpu.memory_space<hbm>>, %arg4: memref<32x264x128xf32, #tpu.memory_space<hbm>>, %arg5: memref<320x128xf32, #tpu.memory_space<vmem>>, %arg6: memref<320xi32, #tpu.memory_space<vmem>>, %arg7: memref<264x128xf32, #tpu.memory_space<vmem>>) attributes {dimension_semantics = [#tpu.dimension_semantics<core_parallel>, #tpu.dimension_semantics<subcore_parallel>], iteration_bounds = array<i64: 2, 16>, scalar_prefetch = 0 : i64, scratch_operands = 3 : i64, tpu.core_type = #tpu.core_type<sc_vector_subcore>, window_params = [{transform_indices = #map}, {transform_indices = #map1}, {transform_indices = #map2}]} {
    %mul3A = arith.constant 16 : i32
    %mul3A_0 = arith.muli %arg0, %mul3A : i32
    %add3A = arith.addi %mul3A_0, %arg1 : i32
    %mul3A_1 = arith.constant 320 : i32
    %mul3A_2 = arith.muli %add3A, %mul3A_1 : i32
    "tpu.region"() ({
      %run_scoped3A = tpu.sem_alloc : memref<!tpu.dma_semaphore, #tpu.memory_space<semaphore_mem>>
      %dma_start3A = arith.constant 0 : i32
      %dma_start3A_13 = tpu.memref_slice %arg2[%mul3A_2, %dma_start3A] : memref<10240x128xf32, #tpu.memory_space<hbm>> -> memref<320x128xf32, #tpu.memory_space<hbm>>
      %dma_start3A_14 = arith.constant 0 : i32
      %dma_start3A_15 = tpu.memref_slice %arg2[%mul3A_2, %dma_start3A_14] : memref<10240x128xf32, #tpu.memory_space<hbm>> -> memref<320x128xf32, #tpu.memory_space<hbm>>
      tpu.enqueue_dma source(%dma_start3A_15 : memref<320x128xf32, #tpu.memory_space<hbm>>) target(%arg5 : memref<320x128xf32, #tpu.memory_space<vmem>>) target_semaphore(%run_scoped3A : memref<!tpu.dma_semaphore, #tpu.memory_space<semaphore_mem>>)
      %dma_wait3A = arith.constant 0 : i32
      %dma_wait3A_16 = tpu.memref_slice %arg2[%mul3A_2, %dma_wait3A] : memref<10240x128xf32, #tpu.memory_space<hbm>> -> memref<320x128xf32, #tpu.memory_space<hbm>>
      %dma_wait3A_17 = arith.constant 0 : i32
      %dma_wait3A_18 = tpu.memref_slice %arg2[%mul3A_2, %dma_wait3A_17] : memref<10240x128xf32, #tpu.memory_space<hbm>> -> memref<320x128xf32, #tpu.memory_space<hbm>>
      tpu.wait_dma2 semaphore(%run_scoped3A : memref<!tpu.dma_semaphore, #tpu.memory_space<semaphore_mem>>) src(%dma_wait3A_18 : memref<320x128xf32, #tpu.memory_space<hbm>>) dst(%arg5 : memref<320x128xf32, #tpu.memory_space<vmem>>)
      tpu.yield
    }) : () -> ()
    "tpu.region"() ({
      %run_scoped3A = tpu.sem_alloc : memref<!tpu.dma_semaphore, #tpu.memory_space<semaphore_mem>>
      %dma_start3A = tpu.memref_slice %arg3[%mul3A_2] : memref<10240xi32, #tpu.memory_space<hbm>> -> memref<320xi32, #tpu.memory_space<hbm>>
      %dma_start3A_13 = tpu.memref_slice %arg3[%mul3A_2] : memref<10240xi32, #tpu.memory_space<hbm>> -> memref<320xi32, #tpu.memory_space<hbm>>
      tpu.enqueue_dma source(%dma_start3A_13 : memref<320xi32, #tpu.memory_space<hbm>>) target(%arg6 : memref<320xi32, #tpu.memory_space<vmem>>) target_semaphore(%run_scoped3A : memref<!tpu.dma_semaphore, #tpu.memory_space<semaphore_mem>>)
      %dma_wait3A = tpu.memref_slice %arg3[%mul3A_2] : memref<10240xi32, #tpu.memory_space<hbm>> -> memref<320xi32, #tpu.memory_space<hbm>>
      %dma_wait3A_14 = tpu.memref_slice %arg3[%mul3A_2] : memref<10240xi32, #tpu.memory_space<hbm>> -> memref<320xi32, #tpu.memory_space<hbm>>
      tpu.wait_dma2 semaphore(%run_scoped3A : memref<!tpu.dma_semaphore, #tpu.memory_space<semaphore_mem>>) src(%dma_wait3A_14 : memref<320xi32, #tpu.memory_space<hbm>>) dst(%arg6 : memref<320xi32, #tpu.memory_space<vmem>>)
      tpu.yield
    }) : () -> ()
    %broadcast_in_dim3A = arith.constant 0.000000e+00 : f32
    %broadcast_in_dim3A_3 = vector.broadcast %broadcast_in_dim3A : f32 to vector<16xf32>
    %scan3A = arith.constant 0 : i32
    %scan3A_4 = arith.constant 264 : i32
    %scan3A_5 = arith.addi %scan3A, %scan3A_4 : i32
    %scan3A_6 = arith.constant 1 : i32
    scf.for %scan3A_13 = %scan3A to %scan3A_5 step %scan3A_6  : i32 {
      %mul3A_14 = arith.constant 1 : i32
      %mul3A_15 = arith.muli %scan3A_13, %mul3A_14 : i32
      %add3A_16 = arith.constant 0 : i32
      %add3A_17 = arith.addi %add3A_16, %mul3A_15 : i32
      %scan3A_18 = arith.constant 0 : i32
      %scan3A_19 = arith.constant 8 : i32
      %scan3A_20 = arith.addi %scan3A_18, %scan3A_19 : i32
      %scan3A_21 = arith.constant 1 : i32
      scf.for %scan3A_23 = %scan3A_18 to %scan3A_20 step %scan3A_21  : i32 {
        %mul3A_24 = arith.constant 16 : i32
        %mul3A_25 = arith.muli %scan3A_23, %mul3A_24 : i32
        %add3A_26 = arith.constant 0 : i32
        %add3A_27 = arith.addi %add3A_26, %mul3A_25 : i32
        %swap3A = arith.index_cast %add3A_17 : i32 to index
        %swap3A_28 = arith.index_cast %add3A_27 : i32 to index
        %swap3A_29 = tpu.vector_load %arg7[%swap3A, %swap3A_28] {strides = array<i32>} : memref<264x128xf32, #tpu.memory_space<vmem>>, vector<16xf32>,
        tpu.vector_store %arg7[%swap3A, %swap3A_28], %broadcast_in_dim3A_3 {strides = array<i32>} : memref<264x128xf32, #tpu.memory_space<vmem>>, vector<16xf32>,
      }
      %scan3A_22 = arith.constant 8 : i32
    }
    %scan3A_7 = arith.constant 264 : i32
    %scan3A_8 = arith.constant 0 : i32
    %scan3A_9 = arith.constant 20 : i32
    %scan3A_10 = arith.addi %scan3A_8, %scan3A_9 : i32
    %scan3A_11 = arith.constant 1 : i32
    scf.for %scan3A_13 = %scan3A_8 to %scan3A_10 step %scan3A_11  : i32 {
      %mul3A_14 = arith.constant 1 : i32
      %mul3A_15 = arith.muli %scan3A_13, %mul3A_14 : i32
      %add3A_16 = arith.constant 0 : i32
      %add3A_17 = arith.addi %add3A_16, %mul3A_15 : i32
      %mul3A_18 = arith.constant 16 : i32
      %mul3A_19 = arith.muli %add3A_17, %mul3A_18 : i32
      %get3A = arith.index_cast %mul3A_19 : i32 to index
      %get3A_20 = tpu.vector_load %arg6[%get3A] {strides = array<i32>} : memref<320xi32, #tpu.memory_space<vmem>>, vector<16xi32>,
      %mul3A_21 = arith.constant 16 : i32
      %mul3A_22 = arith.muli %add3A_17, %mul3A_21 : i32
      %add3A_23 = arith.constant 0 : i32
      %add3A_24 = arith.addi %mul3A_22, %add3A_23 : i32
      %slice3A = vector.extract_strided_slice %get3A_20 {offsets = [0], sizes = [1], strides = [1]} : vector<16xi32> to vector<1xi32>
      %squeeze3A = vector.extract %slice3A[0] : i32 from vector<1xi32>
      %get3A_25 = arith.index_cast %squeeze3A : i32 to index
      %get3A_26 = arith.constant 0 : index
      %get3A_27 = tpu.vector_load %arg7[%get3A_25, %get3A_26] {strides = array<i32>} : memref<264x128xf32, #tpu.memory_space<vmem>>, vector<16xf32>,
      %get3A_28 = arith.index_cast %add3A_24 : i32 to index
      %get3A_29 = arith.constant 0 : index
      %get3A_30 = tpu.vector_load %arg5[%get3A_28, %get3A_29] {strides = array<i32>} : memref<320x128xf32, #tpu.memory_space<vmem>>, vector<16xf32>,
      %max3A = arith.maximumf %get3A_27, %get3A_30 : vector<16xf32>
      %swap3A = arith.index_cast %squeeze3A : i32 to index
      %swap3A_31 = arith.constant 0 : index
      %swap3A_32 = tpu.vector_load %arg7[%swap3A, %swap3A_31] {strides = array<i32>} : memref<264x128xf32, #tpu.memory_space<vmem>>, vector<16xf32>,
      tpu.vector_store %arg7[%swap3A, %swap3A_31], %max3A {strides = array<i32>} : memref<264x128xf32, #tpu.memory_space<vmem>>, vector<16xf32>,
      %get3A_33 = arith.index_cast %squeeze3A : i32 to index
      %get3A_34 = arith.constant 16 : index
      %get3A_35 = tpu.vector_load %arg7[%get3A_33, %get3A_34] {strides = array<i32>} : memref<264x128xf32, #tpu.memory_space<vmem>>, vector<16xf32>,
      %get3A_36 = arith.index_cast %add3A_24 : i32 to index
      %get3A_37 = arith.constant 16 : index
      %get3A_38 = tpu.vector_load %arg5[%get3A_36, %get3A_37] {strides = array<i32>} : memref<320x128xf32, #tpu.memory_space<vmem>>, vector<16xf32>,
      %max3A_39 = arith.maximumf %get3A_35, %get3A_38 : vector<16xf32>
      %swap3A_40 = arith.index_cast %squeeze3A : i32 to index
      %swap3A_41 = arith.constant 16 : index
      %swap3A_42 = tpu.vector_load %arg7[%swap3A_40, %swap3A_41] {strides = array<i32>} : memref<264x128xf32, #tpu.memory_space<vmem>>, vector<16xf32>,
      tpu.vector_store %arg7[%swap3A_40, %swap3A_41], %max3A_39 {strides = array<i32>} : memref<264x128xf32, #tpu.memory_space<vmem>>, vector<16xf32>,
      %get3A_43 = arith.index_cast %squeeze3A : i32 to index
      %get3A_44 = arith.constant 32 : index
      %get3A_45 = tpu.vector_load %arg7[%get3A_43, %get3A_44] {strides = array<i32>} : memref<264x128xf32, #tpu.memory_space<vmem>>, vector<16xf32>,
      %get3A_46 = arith.index_cast %add3A_24 : i32 to index
      %get3A_47 = arith.constant 32 : index
      %get3A_48 = tpu.vector_load %arg5[%get3A_46, %get3A_47] {strides = array<i32>} : memref<320x128xf32, #tpu.memory_space<vmem>>, vector<16xf32>,
      %max3A_49 = arith.maximumf %get3A_45, %get3A_48 : vector<16xf32>
      %swap3A_50 = arith.index_cast %squeeze3A : i32 to index
      %swap3A_51 = arith.constant 32 : index
      %swap3A_52 = tpu.vector_load %arg7[%swap3A_50, %swap3A_51] {strides = array<i32>} : memref<264x128xf32, #tpu.memory_space<vmem>>, vector<16xf32>,
      tpu.vector_store %arg7[%swap3A_50, %swap3A_51], %max3A_49 {strides = array<i32>} : memref<264x128xf32, #tpu.memory_space<vmem>>, vector<16xf32>,
      %get3A_53 = arith.index_cast %squeeze3A : i32 to index
      %get3A_54 = arith.constant 48 : index
      %get3A_55 = tpu.vector_load %arg7[%get3A_53, %get3A_54] {strides = array<i32>} : memref<264x128xf32, #tpu.memory_space<vmem>>, vector<16xf32>,
      %get3A_56 = arith.index_cast %add3A_24 : i32 to index
      %get3A_57 = arith.constant 48 : index
      %get3A_58 = tpu.vector_load %arg5[%get3A_56, %get3A_57] {strides = array<i32>} : memref<320x128xf32, #tpu.memory_space<vmem>>, vector<16xf32>,
      %max3A_59 = arith.maximumf %get3A_55, %get3A_58 : vector<16xf32>
      %swap3A_60 = arith.index_cast %squeeze3A : i32 to index
      %swap3A_61 = arith.constant 48 : index
      %swap3A_62 = tpu.vector_load %arg7[%swap3A_60, %swap3A_61] {strides = array<i32>} : memref<264x128xf32, #tpu.memory_space<vmem>>, vector<16xf32>,
      tpu.vector_store %arg7[%swap3A_60, %swap3A_61], %max3A_59 {strides = array<i32>} : memref<264x128xf32, #tpu.memory_space<vmem>>, vector<16xf32>,
      %get3A_63 = arith.index_cast %squeeze3A : i32 to index
      %get3A_64 = arith.constant 64 : index
      %get3A_65 = tpu.vector_load %arg7[%get3A_63, %get3A_64] {strides = array<i32>} : memref<264x128xf32, #tpu.memory_space<vmem>>, vector<16xf32>,
      %get3A_66 = arith.index_cast %add3A_24 : i32 to index
      %get3A_67 = arith.constant 64 : index
      %get3A_68 = tpu.vector_load %arg5[%get3A_66, %get3A_67] {strides = array<i32>} : memref<320x128xf32, #tpu.memory_space<vmem>>, vector<16xf32>,
      %max3A_69 = arith.maximumf %get3A_65, %get3A_68 : vector<16xf32>
      %swap3A_70 = arith.index_cast %squeeze3A : i32 to index
      %swap3A_71 = arith.constant 64 : index
      %swap3A_72 = tpu.vector_load %arg7[%swap3A_70, %swap3A_71] {strides = array<i32>} : memref<264x128xf32, #tpu.memory_space<vmem>>, vector<16xf32>,
      tpu.vector_store %arg7[%swap3A_70, %swap3A_71], %max3A_69 {strides = array<i32>} : memref<264x128xf32, #tpu.memory_space<vmem>>, vector<16xf32>,
      %get3A_73 = arith.index_cast %squeeze3A : i32 to index
      %get3A_74 = arith.constant 80 : index
      %get3A_75 = tpu.vector_load %arg7[%get3A_73, %get3A_74] {strides = array<i32>} : memref<264x128xf32, #tpu.memory_space<vmem>>, vector<16xf32>,
      %get3A_76 = arith.index_cast %add3A_24 : i32 to index
      %get3A_77 = arith.constant 80 : index
      %get3A_78 = tpu.vector_load %arg5[%get3A_76, %get3A_77] {strides = array<i32>} : memref<320x128xf32, #tpu.memory_space<vmem>>, vector<16xf32>,
      %max3A_79 = arith.maximumf %get3A_75, %get3A_78 : vector<16xf32>
      %swap3A_80 = arith.index_cast %squeeze3A : i32 to index
      %swap3A_81 = arith.constant 80 : index
      %swap3A_82 = tpu.vector_load %arg7[%swap3A_80, %swap3A_81] {strides = array<i32>} : memref<264x128xf32, #tpu.memory_space<vmem>>, vector<16xf32>,
      tpu.vector_store %arg7[%swap3A_80, %swap3A_81], %max3A_79 {strides = array<i32>} : memref<264x128xf32, #tpu.memory_space<vmem>>, vector<16xf32>,
      %get3A_83 = arith.index_cast %squeeze3A : i32 to index
      %get3A_84 = arith.constant 96 : index
      %get3A_85 = tpu.vector_load %arg7[%get3A_83, %get3A_84] {strides = array<i32>} : memref<264x128xf32, #tpu.memory_space<vmem>>, vector<16xf32>,
      %get3A_86 = arith.index_cast %add3A_24 : i32 to index
      %get3A_87 = arith.constant 96 : index
      %get3A_88 = tpu.vector_load %arg5[%get3A_86, %get3A_87] {strides = array<i32>} : memref<320x128xf32, #tpu.memory_space<vmem>>, vector<16xf32>,
      %max3A_89 = arith.maximumf %get3A_85, %get3A_88 : vector<16xf32>
      %swap3A_90 = arith.index_cast %squeeze3A : i32 to index
      %swap3A_91 = arith.constant 96 : index
      %swap3A_92 = tpu.vector_load %arg7[%swap3A_90, %swap3A_91] {strides = array<i32>} : memref<264x128xf32, #tpu.memory_space<vmem>>, vector<16xf32>,
      tpu.vector_store %arg7[%swap3A_90, %swap3A_91], %max3A_89 {strides = array<i32>} : memref<264x128xf32, #tpu.memory_space<vmem>>, vector<16xf32>,
      %get3A_93 = arith.index_cast %squeeze3A : i32 to index
      %get3A_94 = arith.constant 112 : index
      %get3A_95 = tpu.vector_load %arg7[%get3A_93, %get3A_94] {strides = array<i32>} : memref<264x128xf32, #tpu.memory_space<vmem>>, vector<16xf32>,
      %get3A_96 = arith.index_cast %add3A_24 : i32 to index
      %get3A_97 = arith.constant 112 : index
      %get3A_98 = tpu.vector_load %arg5[%get3A_96, %get3A_97] {strides = array<i32>} : memref<320x128xf32, #tpu.memory_space<vmem>>, vector<16xf32>,
      %max3A_99 = arith.maximumf %get3A_95, %get3A_98 : vector<16xf32>
      %swap3A_100 = arith.index_cast %squeeze3A : i32 to index
      %swap3A_101 = arith.constant 112 : index
      %swap3A_102 = tpu.vector_load %arg7[%swap3A_100, %swap3A_101] {strides = array<i32>} : memref<264x128xf32, #tpu.memory_space<vmem>>, vector<16xf32>,
      tpu.vector_store %arg7[%swap3A_100, %swap3A_101], %max3A_99 {strides = array<i32>} : memref<264x128xf32, #tpu.memory_space<vmem>>, vector<16xf32>,
      %mul3A_103 = arith.constant 16 : i32
      %mul3A_104 = arith.muli %add3A_17, %mul3A_103 : i32
      %add3A_105 = arith.constant 1 : i32
      %add3A_106 = arith.addi %mul3A_104, %add3A_105 : i32
      %slice3A_107 = vector.extract_strided_slice %get3A_20 {offsets = [1], sizes = [1], strides = [1]} : vector<16xi32> to vector<1xi32>
      %squeeze3A_108 = vector.extract %slice3A_107[0] : i32 from vector<1xi32>
      %get3A_109 = arith.index_cast %squeeze3A_108 : i32 to index
      %get3A_110 = arith.constant 0 : index
      %get3A_111 = tpu.vector_load %arg7[%get3A_109, %get3A_110] {strides = array<i32>} : memref<264x128xf32, #tpu.memory_space<vmem>>, vector<16xf32>,
      %get3A_112 = arith.index_cast %add3A_106 : i32 to index
      %get3A_113 = arith.constant 0 : index
      %get3A_114 = tpu.vector_load %arg5[%get3A_112, %get3A_113] {strides = array<i32>} : memref<320x128xf32, #tpu.memory_space<vmem>>, vector<16xf32>,
      %max3A_115 = arith.maximumf %get3A_111, %get3A_114 : vector<16xf32>
      %swap3A_116 = arith.index_cast %squeeze3A_108 : i32 to index
      %swap3A_117 = arith.constant 0 : index
      %swap3A_118 = tpu.vector_load %arg7[%swap3A_116, %swap3A_117] {strides = array<i32>} : memref<264x128xf32, #tpu.memory_space<vmem>>, vector<16xf32>,
      tpu.vector_store %arg7[%swap3A_116, %swap3A_117], %max3A_115 {strides = array<i32>} : memref<264x128xf32, #tpu.memory_space<vmem>>, vector<16xf32>,
      %get3A_119 = arith.index_cast %squeeze3A_108 : i32 to index
      %get3A_120 = arith.constant 16 : index
      %get3A_121 = tpu.vector_load %arg7[%get3A_119, %get3A_120] {strides = array<i32>} : memref<264x128xf32, #tpu.memory_space<vmem>>, vector<16xf32>,
      %get3A_122 = arith.index_cast %add3A_106 : i32 to index
      %get3A_123 = arith.constant 16 : index
      %get3A_124 = tpu.vector_load %arg5[%get3A_122, %get3A_123] {strides = array<i32>} : memref<320x128xf32, #tpu.memory_space<vmem>>, vector<16xf32>,
      %max3A_125 = arith.maximumf %get3A_121, %get3A_124 : vector<16xf32>
      %swap3A_126 = arith.index_cast %squeeze3A_108 : i32 to index
      %swap3A_127 = arith.constant 16 : index
      %swap3A_128 = tpu.vector_load %arg7[%swap3A_126, %swap3A_127] {strides = array<i32>} : memref<264x128xf32, #tpu.memory_space<vmem>>, vector<16xf32>,
      tpu.vector_store %arg7[%swap3A_126, %swap3A_127], %max3A_125 {strides = array<i32>} : memref<264x128xf32, #tpu.memory_space<vmem>>, vector<16xf32>,
      %get3A_129 = arith.index_cast %squeeze3A_108 : i32 to index
      %get3A_130 = arith.constant 32 : index
      %get3A_131 = tpu.vector_load %arg7[%get3A_129, %get3A_130] {strides = array<i32>} : memref<264x128xf32, #tpu.memory_space<vmem>>, vector<16xf32>,
      %get3A_132 = arith.index_cast %add3A_106 : i32 to index
      %get3A_133 = arith.constant 32 : index
      %get3A_134 = tpu.vector_load %arg5[%get3A_132, %get3A_133] {strides = array<i32>} : memref<320x128xf32, #tpu.memory_space<vmem>>, vector<16xf32>,
      %max3A_135 = arith.maximumf %get3A_131, %get3A_134 : vector<16xf32>
      %swap3A_136 = arith.index_cast %squeeze3A_108 : i32 to index
      %swap3A_137 = arith.constant 32 : index
      %swap3A_138 = tpu.vector_load %arg7[%swap3A_136, %swap3A_137] {strides = array<i32>} : memref<264x128xf32, #tpu.memory_space<vmem>>, vector<16xf32>,
      tpu.vector_store %arg7[%swap3A_136, %swap3A_137], %max3A_135 {strides = array<i32>} : memref<264x128xf32, #tpu.memory_space<vmem>>, vector<16xf32>,
      %get3A_139 = arith.index_cast %squeeze3A_108 : i32 to index
      %get3A_140 = arith.constant 48 : index
      %get3A_141 = tpu.vector_load %arg7[%get3A_139, %get3A_140] {strides = array<i32>} : memref<264x128xf32, #tpu.memory_space<vmem>>, vector<16xf32>,
      %get3A_142 = arith.index_cast %add3A_106 : i32 to index
      %get3A_143 = arith.constant 48 : index
      %get3A_144 = tpu.vector_load %arg5[%get3A_142, %get3A_143] {strides = array<i32>} : memref<320x128xf32, #tpu.memory_space<vmem>>, vector<16xf32>,
      %max3A_145 = arith.maximumf %get3A_141, %get3A_144 : vector<16xf32>
      %swap3A_146 = arith.index_cast %squeeze3A_108 : i32 to index
      %swap3A_147 = arith.constant 48 : index
      %swap3A_148 = tpu.vector_load %arg7[%swap3A_146, %swap3A_147] {strides = array<i32>} : memref<264x128xf32, #tpu.memory_space<vmem>>, vector<16xf32>,
      tpu.vector_store %arg7[%swap3A_146, %swap3A_147], %max3A_145 {strides = array<i32>} : memref<264x128xf32, #tpu.memory_space<vmem>>, vector<16xf32>,
      %get3A_149 = arith.index_cast %squeeze3A_108 : i32 to index
      %get3A_150 = arith.constant 64 : index
      %get3A_151 = tpu.vector_load %arg7[%get3A_149, %get3A_150] {strides = array<i32>} : memref<264x128xf32, #tpu.memory_space<vmem>>, vector<16xf32>,
      %get3A_152 = arith.index_cast %add3A_106 : i32 to index
      %get3A_153 = arith.constant 64 : index
      %get3A_154 = tpu.vector_load %arg5[%get3A_152, %get3A_153] {strides = array<i32>} : memref<320x128xf32, #tpu.memory_space<vmem>>, vector<16xf32>,
      %max3A_155 = arith.maximumf %get3A_151, %get3A_154 : vector<16xf32>
      %swap3A_156 = arith.index_cast %squeeze3A_108 : i32 to index
      %swap3A_157 = arith.constant 64 : index
      %swap3A_158 = tpu.vector_load %arg7[%swap3A_156, %swap3A_157] {strides = array<i32>} : memref<264x128xf32, #tpu.memory_space<vmem>>, vector<16xf32>,
      tpu.vector_store %arg7[%swap3A_156, %swap3A_157], %max3A_155 {strides = array<i32>} : memref<264x128xf32, #tpu.memory_space<vmem>>, vector<16xf32>,
      %get3A_159 = arith.index_cast %squeeze3A_108 : i32 to index
      %get3A_160 = arith.constant 80 : index
      %get3A_161 = tpu.vector_load %arg7[%get3A_159, %get3A_160] {strides = array<i32>} : memref<264x128xf32, #tpu.memory_space<vmem>>, vector<16xf32>,
      %get3A_162 = arith.index_cast %add3A_106 : i32 to index
      %get3A_163 = arith.constant 80 : index
      %get3A_164 = tpu.vector_load %arg5[%get3A_162, %get3A_163] {strides = array<i32>} : memref<320x128xf32, #tpu.memory_space<vmem>>, vector<16xf32>,
      %max3A_165 = arith.maximumf %get3A_161, %get3A_164 : vector<16xf32>
      %swap3A_166 = arith.index_cast %squeeze3A_108 : i32 to index
      %swap3A_167 = arith.constant 80 : index
      %swap3A_168 = tpu.vector_load %arg7[%swap3A_166, %swap3A_167] {strides = array<i32>} : memref<264x128xf32, #tpu.memory_space<vmem>>, vector<16xf32>,
      tpu.vector_store %arg7[%swap3A_166, %swap3A_167], %max3A_165 {strides = array<i32>} : memref<264x128xf32, #tpu.memory_space<vmem>>, vector<16xf32>,
      %get3A_169 = arith.index_cast %squeeze3A_108 : i32 to index
      %get3A_170 = arith.constant 96 : index
      %get3A_171 = tpu.vector_load %arg7[%get3A_169, %get3A_170] {strides = array<i32>} : memref<264x128xf32, #tpu.memory_space<vmem>>, vector<16xf32>,
      %get3A_172 = arith.index_cast %add3A_106 : i32 to index
      %get3A_173 = arith.constant 96 : index
      %get3A_174 = tpu.vector_load %arg5[%get3A_172, %get3A_173] {strides = array<i32>} : memref<320x128xf32, #tpu.memory_space<vmem>>, vector<16xf32>,
      %max3A_175 = arith.maximumf %get3A_171, %get3A_174 : vector<16xf32>
      %swap3A_176 = arith.index_cast %squeeze3A_108 : i32 to index
      %swap3A_177 = arith.constant 96 : index
      %swap3A_178 = tpu.vector_load %arg7[%swap3A_176, %swap3A_177] {strides = array<i32>} : memref<264x128xf32, #tpu.memory_space<vmem>>, vector<16xf32>,
      tpu.vector_store %arg7[%swap3A_176, %swap3A_177], %max3A_175 {strides = array<i32>} : memref<264x128xf32, #tpu.memory_space<vmem>>, vector<16xf32>,
      %get3A_179 = arith.index_cast %squeeze3A_108 : i32 to index
      %get3A_180 = arith.constant 112 : index
      %get3A_181 = tpu.vector_load %arg7[%get3A_179, %get3A_180] {strides = array<i32>} : memref<264x128xf32, #tpu.memory_space<vmem>>, vector<16xf32>,
      %get3A_182 = arith.index_cast %add3A_106 : i32 to index
      %get3A_183 = arith.constant 112 : index
      %get3A_184 = tpu.vector_load %arg5[%get3A_182, %get3A_183] {strides = array<i32>} : memref<320x128xf32, #tpu.memory_space<vmem>>, vector<16xf32>,
      %max3A_185 = arith.maximumf %get3A_181, %get3A_184 : vector<16xf32>
      %swap3A_186 = arith.index_cast %squeeze3A_108 : i32 to index
      %swap3A_187 = arith.constant 112 : index
      %swap3A_188 = tpu.vector_load %arg7[%swap3A_186, %swap3A_187] {strides = array<i32>} : memref<264x128xf32, #tpu.memory_space<vmem>>, vector<16xf32>,
      tpu.vector_store %arg7[%swap3A_186, %swap3A_187], %max3A_185 {strides = array<i32>} : memref<264x128xf32, #tpu.memory_space<vmem>>, vector<16xf32>,
      %mul3A_189 = arith.constant 16 : i32
      %mul3A_190 = arith.muli %add3A_17, %mul3A_189 : i32
      %add3A_191 = arith.constant 2 : i32
      %add3A_192 = arith.addi %mul3A_190, %add3A_191 : i32
      %slice3A_193 = vector.extract_strided_slice %get3A_20 {offsets = [2], sizes = [1], strides = [1]} : vector<16xi32> to vector<1xi32>
      %squeeze3A_194 = vector.extract %slice3A_193[0] : i32 from vector<1xi32>
      %get3A_195 = arith.index_cast %squeeze3A_194 : i32 to index
      %get3A_196 = arith.constant 0 : index
      %get3A_197 = tpu.vector_load %arg7[%get3A_195, %get3A_196] {strides = array<i32>} : memref<264x128xf32, #tpu.memory_space<vmem>>, vector<16xf32>,
      %get3A_198 = arith.index_cast %add3A_192 : i32 to index
      %get3A_199 = arith.constant 0 : index
      %get3A_200 = tpu.vector_load %arg5[%get3A_198, %get3A_199] {strides = array<i32>} : memref<320x128xf32, #tpu.memory_space<vmem>>, vector<16xf32>,
      %max3A_201 = arith.maximumf %get3A_197, %get3A_200 : vector<16xf32>
      %swap3A_202 = arith.index_cast %squeeze3A_194 : i32 to index
      %swap3A_203 = arith.constant 0 : index
      %swap3A_204 = tpu.vector_load %arg7[%swap3A_202, %swap3A_203] {strides = array<i32>} : memref<264x128xf32, #tpu.memory_space<vmem>>, vector<16xf32>,
      tpu.vector_store %arg7[%swap3A_202, %swap3A_203], %max3A_201 {strides = array<i32>} : memref<264x128xf32, #tpu.memory_space<vmem>>, vector<16xf32>,
      %get3A_205 = arith.index_cast %squeeze3A_194 : i32 to index
      %get3A_206 = arith.constant 16 : index
      %get3A_207 = tpu.vector_load %arg7[%get3A_205, %get3A_206] {strides = array<i32>} : memref<264x128xf32, #tpu.memory_space<vmem>>, vector<16xf32>,
      %get3A_208 = arith.index_cast %add3A_192 : i32 to index
      %get3A_209 = arith.constant 16 : index
      %get3A_210 = tpu.vector_load %arg5[%get3A_208, %get3A_209] {strides = array<i32>} : memref<320x128xf32, #tpu.memory_space<vmem>>, vector<16xf32>,
      %max3A_211 = arith.maximumf %get3A_207, %get3A_210 : vector<16xf32>
      %swap3A_212 = arith.index_cast %squeeze3A_194 : i32 to index
      %swap3A_213 = arith.constant 16 : index
      %swap3A_214 = tpu.vector_load %arg7[%swap3A_212, %swap3A_213] {strides = array<i32>} : memref<264x128xf32, #tpu.memory_space<vmem>>, vector<16xf32>,
      tpu.vector_store %arg7[%swap3A_212, %swap3A_213], %max3A_211 {strides = array<i32>} : memref<264x128xf32, #tpu.memory_space<vmem>>, vector<16xf32>,
      %get3A_215 = arith.index_cast %squeeze3A_194 : i32 to index
      %get3A_216 = arith.constant 32 : index
      %get3A_217 = tpu.vector_load %arg7[%get3A_215, %get3A_216] {strides = array<i32>} : memref<264x128xf32, #tpu.memory_space<vmem>>, vector<16xf32>,
      %get3A_218 = arith.index_cast %add3A_192 : i32 to index
      %get3A_219 = arith.constant 32 : index
      %get3A_220 = tpu.vector_load %arg5[%get3A_218, %get3A_219] {strides = array<i32>} : memref<320x128xf32, #tpu.memory_space<vmem>>, vector<16xf32>,
      %max3A_221 = arith.maximumf %get3A_217, %get3A_220 : vector<16xf32>
      %swap3A_222 = arith.index_cast %squeeze3A_194 : i32 to index
      %swap3A_223 = arith.constant 32 : index
      %swap3A_224 = tpu.vector_load %arg7[%swap3A_222, %swap3A_223] {strides = array<i32>} : memref<264x128xf32, #tpu.memory_space<vmem>>, vector<16xf32>,
      tpu.vector_store %arg7[%swap3A_222, %swap3A_223], %max3A_221 {strides = array<i32>} : memref<264x128xf32, #tpu.memory_space<vmem>>, vector<16xf32>,
      %get3A_225 = arith.index_cast %squeeze3A_194 : i32 to index
      %get3A_226 = arith.constant 48 : index
      %get3A_227 = tpu.vector_load %arg7[%get3A_225, %get3A_226] {strides = array<i32>} : memref<264x128xf32, #tpu.memory_space<vmem>>, vector<16xf32>,
      %get3A_228 = arith.index_cast %add3A_192 : i32 to index
      %get3A_229 = arith.constant 48 : index
      %get3A_230 = tpu.vector_load %arg5[%get3A_228, %get3A_229] {strides = array<i32>} : memref<320x128xf32, #tpu.memory_space<vmem>>, vector<16xf32>,
      %max3A_231 = arith.maximumf %get3A_227, %get3A_230 : vector<16xf32>
      %swap3A_232 = arith.index_cast %squeeze3A_194 : i32 to index
      %swap3A_233 = arith.constant 48 : index
      %swap3A_234 = tpu.vector_load %arg7[%swap3A_232, %swap3A_233] {strides = array<i32>} : memref<264x128xf32, #tpu.memory_space<vmem>>, vector<16xf32>,
      tpu.vector_store %arg7[%swap3A_232, %swap3A_233], %max3A_231 {strides = array<i32>} : memref<264x128xf32, #tpu.memory_space<vmem>>, vector<16xf32>,
      %get3A_235 = arith.index_cast %squeeze3A_194 : i32 to index
      %get3A_236 = arith.constant 64 : index
      %get3A_237 = tpu.vector_load %arg7[%get3A_235, %get3A_236] {strides = array<i32>} : memref<264x128xf32, #tpu.memory_space<vmem>>, vector<16xf32>,
      %get3A_238 = arith.index_cast %add3A_192 : i32 to index
      %get3A_239 = arith.constant 64 : index
      %get3A_240 = tpu.vector_load %arg5[%get3A_238, %get3A_239] {strides = array<i32>} : memref<320x128xf32, #tpu.memory_space<vmem>>, vector<16xf32>,
      %max3A_241 = arith.maximumf %get3A_237, %get3A_240 : vector<16xf32>
      %swap3A_242 = arith.index_cast %squeeze3A_194 : i32 to index
      %swap3A_243 = arith.constant 64 : index
      %swap3A_244 = tpu.vector_load %arg7[%swap3A_242, %swap3A_243] {strides = array<i32>} : memref<264x128xf32, #tpu.memory_space<vmem>>, vector<16xf32>,
      tpu.vector_store %arg7[%swap3A_242, %swap3A_243], %max3A_241 {strides = array<i32>} : memref<264x128xf32, #tpu.memory_space<vmem>>, vector<16xf32>,
      %get3A_245 = arith.index_cast %squeeze3A_194 : i32 to index
      %get3A_246 = arith.constant 80 : index
      %get3A_247 = tpu.vector_load %arg7[%get3A_245, %get3A_246] {strides = array<i32>} : memref<264x128xf32, #tpu.memory_space<vmem>>, vector<16xf32>,
      %get3A_248 = arith.index_cast %add3A_192 : i32 to index
      %get3A_249 = arith.constant 80 : index
      %get3A_250 = tpu.vector_load %arg5[%get3A_248, %get3A_249] {strides = array<i32>} : memref<320x128xf32, #tpu.memory_space<vmem>>, vector<16xf32>,
      %max3A_251 = arith.maximumf %get3A_247, %get3A_250 : vector<16xf32>
      %swap3A_252 = arith.index_cast %squeeze3A_194 : i32 to index
      %swap3A_253 = arith.constant 80 : index
      %swap3A_254 = tpu.vector_load %arg7[%swap3A_252, %swap3A_253] {strides = array<i32>} : memref<264x128xf32, #tpu.memory_space<vmem>>, vector<16xf32>,
      tpu.vector_store %arg7[%swap3A_252, %swap3A_253], %max3A_251 {strides = array<i32>} : memref<264x128xf32, #tpu.memory_space<vmem>>, vector<16xf32>,
      %get3A_255 = arith.index_cast %squeeze3A_194 : i32 to index
      %get3A_256 = arith.constant 96 : index
      %get3A_257 = tpu.vector_load %arg7[%get3A_255, %get3A_256] {strides = array<i32>} : memref<264x128xf32, #tpu.memory_space<vmem>>, vector<16xf32>,
      %get3A_258 = arith.index_cast %add3A_192 : i32 to index
      %get3A_259 = arith.constant 96 : index
      %get3A_260 = tpu.vector_load %arg5[%get3A_258, %get3A_259] {strides = array<i32>} : memref<320x128xf32, #tpu.memory_space<vmem>>, vector<16xf32>,
      %max3A_261 = arith.maximumf %get3A_257, %get3A_260 : vector<16xf32>
      %swap3A_262 = arith.index_cast %squeeze3A_194 : i32 to index
      %swap3A_263 = arith.constant 96 : index
      %swap3A_264 = tpu.vector_load %arg7[%swap3A_262, %swap3A_263] {strides = array<i32>} : memref<264x128xf32, #tpu.memory_space<vmem>>, vector<16xf32>,
      tpu.vector_store %arg7[%swap3A_262, %swap3A_263], %max3A_261 {strides = array<i32>} : memref<264x128xf32, #tpu.memory_space<vmem>>, vector<16xf32>,
      %get3A_265 = arith.index_cast %squeeze3A_194 : i32 to index
      %get3A_266 = arith.constant 112 : index
      %get3A_267 = tpu.vector_load %arg7[%get3A_265, %get3A_266] {strides = array<i32>} : memref<264x128xf32, #tpu.memory_space<vmem>>, vector<16xf32>,
      %get3A_268 = arith.index_cast %add3A_192 : i32 to index
      %get3A_269 = arith.constant 112 : index
      %get3A_270 = tpu.vector_load %arg5[%get3A_268, %get3A_269] {strides = array<i32>} : memref<320x128xf32, #tpu.memory_space<vmem>>, vector<16xf32>,
      %max3A_271 = arith.maximumf %get3A_267, %get3A_270 : vector<16xf32>
      %swap3A_272 = arith.index_cast %squeeze3A_194 : i32 to index
      %swap3A_273 = arith.constant 112 : index
      %swap3A_274 = tpu.vector_load %arg7[%swap3A_272, %swap3A_273] {strides = array<i32>} : memref<264x128xf32, #tpu.memory_space<vmem>>, vector<16xf32>,
      tpu.vector_store %arg7[%swap3A_272, %swap3A_273], %max3A_271 {strides = array<i32>} : memref<264x128xf32, #tpu.memory_space<vmem>>, vector<16xf32>,
      %mul3A_275 = arith.constant 16 : i32
      %mul3A_276 = arith.muli %add3A_17, %mul3A_275 : i32
      %add3A_277 = arith.constant 3 : i32
      %add3A_278 = arith.addi %mul3A_276, %add3A_277 : i32
      %slice3A_279 = vector.extract_strided_slice %get3A_20 {offsets = [3], sizes = [1], strides = [1]} : vector<16xi32> to vector<1xi32>
      %squeeze3A_280 = vector.extract %slice3A_279[0] : i32 from vector<1xi32>
      %get3A_281 = arith.index_cast %squeeze3A_280 : i32 to index
      %get3A_282 = arith.constant 0 : index
      %get3A_283 = tpu.vector_load %arg7[%get3A_281, %get3A_282] {strides = array<i32>} : memref<264x128xf32, #tpu.memory_space<vmem>>, vector<16xf32>,
      %get3A_284 = arith.index_cast %add3A_278 : i32 to index
      %get3A_285 = arith.constant 0 : index
      %get3A_286 = tpu.vector_load %arg5[%get3A_284, %get3A_285] {strides = array<i32>} : memref<320x128xf32, #tpu.memory_space<vmem>>, vector<16xf32>,
      %max3A_287 = arith.maximumf %get3A_283, %get3A_286 : vector<16xf32>
      %swap3A_288 = arith.index_cast %squeeze3A_280 : i32 to index
      %swap3A_289 = arith.constant 0 : index
      %swap3A_290 = tpu.vector_load %arg7[%swap3A_288, %swap3A_289] {strides = array<i32>} : memref<264x128xf32, #tpu.memory_space<vmem>>, vector<16xf32>,
      tpu.vector_store %arg7[%swap3A_288, %swap3A_289], %max3A_287 {strides = array<i32>} : memref<264x128xf32, #tpu.memory_space<vmem>>, vector<16xf32>,
      %get3A_291 = arith.index_cast %squeeze3A_280 : i32 to index
      %get3A_292 = arith.constant 16 : index
      %get3A_293 = tpu.vector_load %arg7[%get3A_291, %get3A_292] {strides = array<i32>} : memref<264x128xf32, #tpu.memory_space<vmem>>, vector<16xf32>,
      %get3A_294 = arith.index_cast %add3A_278 : i32 to index
      %get3A_295 = arith.constant 16 : index
      %get3A_296 = tpu.vector_load %arg5[%get3A_294, %get3A_295] {strides = array<i32>} : memref<320x128xf32, #tpu.memory_space<vmem>>, vector<16xf32>,
      %max3A_297 = arith.maximumf %get3A_293, %get3A_296 : vector<16xf32>
      %swap3A_298 = arith.index_cast %squeeze3A_280 : i32 to index
      %swap3A_299 = arith.constant 16 : index
      %swap3A_300 = tpu.vector_load %arg7[%swap3A_298, %swap3A_299] {strides = array<i32>} : memref<264x128xf32, #tpu.memory_space<vmem>>, vector<16xf32>,
      tpu.vector_store %arg7[%swap3A_298, %swap3A_299], %max3A_297 {strides = array<i32>} : memref<264x128xf32, #tpu.memory_space<vmem>>, vector<16xf32>,
      %get3A_301 = arith.index_cast %squeeze3A_280 : i32 to index
      %get3A_302 = arith.constant 32 : index
      %get3A_303 = tpu.vector_load %arg7[%get3A_301, %get3A_302] {strides = array<i32>} : memref<264x128xf32, #tpu.memory_space<vmem>>, vector<16xf32>,
      %get3A_304 = arith.index_cast %add3A_278 : i32 to index
      %get3A_305 = arith.constant 32 : index
      %get3A_306 = tpu.vector_load %arg5[%get3A_304, %get3A_305] {strides = array<i32>} : memref<320x128xf32, #tpu.memory_space<vmem>>, vector<16xf32>,
      %max3A_307 = arith.maximumf %get3A_303, %get3A_306 : vector<16xf32>
      %swap3A_308 = arith.index_cast %squeeze3A_280 : i32 to index
      %swap3A_309 = arith.constant 32 : index
      %swap3A_310 = tpu.vector_load %arg7[%swap3A_308, %swap3A_309] {strides = array<i32>} : memref<264x128xf32, #tpu.memory_space<vmem>>, vector<16xf32>,
      tpu.vector_store %arg7[%swap3A_308, %swap3A_309], %max3A_307 {strides = array<i32>} : memref<264x128xf32, #tpu.memory_space<vmem>>, vector<16xf32>,
      %get3A_311 = arith.index_cast %squeeze3A_280 : i32 to index
      %get3A_312 = arith.constant 48 : index
      %get3A_313 = tpu.vector_load %arg7[%get3A_311, %get3A_312] {strides = array<i32>} : memref<264x128xf32, #tpu.memory_space<vmem>>, vector<16xf32>,
      %get3A_314 = arith.index_cast %add3A_278 : i32 to index
      %get3A_315 = arith.constant 48 : index
      %get3A_316 = tpu.vector_load %arg5[%get3A_314, %get3A_315] {strides = array<i32>} : memref<320x128xf32, #tpu.memory_space<vmem>>, vector<16xf32>,
      %max3A_317 = arith.maximumf %get3A_313, %get3A_316 : vector<16xf32>
      %swap3A_318 = arith.index_cast %squeeze3A_280 : i32 to index
      %swap3A_319 = arith.constant 48 : index
      %swap3A_320 = tpu.vector_load %arg7[%swap3A_318, %swap3A_319] {strides = array<i32>} : memref<264x128xf32, #tpu.memory_space<vmem>>, vector<16xf32>,
      tpu.vector_store %arg7[%swap3A_318, %swap3A_319], %max3A_317 {strides = array<i32>} : memref<264x128xf32, #tpu.memory_space<vmem>>, vector<16xf32>,
      %get3A_321 = arith.index_cast %squeeze3A_280 : i32 to index
      %get3A_322 = arith.constant 64 : index
      %get3A_323 = tpu.vector_load %arg7[%get3A_321, %get3A_322] {strides = array<i32>} : memref<264x128xf32, #tpu.memory_space<vmem>>, vector<16xf32>,
      %get3A_324 = arith.index_cast %add3A_278 : i32 to index
      %get3A_325 = arith.constant 64 : index
      %get3A_326 = tpu.vector_load %arg5[%get3A_324, %get3A_325] {strides = array<i32>} : memref<320x128xf32, #tpu.memory_space<vmem>>, vector<16xf32>,
      %max3A_327 = arith.maximumf %get3A_323, %get3A_326 : vector<16xf32>
      %swap3A_328 = arith.index_cast %squeeze3A_280 : i32 to index
      %swap3A_329 = arith.constant 64 : index
      %swap3A_330 = tpu.vector_load %arg7[%swap3A_328, %swap3A_329] {strides = array<i32>} : memref<264x128xf32, #tpu.memory_space<vmem>>, vector<16xf32>,
      tpu.vector_store %arg7[%swap3A_328, %swap3A_329], %max3A_327 {strides = array<i32>} : memref<264x128xf32, #tpu.memory_space<vmem>>, vector<16xf32>,
      %get3A_331 = arith.index_cast %squeeze3A_280 : i32 to index
      %get3A_332 = arith.constant 80 : index
      %get3A_333 = tpu.vector_load %arg7[%get3A_331, %get3A_332] {strides = array<i32>} : memref<264x128xf32, #tpu.memory_space<vmem>>, vector<16xf32>,
      %get3A_334 = arith.index_cast %add3A_278 : i32 to index
      %get3A_335 = arith.constant 80 : index
      %get3A_336 = tpu.vector_load %arg5[%get3A_334, %get3A_335] {strides = array<i32>} : memref<320x128xf32, #tpu.memory_space<vmem>>, vector<16xf32>,
      %max3A_337 = arith.maximumf %get3A_333, %get3A_336 : vector<16xf32>
      %swap3A_338 = arith.index_cast %squeeze3A_280 : i32 to index
      %swap3A_339 = arith.constant 80 : index
      %swap3A_340 = tpu.vector_load %arg7[%swap3A_338, %swap3A_339] {strides = array<i32>} : memref<264x128xf32, #tpu.memory_space<vmem>>, vector<16xf32>,
      tpu.vector_store %arg7[%swap3A_338, %swap3A_339], %max3A_337 {strides = array<i32>} : memref<264x128xf32, #tpu.memory_space<vmem>>, vector<16xf32>,
      %get3A_341 = arith.index_cast %squeeze3A_280 : i32 to index
      %get3A_342 = arith.constant 96 : index
      %get3A_343 = tpu.vector_load %arg7[%get3A_341, %get3A_342] {strides = array<i32>} : memref<264x128xf32, #tpu.memory_space<vmem>>, vector<16xf32>,
      %get3A_344 = arith.index_cast %add3A_278 : i32 to index
      %get3A_345 = arith.constant 96 : index
      %get3A_346 = tpu.vector_load %arg5[%get3A_344, %get3A_345] {strides = array<i32>} : memref<320x128xf32, #tpu.memory_space<vmem>>, vector<16xf32>,
      %max3A_347 = arith.maximumf %get3A_343, %get3A_346 : vector<16xf32>
      %swap3A_348 = arith.index_cast %squeeze3A_280 : i32 to index
      %swap3A_349 = arith.constant 96 : index
      %swap3A_350 = tpu.vector_load %arg7[%swap3A_348, %swap3A_349] {strides = array<i32>} : memref<264x128xf32, #tpu.memory_space<vmem>>, vector<16xf32>,
      tpu.vector_store %arg7[%swap3A_348, %swap3A_349], %max3A_347 {strides = array<i32>} : memref<264x128xf32, #tpu.memory_space<vmem>>, vector<16xf32>,
      %get3A_351 = arith.index_cast %squeeze3A_280 : i32 to index
      %get3A_352 = arith.constant 112 : index
      %get3A_353 = tpu.vector_load %arg7[%get3A_351, %get3A_352] {strides = array<i32>} : memref<264x128xf32, #tpu.memory_space<vmem>>, vector<16xf32>,
      %get3A_354 = arith.index_cast %add3A_278 : i32 to index
      %get3A_355 = arith.constant 112 : index
      %get3A_356 = tpu.vector_load %arg5[%get3A_354, %get3A_355] {strides = array<i32>} : memref<320x128xf32, #tpu.memory_space<vmem>>, vector<16xf32>,
      %max3A_357 = arith.maximumf %get3A_353, %get3A_356 : vector<16xf32>
      %swap3A_358 = arith.index_cast %squeeze3A_280 : i32 to index
      %swap3A_359 = arith.constant 112 : index
      %swap3A_360 = tpu.vector_load %arg7[%swap3A_358, %swap3A_359] {strides = array<i32>} : memref<264x128xf32, #tpu.memory_space<vmem>>, vector<16xf32>,
      tpu.vector_store %arg7[%swap3A_358, %swap3A_359], %max3A_357 {strides = array<i32>} : memref<264x128xf32, #tpu.memory_space<vmem>>, vector<16xf32>,
      %mul3A_361 = arith.constant 16 : i32
      %mul3A_362 = arith.muli %add3A_17, %mul3A_361 : i32
      %add3A_363 = arith.constant 4 : i32
      %add3A_364 = arith.addi %mul3A_362, %add3A_363 : i32
      %slice3A_365 = vector.extract_strided_slice %get3A_20 {offsets = [4], sizes = [1], strides = [1]} : vector<16xi32> to vector<1xi32>
      %squeeze3A_366 = vector.extract %slice3A_365[0] : i32 from vector<1xi32>
      %get3A_367 = arith.index_cast %squeeze3A_366 : i32 to index
      %get3A_368 = arith.constant 0 : index
      %get3A_369 = tpu.vector_load %arg7[%get3A_367, %get3A_368] {strides = array<i32>} : memref<264x128xf32, #tpu.memory_space<vmem>>, vector<16xf32>,
      %get3A_370 = arith.index_cast %add3A_364 : i32 to index
      %get3A_371 = arith.constant 0 : index
      %get3A_372 = tpu.vector_load %arg5[%get3A_370, %get3A_371] {strides = array<i32>} : memref<320x128xf32, #tpu.memory_space<vmem>>, vector<16xf32>,
      %max3A_373 = arith.maximumf %get3A_369, %get3A_372 : vector<16xf32>
      %swap3A_374 = arith.index_cast %squeeze3A_366 : i32 to index
      %swap3A_375 = arith.constant 0 : index
      %swap3A_376 = tpu.vector_load %arg7[%swap3A_374, %swap3A_375] {strides = array<i32>} : memref<264x128xf32, #tpu.memory_space<vmem>>, vector<16xf32>,
      tpu.vector_store %arg7[%swap3A_374, %swap3A_375], %max3A_373 {strides = array<i32>} : memref<264x128xf32, #tpu.memory_space<vmem>>, vector<16xf32>,
      %get3A_377 = arith.index_cast %squeeze3A_366 : i32 to index
      %get3A_378 = arith.constant 16 : index
      %get3A_379 = tpu.vector_load %arg7[%get3A_377, %get3A_378] {strides = array<i32>} : memref<264x128xf32, #tpu.memory_space<vmem>>, vector<16xf32>,
      %get3A_380 = arith.index_cast %add3A_364 : i32 to index
      %get3A_381 = arith.constant 16 : index
      %get3A_382 = tpu.vector_load %arg5[%get3A_380, %get3A_381] {strides = array<i32>} : memref<320x128xf32, #tpu.memory_space<vmem>>, vector<16xf32>,
      %max3A_383 = arith.maximumf %get3A_379, %get3A_382 : vector<16xf32>
      %swap3A_384 = arith.index_cast %squeeze3A_366 : i32 to index
      %swap3A_385 = arith.constant 16 : index
      %swap3A_386 = tpu.vector_load %arg7[%swap3A_384, %swap3A_385] {strides = array<i32>} : memref<264x128xf32, #tpu.memory_space<vmem>>, vector<16xf32>,
      tpu.vector_store %arg7[%swap3A_384, %swap3A_385], %max3A_383 {strides = array<i32>} : memref<264x128xf32, #tpu.memory_space<vmem>>, vector<16xf32>,
      %get3A_387 = arith.index_cast %squeeze3A_366 : i32 to index
      %get3A_388 = arith.constant 32 : index
      %get3A_389 = tpu.vector_load %arg7[%get3A_387, %get3A_388] {strides = array<i32>} : memref<264x128xf32, #tpu.memory_space<vmem>>, vector<16xf32>,
      %get3A_390 = arith.index_cast %add3A_364 : i32 to index
      %get3A_391 = arith.constant 32 : index
      %get3A_392 = tpu.vector_load %arg5[%get3A_390, %get3A_391] {strides = array<i32>} : memref<320x128xf32, #tpu.memory_space<vmem>>, vector<16xf32>,
      %max3A_393 = arith.maximumf %get3A_389, %get3A_392 : vector<16xf32>
      %swap3A_394 = arith.index_cast %squeeze3A_366 : i32 to index
      %swap3A_395 = arith.constant 32 : index
      %swap3A_396 = tpu.vector_load %arg7[%swap3A_394, %swap3A_395] {strides = array<i32>} : memref<264x128xf32, #tpu.memory_space<vmem>>, vector<16xf32>,
      tpu.vector_store %arg7[%swap3A_394, %swap3A_395], %max3A_393 {strides = array<i32>} : memref<264x128xf32, #tpu.memory_space<vmem>>, vector<16xf32>,
      %get3A_397 = arith.index_cast %squeeze3A_366 : i32 to index
      %get3A_398 = arith.constant 48 : index
      %get3A_399 = tpu.vector_load %arg7[%get3A_397, %get3A_398] {strides = array<i32>} : memref<264x128xf32, #tpu.memory_space<vmem>>, vector<16xf32>,
      %get3A_400 = arith.index_cast %add3A_364 : i32 to index
      %get3A_401 = arith.constant 48 : index
      %get3A_402 = tpu.vector_load %arg5[%get3A_400, %get3A_401] {strides = array<i32>} : memref<320x128xf32, #tpu.memory_space<vmem>>, vector<16xf32>,
      %max3A_403 = arith.maximumf %get3A_399, %get3A_402 : vector<16xf32>
      %swap3A_404 = arith.index_cast %squeeze3A_366 : i32 to index
      %swap3A_405 = arith.constant 48 : index
      %swap3A_406 = tpu.vector_load %arg7[%swap3A_404, %swap3A_405] {strides = array<i32>} : memref<264x128xf32, #tpu.memory_space<vmem>>, vector<16xf32>,
      tpu.vector_store %arg7[%swap3A_404, %swap3A_405], %max3A_403 {strides = array<i32>} : memref<264x128xf32, #tpu.memory_space<vmem>>, vector<16xf32>,
      %get3A_407 = arith.index_cast %squeeze3A_366 : i32 to index
      %get3A_408 = arith.constant 64 : index
      %get3A_409 = tpu.vector_load %arg7[%get3A_407, %get3A_408] {strides = array<i32>} : memref<264x128xf32, #tpu.memory_space<vmem>>, vector<16xf32>,
      %get3A_410 = arith.index_cast %add3A_364 : i32 to index
      %get3A_411 = arith.constant 64 : index
      %get3A_412 = tpu.vector_load %arg5[%get3A_410, %get3A_411] {strides = array<i32>} : memref<320x128xf32, #tpu.memory_space<vmem>>, vector<16xf32>,
      %max3A_413 = arith.maximumf %get3A_409, %get3A_412 : vector<16xf32>
      %swap3A_414 = arith.index_cast %squeeze3A_366 : i32 to index
      %swap3A_415 = arith.constant 64 : index
      %swap3A_416 = tpu.vector_load %arg7[%swap3A_414, %swap3A_415] {strides = array<i32>} : memref<264x128xf32, #tpu.memory_space<vmem>>, vector<16xf32>,
      tpu.vector_store %arg7[%swap3A_414, %swap3A_415], %max3A_413 {strides = array<i32>} : memref<264x128xf32, #tpu.memory_space<vmem>>, vector<16xf32>,
      %get3A_417 = arith.index_cast %squeeze3A_366 : i32 to index
      %get3A_418 = arith.constant 80 : index
      %get3A_419 = tpu.vector_load %arg7[%get3A_417, %get3A_418] {strides = array<i32>} : memref<264x128xf32, #tpu.memory_space<vmem>>, vector<16xf32>,
      %get3A_420 = arith.index_cast %add3A_364 : i32 to index
      %get3A_421 = arith.constant 80 : index
      %get3A_422 = tpu.vector_load %arg5[%get3A_420, %get3A_421] {strides = array<i32>} : memref<320x128xf32, #tpu.memory_space<vmem>>, vector<16xf32>,
      %max3A_423 = arith.maximumf %get3A_419, %get3A_422 : vector<16xf32>
      %swap3A_424 = arith.index_cast %squeeze3A_366 : i32 to index
      %swap3A_425 = arith.constant 80 : index
      %swap3A_426 = tpu.vector_load %arg7[%swap3A_424, %swap3A_425] {strides = array<i32>} : memref<264x128xf32, #tpu.memory_space<vmem>>, vector<16xf32>,
      tpu.vector_store %arg7[%swap3A_424, %swap3A_425], %max3A_423 {strides = array<i32>} : memref<264x128xf32, #tpu.memory_space<vmem>>, vector<16xf32>,
      %get3A_427 = arith.index_cast %squeeze3A_366 : i32 to index
      %get3A_428 = arith.constant 96 : index
      %get3A_429 = tpu.vector_load %arg7[%get3A_427, %get3A_428] {strides = array<i32>} : memref<264x128xf32, #tpu.memory_space<vmem>>, vector<16xf32>,
      %get3A_430 = arith.index_cast %add3A_364 : i32 to index
      %get3A_431 = arith.constant 96 : index
      %get3A_432 = tpu.vector_load %arg5[%get3A_430, %get3A_431] {strides = array<i32>} : memref<320x128xf32, #tpu.memory_space<vmem>>, vector<16xf32>,
      %max3A_433 = arith.maximumf %get3A_429, %get3A_432 : vector<16xf32>
      %swap3A_434 = arith.index_cast %squeeze3A_366 : i32 to index
      %swap3A_435 = arith.constant 96 : index
      %swap3A_436 = tpu.vector_load %arg7[%swap3A_434, %swap3A_435] {strides = array<i32>} : memref<264x128xf32, #tpu.memory_space<vmem>>, vector<16xf32>,
      tpu.vector_store %arg7[%swap3A_434, %swap3A_435], %max3A_433 {strides = array<i32>} : memref<264x128xf32, #tpu.memory_space<vmem>>, vector<16xf32>,
      %get3A_437 = arith.index_cast %squeeze3A_366 : i32 to index
      %get3A_438 = arith.constant 112 : index
      %get3A_439 = tpu.vector_load %arg7[%get3A_437, %get3A_438] {strides = array<i32>} : memref<264x128xf32, #tpu.memory_space<vmem>>, vector<16xf32>,
      %get3A_440 = arith.index_cast %add3A_364 : i32 to index
      %get3A_441 = arith.constant 112 : index
      %get3A_442 = tpu.vector_load %arg5[%get3A_440, %get3A_441] {strides = array<i32>} : memref<320x128xf32, #tpu.memory_space<vmem>>, vector<16xf32>,
      %max3A_443 = arith.maximumf %get3A_439, %get3A_442 : vector<16xf32>
      %swap3A_444 = arith.index_cast %squeeze3A_366 : i32 to index
      %swap3A_445 = arith.constant 112 : index
      %swap3A_446 = tpu.vector_load %arg7[%swap3A_444, %swap3A_445] {strides = array<i32>} : memref<264x128xf32, #tpu.memory_space<vmem>>, vector<16xf32>,
      tpu.vector_store %arg7[%swap3A_444, %swap3A_445], %max3A_443 {strides = array<i32>} : memref<264x128xf32, #tpu.memory_space<vmem>>, vector<16xf32>,
      %mul3A_447 = arith.constant 16 : i32
      %mul3A_448 = arith.muli %add3A_17, %mul3A_447 : i32
      %add3A_449 = arith.constant 5 : i32
      %add3A_450 = arith.addi %mul3A_448, %add3A_449 : i32
      %slice3A_451 = vector.extract_strided_slice %get3A_20 {offsets = [5], sizes = [1], strides = [1]} : vector<16xi32> to vector<1xi32>
      %squeeze3A_452 = vector.extract %slice3A_451[0] : i32 from vector<1xi32>
      %get3A_453 = arith.index_cast %squeeze3A_452 : i32 to index
      %get3A_454 = arith.constant 0 : index
      %get3A_455 = tpu.vector_load %arg7[%get3A_453, %get3A_454] {strides = array<i32>} : memref<264x128xf32, #tpu.memory_space<vmem>>, vector<16xf32>,
      %get3A_456 = arith.index_cast %add3A_450 : i32 to index
      %get3A_457 = arith.constant 0 : index
      %get3A_458 = tpu.vector_load %arg5[%get3A_456, %get3A_457] {strides = array<i32>} : memref<320x128xf32, #tpu.memory_space<vmem>>, vector<16xf32>,
      %max3A_459 = arith.maximumf %get3A_455, %get3A_458 : vector<16xf32>
      %swap3A_460 = arith.index_cast %squeeze3A_452 : i32 to index
      %swap3A_461 = arith.constant 0 : index
      %swap3A_462 = tpu.vector_load %arg7[%swap3A_460, %swap3A_461] {strides = array<i32>} : memref<264x128xf32, #tpu.memory_space<vmem>>, vector<16xf32>,
      tpu.vector_store %arg7[%swap3A_460, %swap3A_461], %max3A_459 {strides = array<i32>} : memref<264x128xf32, #tpu.memory_space<vmem>>, vector<16xf32>,
      %get3A_463 = arith.index_cast %squeeze3A_452 : i32 to index
      %get3A_464 = arith.constant 16 : index
      %get3A_465 = tpu.vector_load %arg7[%get3A_463, %get3A_464] {strides = array<i32>} : memref<264x128xf32, #tpu.memory_space<vmem>>, vector<16xf32>,
      %get3A_466 = arith.index_cast %add3A_450 : i32 to index
      %get3A_467 = arith.constant 16 : index
      %get3A_468 = tpu.vector_load %arg5[%get3A_466, %get3A_467] {strides = array<i32>} : memref<320x128xf32, #tpu.memory_space<vmem>>, vector<16xf32>,
      %max3A_469 = arith.maximumf %get3A_465, %get3A_468 : vector<16xf32>
      %swap3A_470 = arith.index_cast %squeeze3A_452 : i32 to index
      %swap3A_471 = arith.constant 16 : index
      %swap3A_472 = tpu.vector_load %arg7[%swap3A_470, %swap3A_471] {strides = array<i32>} : memref<264x128xf32, #tpu.memory_space<vmem>>, vector<16xf32>,
      tpu.vector_store %arg7[%swap3A_470, %swap3A_471], %max3A_469 {strides = array<i32>} : memref<264x128xf32, #tpu.memory_space<vmem>>, vector<16xf32>,
      %get3A_473 = arith.index_cast %squeeze3A_452 : i32 to index
      %get3A_474 = arith.constant 32 : index
      %get3A_475 = tpu.vector_load %arg7[%get3A_473, %get3A_474] {strides = array<i32>} : memref<264x128xf32, #tpu.memory_space<vmem>>, vector<16xf32>,
      %get3A_476 = arith.index_cast %add3A_450 : i32 to index
      %get3A_477 = arith.constant 32 : index
      %get3A_478 = tpu.vector_load %arg5[%get3A_476, %get3A_477] {strides = array<i32>} : memref<320x128xf32, #tpu.memory_space<vmem>>, vector<16xf32>,
      %max3A_479 = arith.maximumf %get3A_475, %get3A_478 : vector<16xf32>
      %swap3A_480 = arith.index_cast %squeeze3A_452 : i32 to index
      %swap3A_481 = arith.constant 32 : index
      %swap3A_482 = tpu.vector_load %arg7[%swap3A_480, %swap3A_481] {strides = array<i32>} : memref<264x128xf32, #tpu.memory_space<vmem>>, vector<16xf32>,
      tpu.vector_store %arg7[%swap3A_480, %swap3A_481], %max3A_479 {strides = array<i32>} : memref<264x128xf32, #tpu.memory_space<vmem>>, vector<16xf32>,
      %get3A_483 = arith.index_cast %squeeze3A_452 : i32 to index
      %get3A_484 = arith.constant 48 : index
      %get3A_485 = tpu.vector_load %arg7[%get3A_483, %get3A_484] {strides = array<i32>} : memref<264x128xf32, #tpu.memory_space<vmem>>, vector<16xf32>,
      %get3A_486 = arith.index_cast %add3A_450 : i32 to index
      %get3A_487 = arith.constant 48 : index
      %get3A_488 = tpu.vector_load %arg5[%get3A_486, %get3A_487] {strides = array<i32>} : memref<320x128xf32, #tpu.memory_space<vmem>>, vector<16xf32>,
      %max3A_489 = arith.maximumf %get3A_485, %get3A_488 : vector<16xf32>
      %swap3A_490 = arith.index_cast %squeeze3A_452 : i32 to index
      %swap3A_491 = arith.constant 48 : index
      %swap3A_492 = tpu.vector_load %arg7[%swap3A_490, %swap3A_491] {strides = array<i32>} : memref<264x128xf32, #tpu.memory_space<vmem>>, vector<16xf32>,
      tpu.vector_store %arg7[%swap3A_490, %swap3A_491], %max3A_489 {strides = array<i32>} : memref<264x128xf32, #tpu.memory_space<vmem>>, vector<16xf32>,
      %get3A_493 = arith.index_cast %squeeze3A_452 : i32 to index
      %get3A_494 = arith.constant 64 : index
      %get3A_495 = tpu.vector_load %arg7[%get3A_493, %get3A_494] {strides = array<i32>} : memref<264x128xf32, #tpu.memory_space<vmem>>, vector<16xf32>,
      %get3A_496 = arith.index_cast %add3A_450 : i32 to index
      %get3A_497 = arith.constant 64 : index
      %get3A_498 = tpu.vector_load %arg5[%get3A_496, %get3A_497] {strides = array<i32>} : memref<320x128xf32, #tpu.memory_space<vmem>>, vector<16xf32>,
      %max3A_499 = arith.maximumf %get3A_495, %get3A_498 : vector<16xf32>
      %swap3A_500 = arith.index_cast %squeeze3A_452 : i32 to index
      %swap3A_501 = arith.constant 64 : index
      %swap3A_502 = tpu.vector_load %arg7[%swap3A_500, %swap3A_501] {strides = array<i32>} : memref<264x128xf32, #tpu.memory_space<vmem>>, vector<16xf32>,
      tpu.vector_store %arg7[%swap3A_500, %swap3A_501], %max3A_499 {strides = array<i32>} : memref<264x128xf32, #tpu.memory_space<vmem>>, vector<16xf32>,
      %get3A_503 = arith.index_cast %squeeze3A_452 : i32 to index
      %get3A_504 = arith.constant 80 : index
      %get3A_505 = tpu.vector_load %arg7[%get3A_503, %get3A_504] {strides = array<i32>} : memref<264x128xf32, #tpu.memory_space<vmem>>, vector<16xf32>,
      %get3A_506 = arith.index_cast %add3A_450 : i32 to index
      %get3A_507 = arith.constant 80 : index
      %get3A_508 = tpu.vector_load %arg5[%get3A_506, %get3A_507] {strides = array<i32>} : memref<320x128xf32, #tpu.memory_space<vmem>>, vector<16xf32>,
      %max3A_509 = arith.maximumf %get3A_505, %get3A_508 : vector<16xf32>
      %swap3A_510 = arith.index_cast %squeeze3A_452 : i32 to index
      %swap3A_511 = arith.constant 80 : index
      %swap3A_512 = tpu.vector_load %arg7[%swap3A_510, %swap3A_511] {strides = array<i32>} : memref<264x128xf32, #tpu.memory_space<vmem>>, vector<16xf32>,
      tpu.vector_store %arg7[%swap3A_510, %swap3A_511], %max3A_509 {strides = array<i32>} : memref<264x128xf32, #tpu.memory_space<vmem>>, vector<16xf32>,
      %get3A_513 = arith.index_cast %squeeze3A_452 : i32 to index
      %get3A_514 = arith.constant 96 : index
      %get3A_515 = tpu.vector_load %arg7[%get3A_513, %get3A_514] {strides = array<i32>} : memref<264x128xf32, #tpu.memory_space<vmem>>, vector<16xf32>,
      %get3A_516 = arith.index_cast %add3A_450 : i32 to index
      %get3A_517 = arith.constant 96 : index
      %get3A_518 = tpu.vector_load %arg5[%get3A_516, %get3A_517] {strides = array<i32>} : memref<320x128xf32, #tpu.memory_space<vmem>>, vector<16xf32>,
      %max3A_519 = arith.maximumf %get3A_515, %get3A_518 : vector<16xf32>
      %swap3A_520 = arith.index_cast %squeeze3A_452 : i32 to index
      %swap3A_521 = arith.constant 96 : index
      %swap3A_522 = tpu.vector_load %arg7[%swap3A_520, %swap3A_521] {strides = array<i32>} : memref<264x128xf32, #tpu.memory_space<vmem>>, vector<16xf32>,
      tpu.vector_store %arg7[%swap3A_520, %swap3A_521], %max3A_519 {strides = array<i32>} : memref<264x128xf32, #tpu.memory_space<vmem>>, vector<16xf32>,
      %get3A_523 = arith.index_cast %squeeze3A_452 : i32 to index
      %get3A_524 = arith.constant 112 : index
      %get3A_525 = tpu.vector_load %arg7[%get3A_523, %get3A_524] {strides = array<i32>} : memref<264x128xf32, #tpu.memory_space<vmem>>, vector<16xf32>,
      %get3A_526 = arith.index_cast %add3A_450 : i32 to index
      %get3A_527 = arith.constant 112 : index
      %get3A_528 = tpu.vector_load %arg5[%get3A_526, %get3A_527] {strides = array<i32>} : memref<320x128xf32, #tpu.memory_space<vmem>>, vector<16xf32>,
      %max3A_529 = arith.maximumf %get3A_525, %get3A_528 : vector<16xf32>
      %swap3A_530 = arith.index_cast %squeeze3A_452 : i32 to index
      %swap3A_531 = arith.constant 112 : index
      %swap3A_532 = tpu.vector_load %arg7[%swap3A_530, %swap3A_531] {strides = array<i32>} : memref<264x128xf32, #tpu.memory_space<vmem>>, vector<16xf32>,
      tpu.vector_store %arg7[%swap3A_530, %swap3A_531], %max3A_529 {strides = array<i32>} : memref<264x128xf32, #tpu.memory_space<vmem>>, vector<16xf32>,
      %mul3A_533 = arith.constant 16 : i32
      %mul3A_534 = arith.muli %add3A_17, %mul3A_533 : i32
      %add3A_535 = arith.constant 6 : i32
      %add3A_536 = arith.addi %mul3A_534, %add3A_535 : i32
      %slice3A_537 = vector.extract_strided_slice %get3A_20 {offsets = [6], sizes = [1], strides = [1]} : vector<16xi32> to vector<1xi32>
      %squeeze3A_538 = vector.extract %slice3A_537[0] : i32 from vector<1xi32>
      %get3A_539 = arith.index_cast %squeeze3A_538 : i32 to index
      %get3A_540 = arith.constant 0 : index
      %get3A_541 = tpu.vector_load %arg7[%get3A_539, %get3A_540] {strides = array<i32>} : memref<264x128xf32, #tpu.memory_space<vmem>>, vector<16xf32>,
      %get3A_542 = arith.index_cast %add3A_536 : i32 to index
      %get3A_543 = arith.constant 0 : index
      %get3A_544 = tpu.vector_load %arg5[%get3A_542, %get3A_543] {strides = array<i32>} : memref<320x128xf32, #tpu.memory_space<vmem>>, vector<16xf32>,
      %max3A_545 = arith.maximumf %get3A_541, %get3A_544 : vector<16xf32>
      %swap3A_546 = arith.index_cast %squeeze3A_538 : i32 to index
      %swap3A_547 = arith.constant 0 : index
      %swap3A_548 = tpu.vector_load %arg7[%swap3A_546, %swap3A_547] {strides = array<i32>} : memref<264x128xf32, #tpu.memory_space<vmem>>, vector<16xf32>,
      tpu.vector_store %arg7[%swap3A_546, %swap3A_547], %max3A_545 {strides = array<i32>} : memref<264x128xf32, #tpu.memory_space<vmem>>, vector<16xf32>,
      %get3A_549 = arith.index_cast %squeeze3A_538 : i32 to index
      %get3A_550 = arith.constant 16 : index
      %get3A_551 = tpu.vector_load %arg7[%get3A_549, %get3A_550] {strides = array<i32>} : memref<264x128xf32, #tpu.memory_space<vmem>>, vector<16xf32>,
      %get3A_552 = arith.index_cast %add3A_536 : i32 to index
      %get3A_553 = arith.constant 16 : index
      %get3A_554 = tpu.vector_load %arg5[%get3A_552, %get3A_553] {strides = array<i32>} : memref<320x128xf32, #tpu.memory_space<vmem>>, vector<16xf32>,
      %max3A_555 = arith.maximumf %get3A_551, %get3A_554 : vector<16xf32>
      %swap3A_556 = arith.index_cast %squeeze3A_538 : i32 to index
      %swap3A_557 = arith.constant 16 : index
      %swap3A_558 = tpu.vector_load %arg7[%swap3A_556, %swap3A_557] {strides = array<i32>} : memref<264x128xf32, #tpu.memory_space<vmem>>, vector<16xf32>,
      tpu.vector_store %arg7[%swap3A_556, %swap3A_557], %max3A_555 {strides = array<i32>} : memref<264x128xf32, #tpu.memory_space<vmem>>, vector<16xf32>,
      %get3A_559 = arith.index_cast %squeeze3A_538 : i32 to index
      %get3A_560 = arith.constant 32 : index
      %get3A_561 = tpu.vector_load %arg7[%get3A_559, %get3A_560] {strides = array<i32>} : memref<264x128xf32, #tpu.memory_space<vmem>>, vector<16xf32>,
      %get3A_562 = arith.index_cast %add3A_536 : i32 to index
      %get3A_563 = arith.constant 32 : index
      %get3A_564 = tpu.vector_load %arg5[%get3A_562, %get3A_563] {strides = array<i32>} : memref<320x128xf32, #tpu.memory_space<vmem>>, vector<16xf32>,
      %max3A_565 = arith.maximumf %get3A_561, %get3A_564 : vector<16xf32>
      %swap3A_566 = arith.index_cast %squeeze3A_538 : i32 to index
      %swap3A_567 = arith.constant 32 : index
      %swap3A_568 = tpu.vector_load %arg7[%swap3A_566, %swap3A_567] {strides = array<i32>} : memref<264x128xf32, #tpu.memory_space<vmem>>, vector<16xf32>,
      tpu.vector_store %arg7[%swap3A_566, %swap3A_567], %max3A_565 {strides = array<i32>} : memref<264x128xf32, #tpu.memory_space<vmem>>, vector<16xf32>,
      %get3A_569 = arith.index_cast %squeeze3A_538 : i32 to index
      %get3A_570 = arith.constant 48 : index
      %get3A_571 = tpu.vector_load %arg7[%get3A_569, %get3A_570] {strides = array<i32>} : memref<264x128xf32, #tpu.memory_space<vmem>>, vector<16xf32>,
      %get3A_572 = arith.index_cast %add3A_536 : i32 to index
      %get3A_573 = arith.constant 48 : index
      %get3A_574 = tpu.vector_load %arg5[%get3A_572, %get3A_573] {strides = array<i32>} : memref<320x128xf32, #tpu.memory_space<vmem>>, vector<16xf32>,
      %max3A_575 = arith.maximumf %get3A_571, %get3A_574 : vector<16xf32>
      %swap3A_576 = arith.index_cast %squeeze3A_538 : i32 to index
      %swap3A_577 = arith.constant 48 : index
      %swap3A_578 = tpu.vector_load %arg7[%swap3A_576, %swap3A_577] {strides = array<i32>} : memref<264x128xf32, #tpu.memory_space<vmem>>, vector<16xf32>,
      tpu.vector_store %arg7[%swap3A_576, %swap3A_577], %max3A_575 {strides = array<i32>} : memref<264x128xf32, #tpu.memory_space<vmem>>, vector<16xf32>,
      %get3A_579 = arith.index_cast %squeeze3A_538 : i32 to index
      %get3A_580 = arith.constant 64 : index
      %get3A_581 = tpu.vector_load %arg7[%get3A_579, %get3A_580] {strides = array<i32>} : memref<264x128xf32, #tpu.memory_space<vmem>>, vector<16xf32>,
      %get3A_582 = arith.index_cast %add3A_536 : i32 to index
      %get3A_583 = arith.constant 64 : index
      %get3A_584 = tpu.vector_load %arg5[%get3A_582, %get3A_583] {strides = array<i32>} : memref<320x128xf32, #tpu.memory_space<vmem>>, vector<16xf32>,
      %max3A_585 = arith.maximumf %get3A_581, %get3A_584 : vector<16xf32>
      %swap3A_586 = arith.index_cast %squeeze3A_538 : i32 to index
      %swap3A_587 = arith.constant 64 : index
      %swap3A_588 = tpu.vector_load %arg7[%swap3A_586, %swap3A_587] {strides = array<i32>} : memref<264x128xf32, #tpu.memory_space<vmem>>, vector<16xf32>,
      tpu.vector_store %arg7[%swap3A_586, %swap3A_587], %max3A_585 {strides = array<i32>} : memref<264x128xf32, #tpu.memory_space<vmem>>, vector<16xf32>,
      %get3A_589 = arith.index_cast %squeeze3A_538 : i32 to index
      %get3A_590 = arith.constant 80 : index
      %get3A_591 = tpu.vector_load %arg7[%get3A_589, %get3A_590] {strides = array<i32>} : memref<264x128xf32, #tpu.memory_space<vmem>>, vector<16xf32>,
      %get3A_592 = arith.index_cast %add3A_536 : i32 to index
      %get3A_593 = arith.constant 80 : index
      %get3A_594 = tpu.vector_load %arg5[%get3A_592, %get3A_593] {strides = array<i32>} : memref<320x128xf32, #tpu.memory_space<vmem>>, vector<16xf32>,
      %max3A_595 = arith.maximumf %get3A_591, %get3A_594 : vector<16xf32>
      %swap3A_596 = arith.index_cast %squeeze3A_538 : i32 to index
      %swap3A_597 = arith.constant 80 : index
      %swap3A_598 = tpu.vector_load %arg7[%swap3A_596, %swap3A_597] {strides = array<i32>} : memref<264x128xf32, #tpu.memory_space<vmem>>, vector<16xf32>,
      tpu.vector_store %arg7[%swap3A_596, %swap3A_597], %max3A_595 {strides = array<i32>} : memref<264x128xf32, #tpu.memory_space<vmem>>, vector<16xf32>,
      %get3A_599 = arith.index_cast %squeeze3A_538 : i32 to index
      %get3A_600 = arith.constant 96 : index
      %get3A_601 = tpu.vector_load %arg7[%get3A_599, %get3A_600] {strides = array<i32>} : memref<264x128xf32, #tpu.memory_space<vmem>>, vector<16xf32>,
      %get3A_602 = arith.index_cast %add3A_536 : i32 to index
      %get3A_603 = arith.constant 96 : index
      %get3A_604 = tpu.vector_load %arg5[%get3A_602, %get3A_603] {strides = array<i32>} : memref<320x128xf32, #tpu.memory_space<vmem>>, vector<16xf32>,
      %max3A_605 = arith.maximumf %get3A_601, %get3A_604 : vector<16xf32>
      %swap3A_606 = arith.index_cast %squeeze3A_538 : i32 to index
      %swap3A_607 = arith.constant 96 : index
      %swap3A_608 = tpu.vector_load %arg7[%swap3A_606, %swap3A_607] {strides = array<i32>} : memref<264x128xf32, #tpu.memory_space<vmem>>, vector<16xf32>,
      tpu.vector_store %arg7[%swap3A_606, %swap3A_607], %max3A_605 {strides = array<i32>} : memref<264x128xf32, #tpu.memory_space<vmem>>, vector<16xf32>,
      %get3A_609 = arith.index_cast %squeeze3A_538 : i32 to index
      %get3A_610 = arith.constant 112 : index
      %get3A_611 = tpu.vector_load %arg7[%get3A_609, %get3A_610] {strides = array<i32>} : memref<264x128xf32, #tpu.memory_space<vmem>>, vector<16xf32>,
      %get3A_612 = arith.index_cast %add3A_536 : i32 to index
      %get3A_613 = arith.constant 112 : index
      %get3A_614 = tpu.vector_load %arg5[%get3A_612, %get3A_613] {strides = array<i32>} : memref<320x128xf32, #tpu.memory_space<vmem>>, vector<16xf32>,
      %max3A_615 = arith.maximumf %get3A_611, %get3A_614 : vector<16xf32>
      %swap3A_616 = arith.index_cast %squeeze3A_538 : i32 to index
      %swap3A_617 = arith.constant 112 : index
      %swap3A_618 = tpu.vector_load %arg7[%swap3A_616, %swap3A_617] {strides = array<i32>} : memref<264x128xf32, #tpu.memory_space<vmem>>, vector<16xf32>,
      tpu.vector_store %arg7[%swap3A_616, %swap3A_617], %max3A_615 {strides = array<i32>} : memref<264x128xf32, #tpu.memory_space<vmem>>, vector<16xf32>,
      %mul3A_619 = arith.constant 16 : i32
      %mul3A_620 = arith.muli %add3A_17, %mul3A_619 : i32
      %add3A_621 = arith.constant 7 : i32
      %add3A_622 = arith.addi %mul3A_620, %add3A_621 : i32
      %slice3A_623 = vector.extract_strided_slice %get3A_20 {offsets = [7], sizes = [1], strides = [1]} : vector<16xi32> to vector<1xi32>
      %squeeze3A_624 = vector.extract %slice3A_623[0] : i32 from vector<1xi32>
      %get3A_625 = arith.index_cast %squeeze3A_624 : i32 to index
      %get3A_626 = arith.constant 0 : index
      %get3A_627 = tpu.vector_load %arg7[%get3A_625, %get3A_626] {strides = array<i32>} : memref<264x128xf32, #tpu.memory_space<vmem>>, vector<16xf32>,
      %get3A_628 = arith.index_cast %add3A_622 : i32 to index
      %get3A_629 = arith.constant 0 : index
      %get3A_630 = tpu.vector_load %arg5[%get3A_628, %get3A_629] {strides = array<i32>} : memref<320x128xf32, #tpu.memory_space<vmem>>, vector<16xf32>,
      %max3A_631 = arith.maximumf %get3A_627, %get3A_630 : vector<16xf32>
      %swap3A_632 = arith.index_cast %squeeze3A_624 : i32 to index
      %swap3A_633 = arith.constant 0 : index
      %swap3A_634 = tpu.vector_load %arg7[%swap3A_632, %swap3A_633] {strides = array<i32>} : memref<264x128xf32, #tpu.memory_space<vmem>>, vector<16xf32>,
      tpu.vector_store %arg7[%swap3A_632, %swap3A_633], %max3A_631 {strides = array<i32>} : memref<264x128xf32, #tpu.memory_space<vmem>>, vector<16xf32>,
      %get3A_635 = arith.index_cast %squeeze3A_624 : i32 to index
      %get3A_636 = arith.constant 16 : index
      %get3A_637 = tpu.vector_load %arg7[%get3A_635, %get3A_636] {strides = array<i32>} : memref<264x128xf32, #tpu.memory_space<vmem>>, vector<16xf32>,
      %get3A_638 = arith.index_cast %add3A_622 : i32 to index
      %get3A_639 = arith.constant 16 : index
      %get3A_640 = tpu.vector_load %arg5[%get3A_638, %get3A_639] {strides = array<i32>} : memref<320x128xf32, #tpu.memory_space<vmem>>, vector<16xf32>,
      %max3A_641 = arith.maximumf %get3A_637, %get3A_640 : vector<16xf32>
      %swap3A_642 = arith.index_cast %squeeze3A_624 : i32 to index
      %swap3A_643 = arith.constant 16 : index
      %swap3A_644 = tpu.vector_load %arg7[%swap3A_642, %swap3A_643] {strides = array<i32>} : memref<264x128xf32, #tpu.memory_space<vmem>>, vector<16xf32>,
      tpu.vector_store %arg7[%swap3A_642, %swap3A_643], %max3A_641 {strides = array<i32>} : memref<264x128xf32, #tpu.memory_space<vmem>>, vector<16xf32>,
      %get3A_645 = arith.index_cast %squeeze3A_624 : i32 to index
      %get3A_646 = arith.constant 32 : index
      %get3A_647 = tpu.vector_load %arg7[%get3A_645, %get3A_646] {strides = array<i32>} : memref<264x128xf32, #tpu.memory_space<vmem>>, vector<16xf32>,
      %get3A_648 = arith.index_cast %add3A_622 : i32 to index
      %get3A_649 = arith.constant 32 : index
      %get3A_650 = tpu.vector_load %arg5[%get3A_648, %get3A_649] {strides = array<i32>} : memref<320x128xf32, #tpu.memory_space<vmem>>, vector<16xf32>,
      %max3A_651 = arith.maximumf %get3A_647, %get3A_650 : vector<16xf32>
      %swap3A_652 = arith.index_cast %squeeze3A_624 : i32 to index
      %swap3A_653 = arith.constant 32 : index
      %swap3A_654 = tpu.vector_load %arg7[%swap3A_652, %swap3A_653] {strides = array<i32>} : memref<264x128xf32, #tpu.memory_space<vmem>>, vector<16xf32>,
      tpu.vector_store %arg7[%swap3A_652, %swap3A_653], %max3A_651 {strides = array<i32>} : memref<264x128xf32, #tpu.memory_space<vmem>>, vector<16xf32>,
      %get3A_655 = arith.index_cast %squeeze3A_624 : i32 to index
      %get3A_656 = arith.constant 48 : index
      %get3A_657 = tpu.vector_load %arg7[%get3A_655, %get3A_656] {strides = array<i32>} : memref<264x128xf32, #tpu.memory_space<vmem>>, vector<16xf32>,
      %get3A_658 = arith.index_cast %add3A_622 : i32 to index
      %get3A_659 = arith.constant 48 : index
      %get3A_660 = tpu.vector_load %arg5[%get3A_658, %get3A_659] {strides = array<i32>} : memref<320x128xf32, #tpu.memory_space<vmem>>, vector<16xf32>,
      %max3A_661 = arith.maximumf %get3A_657, %get3A_660 : vector<16xf32>
      %swap3A_662 = arith.index_cast %squeeze3A_624 : i32 to index
      %swap3A_663 = arith.constant 48 : index
      %swap3A_664 = tpu.vector_load %arg7[%swap3A_662, %swap3A_663] {strides = array<i32>} : memref<264x128xf32, #tpu.memory_space<vmem>>, vector<16xf32>,
      tpu.vector_store %arg7[%swap3A_662, %swap3A_663], %max3A_661 {strides = array<i32>} : memref<264x128xf32, #tpu.memory_space<vmem>>, vector<16xf32>,
      %get3A_665 = arith.index_cast %squeeze3A_624 : i32 to index
      %get3A_666 = arith.constant 64 : index
      %get3A_667 = tpu.vector_load %arg7[%get3A_665, %get3A_666] {strides = array<i32>} : memref<264x128xf32, #tpu.memory_space<vmem>>, vector<16xf32>,
      %get3A_668 = arith.index_cast %add3A_622 : i32 to index
      %get3A_669 = arith.constant 64 : index
      %get3A_670 = tpu.vector_load %arg5[%get3A_668, %get3A_669] {strides = array<i32>} : memref<320x128xf32, #tpu.memory_space<vmem>>, vector<16xf32>,
      %max3A_671 = arith.maximumf %get3A_667, %get3A_670 : vector<16xf32>
      %swap3A_672 = arith.index_cast %squeeze3A_624 : i32 to index
      %swap3A_673 = arith.constant 64 : index
      %swap3A_674 = tpu.vector_load %arg7[%swap3A_672, %swap3A_673] {strides = array<i32>} : memref<264x128xf32, #tpu.memory_space<vmem>>, vector<16xf32>,
      tpu.vector_store %arg7[%swap3A_672, %swap3A_673], %max3A_671 {strides = array<i32>} : memref<264x128xf32, #tpu.memory_space<vmem>>, vector<16xf32>,
      %get3A_675 = arith.index_cast %squeeze3A_624 : i32 to index
      %get3A_676 = arith.constant 80 : index
      %get3A_677 = tpu.vector_load %arg7[%get3A_675, %get3A_676] {strides = array<i32>} : memref<264x128xf32, #tpu.memory_space<vmem>>, vector<16xf32>,
      %get3A_678 = arith.index_cast %add3A_622 : i32 to index
      %get3A_679 = arith.constant 80 : index
      %get3A_680 = tpu.vector_load %arg5[%get3A_678, %get3A_679] {strides = array<i32>} : memref<320x128xf32, #tpu.memory_space<vmem>>, vector<16xf32>,
      %max3A_681 = arith.maximumf %get3A_677, %get3A_680 : vector<16xf32>
      %swap3A_682 = arith.index_cast %squeeze3A_624 : i32 to index
      %swap3A_683 = arith.constant 80 : index
      %swap3A_684 = tpu.vector_load %arg7[%swap3A_682, %swap3A_683] {strides = array<i32>} : memref<264x128xf32, #tpu.memory_space<vmem>>, vector<16xf32>,
      tpu.vector_store %arg7[%swap3A_682, %swap3A_683], %max3A_681 {strides = array<i32>} : memref<264x128xf32, #tpu.memory_space<vmem>>, vector<16xf32>,
      %get3A_685 = arith.index_cast %squeeze3A_624 : i32 to index
      %get3A_686 = arith.constant 96 : index
      %get3A_687 = tpu.vector_load %arg7[%get3A_685, %get3A_686] {strides = array<i32>} : memref<264x128xf32, #tpu.memory_space<vmem>>, vector<16xf32>,
      %get3A_688 = arith.index_cast %add3A_622 : i32 to index
      %get3A_689 = arith.constant 96 : index
      %get3A_690 = tpu.vector_load %arg5[%get3A_688, %get3A_689] {strides = array<i32>} : memref<320x128xf32, #tpu.memory_space<vmem>>, vector<16xf32>,
      %max3A_691 = arith.maximumf %get3A_687, %get3A_690 : vector<16xf32>
      %swap3A_692 = arith.index_cast %squeeze3A_624 : i32 to index
      %swap3A_693 = arith.constant 96 : index
      %swap3A_694 = tpu.vector_load %arg7[%swap3A_692, %swap3A_693] {strides = array<i32>} : memref<264x128xf32, #tpu.memory_space<vmem>>, vector<16xf32>,
      tpu.vector_store %arg7[%swap3A_692, %swap3A_693], %max3A_691 {strides = array<i32>} : memref<264x128xf32, #tpu.memory_space<vmem>>, vector<16xf32>,
      %get3A_695 = arith.index_cast %squeeze3A_624 : i32 to index
      %get3A_696 = arith.constant 112 : index
      %get3A_697 = tpu.vector_load %arg7[%get3A_695, %get3A_696] {strides = array<i32>} : memref<264x128xf32, #tpu.memory_space<vmem>>, vector<16xf32>,
      %get3A_698 = arith.index_cast %add3A_622 : i32 to index
      %get3A_699 = arith.constant 112 : index
      %get3A_700 = tpu.vector_load %arg5[%get3A_698, %get3A_699] {strides = array<i32>} : memref<320x128xf32, #tpu.memory_space<vmem>>, vector<16xf32>,
      %max3A_701 = arith.maximumf %get3A_697, %get3A_700 : vector<16xf32>
      %swap3A_702 = arith.index_cast %squeeze3A_624 : i32 to index
      %swap3A_703 = arith.constant 112 : index
      %swap3A_704 = tpu.vector_load %arg7[%swap3A_702, %swap3A_703] {strides = array<i32>} : memref<264x128xf32, #tpu.memory_space<vmem>>, vector<16xf32>,
      tpu.vector_store %arg7[%swap3A_702, %swap3A_703], %max3A_701 {strides = array<i32>} : memref<264x128xf32, #tpu.memory_space<vmem>>, vector<16xf32>,
      %mul3A_705 = arith.constant 16 : i32
      %mul3A_706 = arith.muli %add3A_17, %mul3A_705 : i32
      %add3A_707 = arith.constant 8 : i32
      %add3A_708 = arith.addi %mul3A_706, %add3A_707 : i32
      %slice3A_709 = vector.extract_strided_slice %get3A_20 {offsets = [8], sizes = [1], strides = [1]} : vector<16xi32> to vector<1xi32>
      %squeeze3A_710 = vector.extract %slice3A_709[0] : i32 from vector<1xi32>
      %get3A_711 = arith.index_cast %squeeze3A_710 : i32 to index
      %get3A_712 = arith.constant 0 : index
      %get3A_713 = tpu.vector_load %arg7[%get3A_711, %get3A_712] {strides = array<i32>} : memref<264x128xf32, #tpu.memory_space<vmem>>, vector<16xf32>,
      %get3A_714 = arith.index_cast %add3A_708 : i32 to index
      %get3A_715 = arith.constant 0 : index
      %get3A_716 = tpu.vector_load %arg5[%get3A_714, %get3A_715] {strides = array<i32>} : memref<320x128xf32, #tpu.memory_space<vmem>>, vector<16xf32>,
      %max3A_717 = arith.maximumf %get3A_713, %get3A_716 : vector<16xf32>
      %swap3A_718 = arith.index_cast %squeeze3A_710 : i32 to index
      %swap3A_719 = arith.constant 0 : index
      %swap3A_720 = tpu.vector_load %arg7[%swap3A_718, %swap3A_719] {strides = array<i32>} : memref<264x128xf32, #tpu.memory_space<vmem>>, vector<16xf32>,
      tpu.vector_store %arg7[%swap3A_718, %swap3A_719], %max3A_717 {strides = array<i32>} : memref<264x128xf32, #tpu.memory_space<vmem>>, vector<16xf32>,
      %get3A_721 = arith.index_cast %squeeze3A_710 : i32 to index
      %get3A_722 = arith.constant 16 : index
      %get3A_723 = tpu.vector_load %arg7[%get3A_721, %get3A_722] {strides = array<i32>} : memref<264x128xf32, #tpu.memory_space<vmem>>, vector<16xf32>,
      %get3A_724 = arith.index_cast %add3A_708 : i32 to index
      %get3A_725 = arith.constant 16 : index
      %get3A_726 = tpu.vector_load %arg5[%get3A_724, %get3A_725] {strides = array<i32>} : memref<320x128xf32, #tpu.memory_space<vmem>>, vector<16xf32>,
      %max3A_727 = arith.maximumf %get3A_723, %get3A_726 : vector<16xf32>
      %swap3A_728 = arith.index_cast %squeeze3A_710 : i32 to index
      %swap3A_729 = arith.constant 16 : index
      %swap3A_730 = tpu.vector_load %arg7[%swap3A_728, %swap3A_729] {strides = array<i32>} : memref<264x128xf32, #tpu.memory_space<vmem>>, vector<16xf32>,
      tpu.vector_store %arg7[%swap3A_728, %swap3A_729], %max3A_727 {strides = array<i32>} : memref<264x128xf32, #tpu.memory_space<vmem>>, vector<16xf32>,
      %get3A_731 = arith.index_cast %squeeze3A_710 : i32 to index
      %get3A_732 = arith.constant 32 : index
      %get3A_733 = tpu.vector_load %arg7[%get3A_731, %get3A_732] {strides = array<i32>} : memref<264x128xf32, #tpu.memory_space<vmem>>, vector<16xf32>,
      %get3A_734 = arith.index_cast %add3A_708 : i32 to index
      %get3A_735 = arith.constant 32 : index
      %get3A_736 = tpu.vector_load %arg5[%get3A_734, %get3A_735] {strides = array<i32>} : memref<320x128xf32, #tpu.memory_space<vmem>>, vector<16xf32>,
      %max3A_737 = arith.maximumf %get3A_733, %get3A_736 : vector<16xf32>
      %swap3A_738 = arith.index_cast %squeeze3A_710 : i32 to index
      %swap3A_739 = arith.constant 32 : index
      %swap3A_740 = tpu.vector_load %arg7[%swap3A_738, %swap3A_739] {strides = array<i32>} : memref<264x128xf32, #tpu.memory_space<vmem>>, vector<16xf32>,
      tpu.vector_store %arg7[%swap3A_738, %swap3A_739], %max3A_737 {strides = array<i32>} : memref<264x128xf32, #tpu.memory_space<vmem>>, vector<16xf32>,
      %get3A_741 = arith.index_cast %squeeze3A_710 : i32 to index
      %get3A_742 = arith.constant 48 : index
      %get3A_743 = tpu.vector_load %arg7[%get3A_741, %get3A_742] {strides = array<i32>} : memref<264x128xf32, #tpu.memory_space<vmem>>, vector<16xf32>,
      %get3A_744 = arith.index_cast %add3A_708 : i32 to index
      %get3A_745 = arith.constant 48 : index
      %get3A_746 = tpu.vector_load %arg5[%get3A_744, %get3A_745] {strides = array<i32>} : memref<320x128xf32, #tpu.memory_space<vmem>>, vector<16xf32>,
      %max3A_747 = arith.maximumf %get3A_743, %get3A_746 : vector<16xf32>
      %swap3A_748 = arith.index_cast %squeeze3A_710 : i32 to index
      %swap3A_749 = arith.constant 48 : index
      %swap3A_750 = tpu.vector_load %arg7[%swap3A_748, %swap3A_749] {strides = array<i32>} : memref<264x128xf32, #tpu.memory_space<vmem>>, vector<16xf32>,
      tpu.vector_store %arg7[%swap3A_748, %swap3A_749], %max3A_747 {strides = array<i32>} : memref<264x128xf32, #tpu.memory_space<vmem>>, vector<16xf32>,
      %get3A_751 = arith.index_cast %squeeze3A_710 : i32 to index
      %get3A_752 = arith.constant 64 : index
      %get3A_753 = tpu.vector_load %arg7[%get3A_751, %get3A_752] {strides = array<i32>} : memref<264x128xf32, #tpu.memory_space<vmem>>, vector<16xf32>,
      %get3A_754 = arith.index_cast %add3A_708 : i32 to index
      %get3A_755 = arith.constant 64 : index
      %get3A_756 = tpu.vector_load %arg5[%get3A_754, %get3A_755] {strides = array<i32>} : memref<320x128xf32, #tpu.memory_space<vmem>>, vector<16xf32>,
      %max3A_757 = arith.maximumf %get3A_753, %get3A_756 : vector<16xf32>
      %swap3A_758 = arith.index_cast %squeeze3A_710 : i32 to index
      %swap3A_759 = arith.constant 64 : index
      %swap3A_760 = tpu.vector_load %arg7[%swap3A_758, %swap3A_759] {strides = array<i32>} : memref<264x128xf32, #tpu.memory_space<vmem>>, vector<16xf32>,
      tpu.vector_store %arg7[%swap3A_758, %swap3A_759], %max3A_757 {strides = array<i32>} : memref<264x128xf32, #tpu.memory_space<vmem>>, vector<16xf32>,
      %get3A_761 = arith.index_cast %squeeze3A_710 : i32 to index
      %get3A_762 = arith.constant 80 : index
      %get3A_763 = tpu.vector_load %arg7[%get3A_761, %get3A_762] {strides = array<i32>} : memref<264x128xf32, #tpu.memory_space<vmem>>, vector<16xf32>,
      %get3A_764 = arith.index_cast %add3A_708 : i32 to index
      %get3A_765 = arith.constant 80 : index
      %get3A_766 = tpu.vector_load %arg5[%get3A_764, %get3A_765] {strides = array<i32>} : memref<320x128xf32, #tpu.memory_space<vmem>>, vector<16xf32>,
      %max3A_767 = arith.maximumf %get3A_763, %get3A_766 : vector<16xf32>
      %swap3A_768 = arith.index_cast %squeeze3A_710 : i32 to index
      %swap3A_769 = arith.constant 80 : index
      %swap3A_770 = tpu.vector_load %arg7[%swap3A_768, %swap3A_769] {strides = array<i32>} : memref<264x128xf32, #tpu.memory_space<vmem>>, vector<16xf32>,
      tpu.vector_store %arg7[%swap3A_768, %swap3A_769], %max3A_767 {strides = array<i32>} : memref<264x128xf32, #tpu.memory_space<vmem>>, vector<16xf32>,
      %get3A_771 = arith.index_cast %squeeze3A_710 : i32 to index
      %get3A_772 = arith.constant 96 : index
      %get3A_773 = tpu.vector_load %arg7[%get3A_771, %get3A_772] {strides = array<i32>} : memref<264x128xf32, #tpu.memory_space<vmem>>, vector<16xf32>,
      %get3A_774 = arith.index_cast %add3A_708 : i32 to index
      %get3A_775 = arith.constant 96 : index
      %get3A_776 = tpu.vector_load %arg5[%get3A_774, %get3A_775] {strides = array<i32>} : memref<320x128xf32, #tpu.memory_space<vmem>>, vector<16xf32>,
      %max3A_777 = arith.maximumf %get3A_773, %get3A_776 : vector<16xf32>
      %swap3A_778 = arith.index_cast %squeeze3A_710 : i32 to index
      %swap3A_779 = arith.constant 96 : index
      %swap3A_780 = tpu.vector_load %arg7[%swap3A_778, %swap3A_779] {strides = array<i32>} : memref<264x128xf32, #tpu.memory_space<vmem>>, vector<16xf32>,
      tpu.vector_store %arg7[%swap3A_778, %swap3A_779], %max3A_777 {strides = array<i32>} : memref<264x128xf32, #tpu.memory_space<vmem>>, vector<16xf32>,
      %get3A_781 = arith.index_cast %squeeze3A_710 : i32 to index
      %get3A_782 = arith.constant 112 : index
      %get3A_783 = tpu.vector_load %arg7[%get3A_781, %get3A_782] {strides = array<i32>} : memref<264x128xf32, #tpu.memory_space<vmem>>, vector<16xf32>,
      %get3A_784 = arith.index_cast %add3A_708 : i32 to index
      %get3A_785 = arith.constant 112 : index
      %get3A_786 = tpu.vector_load %arg5[%get3A_784, %get3A_785] {strides = array<i32>} : memref<320x128xf32, #tpu.memory_space<vmem>>, vector<16xf32>,
      %max3A_787 = arith.maximumf %get3A_783, %get3A_786 : vector<16xf32>
      %swap3A_788 = arith.index_cast %squeeze3A_710 : i32 to index
      %swap3A_789 = arith.constant 112 : index
      %swap3A_790 = tpu.vector_load %arg7[%swap3A_788, %swap3A_789] {strides = array<i32>} : memref<264x128xf32, #tpu.memory_space<vmem>>, vector<16xf32>,
      tpu.vector_store %arg7[%swap3A_788, %swap3A_789], %max3A_787 {strides = array<i32>} : memref<264x128xf32, #tpu.memory_space<vmem>>, vector<16xf32>,
      %mul3A_791 = arith.constant 16 : i32
      %mul3A_792 = arith.muli %add3A_17, %mul3A_791 : i32
      %add3A_793 = arith.constant 9 : i32
      %add3A_794 = arith.addi %mul3A_792, %add3A_793 : i32
      %slice3A_795 = vector.extract_strided_slice %get3A_20 {offsets = [9], sizes = [1], strides = [1]} : vector<16xi32> to vector<1xi32>
      %squeeze3A_796 = vector.extract %slice3A_795[0] : i32 from vector<1xi32>
      %get3A_797 = arith.index_cast %squeeze3A_796 : i32 to index
      %get3A_798 = arith.constant 0 : index
      %get3A_799 = tpu.vector_load %arg7[%get3A_797, %get3A_798] {strides = array<i32>} : memref<264x128xf32, #tpu.memory_space<vmem>>, vector<16xf32>,
      %get3A_800 = arith.index_cast %add3A_794 : i32 to index
      %get3A_801 = arith.constant 0 : index
      %get3A_802 = tpu.vector_load %arg5[%get3A_800, %get3A_801] {strides = array<i32>} : memref<320x128xf32, #tpu.memory_space<vmem>>, vector<16xf32>,
      %max3A_803 = arith.maximumf %get3A_799, %get3A_802 : vector<16xf32>
      %swap3A_804 = arith.index_cast %squeeze3A_796 : i32 to index
      %swap3A_805 = arith.constant 0 : index
      %swap3A_806 = tpu.vector_load %arg7[%swap3A_804, %swap3A_805] {strides = array<i32>} : memref<264x128xf32, #tpu.memory_space<vmem>>, vector<16xf32>,
      tpu.vector_store %arg7[%swap3A_804, %swap3A_805], %max3A_803 {strides = array<i32>} : memref<264x128xf32, #tpu.memory_space<vmem>>, vector<16xf32>,
      %get3A_807 = arith.index_cast %squeeze3A_796 : i32 to index
      %get3A_808 = arith.constant 16 : index
      %get3A_809 = tpu.vector_load %arg7[%get3A_807, %get3A_808] {strides = array<i32>} : memref<264x128xf32, #tpu.memory_space<vmem>>, vector<16xf32>,
      %get3A_810 = arith.index_cast %add3A_794 : i32 to index
      %get3A_811 = arith.constant 16 : index
      %get3A_812 = tpu.vector_load %arg5[%get3A_810, %get3A_811] {strides = array<i32>} : memref<320x128xf32, #tpu.memory_space<vmem>>, vector<16xf32>,
      %max3A_813 = arith.maximumf %get3A_809, %get3A_812 : vector<16xf32>
      %swap3A_814 = arith.index_cast %squeeze3A_796 : i32 to index
      %swap3A_815 = arith.constant 16 : index
      %swap3A_816 = tpu.vector_load %arg7[%swap3A_814, %swap3A_815] {strides = array<i32>} : memref<264x128xf32, #tpu.memory_space<vmem>>, vector<16xf32>,
      tpu.vector_store %arg7[%swap3A_814, %swap3A_815], %max3A_813 {strides = array<i32>} : memref<264x128xf32, #tpu.memory_space<vmem>>, vector<16xf32>,
      %get3A_817 = arith.index_cast %squeeze3A_796 : i32 to index
      %get3A_818 = arith.constant 32 : index
      %get3A_819 = tpu.vector_load %arg7[%get3A_817, %get3A_818] {strides = array<i32>} : memref<264x128xf32, #tpu.memory_space<vmem>>, vector<16xf32>,
      %get3A_820 = arith.index_cast %add3A_794 : i32 to index
      %get3A_821 = arith.constant 32 : index
      %get3A_822 = tpu.vector_load %arg5[%get3A_820, %get3A_821] {strides = array<i32>} : memref<320x128xf32, #tpu.memory_space<vmem>>, vector<16xf32>,
      %max3A_823 = arith.maximumf %get3A_819, %get3A_822 : vector<16xf32>
      %swap3A_824 = arith.index_cast %squeeze3A_796 : i32 to index
      %swap3A_825 = arith.constant 32 : index
      %swap3A_826 = tpu.vector_load %arg7[%swap3A_824, %swap3A_825] {strides = array<i32>} : memref<264x128xf32, #tpu.memory_space<vmem>>, vector<16xf32>,
      tpu.vector_store %arg7[%swap3A_824, %swap3A_825], %max3A_823 {strides = array<i32>} : memref<264x128xf32, #tpu.memory_space<vmem>>, vector<16xf32>,
      %get3A_827 = arith.index_cast %squeeze3A_796 : i32 to index
      %get3A_828 = arith.constant 48 : index
      %get3A_829 = tpu.vector_load %arg7[%get3A_827, %get3A_828] {strides = array<i32>} : memref<264x128xf32, #tpu.memory_space<vmem>>, vector<16xf32>,
      %get3A_830 = arith.index_cast %add3A_794 : i32 to index
      %get3A_831 = arith.constant 48 : index
      %get3A_832 = tpu.vector_load %arg5[%get3A_830, %get3A_831] {strides = array<i32>} : memref<320x128xf32, #tpu.memory_space<vmem>>, vector<16xf32>,
      %max3A_833 = arith.maximumf %get3A_829, %get3A_832 : vector<16xf32>
      %swap3A_834 = arith.index_cast %squeeze3A_796 : i32 to index
      %swap3A_835 = arith.constant 48 : index
      %swap3A_836 = tpu.vector_load %arg7[%swap3A_834, %swap3A_835] {strides = array<i32>} : memref<264x128xf32, #tpu.memory_space<vmem>>, vector<16xf32>,
      tpu.vector_store %arg7[%swap3A_834, %swap3A_835], %max3A_833 {strides = array<i32>} : memref<264x128xf32, #tpu.memory_space<vmem>>, vector<16xf32>,
      %get3A_837 = arith.index_cast %squeeze3A_796 : i32 to index
      %get3A_838 = arith.constant 64 : index
      %get3A_839 = tpu.vector_load %arg7[%get3A_837, %get3A_838] {strides = array<i32>} : memref<264x128xf32, #tpu.memory_space<vmem>>, vector<16xf32>,
      %get3A_840 = arith.index_cast %add3A_794 : i32 to index
      %get3A_841 = arith.constant 64 : index
      %get3A_842 = tpu.vector_load %arg5[%get3A_840, %get3A_841] {strides = array<i32>} : memref<320x128xf32, #tpu.memory_space<vmem>>, vector<16xf32>,
      %max3A_843 = arith.maximumf %get3A_839, %get3A_842 : vector<16xf32>
      %swap3A_844 = arith.index_cast %squeeze3A_796 : i32 to index
      %swap3A_845 = arith.constant 64 : index
      %swap3A_846 = tpu.vector_load %arg7[%swap3A_844, %swap3A_845] {strides = array<i32>} : memref<264x128xf32, #tpu.memory_space<vmem>>, vector<16xf32>,
      tpu.vector_store %arg7[%swap3A_844, %swap3A_845], %max3A_843 {strides = array<i32>} : memref<264x128xf32, #tpu.memory_space<vmem>>, vector<16xf32>,
      %get3A_847 = arith.index_cast %squeeze3A_796 : i32 to index
      %get3A_848 = arith.constant 80 : index
      %get3A_849 = tpu.vector_load %arg7[%get3A_847, %get3A_848] {strides = array<i32>} : memref<264x128xf32, #tpu.memory_space<vmem>>, vector<16xf32>,
      %get3A_850 = arith.index_cast %add3A_794 : i32 to index
      %get3A_851 = arith.constant 80 : index
      %get3A_852 = tpu.vector_load %arg5[%get3A_850, %get3A_851] {strides = array<i32>} : memref<320x128xf32, #tpu.memory_space<vmem>>, vector<16xf32>,
      %max3A_853 = arith.maximumf %get3A_849, %get3A_852 : vector<16xf32>
      %swap3A_854 = arith.index_cast %squeeze3A_796 : i32 to index
      %swap3A_855 = arith.constant 80 : index
      %swap3A_856 = tpu.vector_load %arg7[%swap3A_854, %swap3A_855] {strides = array<i32>} : memref<264x128xf32, #tpu.memory_space<vmem>>, vector<16xf32>,
      tpu.vector_store %arg7[%swap3A_854, %swap3A_855], %max3A_853 {strides = array<i32>} : memref<264x128xf32, #tpu.memory_space<vmem>>, vector<16xf32>,
      %get3A_857 = arith.index_cast %squeeze3A_796 : i32 to index
      %get3A_858 = arith.constant 96 : index
      %get3A_859 = tpu.vector_load %arg7[%get3A_857, %get3A_858] {strides = array<i32>} : memref<264x128xf32, #tpu.memory_space<vmem>>, vector<16xf32>,
      %get3A_860 = arith.index_cast %add3A_794 : i32 to index
      %get3A_861 = arith.constant 96 : index
      %get3A_862 = tpu.vector_load %arg5[%get3A_860, %get3A_861] {strides = array<i32>} : memref<320x128xf32, #tpu.memory_space<vmem>>, vector<16xf32>,
      %max3A_863 = arith.maximumf %get3A_859, %get3A_862 : vector<16xf32>
      %swap3A_864 = arith.index_cast %squeeze3A_796 : i32 to index
      %swap3A_865 = arith.constant 96 : index
      %swap3A_866 = tpu.vector_load %arg7[%swap3A_864, %swap3A_865] {strides = array<i32>} : memref<264x128xf32, #tpu.memory_space<vmem>>, vector<16xf32>,
      tpu.vector_store %arg7[%swap3A_864, %swap3A_865], %max3A_863 {strides = array<i32>} : memref<264x128xf32, #tpu.memory_space<vmem>>, vector<16xf32>,
      %get3A_867 = arith.index_cast %squeeze3A_796 : i32 to index
      %get3A_868 = arith.constant 112 : index
      %get3A_869 = tpu.vector_load %arg7[%get3A_867, %get3A_868] {strides = array<i32>} : memref<264x128xf32, #tpu.memory_space<vmem>>, vector<16xf32>,
      %get3A_870 = arith.index_cast %add3A_794 : i32 to index
      %get3A_871 = arith.constant 112 : index
      %get3A_872 = tpu.vector_load %arg5[%get3A_870, %get3A_871] {strides = array<i32>} : memref<320x128xf32, #tpu.memory_space<vmem>>, vector<16xf32>,
      %max3A_873 = arith.maximumf %get3A_869, %get3A_872 : vector<16xf32>
      %swap3A_874 = arith.index_cast %squeeze3A_796 : i32 to index
      %swap3A_875 = arith.constant 112 : index
      %swap3A_876 = tpu.vector_load %arg7[%swap3A_874, %swap3A_875] {strides = array<i32>} : memref<264x128xf32, #tpu.memory_space<vmem>>, vector<16xf32>,
      tpu.vector_store %arg7[%swap3A_874, %swap3A_875], %max3A_873 {strides = array<i32>} : memref<264x128xf32, #tpu.memory_space<vmem>>, vector<16xf32>,
      %mul3A_877 = arith.constant 16 : i32
      %mul3A_878 = arith.muli %add3A_17, %mul3A_877 : i32
      %add3A_879 = arith.constant 10 : i32
      %add3A_880 = arith.addi %mul3A_878, %add3A_879 : i32
      %slice3A_881 = vector.extract_strided_slice %get3A_20 {offsets = [10], sizes = [1], strides = [1]} : vector<16xi32> to vector<1xi32>
      %squeeze3A_882 = vector.extract %slice3A_881[0] : i32 from vector<1xi32>
      %get3A_883 = arith.index_cast %squeeze3A_882 : i32 to index
      %get3A_884 = arith.constant 0 : index
      %get3A_885 = tpu.vector_load %arg7[%get3A_883, %get3A_884] {strides = array<i32>} : memref<264x128xf32, #tpu.memory_space<vmem>>, vector<16xf32>,
      %get3A_886 = arith.index_cast %add3A_880 : i32 to index
      %get3A_887 = arith.constant 0 : index
      %get3A_888 = tpu.vector_load %arg5[%get3A_886, %get3A_887] {strides = array<i32>} : memref<320x128xf32, #tpu.memory_space<vmem>>, vector<16xf32>,
      %max3A_889 = arith.maximumf %get3A_885, %get3A_888 : vector<16xf32>
      %swap3A_890 = arith.index_cast %squeeze3A_882 : i32 to index
      %swap3A_891 = arith.constant 0 : index
      %swap3A_892 = tpu.vector_load %arg7[%swap3A_890, %swap3A_891] {strides = array<i32>} : memref<264x128xf32, #tpu.memory_space<vmem>>, vector<16xf32>,
      tpu.vector_store %arg7[%swap3A_890, %swap3A_891], %max3A_889 {strides = array<i32>} : memref<264x128xf32, #tpu.memory_space<vmem>>, vector<16xf32>,
      %get3A_893 = arith.index_cast %squeeze3A_882 : i32 to index
      %get3A_894 = arith.constant 16 : index
      %get3A_895 = tpu.vector_load %arg7[%get3A_893, %get3A_894] {strides = array<i32>} : memref<264x128xf32, #tpu.memory_space<vmem>>, vector<16xf32>,
      %get3A_896 = arith.index_cast %add3A_880 : i32 to index
      %get3A_897 = arith.constant 16 : index
      %get3A_898 = tpu.vector_load %arg5[%get3A_896, %get3A_897] {strides = array<i32>} : memref<320x128xf32, #tpu.memory_space<vmem>>, vector<16xf32>,
      %max3A_899 = arith.maximumf %get3A_895, %get3A_898 : vector<16xf32>
      %swap3A_900 = arith.index_cast %squeeze3A_882 : i32 to index
      %swap3A_901 = arith.constant 16 : index
      %swap3A_902 = tpu.vector_load %arg7[%swap3A_900, %swap3A_901] {strides = array<i32>} : memref<264x128xf32, #tpu.memory_space<vmem>>, vector<16xf32>,
      tpu.vector_store %arg7[%swap3A_900, %swap3A_901], %max3A_899 {strides = array<i32>} : memref<264x128xf32, #tpu.memory_space<vmem>>, vector<16xf32>,
      %get3A_903 = arith.index_cast %squeeze3A_882 : i32 to index
      %get3A_904 = arith.constant 32 : index
      %get3A_905 = tpu.vector_load %arg7[%get3A_903, %get3A_904] {strides = array<i32>} : memref<264x128xf32, #tpu.memory_space<vmem>>, vector<16xf32>,
      %get3A_906 = arith.index_cast %add3A_880 : i32 to index
      %get3A_907 = arith.constant 32 : index
      %get3A_908 = tpu.vector_load %arg5[%get3A_906, %get3A_907] {strides = array<i32>} : memref<320x128xf32, #tpu.memory_space<vmem>>, vector<16xf32>,
      %max3A_909 = arith.maximumf %get3A_905, %get3A_908 : vector<16xf32>
      %swap3A_910 = arith.index_cast %squeeze3A_882 : i32 to index
      %swap3A_911 = arith.constant 32 : index
      %swap3A_912 = tpu.vector_load %arg7[%swap3A_910, %swap3A_911] {strides = array<i32>} : memref<264x128xf32, #tpu.memory_space<vmem>>, vector<16xf32>,
      tpu.vector_store %arg7[%swap3A_910, %swap3A_911], %max3A_909 {strides = array<i32>} : memref<264x128xf32, #tpu.memory_space<vmem>>, vector<16xf32>,
      %get3A_913 = arith.index_cast %squeeze3A_882 : i32 to index
      %get3A_914 = arith.constant 48 : index
      %get3A_915 = tpu.vector_load %arg7[%get3A_913, %get3A_914] {strides = array<i32>} : memref<264x128xf32, #tpu.memory_space<vmem>>, vector<16xf32>,
      %get3A_916 = arith.index_cast %add3A_880 : i32 to index
      %get3A_917 = arith.constant 48 : index
      %get3A_918 = tpu.vector_load %arg5[%get3A_916, %get3A_917] {strides = array<i32>} : memref<320x128xf32, #tpu.memory_space<vmem>>, vector<16xf32>,
      %max3A_919 = arith.maximumf %get3A_915, %get3A_918 : vector<16xf32>
      %swap3A_920 = arith.index_cast %squeeze3A_882 : i32 to index
      %swap3A_921 = arith.constant 48 : index
      %swap3A_922 = tpu.vector_load %arg7[%swap3A_920, %swap3A_921] {strides = array<i32>} : memref<264x128xf32, #tpu.memory_space<vmem>>, vector<16xf32>,
      tpu.vector_store %arg7[%swap3A_920, %swap3A_921], %max3A_919 {strides = array<i32>} : memref<264x128xf32, #tpu.memory_space<vmem>>, vector<16xf32>,
      %get3A_923 = arith.index_cast %squeeze3A_882 : i32 to index
      %get3A_924 = arith.constant 64 : index
      %get3A_925 = tpu.vector_load %arg7[%get3A_923, %get3A_924] {strides = array<i32>} : memref<264x128xf32, #tpu.memory_space<vmem>>, vector<16xf32>,
      %get3A_926 = arith.index_cast %add3A_880 : i32 to index
      %get3A_927 = arith.constant 64 : index
      %get3A_928 = tpu.vector_load %arg5[%get3A_926, %get3A_927] {strides = array<i32>} : memref<320x128xf32, #tpu.memory_space<vmem>>, vector<16xf32>,
      %max3A_929 = arith.maximumf %get3A_925, %get3A_928 : vector<16xf32>
      %swap3A_930 = arith.index_cast %squeeze3A_882 : i32 to index
      %swap3A_931 = arith.constant 64 : index
      %swap3A_932 = tpu.vector_load %arg7[%swap3A_930, %swap3A_931] {strides = array<i32>} : memref<264x128xf32, #tpu.memory_space<vmem>>, vector<16xf32>,
      tpu.vector_store %arg7[%swap3A_930, %swap3A_931], %max3A_929 {strides = array<i32>} : memref<264x128xf32, #tpu.memory_space<vmem>>, vector<16xf32>,
      %get3A_933 = arith.index_cast %squeeze3A_882 : i32 to index
      %get3A_934 = arith.constant 80 : index
      %get3A_935 = tpu.vector_load %arg7[%get3A_933, %get3A_934] {strides = array<i32>} : memref<264x128xf32, #tpu.memory_space<vmem>>, vector<16xf32>,
      %get3A_936 = arith.index_cast %add3A_880 : i32 to index
      %get3A_937 = arith.constant 80 : index
      %get3A_938 = tpu.vector_load %arg5[%get3A_936, %get3A_937] {strides = array<i32>} : memref<320x128xf32, #tpu.memory_space<vmem>>, vector<16xf32>,
      %max3A_939 = arith.maximumf %get3A_935, %get3A_938 : vector<16xf32>
      %swap3A_940 = arith.index_cast %squeeze3A_882 : i32 to index
      %swap3A_941 = arith.constant 80 : index
      %swap3A_942 = tpu.vector_load %arg7[%swap3A_940, %swap3A_941] {strides = array<i32>} : memref<264x128xf32, #tpu.memory_space<vmem>>, vector<16xf32>,
      tpu.vector_store %arg7[%swap3A_940, %swap3A_941], %max3A_939 {strides = array<i32>} : memref<264x128xf32, #tpu.memory_space<vmem>>, vector<16xf32>,
      %get3A_943 = arith.index_cast %squeeze3A_882 : i32 to index
      %get3A_944 = arith.constant 96 : index
      %get3A_945 = tpu.vector_load %arg7[%get3A_943, %get3A_944] {strides = array<i32>} : memref<264x128xf32, #tpu.memory_space<vmem>>, vector<16xf32>,
      %get3A_946 = arith.index_cast %add3A_880 : i32 to index
      %get3A_947 = arith.constant 96 : index
      %get3A_948 = tpu.vector_load %arg5[%get3A_946, %get3A_947] {strides = array<i32>} : memref<320x128xf32, #tpu.memory_space<vmem>>, vector<16xf32>,
      %max3A_949 = arith.maximumf %get3A_945, %get3A_948 : vector<16xf32>
      %swap3A_950 = arith.index_cast %squeeze3A_882 : i32 to index
      %swap3A_951 = arith.constant 96 : index
      %swap3A_952 = tpu.vector_load %arg7[%swap3A_950, %swap3A_951] {strides = array<i32>} : memref<264x128xf32, #tpu.memory_space<vmem>>, vector<16xf32>,
      tpu.vector_store %arg7[%swap3A_950, %swap3A_951], %max3A_949 {strides = array<i32>} : memref<264x128xf32, #tpu.memory_space<vmem>>, vector<16xf32>,
      %get3A_953 = arith.index_cast %squeeze3A_882 : i32 to index
      %get3A_954 = arith.constant 112 : index
      %get3A_955 = tpu.vector_load %arg7[%get3A_953, %get3A_954] {strides = array<i32>} : memref<264x128xf32, #tpu.memory_space<vmem>>, vector<16xf32>,
      %get3A_956 = arith.index_cast %add3A_880 : i32 to index
      %get3A_957 = arith.constant 112 : index
      %get3A_958 = tpu.vector_load %arg5[%get3A_956, %get3A_957] {strides = array<i32>} : memref<320x128xf32, #tpu.memory_space<vmem>>, vector<16xf32>,
      %max3A_959 = arith.maximumf %get3A_955, %get3A_958 : vector<16xf32>
      %swap3A_960 = arith.index_cast %squeeze3A_882 : i32 to index
      %swap3A_961 = arith.constant 112 : index
      %swap3A_962 = tpu.vector_load %arg7[%swap3A_960, %swap3A_961] {strides = array<i32>} : memref<264x128xf32, #tpu.memory_space<vmem>>, vector<16xf32>,
      tpu.vector_store %arg7[%swap3A_960, %swap3A_961], %max3A_959 {strides = array<i32>} : memref<264x128xf32, #tpu.memory_space<vmem>>, vector<16xf32>,
      %mul3A_963 = arith.constant 16 : i32
      %mul3A_964 = arith.muli %add3A_17, %mul3A_963 : i32
      %add3A_965 = arith.constant 11 : i32
      %add3A_966 = arith.addi %mul3A_964, %add3A_965 : i32
      %slice3A_967 = vector.extract_strided_slice %get3A_20 {offsets = [11], sizes = [1], strides = [1]} : vector<16xi32> to vector<1xi32>
      %squeeze3A_968 = vector.extract %slice3A_967[0] : i32 from vector<1xi32>
      %get3A_969 = arith.index_cast %squeeze3A_968 : i32 to index
      %get3A_970 = arith.constant 0 : index
      %get3A_971 = tpu.vector_load %arg7[%get3A_969, %get3A_970] {strides = array<i32>} : memref<264x128xf32, #tpu.memory_space<vmem>>, vector<16xf32>,
      %get3A_972 = arith.index_cast %add3A_966 : i32 to index
      %get3A_973 = arith.constant 0 : index
      %get3A_974 = tpu.vector_load %arg5[%get3A_972, %get3A_973] {strides = array<i32>} : memref<320x128xf32, #tpu.memory_space<vmem>>, vector<16xf32>,
      %max3A_975 = arith.maximumf %get3A_971, %get3A_974 : vector<16xf32>
      %swap3A_976 = arith.index_cast %squeeze3A_968 : i32 to index
      %swap3A_977 = arith.constant 0 : index
      %swap3A_978 = tpu.vector_load %arg7[%swap3A_976, %swap3A_977] {strides = array<i32>} : memref<264x128xf32, #tpu.memory_space<vmem>>, vector<16xf32>,
      tpu.vector_store %arg7[%swap3A_976, %swap3A_977], %max3A_975 {strides = array<i32>} : memref<264x128xf32, #tpu.memory_space<vmem>>, vector<16xf32>,
      %get3A_979 = arith.index_cast %squeeze3A_968 : i32 to index
      %get3A_980 = arith.constant 16 : index
      %get3A_981 = tpu.vector_load %arg7[%get3A_979, %get3A_980] {strides = array<i32>} : memref<264x128xf32, #tpu.memory_space<vmem>>, vector<16xf32>,
      %get3A_982 = arith.index_cast %add3A_966 : i32 to index
      %get3A_983 = arith.constant 16 : index
      %get3A_984 = tpu.vector_load %arg5[%get3A_982, %get3A_983] {strides = array<i32>} : memref<320x128xf32, #tpu.memory_space<vmem>>, vector<16xf32>,
      %max3A_985 = arith.maximumf %get3A_981, %get3A_984 : vector<16xf32>
      %swap3A_986 = arith.index_cast %squeeze3A_968 : i32 to index
      %swap3A_987 = arith.constant 16 : index
      %swap3A_988 = tpu.vector_load %arg7[%swap3A_986, %swap3A_987] {strides = array<i32>} : memref<264x128xf32, #tpu.memory_space<vmem>>, vector<16xf32>,
      tpu.vector_store %arg7[%swap3A_986, %swap3A_987], %max3A_985 {strides = array<i32>} : memref<264x128xf32, #tpu.memory_space<vmem>>, vector<16xf32>,
      %get3A_989 = arith.index_cast %squeeze3A_968 : i32 to index
      %get3A_990 = arith.constant 32 : index
      %get3A_991 = tpu.vector_load %arg7[%get3A_989, %get3A_990] {strides = array<i32>} : memref<264x128xf32, #tpu.memory_space<vmem>>, vector<16xf32>,
      %get3A_992 = arith.index_cast %add3A_966 : i32 to index
      %get3A_993 = arith.constant 32 : index
      %get3A_994 = tpu.vector_load %arg5[%get3A_992, %get3A_993] {strides = array<i32>} : memref<320x128xf32, #tpu.memory_space<vmem>>, vector<16xf32>,
      %max3A_995 = arith.maximumf %get3A_991, %get3A_994 : vector<16xf32>
      %swap3A_996 = arith.index_cast %squeeze3A_968 : i32 to index
      %swap3A_997 = arith.constant 32 : index
      %swap3A_998 = tpu.vector_load %arg7[%swap3A_996, %swap3A_997] {strides = array<i32>} : memref<264x128xf32, #tpu.memory_space<vmem>>, vector<16xf32>,
      tpu.vector_store %arg7[%swap3A_996, %swap3A_997], %max3A_995 {strides = array<i32>} : memref<264x128xf32, #tpu.memory_space<vmem>>, vector<16xf32>,
      %get3A_999 = arith.index_cast %squeeze3A_968 : i32 to index
      %get3A_1000 = arith.constant 48 : index
      %get3A_1001 = tpu.vector_load %arg7[%get3A_999, %get3A_1000] {strides = array<i32>} : memref<264x128xf32, #tpu.memory_space<vmem>>, vector<16xf32>,
      %get3A_1002 = arith.index_cast %add3A_966 : i32 to index
      %get3A_1003 = arith.constant 48 : index
      %get3A_1004 = tpu.vector_load %arg5[%get3A_1002, %get3A_1003] {strides = array<i32>} : memref<320x128xf32, #tpu.memory_space<vmem>>, vector<16xf32>,
      %max3A_1005 = arith.maximumf %get3A_1001, %get3A_1004 : vector<16xf32>
      %swap3A_1006 = arith.index_cast %squeeze3A_968 : i32 to index
      %swap3A_1007 = arith.constant 48 : index
      %swap3A_1008 = tpu.vector_load %arg7[%swap3A_1006, %swap3A_1007] {strides = array<i32>} : memref<264x128xf32, #tpu.memory_space<vmem>>, vector<16xf32>,
      tpu.vector_store %arg7[%swap3A_1006, %swap3A_1007], %max3A_1005 {strides = array<i32>} : memref<264x128xf32, #tpu.memory_space<vmem>>, vector<16xf32>,
      %get3A_1009 = arith.index_cast %squeeze3A_968 : i32 to index
      %get3A_1010 = arith.constant 64 : index
      %get3A_1011 = tpu.vector_load %arg7[%get3A_1009, %get3A_1010] {strides = array<i32>} : memref<264x128xf32, #tpu.memory_space<vmem>>, vector<16xf32>,
      %get3A_1012 = arith.index_cast %add3A_966 : i32 to index
      %get3A_1013 = arith.constant 64 : index
      %get3A_1014 = tpu.vector_load %arg5[%get3A_1012, %get3A_1013] {strides = array<i32>} : memref<320x128xf32, #tpu.memory_space<vmem>>, vector<16xf32>,
      %max3A_1015 = arith.maximumf %get3A_1011, %get3A_1014 : vector<16xf32>
      %swap3A_1016 = arith.index_cast %squeeze3A_968 : i32 to index
      %swap3A_1017 = arith.constant 64 : index
      %swap3A_1018 = tpu.vector_load %arg7[%swap3A_1016, %swap3A_1017] {strides = array<i32>} : memref<264x128xf32, #tpu.memory_space<vmem>>, vector<16xf32>,
      tpu.vector_store %arg7[%swap3A_1016, %swap3A_1017], %max3A_1015 {strides = array<i32>} : memref<264x128xf32, #tpu.memory_space<vmem>>, vector<16xf32>,
      %get3A_1019 = arith.index_cast %squeeze3A_968 : i32 to index
      %get3A_1020 = arith.constant 80 : index
      %get3A_1021 = tpu.vector_load %arg7[%get3A_1019, %get3A_1020] {strides = array<i32>} : memref<264x128xf32, #tpu.memory_space<vmem>>, vector<16xf32>,
      %get3A_1022 = arith.index_cast %add3A_966 : i32 to index
      %get3A_1023 = arith.constant 80 : index
      %get3A_1024 = tpu.vector_load %arg5[%get3A_1022, %get3A_1023] {strides = array<i32>} : memref<320x128xf32, #tpu.memory_space<vmem>>, vector<16xf32>,
      %max3A_1025 = arith.maximumf %get3A_1021, %get3A_1024 : vector<16xf32>
      %swap3A_1026 = arith.index_cast %squeeze3A_968 : i32 to index
      %swap3A_1027 = arith.constant 80 : index
      %swap3A_1028 = tpu.vector_load %arg7[%swap3A_1026, %swap3A_1027] {strides = array<i32>} : memref<264x128xf32, #tpu.memory_space<vmem>>, vector<16xf32>,
      tpu.vector_store %arg7[%swap3A_1026, %swap3A_1027], %max3A_1025 {strides = array<i32>} : memref<264x128xf32, #tpu.memory_space<vmem>>, vector<16xf32>,
      %get3A_1029 = arith.index_cast %squeeze3A_968 : i32 to index
      %get3A_1030 = arith.constant 96 : index
      %get3A_1031 = tpu.vector_load %arg7[%get3A_1029, %get3A_1030] {strides = array<i32>} : memref<264x128xf32, #tpu.memory_space<vmem>>, vector<16xf32>,
      %get3A_1032 = arith.index_cast %add3A_966 : i32 to index
      %get3A_1033 = arith.constant 96 : index
      %get3A_1034 = tpu.vector_load %arg5[%get3A_1032, %get3A_1033] {strides = array<i32>} : memref<320x128xf32, #tpu.memory_space<vmem>>, vector<16xf32>,
      %max3A_1035 = arith.maximumf %get3A_1031, %get3A_1034 : vector<16xf32>
      %swap3A_1036 = arith.index_cast %squeeze3A_968 : i32 to index
      %swap3A_1037 = arith.constant 96 : index
      %swap3A_1038 = tpu.vector_load %arg7[%swap3A_1036, %swap3A_1037] {strides = array<i32>} : memref<264x128xf32, #tpu.memory_space<vmem>>, vector<16xf32>,
      tpu.vector_store %arg7[%swap3A_1036, %swap3A_1037], %max3A_1035 {strides = array<i32>} : memref<264x128xf32, #tpu.memory_space<vmem>>, vector<16xf32>,
      %get3A_1039 = arith.index_cast %squeeze3A_968 : i32 to index
      %get3A_1040 = arith.constant 112 : index
      %get3A_1041 = tpu.vector_load %arg7[%get3A_1039, %get3A_1040] {strides = array<i32>} : memref<264x128xf32, #tpu.memory_space<vmem>>, vector<16xf32>,
      %get3A_1042 = arith.index_cast %add3A_966 : i32 to index
      %get3A_1043 = arith.constant 112 : index
      %get3A_1044 = tpu.vector_load %arg5[%get3A_1042, %get3A_1043] {strides = array<i32>} : memref<320x128xf32, #tpu.memory_space<vmem>>, vector<16xf32>,
      %max3A_1045 = arith.maximumf %get3A_1041, %get3A_1044 : vector<16xf32>
      %swap3A_1046 = arith.index_cast %squeeze3A_968 : i32 to index
      %swap3A_1047 = arith.constant 112 : index
      %swap3A_1048 = tpu.vector_load %arg7[%swap3A_1046, %swap3A_1047] {strides = array<i32>} : memref<264x128xf32, #tpu.memory_space<vmem>>, vector<16xf32>,
      tpu.vector_store %arg7[%swap3A_1046, %swap3A_1047], %max3A_1045 {strides = array<i32>} : memref<264x128xf32, #tpu.memory_space<vmem>>, vector<16xf32>,
      %mul3A_1049 = arith.constant 16 : i32
      %mul3A_1050 = arith.muli %add3A_17, %mul3A_1049 : i32
      %add3A_1051 = arith.constant 12 : i32
      %add3A_1052 = arith.addi %mul3A_1050, %add3A_1051 : i32
      %slice3A_1053 = vector.extract_strided_slice %get3A_20 {offsets = [12], sizes = [1], strides = [1]} : vector<16xi32> to vector<1xi32>
      %squeeze3A_1054 = vector.extract %slice3A_1053[0] : i32 from vector<1xi32>
      %get3A_1055 = arith.index_cast %squeeze3A_1054 : i32 to index
      %get3A_1056 = arith.constant 0 : index
      %get3A_1057 = tpu.vector_load %arg7[%get3A_1055, %get3A_1056] {strides = array<i32>} : memref<264x128xf32, #tpu.memory_space<vmem>>, vector<16xf32>,
      %get3A_1058 = arith.index_cast %add3A_1052 : i32 to index
      %get3A_1059 = arith.constant 0 : index
      %get3A_1060 = tpu.vector_load %arg5[%get3A_1058, %get3A_1059] {strides = array<i32>} : memref<320x128xf32, #tpu.memory_space<vmem>>, vector<16xf32>,
      %max3A_1061 = arith.maximumf %get3A_1057, %get3A_1060 : vector<16xf32>
      %swap3A_1062 = arith.index_cast %squeeze3A_1054 : i32 to index
      %swap3A_1063 = arith.constant 0 : index
      %swap3A_1064 = tpu.vector_load %arg7[%swap3A_1062, %swap3A_1063] {strides = array<i32>} : memref<264x128xf32, #tpu.memory_space<vmem>>, vector<16xf32>,
      tpu.vector_store %arg7[%swap3A_1062, %swap3A_1063], %max3A_1061 {strides = array<i32>} : memref<264x128xf32, #tpu.memory_space<vmem>>, vector<16xf32>,
      %get3A_1065 = arith.index_cast %squeeze3A_1054 : i32 to index
      %get3A_1066 = arith.constant 16 : index
      %get3A_1067 = tpu.vector_load %arg7[%get3A_1065, %get3A_1066] {strides = array<i32>} : memref<264x128xf32, #tpu.memory_space<vmem>>, vector<16xf32>,
      %get3A_1068 = arith.index_cast %add3A_1052 : i32 to index
      %get3A_1069 = arith.constant 16 : index
      %get3A_1070 = tpu.vector_load %arg5[%get3A_1068, %get3A_1069] {strides = array<i32>} : memref<320x128xf32, #tpu.memory_space<vmem>>, vector<16xf32>,
      %max3A_1071 = arith.maximumf %get3A_1067, %get3A_1070 : vector<16xf32>
      %swap3A_1072 = arith.index_cast %squeeze3A_1054 : i32 to index
      %swap3A_1073 = arith.constant 16 : index
      %swap3A_1074 = tpu.vector_load %arg7[%swap3A_1072, %swap3A_1073] {strides = array<i32>} : memref<264x128xf32, #tpu.memory_space<vmem>>, vector<16xf32>,
      tpu.vector_store %arg7[%swap3A_1072, %swap3A_1073], %max3A_1071 {strides = array<i32>} : memref<264x128xf32, #tpu.memory_space<vmem>>, vector<16xf32>,
      %get3A_1075 = arith.index_cast %squeeze3A_1054 : i32 to index
      %get3A_1076 = arith.constant 32 : index
      %get3A_1077 = tpu.vector_load %arg7[%get3A_1075, %get3A_1076] {strides = array<i32>} : memref<264x128xf32, #tpu.memory_space<vmem>>, vector<16xf32>,
      %get3A_1078 = arith.index_cast %add3A_1052 : i32 to index
      %get3A_1079 = arith.constant 32 : index
      %get3A_1080 = tpu.vector_load %arg5[%get3A_1078, %get3A_1079] {strides = array<i32>} : memref<320x128xf32, #tpu.memory_space<vmem>>, vector<16xf32>,
      %max3A_1081 = arith.maximumf %get3A_1077, %get3A_1080 : vector<16xf32>
      %swap3A_1082 = arith.index_cast %squeeze3A_1054 : i32 to index
      %swap3A_1083 = arith.constant 32 : index
      %swap3A_1084 = tpu.vector_load %arg7[%swap3A_1082, %swap3A_1083] {strides = array<i32>} : memref<264x128xf32, #tpu.memory_space<vmem>>, vector<16xf32>,
      tpu.vector_store %arg7[%swap3A_1082, %swap3A_1083], %max3A_1081 {strides = array<i32>} : memref<264x128xf32, #tpu.memory_space<vmem>>, vector<16xf32>,
      %get3A_1085 = arith.index_cast %squeeze3A_1054 : i32 to index
      %get3A_1086 = arith.constant 48 : index
      %get3A_1087 = tpu.vector_load %arg7[%get3A_1085, %get3A_1086] {strides = array<i32>} : memref<264x128xf32, #tpu.memory_space<vmem>>, vector<16xf32>,
      %get3A_1088 = arith.index_cast %add3A_1052 : i32 to index
      %get3A_1089 = arith.constant 48 : index
      %get3A_1090 = tpu.vector_load %arg5[%get3A_1088, %get3A_1089] {strides = array<i32>} : memref<320x128xf32, #tpu.memory_space<vmem>>, vector<16xf32>,
      %max3A_1091 = arith.maximumf %get3A_1087, %get3A_1090 : vector<16xf32>
      %swap3A_1092 = arith.index_cast %squeeze3A_1054 : i32 to index
      %swap3A_1093 = arith.constant 48 : index
      %swap3A_1094 = tpu.vector_load %arg7[%swap3A_1092, %swap3A_1093] {strides = array<i32>} : memref<264x128xf32, #tpu.memory_space<vmem>>, vector<16xf32>,
      tpu.vector_store %arg7[%swap3A_1092, %swap3A_1093], %max3A_1091 {strides = array<i32>} : memref<264x128xf32, #tpu.memory_space<vmem>>, vector<16xf32>,
      %get3A_1095 = arith.index_cast %squeeze3A_1054 : i32 to index
      %get3A_1096 = arith.constant 64 : index
      %get3A_1097 = tpu.vector_load %arg7[%get3A_1095, %get3A_1096] {strides = array<i32>} : memref<264x128xf32, #tpu.memory_space<vmem>>, vector<16xf32>,
      %get3A_1098 = arith.index_cast %add3A_1052 : i32 to index
      %get3A_1099 = arith.constant 64 : index
      %get3A_1100 = tpu.vector_load %arg5[%get3A_1098, %get3A_1099] {strides = array<i32>} : memref<320x128xf32, #tpu.memory_space<vmem>>, vector<16xf32>,
      %max3A_1101 = arith.maximumf %get3A_1097, %get3A_1100 : vector<16xf32>
      %swap3A_1102 = arith.index_cast %squeeze3A_1054 : i32 to index
      %swap3A_1103 = arith.constant 64 : index
      %swap3A_1104 = tpu.vector_load %arg7[%swap3A_1102, %swap3A_1103] {strides = array<i32>} : memref<264x128xf32, #tpu.memory_space<vmem>>, vector<16xf32>,
      tpu.vector_store %arg7[%swap3A_1102, %swap3A_1103], %max3A_1101 {strides = array<i32>} : memref<264x128xf32, #tpu.memory_space<vmem>>, vector<16xf32>,
      %get3A_1105 = arith.index_cast %squeeze3A_1054 : i32 to index
      %get3A_1106 = arith.constant 80 : index
      %get3A_1107 = tpu.vector_load %arg7[%get3A_1105, %get3A_1106] {strides = array<i32>} : memref<264x128xf32, #tpu.memory_space<vmem>>, vector<16xf32>,
      %get3A_1108 = arith.index_cast %add3A_1052 : i32 to index
      %get3A_1109 = arith.constant 80 : index
      %get3A_1110 = tpu.vector_load %arg5[%get3A_1108, %get3A_1109] {strides = array<i32>} : memref<320x128xf32, #tpu.memory_space<vmem>>, vector<16xf32>,
      %max3A_1111 = arith.maximumf %get3A_1107, %get3A_1110 : vector<16xf32>
      %swap3A_1112 = arith.index_cast %squeeze3A_1054 : i32 to index
      %swap3A_1113 = arith.constant 80 : index
      %swap3A_1114 = tpu.vector_load %arg7[%swap3A_1112, %swap3A_1113] {strides = array<i32>} : memref<264x128xf32, #tpu.memory_space<vmem>>, vector<16xf32>,
      tpu.vector_store %arg7[%swap3A_1112, %swap3A_1113], %max3A_1111 {strides = array<i32>} : memref<264x128xf32, #tpu.memory_space<vmem>>, vector<16xf32>,
      %get3A_1115 = arith.index_cast %squeeze3A_1054 : i32 to index
      %get3A_1116 = arith.constant 96 : index
      %get3A_1117 = tpu.vector_load %arg7[%get3A_1115, %get3A_1116] {strides = array<i32>} : memref<264x128xf32, #tpu.memory_space<vmem>>, vector<16xf32>,
      %get3A_1118 = arith.index_cast %add3A_1052 : i32 to index
      %get3A_1119 = arith.constant 96 : index
      %get3A_1120 = tpu.vector_load %arg5[%get3A_1118, %get3A_1119] {strides = array<i32>} : memref<320x128xf32, #tpu.memory_space<vmem>>, vector<16xf32>,
      %max3A_1121 = arith.maximumf %get3A_1117, %get3A_1120 : vector<16xf32>
      %swap3A_1122 = arith.index_cast %squeeze3A_1054 : i32 to index
      %swap3A_1123 = arith.constant 96 : index
      %swap3A_1124 = tpu.vector_load %arg7[%swap3A_1122, %swap3A_1123] {strides = array<i32>} : memref<264x128xf32, #tpu.memory_space<vmem>>, vector<16xf32>,
      tpu.vector_store %arg7[%swap3A_1122, %swap3A_1123], %max3A_1121 {strides = array<i32>} : memref<264x128xf32, #tpu.memory_space<vmem>>, vector<16xf32>,
      %get3A_1125 = arith.index_cast %squeeze3A_1054 : i32 to index
      %get3A_1126 = arith.constant 112 : index
      %get3A_1127 = tpu.vector_load %arg7[%get3A_1125, %get3A_1126] {strides = array<i32>} : memref<264x128xf32, #tpu.memory_space<vmem>>, vector<16xf32>,
      %get3A_1128 = arith.index_cast %add3A_1052 : i32 to index
      %get3A_1129 = arith.constant 112 : index
      %get3A_1130 = tpu.vector_load %arg5[%get3A_1128, %get3A_1129] {strides = array<i32>} : memref<320x128xf32, #tpu.memory_space<vmem>>, vector<16xf32>,
      %max3A_1131 = arith.maximumf %get3A_1127, %get3A_1130 : vector<16xf32>
      %swap3A_1132 = arith.index_cast %squeeze3A_1054 : i32 to index
      %swap3A_1133 = arith.constant 112 : index
      %swap3A_1134 = tpu.vector_load %arg7[%swap3A_1132, %swap3A_1133] {strides = array<i32>} : memref<264x128xf32, #tpu.memory_space<vmem>>, vector<16xf32>,
      tpu.vector_store %arg7[%swap3A_1132, %swap3A_1133], %max3A_1131 {strides = array<i32>} : memref<264x128xf32, #tpu.memory_space<vmem>>, vector<16xf32>,
      %mul3A_1135 = arith.constant 16 : i32
      %mul3A_1136 = arith.muli %add3A_17, %mul3A_1135 : i32
      %add3A_1137 = arith.constant 13 : i32
      %add3A_1138 = arith.addi %mul3A_1136, %add3A_1137 : i32
      %slice3A_1139 = vector.extract_strided_slice %get3A_20 {offsets = [13], sizes = [1], strides = [1]} : vector<16xi32> to vector<1xi32>
      %squeeze3A_1140 = vector.extract %slice3A_1139[0] : i32 from vector<1xi32>
      %get3A_1141 = arith.index_cast %squeeze3A_1140 : i32 to index
      %get3A_1142 = arith.constant 0 : index
      %get3A_1143 = tpu.vector_load %arg7[%get3A_1141, %get3A_1142] {strides = array<i32>} : memref<264x128xf32, #tpu.memory_space<vmem>>, vector<16xf32>,
      %get3A_1144 = arith.index_cast %add3A_1138 : i32 to index
      %get3A_1145 = arith.constant 0 : index
      %get3A_1146 = tpu.vector_load %arg5[%get3A_1144, %get3A_1145] {strides = array<i32>} : memref<320x128xf32, #tpu.memory_space<vmem>>, vector<16xf32>,
      %max3A_1147 = arith.maximumf %get3A_1143, %get3A_1146 : vector<16xf32>
      %swap3A_1148 = arith.index_cast %squeeze3A_1140 : i32 to index
      %swap3A_1149 = arith.constant 0 : index
      %swap3A_1150 = tpu.vector_load %arg7[%swap3A_1148, %swap3A_1149] {strides = array<i32>} : memref<264x128xf32, #tpu.memory_space<vmem>>, vector<16xf32>,
      tpu.vector_store %arg7[%swap3A_1148, %swap3A_1149], %max3A_1147 {strides = array<i32>} : memref<264x128xf32, #tpu.memory_space<vmem>>, vector<16xf32>,
      %get3A_1151 = arith.index_cast %squeeze3A_1140 : i32 to index
      %get3A_1152 = arith.constant 16 : index
      %get3A_1153 = tpu.vector_load %arg7[%get3A_1151, %get3A_1152] {strides = array<i32>} : memref<264x128xf32, #tpu.memory_space<vmem>>, vector<16xf32>,
      %get3A_1154 = arith.index_cast %add3A_1138 : i32 to index
      %get3A_1155 = arith.constant 16 : index
      %get3A_1156 = tpu.vector_load %arg5[%get3A_1154, %get3A_1155] {strides = array<i32>} : memref<320x128xf32, #tpu.memory_space<vmem>>, vector<16xf32>,
      %max3A_1157 = arith.maximumf %get3A_1153, %get3A_1156 : vector<16xf32>
      %swap3A_1158 = arith.index_cast %squeeze3A_1140 : i32 to index
      %swap3A_1159 = arith.constant 16 : index
      %swap3A_1160 = tpu.vector_load %arg7[%swap3A_1158, %swap3A_1159] {strides = array<i32>} : memref<264x128xf32, #tpu.memory_space<vmem>>, vector<16xf32>,
      tpu.vector_store %arg7[%swap3A_1158, %swap3A_1159], %max3A_1157 {strides = array<i32>} : memref<264x128xf32, #tpu.memory_space<vmem>>, vector<16xf32>,
      %get3A_1161 = arith.index_cast %squeeze3A_1140 : i32 to index
      %get3A_1162 = arith.constant 32 : index
      %get3A_1163 = tpu.vector_load %arg7[%get3A_1161, %get3A_1162] {strides = array<i32>} : memref<264x128xf32, #tpu.memory_space<vmem>>, vector<16xf32>,
      %get3A_1164 = arith.index_cast %add3A_1138 : i32 to index
      %get3A_1165 = arith.constant 32 : index
      %get3A_1166 = tpu.vector_load %arg5[%get3A_1164, %get3A_1165] {strides = array<i32>} : memref<320x128xf32, #tpu.memory_space<vmem>>, vector<16xf32>,
      %max3A_1167 = arith.maximumf %get3A_1163, %get3A_1166 : vector<16xf32>
      %swap3A_1168 = arith.index_cast %squeeze3A_1140 : i32 to index
      %swap3A_1169 = arith.constant 32 : index
      %swap3A_1170 = tpu.vector_load %arg7[%swap3A_1168, %swap3A_1169] {strides = array<i32>} : memref<264x128xf32, #tpu.memory_space<vmem>>, vector<16xf32>,
      tpu.vector_store %arg7[%swap3A_1168, %swap3A_1169], %max3A_1167 {strides = array<i32>} : memref<264x128xf32, #tpu.memory_space<vmem>>, vector<16xf32>,
      %get3A_1171 = arith.index_cast %squeeze3A_1140 : i32 to index
      %get3A_1172 = arith.constant 48 : index
      %get3A_1173 = tpu.vector_load %arg7[%get3A_1171, %get3A_1172] {strides = array<i32>} : memref<264x128xf32, #tpu.memory_space<vmem>>, vector<16xf32>,
      %get3A_1174 = arith.index_cast %add3A_1138 : i32 to index
      %get3A_1175 = arith.constant 48 : index
      %get3A_1176 = tpu.vector_load %arg5[%get3A_1174, %get3A_1175] {strides = array<i32>} : memref<320x128xf32, #tpu.memory_space<vmem>>, vector<16xf32>,
      %max3A_1177 = arith.maximumf %get3A_1173, %get3A_1176 : vector<16xf32>
      %swap3A_1178 = arith.index_cast %squeeze3A_1140 : i32 to index
      %swap3A_1179 = arith.constant 48 : index
      %swap3A_1180 = tpu.vector_load %arg7[%swap3A_1178, %swap3A_1179] {strides = array<i32>} : memref<264x128xf32, #tpu.memory_space<vmem>>, vector<16xf32>,
      tpu.vector_store %arg7[%swap3A_1178, %swap3A_1179], %max3A_1177 {strides = array<i32>} : memref<264x128xf32, #tpu.memory_space<vmem>>, vector<16xf32>,
      %get3A_1181 = arith.index_cast %squeeze3A_1140 : i32 to index
      %get3A_1182 = arith.constant 64 : index
      %get3A_1183 = tpu.vector_load %arg7[%get3A_1181, %get3A_1182] {strides = array<i32>} : memref<264x128xf32, #tpu.memory_space<vmem>>, vector<16xf32>,
      %get3A_1184 = arith.index_cast %add3A_1138 : i32 to index
      %get3A_1185 = arith.constant 64 : index
      %get3A_1186 = tpu.vector_load %arg5[%get3A_1184, %get3A_1185] {strides = array<i32>} : memref<320x128xf32, #tpu.memory_space<vmem>>, vector<16xf32>,
      %max3A_1187 = arith.maximumf %get3A_1183, %get3A_1186 : vector<16xf32>
      %swap3A_1188 = arith.index_cast %squeeze3A_1140 : i32 to index
      %swap3A_1189 = arith.constant 64 : index
      %swap3A_1190 = tpu.vector_load %arg7[%swap3A_1188, %swap3A_1189] {strides = array<i32>} : memref<264x128xf32, #tpu.memory_space<vmem>>, vector<16xf32>,
      tpu.vector_store %arg7[%swap3A_1188, %swap3A_1189], %max3A_1187 {strides = array<i32>} : memref<264x128xf32, #tpu.memory_space<vmem>>, vector<16xf32>,
      %get3A_1191 = arith.index_cast %squeeze3A_1140 : i32 to index
      %get3A_1192 = arith.constant 80 : index
      %get3A_1193 = tpu.vector_load %arg7[%get3A_1191, %get3A_1192] {strides = array<i32>} : memref<264x128xf32, #tpu.memory_space<vmem>>, vector<16xf32>,
      %get3A_1194 = arith.index_cast %add3A_1138 : i32 to index
      %get3A_1195 = arith.constant 80 : index
      %get3A_1196 = tpu.vector_load %arg5[%get3A_1194, %get3A_1195] {strides = array<i32>} : memref<320x128xf32, #tpu.memory_space<vmem>>, vector<16xf32>,
      %max3A_1197 = arith.maximumf %get3A_1193, %get3A_1196 : vector<16xf32>
      %swap3A_1198 = arith.index_cast %squeeze3A_1140 : i32 to index
      %swap3A_1199 = arith.constant 80 : index
      %swap3A_1200 = tpu.vector_load %arg7[%swap3A_1198, %swap3A_1199] {strides = array<i32>} : memref<264x128xf32, #tpu.memory_space<vmem>>, vector<16xf32>,
      tpu.vector_store %arg7[%swap3A_1198, %swap3A_1199], %max3A_1197 {strides = array<i32>} : memref<264x128xf32, #tpu.memory_space<vmem>>, vector<16xf32>,
      %get3A_1201 = arith.index_cast %squeeze3A_1140 : i32 to index
      %get3A_1202 = arith.constant 96 : index
      %get3A_1203 = tpu.vector_load %arg7[%get3A_1201, %get3A_1202] {strides = array<i32>} : memref<264x128xf32, #tpu.memory_space<vmem>>, vector<16xf32>,
      %get3A_1204 = arith.index_cast %add3A_1138 : i32 to index
      %get3A_1205 = arith.constant 96 : index
      %get3A_1206 = tpu.vector_load %arg5[%get3A_1204, %get3A_1205] {strides = array<i32>} : memref<320x128xf32, #tpu.memory_space<vmem>>, vector<16xf32>,
      %max3A_1207 = arith.maximumf %get3A_1203, %get3A_1206 : vector<16xf32>
      %swap3A_1208 = arith.index_cast %squeeze3A_1140 : i32 to index
      %swap3A_1209 = arith.constant 96 : index
      %swap3A_1210 = tpu.vector_load %arg7[%swap3A_1208, %swap3A_1209] {strides = array<i32>} : memref<264x128xf32, #tpu.memory_space<vmem>>, vector<16xf32>,
      tpu.vector_store %arg7[%swap3A_1208, %swap3A_1209], %max3A_1207 {strides = array<i32>} : memref<264x128xf32, #tpu.memory_space<vmem>>, vector<16xf32>,
      %get3A_1211 = arith.index_cast %squeeze3A_1140 : i32 to index
      %get3A_1212 = arith.constant 112 : index
      %get3A_1213 = tpu.vector_load %arg7[%get3A_1211, %get3A_1212] {strides = array<i32>} : memref<264x128xf32, #tpu.memory_space<vmem>>, vector<16xf32>,
      %get3A_1214 = arith.index_cast %add3A_1138 : i32 to index
      %get3A_1215 = arith.constant 112 : index
      %get3A_1216 = tpu.vector_load %arg5[%get3A_1214, %get3A_1215] {strides = array<i32>} : memref<320x128xf32, #tpu.memory_space<vmem>>, vector<16xf32>,
      %max3A_1217 = arith.maximumf %get3A_1213, %get3A_1216 : vector<16xf32>
      %swap3A_1218 = arith.index_cast %squeeze3A_1140 : i32 to index
      %swap3A_1219 = arith.constant 112 : index
      %swap3A_1220 = tpu.vector_load %arg7[%swap3A_1218, %swap3A_1219] {strides = array<i32>} : memref<264x128xf32, #tpu.memory_space<vmem>>, vector<16xf32>,
      tpu.vector_store %arg7[%swap3A_1218, %swap3A_1219], %max3A_1217 {strides = array<i32>} : memref<264x128xf32, #tpu.memory_space<vmem>>, vector<16xf32>,
      %mul3A_1221 = arith.constant 16 : i32
      %mul3A_1222 = arith.muli %add3A_17, %mul3A_1221 : i32
      %add3A_1223 = arith.constant 14 : i32
      %add3A_1224 = arith.addi %mul3A_1222, %add3A_1223 : i32
      %slice3A_1225 = vector.extract_strided_slice %get3A_20 {offsets = [14], sizes = [1], strides = [1]} : vector<16xi32> to vector<1xi32>
      %squeeze3A_1226 = vector.extract %slice3A_1225[0] : i32 from vector<1xi32>
      %get3A_1227 = arith.index_cast %squeeze3A_1226 : i32 to index
      %get3A_1228 = arith.constant 0 : index
      %get3A_1229 = tpu.vector_load %arg7[%get3A_1227, %get3A_1228] {strides = array<i32>} : memref<264x128xf32, #tpu.memory_space<vmem>>, vector<16xf32>,
      %get3A_1230 = arith.index_cast %add3A_1224 : i32 to index
      %get3A_1231 = arith.constant 0 : index
      %get3A_1232 = tpu.vector_load %arg5[%get3A_1230, %get3A_1231] {strides = array<i32>} : memref<320x128xf32, #tpu.memory_space<vmem>>, vector<16xf32>,
      %max3A_1233 = arith.maximumf %get3A_1229, %get3A_1232 : vector<16xf32>
      %swap3A_1234 = arith.index_cast %squeeze3A_1226 : i32 to index
      %swap3A_1235 = arith.constant 0 : index
      %swap3A_1236 = tpu.vector_load %arg7[%swap3A_1234, %swap3A_1235] {strides = array<i32>} : memref<264x128xf32, #tpu.memory_space<vmem>>, vector<16xf32>,
      tpu.vector_store %arg7[%swap3A_1234, %swap3A_1235], %max3A_1233 {strides = array<i32>} : memref<264x128xf32, #tpu.memory_space<vmem>>, vector<16xf32>,
      %get3A_1237 = arith.index_cast %squeeze3A_1226 : i32 to index
      %get3A_1238 = arith.constant 16 : index
      %get3A_1239 = tpu.vector_load %arg7[%get3A_1237, %get3A_1238] {strides = array<i32>} : memref<264x128xf32, #tpu.memory_space<vmem>>, vector<16xf32>,
      %get3A_1240 = arith.index_cast %add3A_1224 : i32 to index
      %get3A_1241 = arith.constant 16 : index
      %get3A_1242 = tpu.vector_load %arg5[%get3A_1240, %get3A_1241] {strides = array<i32>} : memref<320x128xf32, #tpu.memory_space<vmem>>, vector<16xf32>,
      %max3A_1243 = arith.maximumf %get3A_1239, %get3A_1242 : vector<16xf32>
      %swap3A_1244 = arith.index_cast %squeeze3A_1226 : i32 to index
      %swap3A_1245 = arith.constant 16 : index
      %swap3A_1246 = tpu.vector_load %arg7[%swap3A_1244, %swap3A_1245] {strides = array<i32>} : memref<264x128xf32, #tpu.memory_space<vmem>>, vector<16xf32>,
      tpu.vector_store %arg7[%swap3A_1244, %swap3A_1245], %max3A_1243 {strides = array<i32>} : memref<264x128xf32, #tpu.memory_space<vmem>>, vector<16xf32>,
      %get3A_1247 = arith.index_cast %squeeze3A_1226 : i32 to index
      %get3A_1248 = arith.constant 32 : index
      %get3A_1249 = tpu.vector_load %arg7[%get3A_1247, %get3A_1248] {strides = array<i32>} : memref<264x128xf32, #tpu.memory_space<vmem>>, vector<16xf32>,
      %get3A_1250 = arith.index_cast %add3A_1224 : i32 to index
      %get3A_1251 = arith.constant 32 : index
      %get3A_1252 = tpu.vector_load %arg5[%get3A_1250, %get3A_1251] {strides = array<i32>} : memref<320x128xf32, #tpu.memory_space<vmem>>, vector<16xf32>,
      %max3A_1253 = arith.maximumf %get3A_1249, %get3A_1252 : vector<16xf32>
      %swap3A_1254 = arith.index_cast %squeeze3A_1226 : i32 to index
      %swap3A_1255 = arith.constant 32 : index
      %swap3A_1256 = tpu.vector_load %arg7[%swap3A_1254, %swap3A_1255] {strides = array<i32>} : memref<264x128xf32, #tpu.memory_space<vmem>>, vector<16xf32>,
      tpu.vector_store %arg7[%swap3A_1254, %swap3A_1255], %max3A_1253 {strides = array<i32>} : memref<264x128xf32, #tpu.memory_space<vmem>>, vector<16xf32>,
      %get3A_1257 = arith.index_cast %squeeze3A_1226 : i32 to index
      %get3A_1258 = arith.constant 48 : index
      %get3A_1259 = tpu.vector_load %arg7[%get3A_1257, %get3A_1258] {strides = array<i32>} : memref<264x128xf32, #tpu.memory_space<vmem>>, vector<16xf32>,
      %get3A_1260 = arith.index_cast %add3A_1224 : i32 to index
      %get3A_1261 = arith.constant 48 : index
      %get3A_1262 = tpu.vector_load %arg5[%get3A_1260, %get3A_1261] {strides = array<i32>} : memref<320x128xf32, #tpu.memory_space<vmem>>, vector<16xf32>,
      %max3A_1263 = arith.maximumf %get3A_1259, %get3A_1262 : vector<16xf32>
      %swap3A_1264 = arith.index_cast %squeeze3A_1226 : i32 to index
      %swap3A_1265 = arith.constant 48 : index
      %swap3A_1266 = tpu.vector_load %arg7[%swap3A_1264, %swap3A_1265] {strides = array<i32>} : memref<264x128xf32, #tpu.memory_space<vmem>>, vector<16xf32>,
      tpu.vector_store %arg7[%swap3A_1264, %swap3A_1265], %max3A_1263 {strides = array<i32>} : memref<264x128xf32, #tpu.memory_space<vmem>>, vector<16xf32>,
      %get3A_1267 = arith.index_cast %squeeze3A_1226 : i32 to index
      %get3A_1268 = arith.constant 64 : index
      %get3A_1269 = tpu.vector_load %arg7[%get3A_1267, %get3A_1268] {strides = array<i32>} : memref<264x128xf32, #tpu.memory_space<vmem>>, vector<16xf32>,
      %get3A_1270 = arith.index_cast %add3A_1224 : i32 to index
      %get3A_1271 = arith.constant 64 : index
      %get3A_1272 = tpu.vector_load %arg5[%get3A_1270, %get3A_1271] {strides = array<i32>} : memref<320x128xf32, #tpu.memory_space<vmem>>, vector<16xf32>,
      %max3A_1273 = arith.maximumf %get3A_1269, %get3A_1272 : vector<16xf32>
      %swap3A_1274 = arith.index_cast %squeeze3A_1226 : i32 to index
      %swap3A_1275 = arith.constant 64 : index
      %swap3A_1276 = tpu.vector_load %arg7[%swap3A_1274, %swap3A_1275] {strides = array<i32>} : memref<264x128xf32, #tpu.memory_space<vmem>>, vector<16xf32>,
      tpu.vector_store %arg7[%swap3A_1274, %swap3A_1275], %max3A_1273 {strides = array<i32>} : memref<264x128xf32, #tpu.memory_space<vmem>>, vector<16xf32>,
      %get3A_1277 = arith.index_cast %squeeze3A_1226 : i32 to index
      %get3A_1278 = arith.constant 80 : index
      %get3A_1279 = tpu.vector_load %arg7[%get3A_1277, %get3A_1278] {strides = array<i32>} : memref<264x128xf32, #tpu.memory_space<vmem>>, vector<16xf32>,
      %get3A_1280 = arith.index_cast %add3A_1224 : i32 to index
      %get3A_1281 = arith.constant 80 : index
      %get3A_1282 = tpu.vector_load %arg5[%get3A_1280, %get3A_1281] {strides = array<i32>} : memref<320x128xf32, #tpu.memory_space<vmem>>, vector<16xf32>,
      %max3A_1283 = arith.maximumf %get3A_1279, %get3A_1282 : vector<16xf32>
      %swap3A_1284 = arith.index_cast %squeeze3A_1226 : i32 to index
      %swap3A_1285 = arith.constant 80 : index
      %swap3A_1286 = tpu.vector_load %arg7[%swap3A_1284, %swap3A_1285] {strides = array<i32>} : memref<264x128xf32, #tpu.memory_space<vmem>>, vector<16xf32>,
      tpu.vector_store %arg7[%swap3A_1284, %swap3A_1285], %max3A_1283 {strides = array<i32>} : memref<264x128xf32, #tpu.memory_space<vmem>>, vector<16xf32>,
      %get3A_1287 = arith.index_cast %squeeze3A_1226 : i32 to index
      %get3A_1288 = arith.constant 96 : index
      %get3A_1289 = tpu.vector_load %arg7[%get3A_1287, %get3A_1288] {strides = array<i32>} : memref<264x128xf32, #tpu.memory_space<vmem>>, vector<16xf32>,
      %get3A_1290 = arith.index_cast %add3A_1224 : i32 to index
      %get3A_1291 = arith.constant 96 : index
      %get3A_1292 = tpu.vector_load %arg5[%get3A_1290, %get3A_1291] {strides = array<i32>} : memref<320x128xf32, #tpu.memory_space<vmem>>, vector<16xf32>,
      %max3A_1293 = arith.maximumf %get3A_1289, %get3A_1292 : vector<16xf32>
      %swap3A_1294 = arith.index_cast %squeeze3A_1226 : i32 to index
      %swap3A_1295 = arith.constant 96 : index
      %swap3A_1296 = tpu.vector_load %arg7[%swap3A_1294, %swap3A_1295] {strides = array<i32>} : memref<264x128xf32, #tpu.memory_space<vmem>>, vector<16xf32>,
      tpu.vector_store %arg7[%swap3A_1294, %swap3A_1295], %max3A_1293 {strides = array<i32>} : memref<264x128xf32, #tpu.memory_space<vmem>>, vector<16xf32>,
      %get3A_1297 = arith.index_cast %squeeze3A_1226 : i32 to index
      %get3A_1298 = arith.constant 112 : index
      %get3A_1299 = tpu.vector_load %arg7[%get3A_1297, %get3A_1298] {strides = array<i32>} : memref<264x128xf32, #tpu.memory_space<vmem>>, vector<16xf32>,
      %get3A_1300 = arith.index_cast %add3A_1224 : i32 to index
      %get3A_1301 = arith.constant 112 : index
      %get3A_1302 = tpu.vector_load %arg5[%get3A_1300, %get3A_1301] {strides = array<i32>} : memref<320x128xf32, #tpu.memory_space<vmem>>, vector<16xf32>,
      %max3A_1303 = arith.maximumf %get3A_1299, %get3A_1302 : vector<16xf32>
      %swap3A_1304 = arith.index_cast %squeeze3A_1226 : i32 to index
      %swap3A_1305 = arith.constant 112 : index
      %swap3A_1306 = tpu.vector_load %arg7[%swap3A_1304, %swap3A_1305] {strides = array<i32>} : memref<264x128xf32, #tpu.memory_space<vmem>>, vector<16xf32>,
      tpu.vector_store %arg7[%swap3A_1304, %swap3A_1305], %max3A_1303 {strides = array<i32>} : memref<264x128xf32, #tpu.memory_space<vmem>>, vector<16xf32>,
      %mul3A_1307 = arith.constant 16 : i32
      %mul3A_1308 = arith.muli %add3A_17, %mul3A_1307 : i32
      %add3A_1309 = arith.constant 15 : i32
      %add3A_1310 = arith.addi %mul3A_1308, %add3A_1309 : i32
      %slice3A_1311 = vector.extract_strided_slice %get3A_20 {offsets = [15], sizes = [1], strides = [1]} : vector<16xi32> to vector<1xi32>
      %squeeze3A_1312 = vector.extract %slice3A_1311[0] : i32 from vector<1xi32>
      %get3A_1313 = arith.index_cast %squeeze3A_1312 : i32 to index
      %get3A_1314 = arith.constant 0 : index
      %get3A_1315 = tpu.vector_load %arg7[%get3A_1313, %get3A_1314] {strides = array<i32>} : memref<264x128xf32, #tpu.memory_space<vmem>>, vector<16xf32>,
      %get3A_1316 = arith.index_cast %add3A_1310 : i32 to index
      %get3A_1317 = arith.constant 0 : index
      %get3A_1318 = tpu.vector_load %arg5[%get3A_1316, %get3A_1317] {strides = array<i32>} : memref<320x128xf32, #tpu.memory_space<vmem>>, vector<16xf32>,
      %max3A_1319 = arith.maximumf %get3A_1315, %get3A_1318 : vector<16xf32>
      %swap3A_1320 = arith.index_cast %squeeze3A_1312 : i32 to index
      %swap3A_1321 = arith.constant 0 : index
      %swap3A_1322 = tpu.vector_load %arg7[%swap3A_1320, %swap3A_1321] {strides = array<i32>} : memref<264x128xf32, #tpu.memory_space<vmem>>, vector<16xf32>,
      tpu.vector_store %arg7[%swap3A_1320, %swap3A_1321], %max3A_1319 {strides = array<i32>} : memref<264x128xf32, #tpu.memory_space<vmem>>, vector<16xf32>,
      %get3A_1323 = arith.index_cast %squeeze3A_1312 : i32 to index
      %get3A_1324 = arith.constant 16 : index
      %get3A_1325 = tpu.vector_load %arg7[%get3A_1323, %get3A_1324] {strides = array<i32>} : memref<264x128xf32, #tpu.memory_space<vmem>>, vector<16xf32>,
      %get3A_1326 = arith.index_cast %add3A_1310 : i32 to index
      %get3A_1327 = arith.constant 16 : index
      %get3A_1328 = tpu.vector_load %arg5[%get3A_1326, %get3A_1327] {strides = array<i32>} : memref<320x128xf32, #tpu.memory_space<vmem>>, vector<16xf32>,
      %max3A_1329 = arith.maximumf %get3A_1325, %get3A_1328 : vector<16xf32>
      %swap3A_1330 = arith.index_cast %squeeze3A_1312 : i32 to index
      %swap3A_1331 = arith.constant 16 : index
      %swap3A_1332 = tpu.vector_load %arg7[%swap3A_1330, %swap3A_1331] {strides = array<i32>} : memref<264x128xf32, #tpu.memory_space<vmem>>, vector<16xf32>,
      tpu.vector_store %arg7[%swap3A_1330, %swap3A_1331], %max3A_1329 {strides = array<i32>} : memref<264x128xf32, #tpu.memory_space<vmem>>, vector<16xf32>,
      %get3A_1333 = arith.index_cast %squeeze3A_1312 : i32 to index
      %get3A_1334 = arith.constant 32 : index
      %get3A_1335 = tpu.vector_load %arg7[%get3A_1333, %get3A_1334] {strides = array<i32>} : memref<264x128xf32, #tpu.memory_space<vmem>>, vector<16xf32>,
      %get3A_1336 = arith.index_cast %add3A_1310 : i32 to index
      %get3A_1337 = arith.constant 32 : index
      %get3A_1338 = tpu.vector_load %arg5[%get3A_1336, %get3A_1337] {strides = array<i32>} : memref<320x128xf32, #tpu.memory_space<vmem>>, vector<16xf32>,
      %max3A_1339 = arith.maximumf %get3A_1335, %get3A_1338 : vector<16xf32>
      %swap3A_1340 = arith.index_cast %squeeze3A_1312 : i32 to index
      %swap3A_1341 = arith.constant 32 : index
      %swap3A_1342 = tpu.vector_load %arg7[%swap3A_1340, %swap3A_1341] {strides = array<i32>} : memref<264x128xf32, #tpu.memory_space<vmem>>, vector<16xf32>,
      tpu.vector_store %arg7[%swap3A_1340, %swap3A_1341], %max3A_1339 {strides = array<i32>} : memref<264x128xf32, #tpu.memory_space<vmem>>, vector<16xf32>,
      %get3A_1343 = arith.index_cast %squeeze3A_1312 : i32 to index
      %get3A_1344 = arith.constant 48 : index
      %get3A_1345 = tpu.vector_load %arg7[%get3A_1343, %get3A_1344] {strides = array<i32>} : memref<264x128xf32, #tpu.memory_space<vmem>>, vector<16xf32>,
      %get3A_1346 = arith.index_cast %add3A_1310 : i32 to index
      %get3A_1347 = arith.constant 48 : index
      %get3A_1348 = tpu.vector_load %arg5[%get3A_1346, %get3A_1347] {strides = array<i32>} : memref<320x128xf32, #tpu.memory_space<vmem>>, vector<16xf32>,
      %max3A_1349 = arith.maximumf %get3A_1345, %get3A_1348 : vector<16xf32>
      %swap3A_1350 = arith.index_cast %squeeze3A_1312 : i32 to index
      %swap3A_1351 = arith.constant 48 : index
      %swap3A_1352 = tpu.vector_load %arg7[%swap3A_1350, %swap3A_1351] {strides = array<i32>} : memref<264x128xf32, #tpu.memory_space<vmem>>, vector<16xf32>,
      tpu.vector_store %arg7[%swap3A_1350, %swap3A_1351], %max3A_1349 {strides = array<i32>} : memref<264x128xf32, #tpu.memory_space<vmem>>, vector<16xf32>,
      %get3A_1353 = arith.index_cast %squeeze3A_1312 : i32 to index
      %get3A_1354 = arith.constant 64 : index
      %get3A_1355 = tpu.vector_load %arg7[%get3A_1353, %get3A_1354] {strides = array<i32>} : memref<264x128xf32, #tpu.memory_space<vmem>>, vector<16xf32>,
      %get3A_1356 = arith.index_cast %add3A_1310 : i32 to index
      %get3A_1357 = arith.constant 64 : index
      %get3A_1358 = tpu.vector_load %arg5[%get3A_1356, %get3A_1357] {strides = array<i32>} : memref<320x128xf32, #tpu.memory_space<vmem>>, vector<16xf32>,
      %max3A_1359 = arith.maximumf %get3A_1355, %get3A_1358 : vector<16xf32>
      %swap3A_1360 = arith.index_cast %squeeze3A_1312 : i32 to index
      %swap3A_1361 = arith.constant 64 : index
      %swap3A_1362 = tpu.vector_load %arg7[%swap3A_1360, %swap3A_1361] {strides = array<i32>} : memref<264x128xf32, #tpu.memory_space<vmem>>, vector<16xf32>,
      tpu.vector_store %arg7[%swap3A_1360, %swap3A_1361], %max3A_1359 {strides = array<i32>} : memref<264x128xf32, #tpu.memory_space<vmem>>, vector<16xf32>,
      %get3A_1363 = arith.index_cast %squeeze3A_1312 : i32 to index
      %get3A_1364 = arith.constant 80 : index
      %get3A_1365 = tpu.vector_load %arg7[%get3A_1363, %get3A_1364] {strides = array<i32>} : memref<264x128xf32, #tpu.memory_space<vmem>>, vector<16xf32>,
      %get3A_1366 = arith.index_cast %add3A_1310 : i32 to index
      %get3A_1367 = arith.constant 80 : index
      %get3A_1368 = tpu.vector_load %arg5[%get3A_1366, %get3A_1367] {strides = array<i32>} : memref<320x128xf32, #tpu.memory_space<vmem>>, vector<16xf32>,
      %max3A_1369 = arith.maximumf %get3A_1365, %get3A_1368 : vector<16xf32>
      %swap3A_1370 = arith.index_cast %squeeze3A_1312 : i32 to index
      %swap3A_1371 = arith.constant 80 : index
      %swap3A_1372 = tpu.vector_load %arg7[%swap3A_1370, %swap3A_1371] {strides = array<i32>} : memref<264x128xf32, #tpu.memory_space<vmem>>, vector<16xf32>,
      tpu.vector_store %arg7[%swap3A_1370, %swap3A_1371], %max3A_1369 {strides = array<i32>} : memref<264x128xf32, #tpu.memory_space<vmem>>, vector<16xf32>,
      %get3A_1373 = arith.index_cast %squeeze3A_1312 : i32 to index
      %get3A_1374 = arith.constant 96 : index
      %get3A_1375 = tpu.vector_load %arg7[%get3A_1373, %get3A_1374] {strides = array<i32>} : memref<264x128xf32, #tpu.memory_space<vmem>>, vector<16xf32>,
      %get3A_1376 = arith.index_cast %add3A_1310 : i32 to index
      %get3A_1377 = arith.constant 96 : index
      %get3A_1378 = tpu.vector_load %arg5[%get3A_1376, %get3A_1377] {strides = array<i32>} : memref<320x128xf32, #tpu.memory_space<vmem>>, vector<16xf32>,
      %max3A_1379 = arith.maximumf %get3A_1375, %get3A_1378 : vector<16xf32>
      %swap3A_1380 = arith.index_cast %squeeze3A_1312 : i32 to index
      %swap3A_1381 = arith.constant 96 : index
      %swap3A_1382 = tpu.vector_load %arg7[%swap3A_1380, %swap3A_1381] {strides = array<i32>} : memref<264x128xf32, #tpu.memory_space<vmem>>, vector<16xf32>,
      tpu.vector_store %arg7[%swap3A_1380, %swap3A_1381], %max3A_1379 {strides = array<i32>} : memref<264x128xf32, #tpu.memory_space<vmem>>, vector<16xf32>,
      %get3A_1383 = arith.index_cast %squeeze3A_1312 : i32 to index
      %get3A_1384 = arith.constant 112 : index
      %get3A_1385 = tpu.vector_load %arg7[%get3A_1383, %get3A_1384] {strides = array<i32>} : memref<264x128xf32, #tpu.memory_space<vmem>>, vector<16xf32>,
      %get3A_1386 = arith.index_cast %add3A_1310 : i32 to index
      %get3A_1387 = arith.constant 112 : index
      %get3A_1388 = tpu.vector_load %arg5[%get3A_1386, %get3A_1387] {strides = array<i32>} : memref<320x128xf32, #tpu.memory_space<vmem>>, vector<16xf32>,
      %max3A_1389 = arith.maximumf %get3A_1385, %get3A_1388 : vector<16xf32>
      %swap3A_1390 = arith.index_cast %squeeze3A_1312 : i32 to index
      %swap3A_1391 = arith.constant 112 : index
      %swap3A_1392 = tpu.vector_load %arg7[%swap3A_1390, %swap3A_1391] {strides = array<i32>} : memref<264x128xf32, #tpu.memory_space<vmem>>, vector<16xf32>,
      tpu.vector_store %arg7[%swap3A_1390, %swap3A_1391], %max3A_1389 {strides = array<i32>} : memref<264x128xf32, #tpu.memory_space<vmem>>, vector<16xf32>,
    }
    %scan3A_12 = arith.constant 20 : i32
    "tpu.region"() ({
      %run_scoped3A = tpu.sem_alloc : memref<!tpu.dma_semaphore, #tpu.memory_space<semaphore_mem>>
      %dma_start3A = arith.constant 0 : i32
      %dma_start3A_13 = arith.constant 0 : i32
      %dma_start3A_14 = tpu.memref_slice %arg4[%add3A, %dma_start3A, %dma_start3A_13] : memref<32x264x128xf32, #tpu.memory_space<hbm>> -> memref<1x264x128xf32, #tpu.memory_space<hbm>>
      %dma_start3A_15 = tpu.memref_squeeze %dma_start3A_14 : memref<1x264x128xf32, #tpu.memory_space<hbm>> -> memref<264x128xf32, #tpu.memory_space<hbm>>
      %dma_start3A_16 = arith.constant 0 : i32
      %dma_start3A_17 = arith.constant 0 : i32
      %dma_start3A_18 = tpu.memref_slice %arg4[%add3A, %dma_start3A_16, %dma_start3A_17] : memref<32x264x128xf32, #tpu.memory_space<hbm>> -> memref<1x264x128xf32, #tpu.memory_space<hbm>>
      %dma_start3A_19 = tpu.memref_squeeze %dma_start3A_18 : memref<1x264x128xf32, #tpu.memory_space<hbm>> -> memref<264x128xf32, #tpu.memory_space<hbm>>
      tpu.enqueue_dma source(%arg7 : memref<264x128xf32, #tpu.memory_space<vmem>>) target(%dma_start3A_19 : memref<264x128xf32, #tpu.memory_space<hbm>>) target_semaphore(%run_scoped3A : memref<!tpu.dma_semaphore, #tpu.memory_space<semaphore_mem>>)
      %dma_wait3A = arith.constant 0 : i32
      %dma_wait3A_20 = arith.constant 0 : i32
      %dma_wait3A_21 = tpu.memref_slice %arg4[%add3A, %dma_wait3A, %dma_wait3A_20] : memref<32x264x128xf32, #tpu.memory_space<hbm>> -> memref<1x264x128xf32, #tpu.memory_space<hbm>>
      %dma_wait3A_22 = tpu.memref_squeeze %dma_wait3A_21 : memref<1x264x128xf32, #tpu.memory_space<hbm>> -> memref<264x128xf32, #tpu.memory_space<hbm>>
      %dma_wait3A_23 = arith.constant 0 : i32
      %dma_wait3A_24 = arith.constant 0 : i32
      %dma_wait3A_25 = tpu.memref_slice %arg4[%add3A, %dma_wait3A_23, %dma_wait3A_24] : memref<32x264x128xf32, #tpu.memory_space<hbm>> -> memref<1x264x128xf32, #tpu.memory_space<hbm>>
      %dma_wait3A_26 = tpu.memref_squeeze %dma_wait3A_25 : memref<1x264x128xf32, #tpu.memory_space<hbm>> -> memref<264x128xf32, #tpu.memory_space<hbm>>
      tpu.wait_dma2 semaphore(%run_scoped3A : memref<!tpu.dma_semaphore, #tpu.memory_space<semaphore_mem>>) src(%arg7 : memref<264x128xf32, #tpu.memory_space<vmem>>) dst(%dma_wait3A_26 : memref<264x128xf32, #tpu.memory_space<hbm>>)
      tpu.yield
    }) : () -> ()
    return
  }
}

module attributes {stable_mosaic.version = 14 : i64} {
  func.func @body(%arg0: i32, %arg1: memref<2x256x64xf32, #tpu.memory_space<vmem>>, %arg2: memref<256x1xf32, #tpu.memory_space<vmem>>, %arg3: memref<64x128xf32, #tpu.memory_space<vmem>>, %arg4: memref<1x128xf32, #tpu.memory_space<vmem>>, %arg5: memref<256x1xf32, #tpu.memory_space<vmem>>, %arg6: memref<2x256x128xf32, #tpu.memory_space<vmem>>) attributes {dimension_semantics = [#tpu.dimension_semantics<arbitrary>], iteration_bounds = array<i64: 40>, scalar_prefetch = 0 : i64, scratch_operands = 0 : i64, tpu.core_type = #tpu.core_type<tc>, window_params = [{transform_indices = @transform_0, window_bounds = array<i64: 2, 256, 64>}, {transform_indices = @transform_1, window_bounds = array<i64: 256, 1>}, {pipeline_mode = #tpu.pipeline_mode<synchronous>, transform_indices = @transform_2, window_bounds = array<i64: 64, 128>}, {pipeline_mode = #tpu.pipeline_mode<synchronous>, transform_indices = @transform_3, window_bounds = array<i64: 1, 128>}, {transform_indices = @transform_4, window_bounds = array<i64: 256, 1>}, {transform_indices = @transform_5, window_bounds = array<i64: 2, 256, 128>}]} {
    %get3A = arith.constant 0 : index
    %get3A_0 = arith.constant 0 : index
    %get3A_1 = arith.constant 0 : index
    %get3A_2 = vector.load %arg1[%get3A, %get3A_0, %get3A_1] : memref<2x256x64xf32, #tpu.memory_space<vmem>>, vector<1x256x64xf32>
    %get3A_3 = vector.shape_cast %get3A_2 : vector<1x256x64xf32> to vector<256x64xf32>
    %get3A_4 = arith.constant 1 : index
    %get3A_5 = arith.constant 0 : index
    %get3A_6 = arith.constant 0 : index
    %get3A_7 = vector.load %arg1[%get3A_4, %get3A_5, %get3A_6] : memref<2x256x64xf32, #tpu.memory_space<vmem>>, vector<1x256x64xf32>
    %get3A_8 = vector.shape_cast %get3A_7 : vector<1x256x64xf32> to vector<256x64xf32>
    %add3A = arith.addf %get3A_3, %get3A_8 : vector<256x64xf32>
    %get3A_9 = arith.constant 0 : index
    %get3A_10 = arith.constant 0 : index
    %get3A_11 = vector.load %arg2[%get3A_9, %get3A_10] : memref<256x1xf32, #tpu.memory_space<vmem>>, vector<256x1xf32>
    %mul3A = vector.broadcast %get3A_11 : vector<256x1xf32> to vector<256x64xf32>
    %mul3A_12 = arith.mulf %add3A, %mul3A : vector<256x64xf32>
    %get3A_13 = arith.constant 0 : index
    %get3A_14 = arith.constant 0 : index
    %get3A_15 = vector.load %arg3[%get3A_13, %get3A_14] : memref<64x128xf32, #tpu.memory_space<vmem>>, vector<64x128xf32>
    %dot_general3A = arith.constant dense<0.000000e+00> : vector<256x128xf32>
    %dot_general3A_16 = tpu.matmul %mul3A_12, %get3A_15, %dot_general3A {dimension_numbers = #tpu.dot_dimension_numbers<[1], [0], [0], [1], [0, 0, 1, 1], [], []>, precision = #tpu.contract_precision<fp32>, transpose_lhs_hint = false} : vector<256x64xf32>, vector<64x128xf32>, vector<256x128xf32> -> vector<256x128xf32>
    %get3A_17 = arith.constant 0 : index
    %get3A_18 = arith.constant 0 : index
    %get3A_19 = vector.load %arg4[%get3A_17, %get3A_18] : memref<1x128xf32, #tpu.memory_space<vmem>>, vector<1x128xf32>
    %add3A_20 = vector.broadcast %get3A_19 : vector<1x128xf32> to vector<256x128xf32>
    %add3A_21 = arith.addf %dot_general3A_16, %add3A_20 : vector<256x128xf32>
    %max3A = arith.constant 0.000000e+00 : f32
    %max3A_22 = vector.broadcast %max3A : f32 to vector<256x128xf32>
    %max3A_23 = arith.maximumf %add3A_21, %max3A_22 : vector<256x128xf32>
    %get3A_24 = arith.constant 0 : index
    %get3A_25 = arith.constant 0 : index
    %get3A_26 = vector.load %arg5[%get3A_24, %get3A_25] : memref<256x1xf32, #tpu.memory_space<vmem>>, vector<256x1xf32>
    %mul3A_27 = vector.broadcast %get3A_26 : vector<256x1xf32> to vector<256x128xf32>
    %mul3A_28 = arith.mulf %max3A_23, %mul3A_27 : vector<256x128xf32>
    %swap3A = arith.constant 0 : index
    %swap3A_29 = arith.constant 0 : index
    %swap3A_30 = arith.constant 0 : index
    %swap3A_31 = vector.load %arg6[%swap3A, %swap3A_29, %swap3A_30] : memref<2x256x128xf32, #tpu.memory_space<vmem>>, vector<1x256x128xf32>
    %swap3A_32 = vector.shape_cast %swap3A_31 : vector<1x256x128xf32> to vector<256x128xf32>
    %swap3A_33 = vector.shape_cast %mul3A_28 : vector<256x128xf32> to vector<1x256x128xf32>
    tpu.vector_store %arg6[%swap3A, %swap3A_29, %swap3A_30], %swap3A_33 {strides = array<i32>} : memref<2x256x128xf32, #tpu.memory_space<vmem>>, vector<1x256x128xf32>,
    %swap3A_34 = arith.constant 1 : index
    %swap3A_35 = arith.constant 0 : index
    %swap3A_36 = arith.constant 0 : index
    %swap3A_37 = vector.load %arg6[%swap3A_34, %swap3A_35, %swap3A_36] : memref<2x256x128xf32, #tpu.memory_space<vmem>>, vector<1x256x128xf32>
    %swap3A_38 = vector.shape_cast %swap3A_37 : vector<1x256x128xf32> to vector<256x128xf32>
    %swap3A_39 = vector.shape_cast %mul3A_28 : vector<256x128xf32> to vector<1x256x128xf32>
    tpu.vector_store %arg6[%swap3A_34, %swap3A_35, %swap3A_36], %swap3A_39 {strides = array<i32>} : memref<2x256x128xf32, #tpu.memory_space<vmem>>, vector<1x256x128xf32>,
    return
  }
  func.func @transform_0(%arg0: i32) -> (i32, i32, i32) {
    %c0_i32 = arith.constant 0 : i32
    %c0_i32_0 = arith.constant 0 : i32
    %c0_i32_1 = arith.constant 0 : i32
    return %c0_i32, %arg0, %c0_i32_0 : i32, i32, i32
  }
  func.func @transform_1(%arg0: i32) -> (i32, i32) {
    %c0_i32 = arith.constant 0 : i32
    %c0_i32_0 = arith.constant 0 : i32
    return %arg0, %c0_i32 : i32, i32
  }
  func.func @transform_2(%arg0: i32) -> (i32, i32) {
    %c0_i32 = arith.constant 0 : i32
    %c0_i32_0 = arith.constant 0 : i32
    %c0_i32_1 = arith.constant 0 : i32
    return %c0_i32, %c0_i32_0 : i32, i32
  }
  func.func @transform_3(%arg0: i32) -> (i32, i32) {
    %c0_i32 = arith.constant 0 : i32
    %c0_i32_0 = arith.constant 0 : i32
    %c0_i32_1 = arith.constant 0 : i32
    return %c0_i32, %c0_i32_0 : i32, i32
  }
  func.func @transform_4(%arg0: i32) -> (i32, i32) {
    %c0_i32 = arith.constant 0 : i32
    %c0_i32_0 = arith.constant 0 : i32
    return %arg0, %c0_i32 : i32, i32
  }
  func.func @transform_5(%arg0: i32) -> (i32, i32, i32) {
    %c0_i32 = arith.constant 0 : i32
    %c0_i32_0 = arith.constant 0 : i32
    %c0_i32_1 = arith.constant 0 : i32
    return %c0_i32, %arg0, %c0_i32_0 : i32, i32, i32
  }
}

module attributes {stable_mosaic.version = 14 : i64} {
  func.func @body(%arg0: i32, %arg1: memref<2x256x128xf32, #tpu.memory_space<vmem>>, %arg2: memref<256x1xf32, #tpu.memory_space<vmem>>, %arg3: memref<128x128xf32, #tpu.memory_space<vmem>>, %arg4: memref<1x128xf32, #tpu.memory_space<vmem>>, %arg5: memref<256x128xf32, #tpu.memory_space<vmem>>) attributes {dimension_semantics = [#tpu.dimension_semantics<arbitrary>], iteration_bounds = array<i64: 40>, scalar_prefetch = 0 : i64, scratch_operands = 0 : i64, tpu.core_type = #tpu.core_type<tc>, window_params = [{transform_indices = @transform_0, window_bounds = array<i64: 2, 256, 128>}, {transform_indices = @transform_1, window_bounds = array<i64: 256, 1>}, {pipeline_mode = #tpu.pipeline_mode<synchronous>, transform_indices = @transform_2, window_bounds = array<i64: 128, 128>}, {pipeline_mode = #tpu.pipeline_mode<synchronous>, transform_indices = @transform_3, window_bounds = array<i64: 1, 128>}, {transform_indices = @transform_4, window_bounds = array<i64: 256, 128>}]} {
    %get3A = arith.constant 0 : index
    %get3A_0 = arith.constant 0 : index
    %get3A_1 = arith.constant 0 : index
    %get3A_2 = vector.load %arg1[%get3A, %get3A_0, %get3A_1] : memref<2x256x128xf32, #tpu.memory_space<vmem>>, vector<1x256x128xf32>
    %get3A_3 = vector.shape_cast %get3A_2 : vector<1x256x128xf32> to vector<256x128xf32>
    %get3A_4 = arith.constant 1 : index
    %get3A_5 = arith.constant 0 : index
    %get3A_6 = arith.constant 0 : index
    %get3A_7 = vector.load %arg1[%get3A_4, %get3A_5, %get3A_6] : memref<2x256x128xf32, #tpu.memory_space<vmem>>, vector<1x256x128xf32>
    %get3A_8 = vector.shape_cast %get3A_7 : vector<1x256x128xf32> to vector<256x128xf32>
    %add3A = arith.addf %get3A_3, %get3A_8 : vector<256x128xf32>
    %get3A_9 = arith.constant 0 : index
    %get3A_10 = arith.constant 0 : index
    %get3A_11 = vector.load %arg2[%get3A_9, %get3A_10] : memref<256x1xf32, #tpu.memory_space<vmem>>, vector<256x1xf32>
    %mul3A = vector.broadcast %get3A_11 : vector<256x1xf32> to vector<256x128xf32>
    %mul3A_12 = arith.mulf %add3A, %mul3A : vector<256x128xf32>
    %get3A_13 = arith.constant 0 : index
    %get3A_14 = arith.constant 0 : index
    %get3A_15 = vector.load %arg3[%get3A_13, %get3A_14] : memref<128x128xf32, #tpu.memory_space<vmem>>, vector<128x128xf32>
    %dot_general3A = arith.constant dense<0.000000e+00> : vector<256x128xf32>
    %dot_general3A_16 = tpu.matmul %mul3A_12, %get3A_15, %dot_general3A {dimension_numbers = #tpu.dot_dimension_numbers<[1], [0], [0], [1], [0, 0, 1, 1], [], []>, precision = #tpu.contract_precision<fp32>, transpose_lhs_hint = false} : vector<256x128xf32>, vector<128x128xf32>, vector<256x128xf32> -> vector<256x128xf32>
    %get3A_17 = arith.constant 0 : index
    %get3A_18 = arith.constant 0 : index
    %get3A_19 = vector.load %arg4[%get3A_17, %get3A_18] : memref<1x128xf32, #tpu.memory_space<vmem>>, vector<1x128xf32>
    %add3A_20 = vector.broadcast %get3A_19 : vector<1x128xf32> to vector<256x128xf32>
    %add3A_21 = arith.addf %dot_general3A_16, %add3A_20 : vector<256x128xf32>
    %max3A = arith.constant 0.000000e+00 : f32
    %max3A_22 = vector.broadcast %max3A : f32 to vector<256x128xf32>
    %max3A_23 = arith.maximumf %add3A_21, %max3A_22 : vector<256x128xf32>
    %swap3A = arith.constant 0 : index
    %swap3A_24 = arith.constant 0 : index
    %swap3A_25 = vector.load %arg5[%swap3A, %swap3A_24] : memref<256x128xf32, #tpu.memory_space<vmem>>, vector<256x128xf32>
    tpu.vector_store %arg5[%swap3A, %swap3A_24], %max3A_23 {strides = array<i32>} : memref<256x128xf32, #tpu.memory_space<vmem>>, vector<256x128xf32>,
    return
  }
  func.func @transform_0(%arg0: i32) -> (i32, i32, i32) {
    %c0_i32 = arith.constant 0 : i32
    %c0_i32_0 = arith.constant 0 : i32
    %c0_i32_1 = arith.constant 0 : i32
    return %c0_i32, %arg0, %c0_i32_0 : i32, i32, i32
  }
  func.func @transform_1(%arg0: i32) -> (i32, i32) {
    %c0_i32 = arith.constant 0 : i32
    %c0_i32_0 = arith.constant 0 : i32
    return %arg0, %c0_i32 : i32, i32
  }
  func.func @transform_2(%arg0: i32) -> (i32, i32) {
    %c0_i32 = arith.constant 0 : i32
    %c0_i32_0 = arith.constant 0 : i32
    %c0_i32_1 = arith.constant 0 : i32
    return %c0_i32, %c0_i32_0 : i32, i32
  }
  func.func @transform_3(%arg0: i32) -> (i32, i32) {
    %c0_i32 = arith.constant 0 : i32
    %c0_i32_0 = arith.constant 0 : i32
    %c0_i32_1 = arith.constant 0 : i32
    return %c0_i32, %c0_i32_0 : i32, i32
  }
  func.func @transform_4(%arg0: i32) -> (i32, i32) {
    %c0_i32 = arith.constant 0 : i32
    %c0_i32_0 = arith.constant 0 : i32
    return %arg0, %c0_i32 : i32, i32
  }
}

module attributes {stable_mosaic.version = 14 : i64} {
  func.func @body(%arg0: i32, %arg1: memref<1x264x128xf32, #tpu.memory_space<vmem>>, %arg2: memref<128x106xf32, #tpu.memory_space<vmem>>, %arg3: memref<1x106xf32, #tpu.memory_space<vmem>>, %arg4: memref<256x106xf32, #tpu.memory_space<vmem>>, %arg5: memref<256x128xf32, #tpu.memory_space<vmem>>) attributes {dimension_semantics = [#tpu.dimension_semantics<arbitrary>], iteration_bounds = array<i64: 32>, scalar_prefetch = 0 : i64, scratch_operands = 1 : i64, tpu.core_type = #tpu.core_type<tc>, window_params = [{transform_indices = @transform_0, window_bounds = array<i64: 1, 264, 128>}, {pipeline_mode = #tpu.pipeline_mode<synchronous>, transform_indices = @transform_1, window_bounds = array<i64: 128, 106>}, {pipeline_mode = #tpu.pipeline_mode<synchronous>, transform_indices = @transform_2, window_bounds = array<i64: 1, 106>}, {pipeline_mode = #tpu.pipeline_mode<synchronous>, transform_indices = @transform_3, window_bounds = array<i64: 256, 106>}]} {
    %get3A = arith.constant 0 : index
    %get3A_0 = arith.constant 0 : index
    %get3A_1 = arith.constant 0 : index
    %get3A_2 = vector.load %arg1[%get3A, %get3A_0, %get3A_1] : memref<1x264x128xf32, #tpu.memory_space<vmem>>, vector<1x256x128xf32>
    %get3A_3 = vector.shape_cast %get3A_2 : vector<1x256x128xf32> to vector<256x128xf32>
    %eq3A = arith.constant 0 : i32
    %eq3A_4 = arith.cmpi eq, %arg0, %eq3A : i32
    %convert_element_type3A = arith.extui %eq3A_4 : i1 to i32
    %cond3A = arith.constant 0 : i32
    %cond3A_5 = arith.cmpi ne, %convert_element_type3A, %cond3A : i32
    scf.if %cond3A_5 {
      %swap3A = arith.constant 0 : index
      %swap3A_15 = arith.constant 0 : index
      %swap3A_16 = vector.load %arg5[%swap3A, %swap3A_15] : memref<256x128xf32, #tpu.memory_space<vmem>>, vector<256x128xf32>
      tpu.vector_store %arg5[%swap3A, %swap3A_15], %get3A_3 {strides = array<i32>} : memref<256x128xf32, #tpu.memory_space<vmem>>, vector<256x128xf32>,
    } else {
    }
    %gt3A = arith.constant 0 : i32
    %gt3A_6 = arith.cmpi sgt, %arg0, %gt3A : i32
    %convert_element_type3A_7 = arith.extui %gt3A_6 : i1 to i32
    %cond3A_8 = arith.constant 0 : i32
    %cond3A_9 = arith.cmpi ne, %convert_element_type3A_7, %cond3A_8 : i32
    scf.if %cond3A_9 {
      %get3A_15 = arith.constant 0 : index
      %get3A_16 = arith.constant 0 : index
      %get3A_17 = vector.load %arg5[%get3A_15, %get3A_16] : memref<256x128xf32, #tpu.memory_space<vmem>>, vector<256x128xf32>
      %max3A = arith.maximumf %get3A_17, %get3A_3 : vector<256x128xf32>
      %swap3A = arith.constant 0 : index
      %swap3A_18 = arith.constant 0 : index
      %swap3A_19 = vector.load %arg5[%swap3A, %swap3A_18] : memref<256x128xf32, #tpu.memory_space<vmem>>, vector<256x128xf32>
      tpu.vector_store %arg5[%swap3A, %swap3A_18], %max3A {strides = array<i32>} : memref<256x128xf32, #tpu.memory_space<vmem>>, vector<256x128xf32>,
    } else {
    }
    %eq3A_10 = arith.constant 31 : i32
    %eq3A_11 = arith.cmpi eq, %arg0, %eq3A_10 : i32
    %convert_element_type3A_12 = arith.extui %eq3A_11 : i1 to i32
    %cond3A_13 = arith.constant 0 : i32
    %cond3A_14 = arith.cmpi ne, %convert_element_type3A_12, %cond3A_13 : i32
    scf.if %cond3A_14 {
      %get3A_15 = arith.constant 0 : index
      %get3A_16 = arith.constant 0 : index
      %get3A_17 = vector.load %arg5[%get3A_15, %get3A_16] : memref<256x128xf32, #tpu.memory_space<vmem>>, vector<256x128xf32>
      %get3A_18 = arith.constant 0 : index
      %get3A_19 = arith.constant 0 : index
      %get3A_20 = vector.load %arg2[%get3A_18, %get3A_19] : memref<128x106xf32, #tpu.memory_space<vmem>>, vector<128x106xf32>
      %dot_general3A = arith.constant dense<0.000000e+00> : vector<256x106xf32>
      %dot_general3A_21 = tpu.matmul %get3A_17, %get3A_20, %dot_general3A {dimension_numbers = #tpu.dot_dimension_numbers<[1], [0], [0], [1], [0, 0, 1, 1], [], []>, precision = #tpu.contract_precision<fp32>, transpose_lhs_hint = false} : vector<256x128xf32>, vector<128x106xf32>, vector<256x106xf32> -> vector<256x106xf32>
      %get3A_22 = arith.constant 0 : index
      %get3A_23 = arith.constant 0 : index
      %get3A_24 = vector.load %arg3[%get3A_22, %get3A_23] : memref<1x106xf32, #tpu.memory_space<vmem>>, vector<1x106xf32>
      %add3A = vector.broadcast %get3A_24 : vector<1x106xf32> to vector<256x106xf32>
      %add3A_25 = arith.addf %dot_general3A_21, %add3A : vector<256x106xf32>
      %swap3A = arith.constant 0 : index
      %swap3A_26 = arith.constant 0 : index
      %swap3A_27 = vector.load %arg4[%swap3A, %swap3A_26] : memref<256x106xf32, #tpu.memory_space<vmem>>, vector<256x106xf32>
      tpu.vector_store %arg4[%swap3A, %swap3A_26], %add3A_25 {strides = array<i32>} : memref<256x106xf32, #tpu.memory_space<vmem>>, vector<256x106xf32>,
    } else {
    }
    return
  }
  func.func @transform_0(%arg0: i32) -> (i32, i32, i32) {
    %c0_i32 = arith.constant 0 : i32
    %c0_i32_0 = arith.constant 0 : i32
    %c0_i32_1 = arith.constant 0 : i32
    return %arg0, %c0_i32, %c0_i32_0 : i32, i32, i32
  }
  func.func @transform_1(%arg0: i32) -> (i32, i32) {
    %c0_i32 = arith.constant 0 : i32
    %c0_i32_0 = arith.constant 0 : i32
    %c0_i32_1 = arith.constant 0 : i32
    return %c0_i32, %c0_i32_0 : i32, i32
  }
  func.func @transform_2(%arg0: i32) -> (i32, i32) {
    %c0_i32 = arith.constant 0 : i32
    %c0_i32_0 = arith.constant 0 : i32
    %c0_i32_1 = arith.constant 0 : i32
    return %c0_i32, %c0_i32_0 : i32, i32
  }
  func.func @transform_3(%arg0: i32) -> (i32, i32) {
    %c0_i32 = arith.constant 0 : i32
    %c0_i32_0 = arith.constant 0 : i32
    %c0_i32_1 = arith.constant 0 : i32
    return %c0_i32, %c0_i32_0 : i32, i32
  }
}

</mosaic_0001>

<sc_bundles>
// kernel: kernel.10.cloned.1.call-start
scs
__scs_entry_jumppad:
0x0: {  	(pc) =	sbr.rel $0x88, $3  }
0x1: {  	(tag) =	ssettag $0x0;
	lr =	simm.s32 $0x1  }
0x2: {  	[smem:$0x3F97] =	sst lr;
	_ =	strace $0xD0000000  }
0x3: {  	_ = 	snop  }
0x4: {  	_ = 	snop  }
0x5: {  	_ = 	snop  }
0x6: {  	_ = 	snop  }
0x7: {  	_ = 	snop  }
__scs_overlays_trampoline_lowered:
0x8: {  	[smem:$0x3FA6] =	sst s0  }
0x9: {  	[smem:$0x3FA7] =	sst s1  }
0xa: {  	[smem:$0x3FA8] =	sst s2  }
0xb: {  	[smem:$0x3FA9] =	sst s3  }
0xc: {  	[smem:$0x3FAA] =	sst s4  }
0xd: {  	[smem:$0x3FAB] =	sst s5  }
0xe: {  	[smem:$0x3FAC] =	sst s6  }
0xf: {  	[smem:$0x3FAD] =	sst s7  }
0x10: {  	[smem:$0x3FAE] =	sst s8  }
0x11: {  	[smem:$0x3FAF] =	sst s9;
	s0 =	simm.s32 @!p0 $0x0  }
0x12: {  	s1 =	sld [smem:$0x3F95];
	s0 =	simm.s32 @p0 $0x1  }
0x13: {  	[smem:$0x3FB0] =	sst s0;
	s0 =	simm.s32 @!p1 $0x0  }
0x14: {  	s2 =	sld [smem:$0x3F94];
	s0 =	simm.s32 @p1 $0x1  }
0x15: {  	[smem:$0x3FB1] =	sst s0;
	s0 =	simm.s32 @!p2 $0x0  }
0x16: {  	s3 =	sld [smem:$0x3FDB];
	s0 =	simm.s32 @p2 $0x1  }
0x17: {  	s4 =	simm.s32 $0x1BF5;
	[smem:$0x3FB3] =	sst s0  }
0x18: {  	s0 =	sld [smem:$0x3F96];
	_ =	swait.ge [sflag:s4], $0x0  }
0x19: {  	s7 =	sld [smem:$0x3F97]  }
0x1a: {  	s8 =	sadd.s32 $0xFFFFE003, lr  }
0x1b: {  	s9 =	sadd.s32 $0xFFFFFEF7, lr;
	s5 =	simm.s32 $0xFFFFFFFF;
	p2 =	slt.u32 s8, $0xFFFFF086  }
0x1c: {  	p1 =	slt.u32 s9, $0xF7A;
	s5 =	simm.s32 @!p2 $0x0  }
0x1d: {  	s5 =	simm.s32 @p1 $0x1;
	p0 =	seq.s32 s7, s2  }
0x1e: {  	s7 =	smul.u32 @!p0 $0xF7A, s2;
	p2 =	seq.s32 @!p0 s5, $0x0  }
0x1f: {  	s9 =	smul.u32 $0xF7A, s1;
	s8 =	simm.s32 @!p0 $0x1BF5;
	p2 =	por !p2, p0  }
0x20: {  	[sflag:s8] =	ssyncset.s32 @!p0 $0xFFFFF086;
	s6 =	sadd.s32 @!p0 s3, s7;
	s7 =	simm.s32 @!p0 $0x108  }
0x21: {  	s3 =	sadd.s32 s3, s9;
	s6 =	sadd.s32 @!p0 $0x88, s6;
	s7 =	simm.s32 @p2 $0x1082  }
0x22: {  	[simem:s7], [sflag:s8] =	dma.local @!p0 [hbm:s6], $0xF7A  }
0x23: {  	s9 =	sor.u32 $0xD0000000, s2;
	s6 =	simm.s32 $0x108;
	_ =	swait.ge @!p0 [sflag:s8], $0x0  }
0x24: {  	s3 =	sadd.s32 $0x88, s3;
	s6 =	simm.s32 @!p1 $0x1082;
	[sflag:s4] =	ssyncset.s32 $0xFFFFF086  }
0x25: {  	[simem:s6], [sflag:s4] =	dma.local [hbm:s3], $0xF7A  }
0x26: {  	[smem:$0x3F97] =	sst s1;
	(tag) =	ssettag s2;
	_ =	strace s9  }
0x27: {  	s1 =	sld [smem:$0x3FA7]  }
0x28: {  	s2 =	sld [smem:$0x3FA8]  }
0x29: {  	s4 =	sld [smem:$0x3FAA]  }
0x2a: {  	p0 =	seq.s32 s5, $0x0;
	s5 =	sld [smem:$0x3FAB]  }
0x2b: {  	s6 =	sld [smem:$0x3FAC]  }
0x2c: {  	s7 =	sld [smem:$0x3FAD]  }
0x2d: {  	s3 =	simm.s32 $0x108;
	s8 =	sld [smem:$0x3FAE]  }
0x2e: {  	s3 =	simm.s32 @!p0 $0x1082;
	s9 =	sld [smem:$0x3FAF]  }
0x2f: {  	lr =	sadd.s32 s0, s3;
	s0 =	sld [smem:$0x3FA6]  }
0x30: {  	s3 =	sld [smem:$0x3FA9]  }
0x31: {  	[smem:$0x3FB2] =	sst s10  }
0x32: {  	s10 =	sld [smem:$0x3FB0];
	_ =	sdelay $0x3  }
0x33: {  	p0 =	seq.s32 s10, $0x1;
	s10 =	sld [smem:$0x3FB2];
	_ =	sdelay $0x3  }
0x34: {  	[smem:$0x3FB2] =	sst s10  }
0x35: {  	s10 =	sld [smem:$0x3FB1];
	_ =	sdelay $0x3  }
0x36: {  	p1 =	seq.s32 s10, $0x1;
	s10 =	sld [smem:$0x3FB2];
	_ =	sdelay $0x3  }
0x37: {  	[smem:$0x3FB2] =	sst s10  }
0x38: {  	s10 =	sld [smem:$0x3FB3]  }
0x39: {  	_ = 	snop;
	(pc) =	sbr.ind lr, $3  }
0x3a: {  	_ = 	snop  }
0x3b: {  	_ = 	snop  }
0x3c: {  	p2 =	seq.s32 s10, $0x1;
	s10 =	sld [smem:$0x3FB2]  }
0x3d: {  	_ =	shalt  }
0x3e: {  	_ =	shalt  }
0x3f: {  	_ =	shalt  }
0x40: {  	_ =	shalt  }
0x41: {  	_ =	shalt  }
0x42: {  	_ =	shalt  }
0x43: {  	_ =	shalt  }
0x44: {  	_ =	shalt  }
0x45: {  	_ =	shalt  }
0x46: {  	_ =	shalt  }
0x47: {  	_ =	shalt  }
0x48: {  	_ =	shalt  }
0x49: {  	_ =	shalt  }
0x4a: {  	_ =	shalt  }
0x4b: {  	_ =	shalt  }
0x4c: {  	_ =	shalt  }
0x4d: {  	_ =	shalt  }
0x4e: {  	_ =	shalt  }
0x4f: {  	_ =	shalt  }
0x50: {  	_ =	shalt  }
0x51: {  	_ =	shalt  }
0x52: {  	_ =	shalt  }
0x53: {  	_ =	shalt  }
0x54: {  	_ =	shalt  }
0x55: {  	_ =	shalt  }
0x56: {  	_ =	shalt  }
0x57: {  	_ =	shalt  }
0x58: {  	_ =	shalt  }
0x59: {  	_ =	shalt  }
0x5a: {  	_ =	shalt  }
0x5b: {  	_ =	shalt  }
0x5c: {  	_ =	shalt  }
0x5d: {  	_ =	shalt  }
0x5e: {  	_ =	shalt  }
0x5f: {  	_ =	shalt  }
0x60: {  	_ =	shalt  }
0x61: {  	_ =	shalt  }
0x62: {  	_ =	shalt  }
0x63: {  	_ =	shalt  }
0x64: {  	_ =	shalt  }
0x65: {  	_ =	shalt  }
0x66: {  	_ =	shalt  }
0x67: {  	_ =	shalt  }
0x68: {  	_ =	shalt  }
0x69: {  	_ =	shalt  }
0x6a: {  	_ =	shalt  }
0x6b: {  	_ =	shalt  }
0x6c: {  	_ =	shalt  }
0x6d: {  	_ =	shalt  }
0x6e: {  	_ =	shalt  }
0x6f: {  	_ =	shalt  }
0x70: {  	_ =	shalt  }
0x71: {  	_ =	shalt  }
0x72: {  	_ =	shalt  }
0x73: {  	_ =	shalt  }
0x74: {  	_ =	shalt  }
0x75: {  	_ =	shalt  }
0x76: {  	_ =	shalt  }
0x77: {  	_ =	shalt  }
0x78: {  	_ =	shalt  }
0x79: {  	_ =	shalt  }
0x7a: {  	_ =	shalt  }
0x7b: {  	_ =	shalt  }
0x7c: {  	_ =	shalt  }
0x7d: {  	_ =	shalt  }
0x7e: {  	_ =	shalt  }
0x7f: {  	_ =	shalt  }
0x80: {  	_ =	shalt  }
0x81: {  	_ =	shalt  }
0x82: {  	_ =	shalt  }
0x83: {  	_ =	shalt  }
0x84: {  	_ =	shalt  }
0x85: {  	_ =	shalt  }
0x86: {  	_ =	shalt  }
0x87: {  	_ =	shalt  }
.Lfunc_end0:
.L_simem_size_0:
called_computation_lowered:
.L_overlay_start_0:
0x88: {  	s2 =	sld [smem:$0x3FD9]  }
0x89: {  	s3 =	sld [smem:$0x3FFE];
	_ =	sdelay $0x1  }
0x8a: {  	s1 =	srdreg.scid  }
0x8b: {  	s0 =	sand.u32 $0x1, s1  }
0x8c: {  	s16 =	sshll.u32 s0, $0xA;
	s2 =	sadd.s32 s3, s2  }
0x8d: {  	s2 =	sadd.s32 s2, s16  }
0x8e: {  	[smem:$0x3FBE] =	sst s2  }
0x8f: {  	_ = 	snop  }
0x90: {  	(tm) =	ssettm $0x1  }
0x91: {  	s17 =	sld [smem:$0x3FFB];
	_ =	sdelay $0x3  }
0x92: {  	_ =	strace s17  }
0x93: {  	s2 =	sld [smem:$0x3FFC];
	_ =	sdelay $0x3  }
0x94: {  	_ =	strace s2  }
0x95: {  	s2 =	sld [smem:$0x3FFD];
	_ =	sdelay $0x3  }
0x96: {  	_ =	strace s2  }
0x97: {  	_ =	strace $0x8FFFFFFF  }
0x98: {  	s18 =	sld [smem:$0x3FDB];
	_ =	sdelay $0x1  }
0x99: {  	s19 =	simm.s32 $_scs_section_size  }
0x9a: {  	s4 =	simm.s32 $_size__tile_overlayer_lowered;
	s5 =	simm.s32 $_tile_overlayer_lowered  }
0x9b: {  	s22 =	simm.s32 $0x1BFF;
	s21 =	sshll.u32 s5, $0x1;
	s2 =	sadd.s32 s19, s18  }
0x9c: {  	s6 =	simm.s32 $0x0;
	s20 =	sshll.u32 s4, $0x1;
	s4 =	sadd.s32 s21, s2  }
0x9d: {  	[timem:s6], [sflag:s22] =	dma.local [hbm:s4], s20  }
0x9e: {  	_ =	swait.ge [sflag:s22], s20  }
0x9f: {  	s3 =	ssub.s32 $0x0, s20;
	[sflag:s22] =	ssyncset.done $0x0  }
0xa0: {  	[sflag:s22] =	ssyncadd.s32 s3;
	_ =	sdelay $0x1  }
0xa1: {  	s23 =	simm.s32 $0x1B8B  }
0xa2: {  	_ =	swait.ge [sflag:s23], $0x1  }
0xa3: {  	[sflag:s23] =	ssyncset.done $0x0  }
0xa4: {  	s25 =	simm.s32 $0x1B8E;
	s24 =	sld [smem:$0x3FFE];
	[sflag:s23] =	ssyncadd.s32 $0xFFFFFFFF  }
0xa5: {  	s26 =	simm.s32 $execute0_lowered;
	[smem:$0x3FD2] =	sst s25  }
0xa6: {  	s4 =	sshll.u32 s26, $0x1;
	_ =	strace $0x80000046;
	[dreg:$0x1] =	wrdreg $0xFFFFFFFF  }
0xa7: {  	s28 =	simm.s32 $_size_execute0_lowered;
	s2 =	sadd.s32 s2, s4;
	[dreg:$0x0] =	wrdreg $0x0  }
0xa8: {  	s4 =	sshll.u32 s28, $0x1;
	[dreg:$0x2] =	wrdreg s2  }
0xa9: {  	[dreg:$0x3] =	wrdreg s4  }
0xaa: {  	[dreg:$0x4] =	wrdreg $0xC0  }
0xab: {  	_ =	task [dreg:s6], $0x5FFFF  }
0xac: {  	[dreg:$0x1] =	wrdreg $0xFFFFFFFF  }
0xad: {  	[dreg:$0x0] =	wrdreg $0x60  }
0xae: {  	[dreg:$0x2] =	wrdreg s24  }
0xaf: {  	[dreg:$0x3] =	wrdreg $0x7F800  }
0xb0: {  	[dreg:$0x4] =	wrdreg $0x9  }
0xb1: {  	_ =	task.clear_ibuf [dreg:s6], $0x5FFFF;
	_ =	strace $0x90000046  }
0xb2: {  	s29 =	simm.s32 $0x9;
	_ =	strace $0x80000048  }
0xb3: {  	_ =	swait.ge [sflag:s29], $0x1  }
0xb4: {  	[sflag:s29] =	ssyncadd.s32 $0xFFFFFFFF  }
0xb5: {  	_ =	strace $0x90000048  }
0xb6: {  	_ =	sfence  }
0xb7: {  	s30 =	sld [smem:$0x0];
	_ =	sdelay $0x2  }
0xb8: {  	s31 =	sshll.u32 s1, $0xD;
	s1 =	sshrl.u32 s1, $0x2  }
0xb9: {  	s3 =	sand.u32 $0x4000, s31;
	s1 =	sadd.s32 s1, s30  }
0xba: {  	s0 =	sor.u32 s3, s0;
	s1 =	sshll.u32 s1, $0x11  }
0xbb: {  	s0 =	sor.u32 s1, s0  }
0xbc: {  	s0 =	sadd.s32 $0x8F2B, s0  }
0xbd: {  	[sflag:s0] =	ssyncadd.remote.s32 $0x1  }
0xbe: {  	_ =	sfence.sel $0xFFFF  }
0xbf: {  	[dreg:$0x0] =	wrdreg $0xFFFFFFFF;
	(pc) =	sbr.abs _section_cstart, $3  }
0xc0: {  	[dreg:$0x1] =	wrdreg $0xFFFFFFFF  }
0xc1: {  	_ =	task.clear_ibuf [dreg:s6], $0x2FFFF;
	_ =	strace $0x9FFFFFFF  }
0xc2: {  	(tm) =	ssettm $0x7FFFFFFF  }
0xc3: {  	_ =	shalt  }
tec
execute0_lowered:
.L_overlay_start_1:
0x0: {  	(tag) =	ssettag $0x1  }
0x1: {  	s0 =	rddreg [dreg:$0x0]  }
0x2: {  	s2 =	rddreg [dreg:$0x1];
	s3 =	stileid.u32  }
0x3: {  	s5 =	simm.s32 $0x0;
	s4 =	srdreg.scid;
	s12 =	simm.s32 $0x1  }
0x4: {  	s13 =	simm.s32 $0x7D00;
	s14 =	simm.s32 $0x5000;
	s15 =	simm.s32 $0x7800  }
0x5: {  	s16 =	simm.s32 $0x80;
	s17 =	simm.s32 $0x7D80;
	s18 =	simm.s32 $0x5800  }
0x6: {  	s19 =	simm.s32 $0x7E00;
	s20 =	simm.s32 $0x6000;
	s21 =	simm.s32 $0x7E80  }
0x7: {  	s22 =	simm.s32 $0x6800;
	s23 =	simm.s32 $0x7F00;
	s24 =	simm.s32 $0x7000  }
0x8: {  	s25 =	simm.s32 $0x7A80;
	s26 =	simm.s32 $0x0;
	s1 =	smul.u32 $0xA00, s3  }
0x9: {  	[smem:$0x7FF] =	sst s5;
	s7 =	sand.u32 $0x1, s4;
	s10 =	smul.u32 $0x280, s3  }
.Ltmp0:
0xa: {  	s4 =	sadd.s32 $0x2E00, s0;
	s5 =	sadd.s32 $0x17600, s0;
	(pc) =	sbr.rel .LBB2_1-.Ltmp0, $4  }
0xb: {  	s6 =	sadd.s32 $0x17000, s0;
	_ =	strace $0x80000047;
	s8 =	ssub.s32 $0x2, s7  }
0xc: {  	p0 =	seq.s32 s7, $0x1;
	s1 =	sadd.s32 s1, s0;
	s9 =	sshrl.u32 s8, $0x1  }
0xd: {  	s31 =	ssub.s32 s8, s9;
	s7 =	sadd.s32 $0x3000, s1;
	s8 =	sadd.s32 s10, s2  }
0xe: {  	v0 =	vimm.f32 $0.0e+00;
	v1 =	vimm.f32 $1.000000000e+00;
	s9 =	sshrl.u32 s10, $0x3;
	s10 =	sadd.s32 $0xD000, s1;
	s11 =	smax.u32 s31, $0x1  }
.LBB2_15:
0xf: {  	v10 =	vmax.f32 v10, $1.000000000e+00  }
0x10: {  	v13 =	vshra.s32 v10, $0x1;
	v10 =	vmul.f32 $5.000000000e-01, v10  }
0x11: {  	v13 =	vsub.s32 $0x5F3759DF, v13  }
0x12: {  	v14 =	vmul.f32 v13, v10  }
0x13: {  	v12 =	vmul.f32 v7, v12  }
0x14: {  	v14 =	vmul.f32 v13, v14  }
0x15: {  	v12 =	vsub.f32 $1.500000000e+00, v12  }
0x16: {  	v14 =	vsub.f32 $1.500000000e+00, v14  }
0x17: {  	v53 =	vmul.f32 v7, v12  }
0x18: {  	v54 =	vmul.f32 v8, v4;
	v13 =	vmul.f32 v13, v14  }
0x19: {  	v55 =	vmul.f32 v53, v5  }
0x1a: {  	v12 =	vmul.f32 v54, v8;
	v15 =	vmul.f32 v13, v10  }
0x1b: {  	v14 =	vmul.f32 v55, v53  }
0x1c: {  	v12 =	vsub.f32 $1.500000000e+00, v12;
	v15 =	vmul.f32 v15, v13  }
0x1d: {  	v6 =	vmul.f32 v11, v6;
	v56 =	vsub.f32 $1.500000000e+00, v14  }
0x1e: {  	v57 =	vmul.f32 v12, v8;
	v58 =	vsub.f32 $1.500000000e+00, v15  }
0x1f: {  	v2 =	vmul.f32 v6, v2;
	v7 =	vmul.f32 v56, v53  }
0x20: {  	v59 =	vmul.f32 v57, v4;
	v60 =	vmul.f32 v58, v13  }
0x21: {  	v2 =	vmul.f32 v2, v6;
	v61 =	vmul.f32 v7, v5  }
0x22: {  	v9 =	vsub.f32 $1.500000000e+00, v9;
	v4 =	vmul.f32 v59, v57;
	v10 =	vmul.f32 v60, v10  }
0x23: {  	v2 =	vsub.f32 $1.500000000e+00, v2;
	v5 =	vmul.f32 v61, v7  }
0x24: {  	v3 =	vmul.f32 v9, v3;
	v4 =	vsub.f32 $1.500000000e+00, v4;
	v62 =	vmul.f32 v10, v60  }
0x25: {  	v2 =	vmul.f32 v2, v6;
	v5 =	vsub.f32 $1.500000000e+00, v5  }
0x26: {  	[tilespmem:s29+$0x7A80] =	vst v3;
	v3 =	vmul.f32 v4, v57;
	v63 =	vsub.f32 $1.500000000e+00, v62  }
0x27: {  	[tilespmem:s28+$0x7A80] =	vst v2;
	v2 =	vmul.f32 v5, v7  }
0x28: {  	[tilespmem:s30+$0x7A80] =	vst v3;
	v3 =	vmul.f32 v63, v60  }
0x29: {  	[tilespmem:s31+$0x7A80] =	vst v2  }
0x2a: {  	[tilespmem:s0+$0x7A80] =	vst v3;
	s0 =	smov.u32 s6  }
.LBB2_16:
0x2b: {  	s26 =	sadd.s32 $0x1, s26  }
0x2c: {  	p1 =	sne.s32 s26, s11  }
.Ltmp1:
0x2d: {  	s0 =	sadd.s32 s0, s9;
	s1 =	simm.s32 $0x0;
	(pc) =	sbr.rel @!p1 .LBB2_17-.Ltmp1, $4  }
0x2e: {  	[hbm4b:s0+s1] =	stream.linear.scatter [tilespmem:s25], [sflag:$0x1], $0x280, $0x38;
	[tilespmem:$0x8200] =	vst v63  }
0x2f: {  	_ =	swait.ge [sflag:s12], $0x280  }
0x30: {  	[sflag:s12] =	ssyncset.done $0x0  }
0x31: {  	[sflag:s12] =	ssyncadd.s32 $0xFFFFFD80  }
.LBB2_1:
.Ltmp2:
0x32: {  	(pc) =	sbr.rel @!p0 .LBB2_2-.Ltmp2, $2  }
0x33: {  	_ =	sdelay $0x2  }
0x34: {  	s0 =	simm.s32 $0x0  }
0x35: {  	[tilespmem:s0], [sflag:$0x1] =	stream.linear.gather [hbm4b:s10+s0], $0x5000, $0x38;
	[tilespmem:$0x8200] =	vst v63  }
0x36: {  	_ =	swait.ge [sflag:s12], $0x5000  }
0x37: {  	[sflag:s12] =	ssyncset.done $0x0  }
0x38: {  	[sflag:s12] =	ssyncadd.s32 $0xFFFFB000  }
0x39: {  	[tilespmem:s13], [sflag:$0x1] =	stream.linear.gather [hbm4b:s4+s0], $0x280, $0x38;
	[tilespmem:$0x8200] =	vst v63  }
0x3a: {  	_ =	swait.ge [sflag:s12], $0x280  }
0x3b: {  	[sflag:s12] =	ssyncset.done $0x0  }
0x3c: {  	s1 =	simm.s32 $0x0;
	s0 =	simm.s32 $0x40;
	[sflag:s12] =	ssyncadd.s32 $0xFFFFFD80  }
.LBB2_10:
0x3d: {  	p1 =	sne.s32 s0, $0x9FC0;
	[tilespmem:s1+$0x5000] =	vst v0;
	s1 =	smov.u32 s0;
	s0 =	sadd.s32 $0x40, s0  }
.Ltmp3:
0x3e: {  	(pc) =	sbr.rel @p1 .LBB2_10-.Ltmp3, $2  }
0x3f: {  	_ =	sdelay $0x2  }
0x40: {  	s1 =	sshra.s32 s1, $0x2  }
0x41: {  	[tilespmem:s1+$0x5000] =	vst v0  }
0x42: {  	[tilespmem:$0x7800] =	vst v0  }
0x43: {  	[tilespmem:$0x7810] =	vst v0  }
0x44: {  	[tilespmem:$0x7820] =	vst v0  }
0x45: {  	[tilespmem:$0x7830] =	vst v0  }
0x46: {  	[tilespmem:$0x7840] =	vst v0  }
0x47: {  	[tilespmem:$0x7850] =	vst v0  }
0x48: {  	[tilespmem:$0x7860] =	vst v0  }
0x49: {  	[tilespmem:$0x7870] =	vst v0  }
0x4a: {  	[tilespmem:$0x7880] =	vst v0  }
0x4b: {  	[tilespmem:$0x7890] =	vst v0  }
0x4c: {  	[tilespmem:$0x78A0] =	vst v0  }
0x4d: {  	[tilespmem:$0x78B0] =	vst v0  }
0x4e: {  	[tilespmem:$0x78C0] =	vst v0  }
0x4f: {  	[tilespmem:$0x78D0] =	vst v0  }
0x50: {  	[tilespmem:$0x78E0] =	vst v0  }
0x51: {  	[tilespmem:$0x78F0] =	vst v0  }
0x52: {  	[tilespmem:$0x7900] =	vst v0  }
0x53: {  	[tilespmem:$0x7910] =	vst v0  }
0x54: {  	[tilespmem:$0x7920] =	vst v0  }
0x55: {  	[tilespmem:$0x7930] =	vst v0  }
0x56: {  	[tilespmem:$0x7940] =	vst v0  }
0x57: {  	[tilespmem:$0x7950] =	vst v0  }
0x58: {  	[tilespmem:$0x7960] =	vst v0  }
0x59: {  	[tilespmem:$0x7970] =	vst v0  }
0x5a: {  	[tilespmem:$0x7980] =	vst v0  }
0x5b: {  	[tilespmem:$0x7990] =	vst v0  }
0x5c: {  	[tilespmem:$0x79A0] =	vst v0  }
0x5d: {  	[tilespmem:$0x79B0] =	vst v0  }
0x5e: {  	[tilespmem:$0x79C0] =	vst v0  }
0x5f: {  	[tilespmem:$0x79D0] =	vst v0  }
0x60: {  	[tilespmem:$0x79E0] =	vst v0  }
0x61: {  	[tilespmem:$0x79F0] =	vst v0  }
0x62: {  	[tilespmem:$0x7A00] =	vst v0  }
0x63: {  	[tilespmem:$0x7A10] =	vst v0  }
0x64: {  	[tilespmem:$0x7A20] =	vst v0  }
0x65: {  	[tilespmem:$0x7A30] =	vst v0  }
0x66: {  	[tilespmem:$0x7A40] =	vst v0  }
0x67: {  	[tilespmem:$0x7A50] =	vst v0  }
0x68: {  	[tilespmem:$0x7A60] =	vst v0  }
0x69: {  	s1 =	simm.s32 $0x0;
	s0 =	simm.s32 $0x40;
	[tilespmem:$0x7A70] =	vst v0  }
.LBB2_12:
0x6a: {  	p1 =	sne.s32 s0, $0x13FC0;
	v2 =	vld [tilespmem:s1+$0x0];
	_ =	sdelay $0x3  }
.Ltmp4:
0x6b: {  	(pc) =	sbr.rel @p1 .LBB2_12-.Ltmp4, $2  }
0x6c: {  	_ =	sdelay $0x2  }
0x6d: {  	s1 =	sshra.s32 s0, $0x2;
	s0 =	sadd.s32 $0x40, s0;
	[tilespmem:v2+s14+$0x0] =	vst.idx.add.f32.msk $0xffff, v1  }
0x6e: {  	v2 =	vld [tilespmem:s1+$0x0];
	_ =	sdelay $0x7  }
0x6f: {  	[tilespmem:v2+s14+$0x0] =	vst.idx.add.f32.msk $0xffff, v1  }
0x70: {  	[spmem:s8] =	stream.linear.scatter [tilespmem:s15], [sflag:$0x1], $0x280, $0x38;
	[tilespmem:$0x8200] =	vst v63  }
0x71: {  	_ =	swait.ge [sflag:s12], $0x280  }
0x72: {  	[sflag:s12] =	ssyncset.done $0x0  }
0x73: {  	[sflag:s12] =	ssyncadd.s32 $0xFFFFFD80  }
0x74: {  	[bflag:$0x0] =	sbarrier.arrive $0xFFFF  }
0x75: {  	[spmem:s2] =	stream.indirect.scatter.add.f32 [tilespmem:s14], [sflag:$0x1], $0x10, s13, s16, $0xb8;
	[tilespmem:$0x8200] =	vst v63  }
0x76: {  	_ =	swait.ge [sflag:s12], $0x800  }
0x77: {  	[sflag:s12] =	ssyncset.done $0x0  }
0x78: {  	[sflag:s12] =	ssyncadd.s32 $0xFFFFF800  }
0x79: {  	[spmem:s2] =	stream.indirect.scatter.add.f32 [tilespmem:s18], [sflag:$0x1], $0x10, s17, s16, $0xb8;
	[tilespmem:$0x8200] =	vst v63  }
0x7a: {  	_ =	swait.ge [sflag:s12], $0x800  }
0x7b: {  	[sflag:s12] =	ssyncset.done $0x0  }
0x7c: {  	[sflag:s12] =	ssyncadd.s32 $0xFFFFF800  }
0x7d: {  	[spmem:s2] =	stream.indirect.scatter.add.f32 [tilespmem:s20], [sflag:$0x1], $0x10, s19, s16, $0xb8;
	[tilespmem:$0x8200] =	vst v63  }
0x7e: {  	_ =	swait.ge [sflag:s12], $0x800  }
0x7f: {  	[sflag:s12] =	ssyncset.done $0x0  }
0x80: {  	[sflag:s12] =	ssyncadd.s32 $0xFFFFF800  }
0x81: {  	[spmem:s2] =	stream.indirect.scatter.add.f32 [tilespmem:s22], [sflag:$0x1], $0x10, s21, s16, $0xb8;
	[tilespmem:$0x8200] =	vst v63  }
0x82: {  	_ =	swait.ge [sflag:s12], $0x800  }
0x83: {  	[sflag:s12] =	ssyncset.done $0x0  }
0x84: {  	[sflag:s12] =	ssyncadd.s32 $0xFFFFF800  }
0x85: {  	[spmem:s2] =	stream.indirect.scatter.add.f32 [tilespmem:s24], [sflag:$0x1], $0x10, s23, s16, $0xb8;
	[tilespmem:$0x8200] =	vst v63  }
0x86: {  	_ =	swait.ge [sflag:s12], $0x800  }
0x87: {  	[sflag:s12] =	ssyncset.done $0x0  }
0x88: {  	[sflag:s12] =	ssyncadd.s32 $0xFFFFF800  }
0x89: {  	[bflag:$0x0] =	sbarrier.arrive $0xFFFF  }
0x8a: {  	[tilespmem:s15], [sflag:$0x1] =	stream.linear.gather [spmem:s8], $0x280, $0x38;
	[tilespmem:$0x8200] =	vst v63  }
0x8b: {  	_ =	swait.ge [sflag:s12], $0x280  }
0x8c: {  	[sflag:s12] =	ssyncset.done $0x0  }
0x8d: {  	s29 =	simm.s32 $0x0;
	[sflag:s12] =	ssyncadd.s32 $0xFFFFFD80  }
0x8e: {  	v2 =	vld [tilespmem:s29+$0x7800];
	_ =	sdelay $0x4  }
0x8f: {  	s28 =	simm.s32 $0x10;
	v2 =	vmax.f32 v2, $1.000000000e+00  }
0x90: {  	v3 =	vld [tilespmem:s28+$0x7800];
	v4 =	vshra.s32 v2, $0x1;
	v8 =	vmul.f32 $5.000000000e-01, v2  }
0x91: {  	v4 =	vsub.s32 $0x5F3759DF, v4  }
0x92: {  	v2 =	vmul.f32 v4, v8;
	_ =	sdelay $0x1  }
0x93: {  	s30 =	simm.s32 $0x20;
	v5 =	vmul.f32 v4, v2  }
0x94: {  	v2 =	vmax.f32 v3, $1.000000000e+00;
	v3 =	vld [tilespmem:s30+$0x7800]  }
0x95: {  	v6 =	vshra.s32 v2, $0x1;
	v2 =	vmul.f32 $5.000000000e-01, v2;
	v5 =	vsub.f32 $1.500000000e+00, v5  }
0x96: {  	v6 =	vsub.s32 $0x5F3759DF, v6  }
0x97: {  	v7 =	vmul.f32 v6, v2;
	v5 =	vmul.f32 v4, v5;
	_ =	sdelay $0x1  }
0x98: {  	s31 =	simm.s32 $0x30;
	v3 =	vmax.f32 v3, $1.000000000e+00;
	v7 =	vmul.f32 v6, v7;
	v9 =	vmul.f32 v5, v8  }
0x99: {  	v10 =	vld [tilespmem:s31+$0x7800];
	v11 =	vshra.s32 v3, $0x1;
	v4 =	vmul.f32 $5.000000000e-01, v3  }
0x9a: {  	v3 =	vsub.f32 $1.500000000e+00, v7;
	v7 =	vmul.f32 v9, v5;
	v9 =	vsub.s32 $0x5F3759DF, v11  }
0x9b: {  	v11 =	vmul.f32 v9, v4  }
0x9c: {  	v6 =	vmul.f32 v6, v3;
	v3 =	vsub.f32 $1.500000000e+00, v7  }
0x9d: {  	v7 =	vmul.f32 v9, v11  }
0x9e: {  	s0 =	simm.s32 $0x40;
	v10 =	vmax.f32 v10, $1.000000000e+00;
	v11 =	vmul.f32 v6, v2;
	v3 =	vmul.f32 v3, v5  }
0x9f: {  	v12 =	vshra.s32 v10, $0x1;
	v5 =	vmul.f32 $5.000000000e-01, v10;
	v10 =	vld [tilespmem:s0+$0x7800];
	v13 =	vsub.f32 $1.500000000e+00, v7  }
0xa0: {  	v11 =	vmul.f32 v11, v6;
	v7 =	vsub.s32 $0x5F3759DF, v12;
	v14 =	vmul.f32 v3, v8  }
0xa1: {  	v12 =	vmul.f32 v7, v5  }
0xa2: {  	s1 =	simm.s32 $0x140;
	v8 =	vmul.f32 v9, v13;
	v11 =	vsub.f32 $1.500000000e+00, v11;
	v9 =	vmul.f32 v14, v3  }
.LBB2_14:
0xa3: {  	s3 =	smov.u32 s31  }
0xa4: {  	v13 =	vmax.f32 v10, $1.000000000e+00;
	v12 =	vmul.f32 v7, v12;
	v14 =	vmul.f32 v8, v4;
	s31 =	smov.u32 s0;
	s0 =	sshra.s32 s1, $0x2;
	p1 =	sne.s32 s1, $0x9C0  }
.Ltmp5:
0xa5: {  	v11 =	vmul.f32 v11, v6;
	v9 =	vsub.f32 $1.500000000e+00, v9;
	v6 =	vmovc v8;
	v10 =	vld [tilespmem:s0+$0x7800];
	v15 =	vshra.s32 v13, $0x1;
	(pc) =	sbr.rel @p1 .LBB2_14-.Ltmp5, $4  }
0xa6: {  	s1 =	sadd.s32 $0x40, s1;
	v13 =	vmul.f32 $5.000000000e-01, v13;
	v8 =	vsub.f32 $1.500000000e+00, v12;
	v14 =	vmul.f32 v14, v6  }
0xa7: {  	v15 =	vsub.s32 $0x5F3759DF, v15;
	v16 =	vmul.f32 v11, v2;
	v17 =	vmul.f32 v9, v3;
	v3 =	vmovc v11;
	v2 =	vmovc v4  }
0xa8: {  	v4 =	vmovc v5;
	v12 =	vmul.f32 v15, v13;
	v5 =	vmovc v13;
	v8 =	vmul.f32 v7, v8;
	v7 =	vmov v15  }
0xa9: {  	v11 =	vsub.f32 $1.500000000e+00, v14;
	v9 =	vmul.f32 v16, v3;
	[tilespmem:s29+$0x7A80] =	vst v17;
	s29 =	smov.u32 s28;
	s28 =	smov.u32 s30;
	s30 =	smov.u32 s3  }
.Ltmp6:
0xaa: {  	_ = 	snop;
	(pc) =	sbr.rel .LBB2_15-.Ltmp6, $1  }
0xab: {  	_ =	sdelay $0x3  }
.LBB2_2:
0xac: {  	[tilespmem:s0], [sflag:$0x1] =	stream.linear.gather [hbm4b:s7+s0], $0x5000, $0x38;
	[tilespmem:$0x8200] =	vst v63  }
0xad: {  	_ =	swait.ge [sflag:s12], $0x5000  }
0xae: {  	[sflag:s12] =	ssyncset.done $0x0  }
0xaf: {  	[sflag:s12] =	ssyncadd.s32 $0xFFFFB000  }
0xb0: {  	[tilespmem:s13], [sflag:$0x1] =	stream.linear.gather [hbm4b:s4+s0], $0x280, $0x38;
	[tilespmem:$0x8200] =	vst v63  }
0xb1: {  	_ =	swait.ge [sflag:s12], $0x280  }
0xb2: {  	[sflag:s12] =	ssyncset.done $0x0  }
0xb3: {  	s1 =	simm.s32 $0x0;
	s0 =	simm.s32 $0x40;
	[sflag:s12] =	ssyncadd.s32 $0xFFFFFD80  }
.LBB2_3:
0xb4: {  	p1 =	sne.s32 s0, $0x9FC0;
	[tilespmem:s1+$0x5000] =	vst v0;
	s1 =	smov.u32 s0;
	s0 =	sadd.s32 $0x40, s0  }
.Ltmp7:
0xb5: {  	(pc) =	sbr.rel @p1 .LBB2_3-.Ltmp7, $2  }
0xb6: {  	_ =	sdelay $0x2  }
0xb7: {  	s1 =	sshra.s32 s1, $0x2  }
0xb8: {  	[tilespmem:s1+$0x5000] =	vst v0  }
0xb9: {  	[tilespmem:$0x7800] =	vst v0  }
0xba: {  	[tilespmem:$0x7810] =	vst v0  }
0xbb: {  	[tilespmem:$0x7820] =	vst v0  }
0xbc: {  	[tilespmem:$0x7830] =	vst v0  }
0xbd: {  	[tilespmem:$0x7840] =	vst v0  }
0xbe: {  	[tilespmem:$0x7850] =	vst v0  }
0xbf: {  	[tilespmem:$0x7860] =	vst v0  }
0xc0: {  	[tilespmem:$0x7870] =	vst v0  }
0xc1: {  	[tilespmem:$0x7880] =	vst v0  }
0xc2: {  	[tilespmem:$0x7890] =	vst v0  }
0xc3: {  	[tilespmem:$0x78A0] =	vst v0  }
0xc4: {  	[tilespmem:$0x78B0] =	vst v0  }
0xc5: {  	[tilespmem:$0x78C0] =	vst v0  }
0xc6: {  	[tilespmem:$0x78D0] =	vst v0  }
0xc7: {  	[tilespmem:$0x78E0] =	vst v0  }
0xc8: {  	[tilespmem:$0x78F0] =	vst v0  }
0xc9: {  	[tilespmem:$0x7900] =	vst v0  }
0xca: {  	[tilespmem:$0x7910] =	vst v0  }
0xcb: {  	[tilespmem:$0x7920] =	vst v0  }
0xcc: {  	[tilespmem:$0x7930] =	vst v0  }
0xcd: {  	[tilespmem:$0x7940] =	vst v0  }
0xce: {  	[tilespmem:$0x7950] =	vst v0  }
0xcf: {  	[tilespmem:$0x7960] =	vst v0  }
0xd0: {  	[tilespmem:$0x7970] =	vst v0  }
0xd1: {  	[tilespmem:$0x7980] =	vst v0  }
0xd2: {  	[tilespmem:$0x7990] =	vst v0  }
0xd3: {  	[tilespmem:$0x79A0] =	vst v0  }
0xd4: {  	[tilespmem:$0x79B0] =	vst v0  }
0xd5: {  	[tilespmem:$0x79C0] =	vst v0  }
0xd6: {  	[tilespmem:$0x79D0] =	vst v0  }
0xd7: {  	[tilespmem:$0x79E0] =	vst v0  }
0xd8: {  	[tilespmem:$0x79F0] =	vst v0  }
0xd9: {  	[tilespmem:$0x7A00] =	vst v0  }
0xda: {  	[tilespmem:$0x7A10] =	vst v0  }
0xdb: {  	[tilespmem:$0x7A20] =	vst v0  }
0xdc: {  	[tilespmem:$0x7A30] =	vst v0  }
0xdd: {  	[tilespmem:$0x7A40] =	vst v0  }
0xde: {  	[tilespmem:$0x7A50] =	vst v0  }
0xdf: {  	[tilespmem:$0x7A60] =	vst v0  }
0xe0: {  	s1 =	simm.s32 $0x0;
	s0 =	simm.s32 $0x40;
	[tilespmem:$0x7A70] =	vst v0  }
.LBB2_5:
0xe1: {  	p1 =	sne.s32 s0, $0x13FC0;
	v2 =	vld [tilespmem:s1+$0x0];
	_ =	sdelay $0x3  }
.Ltmp8:
0xe2: {  	(pc) =	sbr.rel @p1 .LBB2_5-.Ltmp8, $2  }
0xe3: {  	_ =	sdelay $0x2  }
0xe4: {  	s1 =	sshra.s32 s0, $0x2;
	s0 =	sadd.s32 $0x40, s0;
	[tilespmem:v2+s14+$0x0] =	vst.idx.add.f32.msk $0xffff, v1  }
0xe5: {  	v2 =	vld [tilespmem:s1+$0x0];
	_ =	sdelay $0x7  }
0xe6: {  	[tilespmem:v2+s14+$0x0] =	vst.idx.add.f32.msk $0xffff, v1  }
0xe7: {  	[spmem:s8] =	stream.linear.scatter [tilespmem:s15], [sflag:$0x1], $0x280, $0x38;
	[tilespmem:$0x8200] =	vst v63  }
0xe8: {  	_ =	swait.ge [sflag:s12], $0x280  }
0xe9: {  	[sflag:s12] =	ssyncset.done $0x0  }
0xea: {  	[sflag:s12] =	ssyncadd.s32 $0xFFFFFD80  }
0xeb: {  	[bflag:$0x0] =	sbarrier.arrive $0xFFFF  }
0xec: {  	[spmem:s2] =	stream.indirect.scatter.add.f32 [tilespmem:s14], [sflag:$0x1], $0x10, s13, s16, $0xb8;
	[tilespmem:$0x8200] =	vst v63  }
0xed: {  	_ =	swait.ge [sflag:s12], $0x800  }
0xee: {  	[sflag:s12] =	ssyncset.done $0x0  }
0xef: {  	[sflag:s12] =	ssyncadd.s32 $0xFFFFF800  }
0xf0: {  	[spmem:s2] =	stream.indirect.scatter.add.f32 [tilespmem:s18], [sflag:$0x1], $0x10, s17, s16, $0xb8;
	[tilespmem:$0x8200] =	vst v63  }
0xf1: {  	_ =	swait.ge [sflag:s12], $0x800  }
0xf2: {  	[sflag:s12] =	ssyncset.done $0x0  }
0xf3: {  	[sflag:s12] =	ssyncadd.s32 $0xFFFFF800  }
0xf4: {  	[spmem:s2] =	stream.indirect.scatter.add.f32 [tilespmem:s20], [sflag:$0x1], $0x10, s19, s16, $0xb8;
	[tilespmem:$0x8200] =	vst v63  }
0xf5: {  	_ =	swait.ge [sflag:s12], $0x800  }
0xf6: {  	[sflag:s12] =	ssyncset.done $0x0  }
0xf7: {  	[sflag:s12] =	ssyncadd.s32 $0xFFFFF800  }
0xf8: {  	[spmem:s2] =	stream.indirect.scatter.add.f32 [tilespmem:s22], [sflag:$0x1], $0x10, s21, s16, $0xb8;
	[tilespmem:$0x8200] =	vst v63  }
0xf9: {  	_ =	swait.ge [sflag:s12], $0x800  }
0xfa: {  	[sflag:s12] =	ssyncset.done $0x0  }
0xfb: {  	[sflag:s12] =	ssyncadd.s32 $0xFFFFF800  }
0xfc: {  	[spmem:s2] =	stream.indirect.scatter.add.f32 [tilespmem:s24], [sflag:$0x1], $0x10, s23, s16, $0xb8;
	[tilespmem:$0x8200] =	vst v63  }
0xfd: {  	_ =	swait.ge [sflag:s12], $0x800  }
0xfe: {  	[sflag:s12] =	ssyncset.done $0x0  }
0xff: {  	[sflag:s12] =	ssyncadd.s32 $0xFFFFF800  }
0x100: {  	[bflag:$0x0] =	sbarrier.arrive $0xFFFF  }
0x101: {  	[tilespmem:s15], [sflag:$0x1] =	stream.linear.gather [spmem:s8], $0x280, $0x38;
	[tilespmem:$0x8200] =	vst v63  }
0x102: {  	_ =	swait.ge [sflag:s12], $0x280  }
0x103: {  	[sflag:s12] =	ssyncset.done $0x0  }
0x104: {  	s29 =	simm.s32 $0x0;
	[sflag:s12] =	ssyncadd.s32 $0xFFFFFD80  }
0x105: {  	v2 =	vld [tilespmem:s29+$0x7800];
	_ =	sdelay $0x4  }
0x106: {  	s28 =	simm.s32 $0x10;
	v2 =	vmax.f32 v2, $1.000000000e+00  }
0x107: {  	v3 =	vld [tilespmem:s28+$0x7800];
	v4 =	vshra.s32 v2, $0x1;
	v8 =	vmul.f32 $5.000000000e-01, v2  }
0x108: {  	v4 =	vsub.s32 $0x5F3759DF, v4  }
0x109: {  	v2 =	vmul.f32 v4, v8;
	_ =	sdelay $0x1  }
0x10a: {  	s30 =	simm.s32 $0x20;
	v5 =	vmul.f32 v4, v2  }
0x10b: {  	v2 =	vmax.f32 v3, $1.000000000e+00;
	v3 =	vld [tilespmem:s30+$0x7800]  }
0x10c: {  	v6 =	vshra.s32 v2, $0x1;
	v2 =	vmul.f32 $5.000000000e-01, v2;
	v5 =	vsub.f32 $1.500000000e+00, v5  }
0x10d: {  	v6 =	vsub.s32 $0x5F3759DF, v6  }
0x10e: {  	v7 =	vmul.f32 v6, v2;
	v5 =	vmul.f32 v4, v5;
	_ =	sdelay $0x1  }
0x10f: {  	s31 =	simm.s32 $0x30;
	v3 =	vmax.f32 v3, $1.000000000e+00;
	v7 =	vmul.f32 v6, v7;
	v9 =	vmul.f32 v5, v8  }
0x110: {  	v10 =	vld [tilespmem:s31+$0x7800];
	v11 =	vshra.s32 v3, $0x1;
	v4 =	vmul.f32 $5.000000000e-01, v3  }
0x111: {  	v3 =	vsub.f32 $1.500000000e+00, v7;
	v7 =	vmul.f32 v9, v5;
	v9 =	vsub.s32 $0x5F3759DF, v11  }
0x112: {  	v11 =	vmul.f32 v9, v4  }
0x113: {  	v6 =	vmul.f32 v6, v3;
	v3 =	vsub.f32 $1.500000000e+00, v7  }
0x114: {  	v7 =	vmul.f32 v9, v11  }
0x115: {  	s0 =	simm.s32 $0x40;
	v10 =	vmax.f32 v10, $1.000000000e+00;
	v11 =	vmul.f32 v6, v2;
	v3 =	vmul.f32 v3, v5  }
0x116: {  	v12 =	vshra.s32 v10, $0x1;
	v5 =	vmul.f32 $5.000000000e-01, v10;
	v10 =	vld [tilespmem:s0+$0x7800];
	v13 =	vsub.f32 $1.500000000e+00, v7  }
0x117: {  	v11 =	vmul.f32 v11, v6;
	v7 =	vsub.s32 $0x5F3759DF, v12;
	v14 =	vmul.f32 v3, v8  }
0x118: {  	v12 =	vmul.f32 v7, v5  }
0x119: {  	s1 =	simm.s32 $0x140;
	v8 =	vmul.f32 v9, v13;
	v11 =	vsub.f32 $1.500000000e+00, v11;
	v9 =	vmul.f32 v14, v3  }
.LBB2_7:
0x11a: {  	s3 =	smov.u32 s31  }
0x11b: {  	v13 =	vmax.f32 v10, $1.000000000e+00;
	v12 =	vmul.f32 v7, v12;
	v14 =	vmul.f32 v8, v4;
	s31 =	smov.u32 s0;
	s0 =	sshra.s32 s1, $0x2;
	p1 =	seq.s32 s1, $0x9C0  }
.Ltmp9:
0x11c: {  	v10 =	vld [tilespmem:s0+$0x7800];
	v15 =	vshra.s32 v13, $0x1;
	v11 =	vmul.f32 v11, v6;
	v9 =	vsub.f32 $1.500000000e+00, v9;
	v6 =	vmovc v8;
	(pc) =	sbr.rel @!p1 .LBB2_7-.Ltmp9, $4  }
0x11d: {  	s1 =	sadd.s32 $0x40, s1;
	v13 =	vmul.f32 $5.000000000e-01, v13;
	v8 =	vsub.f32 $1.500000000e+00, v12;
	v14 =	vmul.f32 v14, v6  }
0x11e: {  	v15 =	vsub.s32 $0x5F3759DF, v15;
	v16 =	vmul.f32 v11, v2;
	v17 =	vmul.f32 v9, v3;
	v3 =	vmovc v11;
	v2 =	vmovc v4  }
0x11f: {  	v12 =	vmul.f32 v15, v13;
	v4 =	vmovc v5;
	v5 =	vmovc v13;
	v8 =	vmul.f32 v7, v8;
	v7 =	vmov v15  }
0x120: {  	v11 =	vsub.f32 $1.500000000e+00, v14;
	v9 =	vmul.f32 v16, v3;
	[tilespmem:s29+$0x7A80] =	vst v17;
	s29 =	smov.u32 s28;
	s28 =	smov.u32 s30;
	s30 =	smov.u32 s3  }
0x121: {  	v10 =	vmax.f32 v10, $1.000000000e+00  }
0x122: {  	v13 =	vshra.s32 v10, $0x1;
	v10 =	vmul.f32 $5.000000000e-01, v10  }
0x123: {  	v13 =	vsub.s32 $0x5F3759DF, v13  }
0x124: {  	v14 =	vmul.f32 v13, v10  }
0x125: {  	v12 =	vmul.f32 v7, v12  }
0x126: {  	v14 =	vmul.f32 v13, v14  }
0x127: {  	v12 =	vsub.f32 $1.500000000e+00, v12  }
0x128: {  	v14 =	vsub.f32 $1.500000000e+00, v14  }
0x129: {  	v53 =	vmul.f32 v7, v12  }
0x12a: {  	v54 =	vmul.f32 v8, v4;
	v13 =	vmul.f32 v13, v14  }
0x12b: {  	v55 =	vmul.f32 v53, v5  }
0x12c: {  	v12 =	vmul.f32 v54, v8;
	v15 =	vmul.f32 v13, v10  }
0x12d: {  	v14 =	vmul.f32 v55, v53  }
0x12e: {  	v12 =	vsub.f32 $1.500000000e+00, v12;
	v15 =	vmul.f32 v15, v13  }
0x12f: {  	v6 =	vmul.f32 v11, v6;
	v56 =	vsub.f32 $1.500000000e+00, v14  }
0x130: {  	v57 =	vmul.f32 v12, v8;
	v58 =	vsub.f32 $1.500000000e+00, v15  }
0x131: {  	v2 =	vmul.f32 v6, v2;
	v7 =	vmul.f32 v56, v53  }
0x132: {  	v59 =	vmul.f32 v57, v4;
	v60 =	vmul.f32 v58, v13  }
0x133: {  	v2 =	vmul.f32 v2, v6;
	v61 =	vmul.f32 v7, v5  }
0x134: {  	v9 =	vsub.f32 $1.500000000e+00, v9;
	v4 =	vmul.f32 v59, v57;
	v10 =	vmul.f32 v60, v10  }
0x135: {  	v2 =	vsub.f32 $1.500000000e+00, v2;
	v5 =	vmul.f32 v61, v7  }
0x136: {  	v3 =	vmul.f32 v9, v3;
	v4 =	vsub.f32 $1.500000000e+00, v4;
	v62 =	vmul.f32 v10, v60  }
0x137: {  	v2 =	vmul.f32 v2, v6;
	v5 =	vsub.f32 $1.500000000e+00, v5  }
.Ltmp10:
0x138: {  	[tilespmem:s29+$0x7A80] =	vst v3;
	v3 =	vmul.f32 v4, v57;
	v63 =	vsub.f32 $1.500000000e+00, v62;
	(pc) =	sbr.rel .LBB2_16-.Ltmp10, $4  }
0x139: {  	[tilespmem:s28+$0x7A80] =	vst v2;
	v2 =	vmul.f32 v5, v7  }
0x13a: {  	[tilespmem:s30+$0x7A80] =	vst v3;
	v3 =	vmul.f32 v63, v60  }
0x13b: {  	[tilespmem:s31+$0x7A80] =	vst v2  }
0x13c: {  	[tilespmem:s0+$0x7A80] =	vst v3;
	s0 =	smov.u32 s5  }
.LBB2_17:
0x13d: {  	_ =	sfence.sel $0x180000  }
0x13e: {  	[bflag:$0x0] =	sbarrier.arrive $0xFFFF  }
0x13f: {  	_ =	strace $0x90000047  }
0x140: {  	s0 =	stileid.u32;
	[bflag:$0x2] =	sbarrier.arrive $0xFFFF  }
0x141: {  	p0 =	sne.s32 s0, $0x0;
	s0 =	rddreg [dreg:$0x2]  }
0x142: {  	s0 =	sadd.s32 @!p0 $0x100000, s0  }
0x143: {  	[sflag:s0] =	ssyncadd.tile.s32 @!p0 $0x1;
	_ =	shalt  }
.Lfunc_end2:
_tile_overlayer_lowered:
.L_overlay_start_2:
0x144: {  	(tag) =	ssettag $0x2  }
0x145: {  	s0 =	rddreg [dreg:$0x0];
	s2 =	stileid.u32  }
0x146: {  	s1 =	rddreg [dreg:$0x1];
	p0 =	sne.s32 s2, $0x0  }
0x147: {  	s3 =	rddreg [dreg:$0x2];
	[bflag:$0x3] =	sbarrier.arrive $0xFFFF;
	s2 =	simm.s32 @!p0 $0x1C01  }
0x148: {  	[timem:s3], [sflag:s2] =	dma.local @!p0 [hbm:s0], s1  }
0x149: {  	s0 =	simm.s32 @!p0 $0x1  }
0x14a: {  	_ =	swait.ge @!p0 [sflag:s0], s1  }
0x14b: {  	s1 =	ssub.s32 @!p0 $0x0, s1;
	[sflag:s0] =	ssyncset.done @!p0 $0x0  }
0x14c: {  	[sflag:s0] =	ssyncadd.s32 @!p0 s1  }
0x14d: {  	[bflag:$0x3] =	sbarrier.arrive $0xFFFF  }
0x14e: {  	_ =	shalt  }

// kernel: kernel.13.cloned.1.call-start
scs
__scs_entry_jumppad:
0x0: {  	(pc) =	sbr.rel $0x88, $3  }
0x1: {  	(tag) =	ssettag $0x0;
	lr =	simm.s32 $0x1  }
0x2: {  	[smem:$0x3F97] =	sst lr;
	_ =	strace $0xD0000000  }
0x3: {  	_ = 	snop  }
0x4: {  	_ = 	snop  }
0x5: {  	_ = 	snop  }
0x6: {  	_ = 	snop  }
0x7: {  	_ = 	snop  }
__scs_overlays_trampoline_lowered:
0x8: {  	[smem:$0x3FA6] =	sst s0  }
0x9: {  	[smem:$0x3FA7] =	sst s1  }
0xa: {  	[smem:$0x3FA8] =	sst s2  }
0xb: {  	[smem:$0x3FA9] =	sst s3  }
0xc: {  	[smem:$0x3FAA] =	sst s4  }
0xd: {  	[smem:$0x3FAB] =	sst s5  }
0xe: {  	[smem:$0x3FAC] =	sst s6  }
0xf: {  	[smem:$0x3FAD] =	sst s7  }
0x10: {  	[smem:$0x3FAE] =	sst s8  }
0x11: {  	[smem:$0x3FAF] =	sst s9;
	s0 =	simm.s32 @!p0 $0x0  }
0x12: {  	s1 =	sld [smem:$0x3F95];
	s0 =	simm.s32 @p0 $0x1  }
0x13: {  	[smem:$0x3FB0] =	sst s0;
	s0 =	simm.s32 @!p1 $0x0  }
0x14: {  	s2 =	sld [smem:$0x3F94];
	s0 =	simm.s32 @p1 $0x1  }
0x15: {  	[smem:$0x3FB1] =	sst s0;
	s0 =	simm.s32 @!p2 $0x0  }
0x16: {  	s3 =	sld [smem:$0x3FDB];
	s0 =	simm.s32 @p2 $0x1  }
0x17: {  	s4 =	simm.s32 $0x1BF5;
	[smem:$0x3FB3] =	sst s0  }
0x18: {  	s0 =	sld [smem:$0x3F96];
	_ =	swait.ge [sflag:s4], $0x0  }
0x19: {  	s7 =	sld [smem:$0x3F97]  }
0x1a: {  	s8 =	sadd.s32 $0xFFFFE003, lr  }
0x1b: {  	s9 =	sadd.s32 $0xFFFFFEF7, lr;
	s5 =	simm.s32 $0xFFFFFFFF;
	p2 =	slt.u32 s8, $0xFFFFF086  }
0x1c: {  	p1 =	slt.u32 s9, $0xF7A;
	s5 =	simm.s32 @!p2 $0x0  }
0x1d: {  	s5 =	simm.s32 @p1 $0x1;
	p0 =	seq.s32 s7, s2  }
0x1e: {  	s7 =	smul.u32 @!p0 $0xF7A, s2;
	p2 =	seq.s32 @!p0 s5, $0x0  }
0x1f: {  	s9 =	smul.u32 $0xF7A, s1;
	s8 =	simm.s32 @!p0 $0x1BF5;
	p2 =	por !p2, p0  }
0x20: {  	[sflag:s8] =	ssyncset.s32 @!p0 $0xFFFFF086;
	s6 =	sadd.s32 @!p0 s3, s7;
	s7 =	simm.s32 @!p0 $0x108  }
0x21: {  	s3 =	sadd.s32 s3, s9;
	s6 =	sadd.s32 @!p0 $0x88, s6;
	s7 =	simm.s32 @p2 $0x1082  }
0x22: {  	[simem:s7], [sflag:s8] =	dma.local @!p0 [hbm:s6], $0xF7A  }
0x23: {  	s9 =	sor.u32 $0xD0000000, s2;
	s6 =	simm.s32 $0x108;
	_ =	swait.ge @!p0 [sflag:s8], $0x0  }
0x24: {  	s3 =	sadd.s32 $0x88, s3;
	s6 =	simm.s32 @!p1 $0x1082;
	[sflag:s4] =	ssyncset.s32 $0xFFFFF086  }
0x25: {  	[simem:s6], [sflag:s4] =	dma.local [hbm:s3], $0xF7A  }
0x26: {  	[smem:$0x3F97] =	sst s1;
	(tag) =	ssettag s2;
	_ =	strace s9  }
0x27: {  	s1 =	sld [smem:$0x3FA7]  }
0x28: {  	s2 =	sld [smem:$0x3FA8]  }
0x29: {  	s4 =	sld [smem:$0x3FAA]  }
0x2a: {  	p0 =	seq.s32 s5, $0x0;
	s5 =	sld [smem:$0x3FAB]  }
0x2b: {  	s6 =	sld [smem:$0x3FAC]  }
0x2c: {  	s7 =	sld [smem:$0x3FAD]  }
0x2d: {  	s3 =	simm.s32 $0x108;
	s8 =	sld [smem:$0x3FAE]  }
0x2e: {  	s3 =	simm.s32 @!p0 $0x1082;
	s9 =	sld [smem:$0x3FAF]  }
0x2f: {  	lr =	sadd.s32 s0, s3;
	s0 =	sld [smem:$0x3FA6]  }
0x30: {  	s3 =	sld [smem:$0x3FA9]  }
0x31: {  	[smem:$0x3FB2] =	sst s10  }
0x32: {  	s10 =	sld [smem:$0x3FB0];
	_ =	sdelay $0x3  }
0x33: {  	p0 =	seq.s32 s10, $0x1;
	s10 =	sld [smem:$0x3FB2];
	_ =	sdelay $0x3  }
0x34: {  	[smem:$0x3FB2] =	sst s10  }
0x35: {  	s10 =	sld [smem:$0x3FB1];
	_ =	sdelay $0x3  }
0x36: {  	p1 =	seq.s32 s10, $0x1;
	s10 =	sld [smem:$0x3FB2];
	_ =	sdelay $0x3  }
0x37: {  	[smem:$0x3FB2] =	sst s10  }
0x38: {  	s10 =	sld [smem:$0x3FB3]  }
0x39: {  	_ = 	snop;
	(pc) =	sbr.ind lr, $3  }
0x3a: {  	_ = 	snop  }
0x3b: {  	_ = 	snop  }
0x3c: {  	p2 =	seq.s32 s10, $0x1;
	s10 =	sld [smem:$0x3FB2]  }
0x3d: {  	_ =	shalt  }
0x3e: {  	_ =	shalt  }
0x3f: {  	_ =	shalt  }
0x40: {  	_ =	shalt  }
0x41: {  	_ =	shalt  }
0x42: {  	_ =	shalt  }
0x43: {  	_ =	shalt  }
0x44: {  	_ =	shalt  }
0x45: {  	_ =	shalt  }
0x46: {  	_ =	shalt  }
0x47: {  	_ =	shalt  }
0x48: {  	_ =	shalt  }
0x49: {  	_ =	shalt  }
0x4a: {  	_ =	shalt  }
0x4b: {  	_ =	shalt  }
0x4c: {  	_ =	shalt  }
0x4d: {  	_ =	shalt  }
0x4e: {  	_ =	shalt  }
0x4f: {  	_ =	shalt  }
0x50: {  	_ =	shalt  }
0x51: {  	_ =	shalt  }
0x52: {  	_ =	shalt  }
0x53: {  	_ =	shalt  }
0x54: {  	_ =	shalt  }
0x55: {  	_ =	shalt  }
0x56: {  	_ =	shalt  }
0x57: {  	_ =	shalt  }
0x58: {  	_ =	shalt  }
0x59: {  	_ =	shalt  }
0x5a: {  	_ =	shalt  }
0x5b: {  	_ =	shalt  }
0x5c: {  	_ =	shalt  }
0x5d: {  	_ =	shalt  }
0x5e: {  	_ =	shalt  }
0x5f: {  	_ =	shalt  }
0x60: {  	_ =	shalt  }
0x61: {  	_ =	shalt  }
0x62: {  	_ =	shalt  }
0x63: {  	_ =	shalt  }
0x64: {  	_ =	shalt  }
0x65: {  	_ =	shalt  }
0x66: {  	_ =	shalt  }
0x67: {  	_ =	shalt  }
0x68: {  	_ =	shalt  }
0x69: {  	_ =	shalt  }
0x6a: {  	_ =	shalt  }
0x6b: {  	_ =	shalt  }
0x6c: {  	_ =	shalt  }
0x6d: {  	_ =	shalt  }
0x6e: {  	_ =	shalt  }
0x6f: {  	_ =	shalt  }
0x70: {  	_ =	shalt  }
0x71: {  	_ =	shalt  }
0x72: {  	_ =	shalt  }
0x73: {  	_ =	shalt  }
0x74: {  	_ =	shalt  }
0x75: {  	_ =	shalt  }
0x76: {  	_ =	shalt  }
0x77: {  	_ =	shalt  }
0x78: {  	_ =	shalt  }
0x79: {  	_ =	shalt  }
0x7a: {  	_ =	shalt  }
0x7b: {  	_ =	shalt  }
0x7c: {  	_ =	shalt  }
0x7d: {  	_ =	shalt  }
0x7e: {  	_ =	shalt  }
0x7f: {  	_ =	shalt  }
0x80: {  	_ =	shalt  }
0x81: {  	_ =	shalt  }
0x82: {  	_ =	shalt  }
0x83: {  	_ =	shalt  }
0x84: {  	_ =	shalt  }
0x85: {  	_ =	shalt  }
0x86: {  	_ =	shalt  }
0x87: {  	_ =	shalt  }
.Lfunc_end0:
.L_simem_size_0:
called_computation.1_lowered:
.L_overlay_start_0:
0x88: {  	s2 =	sld [smem:$0x3FD9]  }
0x89: {  	s3 =	sld [smem:$0x3FFE];
	_ =	sdelay $0x1  }
0x8a: {  	s1 =	srdreg.scid  }
0x8b: {  	s0 =	sand.u32 $0x1, s1  }
0x8c: {  	s17 =	sshll.u32 s0, $0xA;
	s2 =	sadd.s32 s3, s2  }
0x8d: {  	s2 =	sadd.s32 s2, s17  }
0x8e: {  	[smem:$0x3FBE] =	sst s2  }
0x8f: {  	_ = 	snop  }
0x90: {  	s2 =	sld [smem:$0x3FD0];
	(tm) =	ssettm $0x1  }
0x91: {  	s18 =	sld [smem:$0x3FFB];
	_ =	sdelay $0x3  }
0x92: {  	_ =	strace s18  }
0x93: {  	s3 =	sld [smem:$0x3FFC];
	_ =	sdelay $0x3  }
0x94: {  	_ =	strace s3  }
0x95: {  	s3 =	sld [smem:$0x3FFD];
	_ =	sdelay $0x3  }
0x96: {  	_ =	strace s3  }
0x97: {  	_ =	strace $0x8FFFFFFF  }
0x98: {  	s19 =	sld [smem:$0x3FDB];
	_ =	sdelay $0x1  }
0x99: {  	s4 =	simm.s32 $_scs_section_size  }
0x9a: {  	s5 =	simm.s32 $_size__tile_overlayer_lowered;
	s6 =	simm.s32 $_tile_overlayer_lowered  }
0x9b: {  	s22 =	simm.s32 $0x1BFF;
	s21 =	sshll.u32 s6, $0x1;
	s3 =	sadd.s32 s4, s19  }
0x9c: {  	s7 =	simm.s32 $0x0;
	s20 =	sshll.u32 s5, $0x1;
	s5 =	sadd.s32 s21, s3  }
0x9d: {  	[timem:s7], [sflag:s22] =	dma.local [hbm:s5], s20  }
0x9e: {  	_ =	swait.ge [sflag:s22], s20  }
0x9f: {  	s4 =	ssub.s32 $0x0, s20;
	[sflag:s22] =	ssyncset.done $0x0  }
0xa0: {  	[sflag:s22] =	ssyncadd.s32 s4;
	_ =	sdelay $0x1  }
0xa1: {  	s23 =	simm.s32 $0x1B8B  }
0xa2: {  	_ =	swait.ge [sflag:s23], $0x1  }
0xa3: {  	[sflag:s23] =	ssyncset.done $0x0  }
0xa4: {  	s25 =	simm.s32 $0x1B8E;
	s24 =	sld [smem:$0x3FFE];
	[sflag:s23] =	ssyncadd.s32 $0xFFFFFFFF  }
0xa5: {  	s26 =	simm.s32 $execute0_lowered;
	[smem:$0x3FD2] =	sst s25  }
0xa6: {  	s5 =	sshll.u32 s26, $0x1;
	_ =	strace $0x80000049;
	[dreg:$0x1] =	wrdreg $0xFFFFFFFF  }
0xa7: {  	s28 =	simm.s32 $_size_execute0_lowered;
	s3 =	sadd.s32 s3, s5;
	[dreg:$0x0] =	wrdreg $0x0  }
0xa8: {  	s5 =	sshll.u32 s28, $0x1;
	[dreg:$0x2] =	wrdreg s3  }
0xa9: {  	[dreg:$0x3] =	wrdreg s5  }
0xaa: {  	[dreg:$0x4] =	wrdreg $0xC0  }
0xab: {  	_ =	task [dreg:s7], $0x5FFFF  }
0xac: {  	[dreg:$0x1] =	wrdreg $0xFFFFFFFF  }
0xad: {  	[dreg:$0x0] =	wrdreg $0x60  }
0xae: {  	[dreg:$0x2] =	wrdreg s24  }
0xaf: {  	[dreg:$0x3] =	wrdreg s2  }
0xb0: {  	[dreg:$0x4] =	wrdreg $0x9  }
0xb1: {  	_ =	task.clear_ibuf [dreg:s7], $0x5FFFF;
	_ =	strace $0x90000049  }
0xb2: {  	s29 =	simm.s32 $0x9;
	_ =	strace $0x8000004B  }
0xb3: {  	_ =	swait.ge [sflag:s29], $0x1  }
0xb4: {  	[sflag:s29] =	ssyncadd.s32 $0xFFFFFFFF  }
0xb5: {  	_ =	strace $0x9000004B  }
0xb6: {  	_ =	sfence  }
0xb7: {  	s30 =	sld [smem:$0x0];
	_ =	sdelay $0x2  }
0xb8: {  	s31 =	sshll.u32 s1, $0xD;
	s1 =	sshrl.u32 s1, $0x2  }
0xb9: {  	s3 =	sand.u32 $0x4000, s31;
	s1 =	sadd.s32 s1, s30  }
0xba: {  	s0 =	sor.u32 s3, s0;
	s1 =	sshll.u32 s1, $0x11  }
0xbb: {  	s0 =	sor.u32 s1, s0  }
0xbc: {  	s0 =	sadd.s32 $0x8F2B, s0  }
0xbd: {  	[sflag:s0] =	ssyncadd.remote.s32 $0x1  }
0xbe: {  	_ =	sfence.sel $0xFFFF  }
0xbf: {  	[dreg:$0x0] =	wrdreg $0xFFFFFFFF;
	(pc) =	sbr.abs _section_cstart, $3  }
0xc0: {  	[dreg:$0x1] =	wrdreg $0xFFFFFFFF  }
0xc1: {  	_ =	task.clear_ibuf [dreg:s7], $0x2FFFF;
	_ =	strace $0x9FFFFFFF  }
0xc2: {  	(tm) =	ssettm $0x7FFFFFFF  }
0xc3: {  	_ =	shalt  }
tec
execute0_lowered:
.L_overlay_start_1:
0x0: {  	(tag) =	ssettag $0x1  }
0x1: {  	s0 =	srdreg.scid;
	s4 =	rddreg [dreg:$0x0]  }
0x2: {  	s5 =	rddreg [dreg:$0x1];
	s1 =	stileid.u32;
	s2 =	simm.s32 $0x0  }
0x3: {  	s11 =	simm.s32 $0x40;
	s12 =	simm.s32 $0x140;
	s13 =	simm.s32 $0x1  }
0x4: {  	s14 =	simm.s32 $0x1140;
	s15 =	simm.s32 $0x80;
	s16 =	simm.s32 $0x2140  }
0x5: {  	s17 =	simm.s32 $0xC0;
	s18 =	simm.s32 $0x3140;
	s3 =	sand.u32 $0x1, s0  }
0x6: {  	s19 =	simm.s32 $0x100;
	s20 =	simm.s32 $0x4140;
	s6 =	sshll.u32 s3, $0x4  }
0x7: {  	s21 =	simm.s32 $0x0;
	s0 =	rddreg [dreg:$0x2];
	s6 =	sor.u32 s1, s6  }
0x8: {  	[smem:$0x7FF] =	sst s2;
	s8 =	ssub.s32 $0x2, s3;
	s7 =	smul.u32 $0x5000, s6  }
0x9: {  	_ =	strace $0x8000004A;
	s9 =	sshrl.u32 s8, $0x1;
	s6 =	smul.u32 $0x28, s6  }
0xa: {  	s3 =	sadd.s32 $0x17C00, s4;
	s8 =	ssub.s32 s8, s9;
	s9 =	simm.s32 $0x2  }
0xb: {  	s8 =	smax.u32 s8, $0x1;
	s7 =	sshrl.u32 s7, $0x3;
	s10 =	sadd.s32 s6, s4  }
0xc: {  	s7 =	sadd.s32 s7, s4;
	s4 =	sadd.s32 s5, s6;
	s5 =	sadd.s32 $0x17600, s10  }
0xd: {  	s10 =	simm.s32 $0x5140;
	s6 =	sadd.s32 $0x18C00, s7;
	s7 =	sadd.s32 $0x2CC00, s7  }
.LBB2_1:
0xe: {  	[tilespmem:s2], [sflag:$0x2] =	stream.linear.gather [hbm4b:s4+s2], $0x140, $0x38;
	[tilespmem:$0x5280] =	vst v63  }
0xf: {  	_ =	swait.ge [sflag:s9], $0x140  }
0x10: {  	[sflag:s9] =	ssyncset.done $0x0  }
0x11: {  	[sflag:s9] =	ssyncadd.s32 $0xFFFFFEC0  }
0x12: {  	[tilespmem:s10], [sflag:$0x2] =	stream.linear.gather [hbm4b:s5+s2], $0x140, $0x38;
	[tilespmem:$0x5280] =	vst v63  }
0x13: {  	_ =	swait.ge [sflag:s9], $0x140  }
0x14: {  	[sflag:s9] =	ssyncset.done $0x0  }
0x15: {  	[sflag:s9] =	ssyncadd.s32 $0xFFFFFEC0  }
0x16: {  	[tilespmem:s12], [sflag:$0x1] =	stream.indirect.gather [hbm4b:s3+s11], $0x40, s2, s11, $0xb8;
	[tilespmem:$0x5280] =	vst v63  }
0x17: {  	_ =	swait.ge [sflag:s13], $0x1000  }
0x18: {  	[sflag:s13] =	ssyncset.done $0x0  }
0x19: {  	[sflag:s13] =	ssyncadd.s32 $0xFFFFF000  }
0x1a: {  	[tilespmem:s14], [sflag:$0x1] =	stream.indirect.gather [hbm4b:s3+s11], $0x40, s11, s11, $0xb8;
	[tilespmem:$0x5280] =	vst v63  }
0x1b: {  	_ =	swait.ge [sflag:s13], $0x1000  }
0x1c: {  	[sflag:s13] =	ssyncset.done $0x0  }
0x1d: {  	[sflag:s13] =	ssyncadd.s32 $0xFFFFF000  }
0x1e: {  	[tilespmem:s16], [sflag:$0x1] =	stream.indirect.gather [hbm4b:s3+s11], $0x40, s15, s11, $0xb8;
	[tilespmem:$0x5280] =	vst v63  }
0x1f: {  	_ =	swait.ge [sflag:s13], $0x1000  }
0x20: {  	[sflag:s13] =	ssyncset.done $0x0  }
0x21: {  	[sflag:s13] =	ssyncadd.s32 $0xFFFFF000  }
0x22: {  	[tilespmem:s18], [sflag:$0x1] =	stream.indirect.gather [hbm4b:s3+s11], $0x40, s17, s11, $0xb8;
	[tilespmem:$0x5280] =	vst v63  }
0x23: {  	_ =	swait.ge [sflag:s13], $0x1000  }
0x24: {  	[sflag:s13] =	ssyncset.done $0x0  }
0x25: {  	[sflag:s13] =	ssyncadd.s32 $0xFFFFF000  }
0x26: {  	[tilespmem:s20], [sflag:$0x1] =	stream.indirect.gather [hbm4b:s3+s11], $0x40, s19, s11, $0xb8;
	[tilespmem:$0x5280] =	vst v63  }
0x27: {  	_ =	swait.ge [sflag:s13], $0x1000  }
0x28: {  	[sflag:s13] =	ssyncset.done $0x0  }
0x29: {  	s22 =	simm.s32 $0x340;
	s23 =	simm.s32 $0x0;
	[sflag:s13] =	ssyncadd.s32 $0xFFFFF000  }
.LBB2_2:
0x2a: {  	s24 =	sshra.s32 s23, $0x2  }
0x2b: {  	v0 =	vld [tilespmem:s24+$0x5140];
	_ =	sdelay $0x1  }
0x2c: {  	v1 =	vld [tilespmem:s22+$0xFFFFFE00];
	_ =	sdelay $0x1  }
0x2d: {  	v47 =	vld [tilespmem:s22+$0xFFFFFE10]  }
0x2e: {  	v2 =	vbroadcast v0, $0x0  }
0x2f: {  	v48 =	vld [tilespmem:s22+$0xFFFFFE20]  }
0x30: {  	v1 =	vmul.f32 v2, v1  }
0x31: {  	v49 =	vld [tilespmem:s22+$0xFFFFFE30]  }
0x32: {  	[tilespmem:s22+$0xFFFFFE00] =	vst v1;
	v1 =	vmul.f32 v47, v2  }
0x33: {  	v50 =	vld [tilespmem:s22+$0xFFFFFE40]  }
0x34: {  	[tilespmem:s22+$0xFFFFFE10] =	vst v1;
	v1 =	vmul.f32 v48, v2  }
0x35: {  	v52 =	vld [tilespmem:s22+$0xFFFFFE50]  }
0x36: {  	v51 =	vbroadcast v0, $0x1;
	[tilespmem:s22+$0xFFFFFE20] =	vst v1;
	v1 =	vmul.f32 v49, v2  }
0x37: {  	v53 =	vld [tilespmem:s22+$0xFFFFFE60]  }
0x38: {  	[tilespmem:s22+$0xFFFFFE30] =	vst v1;
	v1 =	vmul.f32 v50, v51  }
0x39: {  	v54 =	vld [tilespmem:s22+$0xFFFFFE70]  }
0x3a: {  	[tilespmem:s22+$0xFFFFFE40] =	vst v1;
	v1 =	vmul.f32 v52, v51  }
0x3b: {  	v55 =	vld [tilespmem:s22+$0xFFFFFE80]  }
0x3c: {  	[tilespmem:s22+$0xFFFFFE50] =	vst v1;
	v1 =	vmul.f32 v53, v51  }
0x3d: {  	v57 =	vld [tilespmem:s22+$0xFFFFFE90]  }
0x3e: {  	v56 =	vbroadcast v0, $0x2;
	[tilespmem:s22+$0xFFFFFE60] =	vst v1;
	v1 =	vmul.f32 v54, v51  }
0x3f: {  	v58 =	vld [tilespmem:s22+$0xFFFFFEA0]  }
0x40: {  	[tilespmem:s22+$0xFFFFFE70] =	vst v1;
	v1 =	vmul.f32 v55, v56  }
0x41: {  	v59 =	vld [tilespmem:s22+$0xFFFFFEB0]  }
0x42: {  	[tilespmem:s22+$0xFFFFFE80] =	vst v1;
	v1 =	vmul.f32 v57, v56  }
0x43: {  	v60 =	vld [tilespmem:s22+$0xFFFFFEC0]  }
0x44: {  	[tilespmem:s22+$0xFFFFFE90] =	vst v1;
	v1 =	vmul.f32 v58, v56  }
0x45: {  	v62 =	vld [tilespmem:s22+$0xFFFFFED0]  }
0x46: {  	v61 =	vbroadcast v0, $0x3;
	[tilespmem:s22+$0xFFFFFEA0] =	vst v1;
	v1 =	vmul.f32 v59, v56  }
0x47: {  	v63 =	vld [tilespmem:s22+$0xFFFFFEE0]  }
0x48: {  	[tilespmem:s22+$0xFFFFFEB0] =	vst v1;
	v1 =	vmul.f32 v60, v61  }
0x49: {  	v4 =	vld [tilespmem:s22+$0xFFFFFEF0]  }
0x4a: {  	[tilespmem:s22+$0xFFFFFEC0] =	vst v1;
	v1 =	vmul.f32 v62, v61  }
0x4b: {  	v5 =	vld [tilespmem:s22+$0xFFFFFF00]  }
0x4c: {  	[tilespmem:s22+$0xFFFFFED0] =	vst v1;
	v1 =	vmul.f32 v63, v61  }
0x4d: {  	v7 =	vld [tilespmem:s22+$0xFFFFFF10]  }
0x4e: {  	v6 =	vbroadcast v0, $0x4;
	[tilespmem:s22+$0xFFFFFEE0] =	vst v1;
	v1 =	vmul.f32 v4, v61  }
0x4f: {  	v8 =	vld [tilespmem:s22+$0xFFFFFF20]  }
0x50: {  	[tilespmem:s22+$0xFFFFFEF0] =	vst v1;
	v1 =	vmul.f32 v5, v6  }
0x51: {  	v9 =	vld [tilespmem:s22+$0xFFFFFF30]  }
0x52: {  	[tilespmem:s22+$0xFFFFFF00] =	vst v1;
	v1 =	vmul.f32 v7, v6  }
0x53: {  	v10 =	vld [tilespmem:s22+$0xFFFFFF40]  }
0x54: {  	[tilespmem:s22+$0xFFFFFF10] =	vst v1;
	v1 =	vmul.f32 v8, v6  }
0x55: {  	v12 =	vld [tilespmem:s22+$0xFFFFFF50]  }
0x56: {  	v11 =	vbroadcast v0, $0x5;
	[tilespmem:s22+$0xFFFFFF20] =	vst v1;
	v1 =	vmul.f32 v9, v6  }
0x57: {  	v13 =	vld [tilespmem:s22+$0xFFFFFF60]  }
0x58: {  	[tilespmem:s22+$0xFFFFFF30] =	vst v1;
	v1 =	vmul.f32 v10, v11  }
0x59: {  	v14 =	vld [tilespmem:s22+$0xFFFFFF70]  }
0x5a: {  	[tilespmem:s22+$0xFFFFFF40] =	vst v1;
	v1 =	vmul.f32 v12, v11  }
0x5b: {  	v15 =	vld [tilespmem:s22+$0xFFFFFF80]  }
0x5c: {  	[tilespmem:s22+$0xFFFFFF50] =	vst v1;
	v1 =	vmul.f32 v13, v11  }
0x5d: {  	v17 =	vld [tilespmem:s22+$0xFFFFFF90]  }
0x5e: {  	v16 =	vbroadcast v0, $0x6;
	[tilespmem:s22+$0xFFFFFF60] =	vst v1;
	v1 =	vmul.f32 v14, v11  }
0x5f: {  	v18 =	vld [tilespmem:s22+$0xFFFFFFA0]  }
0x60: {  	[tilespmem:s22+$0xFFFFFF70] =	vst v1;
	v1 =	vmul.f32 v15, v16  }
0x61: {  	v19 =	vld [tilespmem:s22+$0xFFFFFFB0]  }
0x62: {  	[tilespmem:s22+$0xFFFFFF80] =	vst v1;
	v1 =	vmul.f32 v17, v16  }
0x63: {  	v20 =	vld [tilespmem:s22+$0xFFFFFFC0]  }
0x64: {  	[tilespmem:s22+$0xFFFFFF90] =	vst v1;
	v1 =	vmul.f32 v18, v16  }
0x65: {  	v22 =	vld [tilespmem:s22+$0xFFFFFFD0]  }
0x66: {  	v21 =	vbroadcast v0, $0x7;
	[tilespmem:s22+$0xFFFFFFA0] =	vst v1;
	v1 =	vmul.f32 v19, v16  }
0x67: {  	v23 =	vld [tilespmem:s22+$0xFFFFFFE0]  }
0x68: {  	[tilespmem:s22+$0xFFFFFFB0] =	vst v1;
	v1 =	vmul.f32 v20, v21  }
0x69: {  	v24 =	vld [tilespmem:s22+$0xFFFFFFF0]  }
0x6a: {  	[tilespmem:s22+$0xFFFFFFC0] =	vst v1;
	v1 =	vmul.f32 v22, v21  }
0x6b: {  	v25 =	vld [tilespmem:s22+$0x0]  }
0x6c: {  	[tilespmem:s22+$0xFFFFFFD0] =	vst v1;
	v1 =	vmul.f32 v23, v21  }
0x6d: {  	v27 =	vld [tilespmem:s22+$0x10]  }
0x6e: {  	v26 =	vbroadcast v0, $0x8;
	[tilespmem:s22+$0xFFFFFFE0] =	vst v1;
	v1 =	vmul.f32 v24, v21  }
0x6f: {  	v28 =	vld [tilespmem:s22+$0x20]  }
0x70: {  	[tilespmem:s22+$0xFFFFFFF0] =	vst v1;
	v1 =	vmul.f32 v25, v26  }
0x71: {  	v29 =	vld [tilespmem:s22+$0x30]  }
0x72: {  	[tilespmem:s22+$0x0] =	vst v1;
	v1 =	vmul.f32 v27, v26  }
0x73: {  	v30 =	vld [tilespmem:s22+$0x40]  }
0x74: {  	[tilespmem:s22+$0x10] =	vst v1;
	v1 =	vmul.f32 v28, v26  }
0x75: {  	v32 =	vld [tilespmem:s22+$0x50]  }
0x76: {  	v31 =	vbroadcast v0, $0x9;
	[tilespmem:s22+$0x20] =	vst v1;
	v1 =	vmul.f32 v29, v26  }
0x77: {  	v33 =	vld [tilespmem:s22+$0x60]  }
0x78: {  	[tilespmem:s22+$0x30] =	vst v1;
	v1 =	vmul.f32 v30, v31  }
0x79: {  	v34 =	vld [tilespmem:s22+$0x70]  }
0x7a: {  	[tilespmem:s22+$0x40] =	vst v1;
	v1 =	vmul.f32 v32, v31  }
0x7b: {  	v35 =	vld [tilespmem:s22+$0x80]  }
0x7c: {  	[tilespmem:s22+$0x50] =	vst v1;
	v1 =	vmul.f32 v33, v31  }
0x7d: {  	v37 =	vld [tilespmem:s22+$0x90]  }
0x7e: {  	v36 =	vbroadcast v0, $0xA;
	[tilespmem:s22+$0x60] =	vst v1;
	v1 =	vmul.f32 v34, v31  }
0x7f: {  	v38 =	vld [tilespmem:s22+$0xA0]  }
0x80: {  	[tilespmem:s22+$0x70] =	vst v1;
	v1 =	vmul.f32 v35, v36  }
0x81: {  	v39 =	vld [tilespmem:s22+$0xB0]  }
0x82: {  	[tilespmem:s22+$0x80] =	vst v1;
	v1 =	vmul.f32 v37, v36  }
0x83: {  	v40 =	vld [tilespmem:s22+$0xC0]  }
0x84: {  	[tilespmem:s22+$0x90] =	vst v1;
	v1 =	vmul.f32 v38, v36  }
0x85: {  	v42 =	vld [tilespmem:s22+$0xD0]  }
0x86: {  	v41 =	vbroadcast v0, $0xB;
	[tilespmem:s22+$0xA0] =	vst v1;
	v1 =	vmul.f32 v39, v36  }
0x87: {  	v43 =	vld [tilespmem:s22+$0xE0]  }
0x88: {  	[tilespmem:s22+$0xB0] =	vst v1;
	v1 =	vmul.f32 v40, v41  }
0x89: {  	v44 =	vld [tilespmem:s22+$0xF0]  }
0x8a: {  	[tilespmem:s22+$0xC0] =	vst v1;
	v1 =	vmul.f32 v42, v41  }
0x8b: {  	v45 =	vld [tilespmem:s22+$0x100]  }
0x8c: {  	[tilespmem:s22+$0xD0] =	vst v1;
	v1 =	vmul.f32 v43, v41  }
0x8d: {  	v47 =	vld [tilespmem:s22+$0x110]  }
0x8e: {  	v46 =	vbroadcast v0, $0xC;
	[tilespmem:s22+$0xE0] =	vst v1;
	v1 =	vmul.f32 v44, v41  }
0x8f: {  	v48 =	vld [tilespmem:s22+$0x120]  }
0x90: {  	[tilespmem:s22+$0xF0] =	vst v1;
	v1 =	vmul.f32 v45, v46  }
0x91: {  	v49 =	vld [tilespmem:s22+$0x130]  }
0x92: {  	[tilespmem:s22+$0x100] =	vst v1;
	v1 =	vmul.f32 v47, v46  }
0x93: {  	v50 =	vld [tilespmem:s22+$0x140]  }
0x94: {  	[tilespmem:s22+$0x110] =	vst v1;
	v1 =	vmul.f32 v48, v46  }
0x95: {  	v52 =	vld [tilespmem:s22+$0x150]  }
0x96: {  	v51 =	vbroadcast v0, $0xD;
	[tilespmem:s22+$0x120] =	vst v1;
	v1 =	vmul.f32 v49, v46  }
0x97: {  	v53 =	vld [tilespmem:s22+$0x160]  }
0x98: {  	[tilespmem:s22+$0x130] =	vst v1;
	v1 =	vmul.f32 v50, v51  }
0x99: {  	v54 =	vld [tilespmem:s22+$0x170]  }
0x9a: {  	[tilespmem:s22+$0x140] =	vst v1;
	v1 =	vmul.f32 v52, v51  }
0x9b: {  	v55 =	vld [tilespmem:s22+$0x180]  }
0x9c: {  	[tilespmem:s22+$0x150] =	vst v1;
	v1 =	vmul.f32 v53, v51  }
0x9d: {  	v57 =	vld [tilespmem:s22+$0x190]  }
0x9e: {  	v56 =	vbroadcast v0, $0xE;
	[tilespmem:s22+$0x160] =	vst v1;
	v1 =	vmul.f32 v54, v51  }
0x9f: {  	v58 =	vld [tilespmem:s22+$0x1A0]  }
0xa0: {  	[tilespmem:s22+$0x170] =	vst v1;
	v1 =	vmul.f32 v55, v56  }
0xa1: {  	v59 =	vld [tilespmem:s22+$0x1B0]  }
0xa2: {  	[tilespmem:s22+$0x180] =	vst v1;
	v1 =	vmul.f32 v57, v56  }
0xa3: {  	v60 =	vld [tilespmem:s22+$0x1C0]  }
0xa4: {  	[tilespmem:s22+$0x190] =	vst v1;
	v1 =	vmul.f32 v58, v56  }
0xa5: {  	v61 =	vld [tilespmem:s22+$0x1D0]  }
0xa6: {  	v0 =	vbroadcast v0, $0xF;
	[tilespmem:s22+$0x1A0] =	vst v1;
	v1 =	vmul.f32 v59, v56  }
0xa7: {  	v62 =	vld [tilespmem:s22+$0x1E0]  }
0xa8: {  	v63 =	vld [tilespmem:s22+$0x1F0];
	[tilespmem:s22+$0x1B0] =	vst v1;
	v1 =	vmul.f32 v60, v0;
	_ =	sdelay $0x1  }
0xa9: {  	p0 =	sne.s32 s23, $0x4C0;
	[tilespmem:s22+$0x1C0] =	vst v1;
	v1 =	vmul.f32 v61, v0  }
.Ltmp0:
0xaa: {  	_ = 	snop;
	(pc) =	sbr.rel @p0 .LBB2_2-.Ltmp0, $4  }
0xab: {  	[tilespmem:s22+$0x1D0] =	vst v1;
	v1 =	vmul.f32 v62, v0  }
0xac: {  	v0 =	vmul.f32 v63, v0  }
0xad: {  	[tilespmem:s22+$0x1E0] =	vst v1  }
0xae: {  	s23 =	sadd.s32 $0x40, s23;
	[tilespmem:s22+$0x1F0] =	vst v0;
	s22 =	sadd.s32 $0x400, s22  }
0xaf: {  	[hbm4b:s6+s2] =	stream.linear.scatter [tilespmem:s12], [sflag:$0x2], $0x5000, $0x38;
	[tilespmem:$0x5280] =	vst v63  }
0xb0: {  	s21 =	sadd.s32 $0x1, s21;
	_ =	swait.ge [sflag:s9], $0x5000  }
0xb1: {  	p0 =	sne.s32 s21, s8;
	[sflag:s9] =	ssyncset.done $0x0  }
.Ltmp1:
0xb2: {  	[sflag:s9] =	ssyncadd.s32 $0xFFFFB000;
	(pc) =	sbr.rel @p0 .LBB2_1-.Ltmp1, $4  }
0xb3: {  	[hbm4b:s7+s2] =	stream.linear.scatter [tilespmem:s12], [sflag:$0x2], $0x5000, $0x38;
	[tilespmem:$0x5280] =	vst v63  }
0xb4: {  	_ =	swait.ge [sflag:s9], $0x5000  }
0xb5: {  	[sflag:s9] =	ssyncset.done $0x0  }
0xb6: {  	[sflag:s9] =	ssyncadd.s32 $0xFFFFB000  }
0xb7: {  	_ =	sfence.sel $0x180000  }
0xb8: {  	[bflag:$0x0] =	sbarrier.arrive $0xFFFF  }
0xb9: {  	p0 =	sne.s32 s1, $0x0;
	_ =	strace $0x9000004A  }
0xba: {  	s0 =	sadd.s32 @!p0 $0x100000, s0;
	[bflag:$0x2] =	sbarrier.arrive $0xFFFF  }
0xbb: {  	[sflag:s0] =	ssyncadd.tile.s32 @!p0 $0x1;
	_ =	shalt  }
.Lfunc_end2:
_tile_overlayer_lowered:
.L_overlay_start_2:
0xbc: {  	(tag) =	ssettag $0x2  }
0xbd: {  	s0 =	rddreg [dreg:$0x0];
	s2 =	stileid.u32  }
0xbe: {  	s1 =	rddreg [dreg:$0x1];
	p0 =	sne.s32 s2, $0x0  }
0xbf: {  	s3 =	rddreg [dreg:$0x2];
	[bflag:$0x3] =	sbarrier.arrive $0xFFFF;
	s2 =	simm.s32 @!p0 $0x1C02  }
0xc0: {  	[timem:s3], [sflag:s2] =	dma.local @!p0 [hbm:s0], s1  }
0xc1: {  	s0 =	simm.s32 @!p0 $0x2  }
0xc2: {  	_ =	swait.ge @!p0 [sflag:s0], s1  }
0xc3: {  	s1 =	ssub.s32 @!p0 $0x0, s1;
	[sflag:s0] =	ssyncset.done @!p0 $0x0  }
0xc4: {  	[sflag:s0] =	ssyncadd.s32 @!p0 s1  }
0xc5: {  	[bflag:$0x3] =	sbarrier.arrive $0xFFFF  }
0xc6: {  	_ =	shalt  }

// kernel: kernel.16.cloned.1.call-start
scs
__scs_entry_jumppad:
0x0: {  	(pc) =	sbr.rel $0x88, $3  }
0x1: {  	(tag) =	ssettag $0x0;
	lr =	simm.s32 $0x1  }
0x2: {  	[smem:$0x3F97] =	sst lr;
	_ =	strace $0xD0000000  }
0x3: {  	_ = 	snop  }
0x4: {  	_ = 	snop  }
0x5: {  	_ = 	snop  }
0x6: {  	_ = 	snop  }
0x7: {  	_ = 	snop  }
__scs_overlays_trampoline_lowered:
0x8: {  	[smem:$0x3FA6] =	sst s0  }
0x9: {  	[smem:$0x3FA7] =	sst s1  }
0xa: {  	[smem:$0x3FA8] =	sst s2  }
0xb: {  	[smem:$0x3FA9] =	sst s3  }
0xc: {  	[smem:$0x3FAA] =	sst s4  }
0xd: {  	[smem:$0x3FAB] =	sst s5  }
0xe: {  	[smem:$0x3FAC] =	sst s6  }
0xf: {  	[smem:$0x3FAD] =	sst s7  }
0x10: {  	[smem:$0x3FAE] =	sst s8  }
0x11: {  	[smem:$0x3FAF] =	sst s9;
	s0 =	simm.s32 @!p0 $0x0  }
0x12: {  	s1 =	sld [smem:$0x3F95];
	s0 =	simm.s32 @p0 $0x1  }
0x13: {  	[smem:$0x3FB0] =	sst s0;
	s0 =	simm.s32 @!p1 $0x0  }
0x14: {  	s2 =	sld [smem:$0x3F94];
	s0 =	simm.s32 @p1 $0x1  }
0x15: {  	[smem:$0x3FB1] =	sst s0;
	s0 =	simm.s32 @!p2 $0x0  }
0x16: {  	s3 =	sld [smem:$0x3FDB];
	s0 =	simm.s32 @p2 $0x1  }
0x17: {  	s4 =	simm.s32 $0x1BF5;
	[smem:$0x3FB3] =	sst s0  }
0x18: {  	s0 =	sld [smem:$0x3F96];
	_ =	swait.ge [sflag:s4], $0x0  }
0x19: {  	s7 =	sld [smem:$0x3F97]  }
0x1a: {  	s8 =	sadd.s32 $0xFFFFE003, lr  }
0x1b: {  	s9 =	sadd.s32 $0xFFFFFEF7, lr;
	s5 =	simm.s32 $0xFFFFFFFF;
	p2 =	slt.u32 s8, $0xFFFFF086  }
0x1c: {  	p1 =	slt.u32 s9, $0xF7A;
	s5 =	simm.s32 @!p2 $0x0  }
0x1d: {  	s5 =	simm.s32 @p1 $0x1;
	p0 =	seq.s32 s7, s2  }
0x1e: {  	s7 =	smul.u32 @!p0 $0xF7A, s2;
	p2 =	seq.s32 @!p0 s5, $0x0  }
0x1f: {  	s9 =	smul.u32 $0xF7A, s1;
	s8 =	simm.s32 @!p0 $0x1BF5;
	p2 =	por !p2, p0  }
0x20: {  	[sflag:s8] =	ssyncset.s32 @!p0 $0xFFFFF086;
	s6 =	sadd.s32 @!p0 s3, s7;
	s7 =	simm.s32 @!p0 $0x108  }
0x21: {  	s3 =	sadd.s32 s3, s9;
	s6 =	sadd.s32 @!p0 $0x88, s6;
	s7 =	simm.s32 @p2 $0x1082  }
0x22: {  	[simem:s7], [sflag:s8] =	dma.local @!p0 [hbm:s6], $0xF7A  }
0x23: {  	s9 =	sor.u32 $0xD0000000, s2;
	s6 =	simm.s32 $0x108;
	_ =	swait.ge @!p0 [sflag:s8], $0x0  }
0x24: {  	s3 =	sadd.s32 $0x88, s3;
	s6 =	simm.s32 @!p1 $0x1082;
	[sflag:s4] =	ssyncset.s32 $0xFFFFF086  }
0x25: {  	[simem:s6], [sflag:s4] =	dma.local [hbm:s3], $0xF7A  }
0x26: {  	[smem:$0x3F97] =	sst s1;
	(tag) =	ssettag s2;
	_ =	strace s9  }
0x27: {  	s1 =	sld [smem:$0x3FA7]  }
0x28: {  	s2 =	sld [smem:$0x3FA8]  }
0x29: {  	s4 =	sld [smem:$0x3FAA]  }
0x2a: {  	p0 =	seq.s32 s5, $0x0;
	s5 =	sld [smem:$0x3FAB]  }
0x2b: {  	s6 =	sld [smem:$0x3FAC]  }
0x2c: {  	s7 =	sld [smem:$0x3FAD]  }
0x2d: {  	s3 =	simm.s32 $0x108;
	s8 =	sld [smem:$0x3FAE]  }
0x2e: {  	s3 =	simm.s32 @!p0 $0x1082;
	s9 =	sld [smem:$0x3FAF]  }
0x2f: {  	lr =	sadd.s32 s0, s3;
	s0 =	sld [smem:$0x3FA6]  }
0x30: {  	s3 =	sld [smem:$0x3FA9]  }
0x31: {  	[smem:$0x3FB2] =	sst s10  }
0x32: {  	s10 =	sld [smem:$0x3FB0];
	_ =	sdelay $0x3  }
0x33: {  	p0 =	seq.s32 s10, $0x1;
	s10 =	sld [smem:$0x3FB2];
	_ =	sdelay $0x3  }
0x34: {  	[smem:$0x3FB2] =	sst s10  }
0x35: {  	s10 =	sld [smem:$0x3FB1];
	_ =	sdelay $0x3  }
0x36: {  	p1 =	seq.s32 s10, $0x1;
	s10 =	sld [smem:$0x3FB2];
	_ =	sdelay $0x3  }
0x37: {  	[smem:$0x3FB2] =	sst s10  }
0x38: {  	s10 =	sld [smem:$0x3FB3]  }
0x39: {  	_ = 	snop;
	(pc) =	sbr.ind lr, $3  }
0x3a: {  	_ = 	snop  }
0x3b: {  	_ = 	snop  }
0x3c: {  	p2 =	seq.s32 s10, $0x1;
	s10 =	sld [smem:$0x3FB2]  }
0x3d: {  	_ =	shalt  }
0x3e: {  	_ =	shalt  }
0x3f: {  	_ =	shalt  }
0x40: {  	_ =	shalt  }
0x41: {  	_ =	shalt  }
0x42: {  	_ =	shalt  }
0x43: {  	_ =	shalt  }
0x44: {  	_ =	shalt  }
0x45: {  	_ =	shalt  }
0x46: {  	_ =	shalt  }
0x47: {  	_ =	shalt  }
0x48: {  	_ =	shalt  }
0x49: {  	_ =	shalt  }
0x4a: {  	_ =	shalt  }
0x4b: {  	_ =	shalt  }
0x4c: {  	_ =	shalt  }
0x4d: {  	_ =	shalt  }
0x4e: {  	_ =	shalt  }
0x4f: {  	_ =	shalt  }
0x50: {  	_ =	shalt  }
0x51: {  	_ =	shalt  }
0x52: {  	_ =	shalt  }
0x53: {  	_ =	shalt  }
0x54: {  	_ =	shalt  }
0x55: {  	_ =	shalt  }
0x56: {  	_ =	shalt  }
0x57: {  	_ =	shalt  }
0x58: {  	_ =	shalt  }
0x59: {  	_ =	shalt  }
0x5a: {  	_ =	shalt  }
0x5b: {  	_ =	shalt  }
0x5c: {  	_ =	shalt  }
0x5d: {  	_ =	shalt  }
0x5e: {  	_ =	shalt  }
0x5f: {  	_ =	shalt  }
0x60: {  	_ =	shalt  }
0x61: {  	_ =	shalt  }
0x62: {  	_ =	shalt  }
0x63: {  	_ =	shalt  }
0x64: {  	_ =	shalt  }
0x65: {  	_ =	shalt  }
0x66: {  	_ =	shalt  }
0x67: {  	_ =	shalt  }
0x68: {  	_ =	shalt  }
0x69: {  	_ =	shalt  }
0x6a: {  	_ =	shalt  }
0x6b: {  	_ =	shalt  }
0x6c: {  	_ =	shalt  }
0x6d: {  	_ =	shalt  }
0x6e: {  	_ =	shalt  }
0x6f: {  	_ =	shalt  }
0x70: {  	_ =	shalt  }
0x71: {  	_ =	shalt  }
0x72: {  	_ =	shalt  }
0x73: {  	_ =	shalt  }
0x74: {  	_ =	shalt  }
0x75: {  	_ =	shalt  }
0x76: {  	_ =	shalt  }
0x77: {  	_ =	shalt  }
0x78: {  	_ =	shalt  }
0x79: {  	_ =	shalt  }
0x7a: {  	_ =	shalt  }
0x7b: {  	_ =	shalt  }
0x7c: {  	_ =	shalt  }
0x7d: {  	_ =	shalt  }
0x7e: {  	_ =	shalt  }
0x7f: {  	_ =	shalt  }
0x80: {  	_ =	shalt  }
0x81: {  	_ =	shalt  }
0x82: {  	_ =	shalt  }
0x83: {  	_ =	shalt  }
0x84: {  	_ =	shalt  }
0x85: {  	_ =	shalt  }
0x86: {  	_ =	shalt  }
0x87: {  	_ =	shalt  }
.Lfunc_end0:
.L_simem_size_0:
called_computation.2_lowered:
.L_overlay_start_0:
0x88: {  	s2 =	sld [smem:$0x3FD9]  }
0x89: {  	s3 =	sld [smem:$0x3FFE];
	_ =	sdelay $0x1  }
0x8a: {  	s1 =	srdreg.scid  }
0x8b: {  	s0 =	sand.u32 $0x1, s1  }
0x8c: {  	s16 =	sshll.u32 s0, $0xA;
	s2 =	sadd.s32 s3, s2  }
0x8d: {  	s2 =	sadd.s32 s2, s16  }
0x8e: {  	[smem:$0x3FBE] =	sst s2  }
0x8f: {  	_ = 	snop  }
0x90: {  	(tm) =	ssettm $0x1  }
0x91: {  	s17 =	sld [smem:$0x3FFB];
	_ =	sdelay $0x3  }
0x92: {  	_ =	strace s17  }
0x93: {  	s2 =	sld [smem:$0x3FFC];
	_ =	sdelay $0x3  }
0x94: {  	_ =	strace s2  }
0x95: {  	s2 =	sld [smem:$0x3FFD];
	_ =	sdelay $0x3  }
0x96: {  	_ =	strace s2  }
0x97: {  	_ =	strace $0x8FFFFFFF  }
0x98: {  	s18 =	sld [smem:$0x3FDB];
	_ =	sdelay $0x1  }
0x99: {  	s19 =	simm.s32 $_scs_section_size  }
0x9a: {  	s4 =	simm.s32 $_size__tile_overlayer_lowered;
	s5 =	simm.s32 $_tile_overlayer_lowered  }
0x9b: {  	s22 =	simm.s32 $0x1BFF;
	s21 =	sshll.u32 s5, $0x1;
	s2 =	sadd.s32 s19, s18  }
0x9c: {  	s6 =	simm.s32 $0x0;
	s20 =	sshll.u32 s4, $0x1;
	s4 =	sadd.s32 s21, s2  }
0x9d: {  	[timem:s6], [sflag:s22] =	dma.local [hbm:s4], s20  }
0x9e: {  	_ =	swait.ge [sflag:s22], s20  }
0x9f: {  	s3 =	ssub.s32 $0x0, s20;
	[sflag:s22] =	ssyncset.done $0x0  }
0xa0: {  	[sflag:s22] =	ssyncadd.s32 s3;
	_ =	sdelay $0x1  }
0xa1: {  	s23 =	simm.s32 $0x1B8B  }
0xa2: {  	_ =	swait.ge [sflag:s23], $0x1  }
0xa3: {  	[sflag:s23] =	ssyncset.done $0x0  }
0xa4: {  	s25 =	simm.s32 $0x1B8E;
	s24 =	sld [smem:$0x3FFE];
	[sflag:s23] =	ssyncadd.s32 $0xFFFFFFFF  }
0xa5: {  	s26 =	simm.s32 $execute0_lowered;
	[smem:$0x3FD2] =	sst s25  }
0xa6: {  	s4 =	sshll.u32 s26, $0x1;
	_ =	strace $0x8000004C;
	[dreg:$0x1] =	wrdreg $0xFFFFFFFF  }
0xa7: {  	s28 =	simm.s32 $_size_execute0_lowered;
	s2 =	sadd.s32 s2, s4;
	[dreg:$0x0] =	wrdreg $0x0  }
0xa8: {  	s4 =	sshll.u32 s28, $0x1;
	[dreg:$0x2] =	wrdreg s2  }
0xa9: {  	[dreg:$0x3] =	wrdreg s4  }
0xaa: {  	[dreg:$0x4] =	wrdreg $0xC0  }
0xab: {  	_ =	task [dreg:s6], $0x5FFFF  }
0xac: {  	[dreg:$0x1] =	wrdreg $0xFFFFFFFF  }
0xad: {  	[dreg:$0x0] =	wrdreg $0x60  }
0xae: {  	[dreg:$0x2] =	wrdreg s24  }
0xaf: {  	[dreg:$0x3] =	wrdreg $0x90000  }
0xb0: {  	[dreg:$0x4] =	wrdreg $0x9  }
0xb1: {  	_ =	task.clear_ibuf [dreg:s6], $0x5FFFF;
	_ =	strace $0x9000004C  }
0xb2: {  	s29 =	simm.s32 $0x9;
	_ =	strace $0x8000004E  }
0xb3: {  	_ =	swait.ge [sflag:s29], $0x1  }
0xb4: {  	[sflag:s29] =	ssyncadd.s32 $0xFFFFFFFF  }
0xb5: {  	_ =	strace $0x9000004E  }
0xb6: {  	_ =	sfence  }
0xb7: {  	s30 =	sld [smem:$0x0];
	_ =	sdelay $0x2  }
0xb8: {  	s31 =	sshll.u32 s1, $0xD;
	s1 =	sshrl.u32 s1, $0x2  }
0xb9: {  	s3 =	sand.u32 $0x4000, s31;
	s1 =	sadd.s32 s1, s30  }
0xba: {  	s0 =	sor.u32 s3, s0;
	s1 =	sshll.u32 s1, $0x11  }
0xbb: {  	s0 =	sor.u32 s1, s0  }
0xbc: {  	s0 =	sadd.s32 $0x8F2B, s0  }
0xbd: {  	[sflag:s0] =	ssyncadd.remote.s32 $0x1  }
0xbe: {  	_ =	sfence.sel $0xFFFF  }
0xbf: {  	[dreg:$0x0] =	wrdreg $0xFFFFFFFF;
	(pc) =	sbr.abs _section_cstart, $3  }
0xc0: {  	[dreg:$0x1] =	wrdreg $0xFFFFFFFF  }
0xc1: {  	_ =	task.clear_ibuf [dreg:s6], $0x2FFFF;
	_ =	strace $0x9FFFFFFF  }
0xc2: {  	(tm) =	ssettm $0x7FFFFFFF  }
0xc3: {  	_ =	shalt  }
tec
execute0_lowered:
.L_overlay_start_1:
0x0: {  	(tag) =	ssettag $0x1  }
0x1: {  	s0 =	srdreg.scid;
	s5 =	rddreg [dreg:$0x0]  }
0x2: {  	s2 =	rddreg [dreg:$0x1];
	s3 =	simm.s32 $0x0;
	s14 =	simm.s32 $0x3  }
0x3: {  	s15 =	simm.s32 $0x2800;
	s16 =	simm.s32 $0x5000;
	s17 =	simm.s32 $0x80  }
0x4: {  	s18 =	simm.s32 $0x7000;
	s19 =	simm.s32 $0x1;
	s20 =	simm.s32 $0x2  }
0x5: {  	s21 =	simm.s32 $0x4F00;
	s22 =	simm.s32 $0x4F80;
	s4 =	sand.u32 $0x1, s0  }
0x6: {  	s24 =	simm.s32 $0x0;
	s0 =	stileid.u32;
	s7 =	smul.u32 $0xA0000, s4  }
0x7: {  	[smem:$0x7FF] =	sst s3;
	s1 =	sshll.u32 s4, $0x4;
	s9 =	smul.u32 $0xA000, s0  }
0x8: {  	s4 =	ssub.s32 $0x2, s4;
	s10 =	smul.u32 $0x28000, s0;
	s1 =	sor.u32 s0, s1  }
0x9: {  	s30 =	sshrl.u32 s4, $0x1;
	s6 =	smul.u32 $0x500, s1;
	s1 =	rddreg [dreg:$0x2]  }
0xa: {  	_ =	strace $0x8000004D;
	s8 =	sshrl.u32 s7, $0x3;
	s7 =	sadd.s32 s9, s7  }
0xb: {  	s12 =	ssub.s32 s4, s30;
	s31 =	sshrl.u32 s10, $0x2;
	s23 =	sadd.s32 s9, s2  }
0xc: {  	s7 =	sshrl.u32 s7, $0x3;
	s8 =	sadd.s32 s8, s5;
	s9 =	smax.u32 s12, $0x1  }
0xd: {  	s23 =	sshrl.u32 s23, $0x3;
	s6 =	sadd.s32 s6, s5;
	s11 =	sadd.s32 s7, s5  }
0xe: {  	s4 =	sadd.s32 $0x3000, s6;
	s5 =	sadd.s32 $0xD000, s6;
	s6 =	sadd.s32 s31, s2  }
0xf: {  	s7 =	sadd.s32 $0x18C00, s8;
	s8 =	sadd.s32 $0x40C00, s11;
	s10 =	sadd.s32 $0x2000, s6  }
0x10: {  	v0 =	vimm.f32 $0.0e+00;
	s11 =	sadd.s32 $0x4000, s6;
	s12 =	sadd.s32 $0x6000, s6;
	s13 =	sadd.s32 $0x8000, s6  }
.LBB2_1:
0x11: {  	[tilespmem:s3], [sflag:$0x3] =	stream.linear.gather [hbm4b:s4+s3], $0x2800, $0x38;
	[tilespmem:$0x13000] =	vst v63  }
0x12: {  	_ =	swait.ge [sflag:s14], $0x2800  }
0x13: {  	[sflag:s14] =	ssyncset.done $0x0  }
0x14: {  	[sflag:s14] =	ssyncadd.s32 $0xFFFFD800  }
0x15: {  	[tilespmem:s15], [sflag:$0x3] =	stream.linear.gather [hbm4b:s5+s3], $0x2800, $0x38;
	[tilespmem:$0x13000] =	vst v63  }
0x16: {  	_ =	swait.ge [sflag:s14], $0x2800  }
0x17: {  	[sflag:s14] =	ssyncset.done $0x0  }
0x18: {  	s26 =	simm.s32 $0x100;
	s25 =	simm.s32 $0x0;
	[sflag:s14] =	ssyncadd.s32 $0xFFFFD800  }
.LBB2_2:
0x19: {  	p0 =	sne.s32 s26, $0x7F00;
	[tilespmem:s25+$0x5030] =	vst v0;
	s28 =	smov.u32 s26;
	s26 =	sadd.s32 $0x100, s26  }
.Ltmp0:
0x1a: {  	[tilespmem:s25+$0x5020] =	vst v0;
	(pc) =	sbr.rel @p0 .LBB2_2-.Ltmp0, $3  }
0x1b: {  	[tilespmem:s25+$0x5000] =	vst v0  }
0x1c: {  	[tilespmem:s25+$0x5010] =	vst v0;
	_ =	sdelay $0x1  }
0x1d: {  	s25 =	sshra.s32 s28, $0x2  }
0x1e: {  	[tilespmem:s25+$0x5030] =	vst v0  }
0x1f: {  	[tilespmem:s25+$0x5020] =	vst v0  }
0x20: {  	[tilespmem:s25+$0x5000] =	vst v0  }
0x21: {  	[tilespmem:s25+$0x5010] =	vst v0  }
0x22: {  	[spmem:s6] =	stream.linear.scatter [tilespmem:s16], [sflag:$0x3], $0x2000, $0x38;
	[tilespmem:$0x13000] =	vst v63  }
0x23: {  	_ =	swait.ge [sflag:s14], $0x2000  }
0x24: {  	[sflag:s14] =	ssyncset.done $0x0  }
0x25: {  	[sflag:s14] =	ssyncadd.s32 $0xFFFFE000  }
0x26: {  	[spmem:s10] =	stream.linear.scatter [tilespmem:s16], [sflag:$0x3], $0x2000, $0x38;
	[tilespmem:$0x13000] =	vst v63  }
0x27: {  	_ =	swait.ge [sflag:s14], $0x2000  }
0x28: {  	[sflag:s14] =	ssyncset.done $0x0  }
0x29: {  	[sflag:s14] =	ssyncadd.s32 $0xFFFFE000  }
0x2a: {  	[spmem:s11] =	stream.linear.scatter [tilespmem:s16], [sflag:$0x3], $0x2000, $0x38;
	[tilespmem:$0x13000] =	vst v63  }
0x2b: {  	_ =	swait.ge [sflag:s14], $0x2000  }
0x2c: {  	[sflag:s14] =	ssyncset.done $0x0  }
0x2d: {  	[sflag:s14] =	ssyncadd.s32 $0xFFFFE000  }
0x2e: {  	[spmem:s12] =	stream.linear.scatter [tilespmem:s16], [sflag:$0x3], $0x2000, $0x38;
	[tilespmem:$0x13000] =	vst v63  }
0x2f: {  	_ =	swait.ge [sflag:s14], $0x2000  }
0x30: {  	[sflag:s14] =	ssyncset.done $0x0  }
0x31: {  	[sflag:s14] =	ssyncadd.s32 $0xFFFFE000  }
0x32: {  	[spmem:s13] =	stream.linear.scatter [tilespmem:s16], [sflag:$0x3], $0x2000, $0x38;
	[tilespmem:$0x13000] =	vst v63  }
0x33: {  	_ =	swait.ge [sflag:s14], $0x2000  }
0x34: {  	[sflag:s14] =	ssyncset.done $0x0  }
0x35: {  	s28 =	simm.s32 $0x0;
	[sflag:s14] =	ssyncadd.s32 $0xFFFFE000  }
0x36: {  	[tilespmem:s16], [sflag:$0x1] =	stream.indirect.gather [hbm4b:s7+s17], $0x40, s28, s17, $0xb8;
	[tilespmem:$0x13000] =	vst v63  }
0x37: {  	_ = 	snop  }
0x38: {  	[tilespmem:s18], [sflag:$0x2] =	stream.indirect.gather [hbm4b:s7+s17], $0x40, s17, s17, $0xb8;
	[tilespmem:$0x13000] =	vst v63  }
0x39: {  	[bflag:$0x0] =	sbarrier.arrive $0xFFFF  }
0x3a: {  	_ =	swait.ge [sflag:s19], $0x2000  }
0x3b: {  	[sflag:s19] =	ssyncset.done $0x0  }
0x3c: {  	s29 =	simm.s32 $0x2800;
	[sflag:s19] =	ssyncadd.s32 $0xFFFFE000  }
0x3d: {  	[spmem:s2] =	stream.indirect.scatter.add.f32 [tilespmem:s16], [sflag:$0x3], $0x40, s29, s17, $0xb8;
	[tilespmem:$0x13000] =	vst v63  }
0x3e: {  	_ =	swait.ge [sflag:s14], $0x2000  }
0x3f: {  	[sflag:s14] =	ssyncset.done $0x0  }
0x40: {  	s30 =	simm.s32 $0x100;
	[sflag:s14] =	ssyncadd.s32 $0xFFFFE000  }
0x41: {  	[tilespmem:s16], [sflag:$0x1] =	stream.indirect.gather [hbm4b:s7+s17], $0x40, s30, s17, $0xb8;
	[tilespmem:$0x13000] =	vst v63  }
0x42: {  	_ =	swait.ge [sflag:s20], $0x2000  }
0x43: {  	[sflag:s20] =	ssyncset.done $0x0  }
0x44: {  	s31 =	simm.s32 $0x2880;
	[sflag:s20] =	ssyncadd.s32 $0xFFFFE000  }
0x45: {  	[spmem:s2] =	stream.indirect.scatter.add.f32 [tilespmem:s18], [sflag:$0x3], $0x40, s31, s17, $0xb8;
	[tilespmem:$0x13000] =	vst v63  }
0x46: {  	_ =	swait.ge [sflag:s14], $0x2000  }
0x47: {  	[sflag:s14] =	ssyncset.done $0x0  }
0x48: {  	s25 =	simm.s32 $0x400;
	s26 =	simm.s32 $0x180;
	[sflag:s14] =	ssyncadd.s32 $0xFFFFE000  }
.LBB2_4:
0x49: {  	[tilespmem:s18], [sflag:$0x2] =	stream.indirect.gather [hbm4b:s7+s17], $0x40, s26, s17, $0xb8;
	[tilespmem:$0x13000] =	vst v63  }
0x4a: {  	s26 =	smov.u32 s25  }
0x4b: {  	p0 =	sne.s32 s25, $0x9800;
	s25 =	sadd.s32 $0x400, s25;
	_ =	swait.ge [sflag:s19], $0x2000  }
0x4c: {  	s26 =	sshra.s32 s26, $0x2;
	[sflag:s19] =	ssyncset.done $0x0  }
0x4d: {  	s28 =	sadd.s32 $0x2800, s26;
	[sflag:s19] =	ssyncadd.s32 $0xFFFFE000  }
0x4e: {  	[spmem:s2] =	stream.indirect.scatter.add.f32 [tilespmem:s16], [sflag:$0x3], $0x40, s28, s17, $0xb8;
	[tilespmem:$0x13000] =	vst v63  }
0x4f: {  	_ =	swait.ge [sflag:s14], $0x2000  }
0x50: {  	[sflag:s14] =	ssyncset.done $0x0  }
0x51: {  	s28 =	sadd.s32 $0x100, s26;
	[sflag:s14] =	ssyncadd.s32 $0xFFFFE000  }
0x52: {  	[tilespmem:s16], [sflag:$0x1] =	stream.indirect.gather [hbm4b:s7+s17], $0x40, s28, s17, $0xb8;
	[tilespmem:$0x13000] =	vst v63  }
0x53: {  	_ =	swait.ge [sflag:s20], $0x2000  }
0x54: {  	[sflag:s20] =	ssyncset.done $0x0  }
.Ltmp1:
0x55: {  	s28 =	sadd.s32 $0x2880, s26;
	[sflag:s20] =	ssyncadd.s32 $0xFFFFE000;
	(pc) =	sbr.rel @p0 .LBB2_4-.Ltmp1, $4  }
0x56: {  	[spmem:s2] =	stream.indirect.scatter.add.f32 [tilespmem:s18], [sflag:$0x3], $0x40, s28, s17, $0xb8;
	[tilespmem:$0x13000] =	vst v63  }
0x57: {  	_ =	swait.ge [sflag:s14], $0x2000  }
0x58: {  	[sflag:s14] =	ssyncset.done $0x0  }
0x59: {  	s26 =	sadd.s32 $0x180, s26;
	[sflag:s14] =	ssyncadd.s32 $0xFFFFE000  }
0x5a: {  	[tilespmem:s18], [sflag:$0x2] =	stream.indirect.gather [hbm4b:s7+s17], $0x40, s26, s17, $0xb8;
	[tilespmem:$0x13000] =	vst v63  }
0x5b: {  	_ =	swait.ge [sflag:s19], $0x2000  }
0x5c: {  	[sflag:s19] =	ssyncset.done $0x0  }
0x5d: {  	[sflag:s19] =	ssyncadd.s32 $0xFFFFE000  }
0x5e: {  	[spmem:s2] =	stream.indirect.scatter.add.f32 [tilespmem:s16], [sflag:$0x3], $0x40, s21, s17, $0xb8;
	[tilespmem:$0x13000] =	vst v63  }
0x5f: {  	_ =	swait.ge [sflag:s14], $0x2000  }
0x60: {  	[sflag:s14] =	ssyncset.done $0x0  }
0x61: {  	[sflag:s14] =	ssyncadd.s32 $0xFFFFE000  }
0x62: {  	_ =	swait.ge [sflag:s20], $0x2000  }
0x63: {  	[sflag:s20] =	ssyncset.done $0x0  }
0x64: {  	[sflag:s20] =	ssyncadd.s32 $0xFFFFE000  }
0x65: {  	[spmem:s2] =	stream.indirect.scatter.add.f32 [tilespmem:s18], [sflag:$0x3], $0x40, s22, s17, $0xb8;
	[tilespmem:$0x13000] =	vst v63  }
0x66: {  	_ =	swait.ge [sflag:s14], $0x2000  }
0x67: {  	s24 =	sadd.s32 $0x1, s24;
	[sflag:s14] =	ssyncset.done $0x0  }
0x68: {  	s25 =	sshll.u32 s0, $0x6;
	p0 =	sne.s32 s24, s9;
	[sflag:s14] =	ssyncadd.s32 $0xFFFFE000  }
.Ltmp2:
0x69: {  	s25 =	sor.u32 $0x1C03, s25;
	[bflag:$0x0] =	sbarrier.arrive $0xFFFF;
	(pc) =	sbr.rel @p0 .LBB2_1-.Ltmp2, $4  }
0x6a: {  	[hbm:s8], [sflag:s25] =	dma.local [spmem:s23], $0x1400  }
0x6b: {  	_ =	swait.ge [sflag:s14], $0x1400  }
0x6c: {  	[sflag:s14] =	ssyncset.done $0x0  }
0x6d: {  	[sflag:s14] =	ssyncadd.s32 $0xFFFFEC00  }
0x6e: {  	_ =	sfence.sel $0x180000  }
0x6f: {  	[bflag:$0x0] =	sbarrier.arrive $0xFFFF  }
0x70: {  	p0 =	sne.s32 s0, $0x0;
	_ =	strace $0x9000004D  }
0x71: {  	s0 =	sadd.s32 @!p0 $0x100000, s1;
	[bflag:$0x2] =	sbarrier.arrive $0xFFFF  }
0x72: {  	[sflag:s0] =	ssyncadd.tile.s32 @!p0 $0x1;
	_ =	shalt  }
.Lfunc_end2:
_tile_overlayer_lowered:
.L_overlay_start_2:
0x73: {  	(tag) =	ssettag $0x2  }
0x74: {  	s0 =	rddreg [dreg:$0x0];
	s2 =	stileid.u32  }
0x75: {  	s1 =	rddreg [dreg:$0x1];
	p0 =	sne.s32 s2, $0x0  }
0x76: {  	s3 =	rddreg [dreg:$0x2];
	[bflag:$0x3] =	sbarrier.arrive $0xFFFF;
	s2 =	simm.s32 @!p0 $0x1C03  }
0x77: {  	[timem:s3], [sflag:s2] =	dma.local @!p0 [hbm:s0], s1  }
0x78: {  	s0 =	simm.s32 @!p0 $0x3  }
0x79: {  	_ =	swait.ge @!p0 [sflag:s0], s1  }
0x7a: {  	s1 =	ssub.s32 @!p0 $0x0, s1;
	[sflag:s0] =	ssyncset.done @!p0 $0x0  }
0x7b: {  	[sflag:s0] =	ssyncadd.s32 @!p0 s1  }
0x7c: {  	[bflag:$0x3] =	sbarrier.arrive $0xFFFF  }
0x7d: {  	_ =	shalt  }

// kernel: kernel.19.cloned.1.call-start
scs
__scs_entry_jumppad:
0x0: {  	(pc) =	sbr.rel $0x88, $3  }
0x1: {  	(tag) =	ssettag $0x0;
	lr =	simm.s32 $0x1  }
0x2: {  	[smem:$0x3F97] =	sst lr;
	_ =	strace $0xD0000000  }
0x3: {  	_ = 	snop  }
0x4: {  	_ = 	snop  }
0x5: {  	_ = 	snop  }
0x6: {  	_ = 	snop  }
0x7: {  	_ = 	snop  }
__scs_overlays_trampoline_lowered:
0x8: {  	[smem:$0x3FA6] =	sst s0  }
0x9: {  	[smem:$0x3FA7] =	sst s1  }
0xa: {  	[smem:$0x3FA8] =	sst s2  }
0xb: {  	[smem:$0x3FA9] =	sst s3  }
0xc: {  	[smem:$0x3FAA] =	sst s4  }
0xd: {  	[smem:$0x3FAB] =	sst s5  }
0xe: {  	[smem:$0x3FAC] =	sst s6  }
0xf: {  	[smem:$0x3FAD] =	sst s7  }
0x10: {  	[smem:$0x3FAE] =	sst s8  }
0x11: {  	[smem:$0x3FAF] =	sst s9;
	s0 =	simm.s32 @!p0 $0x0  }
0x12: {  	s1 =	sld [smem:$0x3F95];
	s0 =	simm.s32 @p0 $0x1  }
0x13: {  	[smem:$0x3FB0] =	sst s0;
	s0 =	simm.s32 @!p1 $0x0  }
0x14: {  	s2 =	sld [smem:$0x3F94];
	s0 =	simm.s32 @p1 $0x1  }
0x15: {  	[smem:$0x3FB1] =	sst s0;
	s0 =	simm.s32 @!p2 $0x0  }
0x16: {  	s3 =	sld [smem:$0x3FDB];
	s0 =	simm.s32 @p2 $0x1  }
0x17: {  	s4 =	simm.s32 $0x1BF5;
	[smem:$0x3FB3] =	sst s0  }
0x18: {  	s0 =	sld [smem:$0x3F96];
	_ =	swait.ge [sflag:s4], $0x0  }
0x19: {  	s7 =	sld [smem:$0x3F97]  }
0x1a: {  	s8 =	sadd.s32 $0xFFFFE003, lr  }
0x1b: {  	s9 =	sadd.s32 $0xFFFFFEF7, lr;
	s5 =	simm.s32 $0xFFFFFFFF;
	p2 =	slt.u32 s8, $0xFFFFF086  }
0x1c: {  	p1 =	slt.u32 s9, $0xF7A;
	s5 =	simm.s32 @!p2 $0x0  }
0x1d: {  	s5 =	simm.s32 @p1 $0x1;
	p0 =	seq.s32 s7, s2  }
0x1e: {  	s7 =	smul.u32 @!p0 $0xF7A, s2;
	p2 =	seq.s32 @!p0 s5, $0x0  }
0x1f: {  	s9 =	smul.u32 $0xF7A, s1;
	s8 =	simm.s32 @!p0 $0x1BF5;
	p2 =	por !p2, p0  }
0x20: {  	[sflag:s8] =	ssyncset.s32 @!p0 $0xFFFFF086;
	s6 =	sadd.s32 @!p0 s3, s7;
	s7 =	simm.s32 @!p0 $0x108  }
0x21: {  	s3 =	sadd.s32 s3, s9;
	s6 =	sadd.s32 @!p0 $0x88, s6;
	s7 =	simm.s32 @p2 $0x1082  }
0x22: {  	[simem:s7], [sflag:s8] =	dma.local @!p0 [hbm:s6], $0xF7A  }
0x23: {  	s9 =	sor.u32 $0xD0000000, s2;
	s6 =	simm.s32 $0x108;
	_ =	swait.ge @!p0 [sflag:s8], $0x0  }
0x24: {  	s3 =	sadd.s32 $0x88, s3;
	s6 =	simm.s32 @!p1 $0x1082;
	[sflag:s4] =	ssyncset.s32 $0xFFFFF086  }
0x25: {  	[simem:s6], [sflag:s4] =	dma.local [hbm:s3], $0xF7A  }
0x26: {  	[smem:$0x3F97] =	sst s1;
	(tag) =	ssettag s2;
	_ =	strace s9  }
0x27: {  	s1 =	sld [smem:$0x3FA7]  }
0x28: {  	s2 =	sld [smem:$0x3FA8]  }
0x29: {  	s4 =	sld [smem:$0x3FAA]  }
0x2a: {  	p0 =	seq.s32 s5, $0x0;
	s5 =	sld [smem:$0x3FAB]  }
0x2b: {  	s6 =	sld [smem:$0x3FAC]  }
0x2c: {  	s7 =	sld [smem:$0x3FAD]  }
0x2d: {  	s3 =	simm.s32 $0x108;
	s8 =	sld [smem:$0x3FAE]  }
0x2e: {  	s3 =	simm.s32 @!p0 $0x1082;
	s9 =	sld [smem:$0x3FAF]  }
0x2f: {  	lr =	sadd.s32 s0, s3;
	s0 =	sld [smem:$0x3FA6]  }
0x30: {  	s3 =	sld [smem:$0x3FA9]  }
0x31: {  	[smem:$0x3FB2] =	sst s10  }
0x32: {  	s10 =	sld [smem:$0x3FB0];
	_ =	sdelay $0x3  }
0x33: {  	p0 =	seq.s32 s10, $0x1;
	s10 =	sld [smem:$0x3FB2];
	_ =	sdelay $0x3  }
0x34: {  	[smem:$0x3FB2] =	sst s10  }
0x35: {  	s10 =	sld [smem:$0x3FB1];
	_ =	sdelay $0x3  }
0x36: {  	p1 =	seq.s32 s10, $0x1;
	s10 =	sld [smem:$0x3FB2];
	_ =	sdelay $0x3  }
0x37: {  	[smem:$0x3FB2] =	sst s10  }
0x38: {  	s10 =	sld [smem:$0x3FB3]  }
0x39: {  	_ = 	snop;
	(pc) =	sbr.ind lr, $3  }
0x3a: {  	_ = 	snop  }
0x3b: {  	_ = 	snop  }
0x3c: {  	p2 =	seq.s32 s10, $0x1;
	s10 =	sld [smem:$0x3FB2]  }
0x3d: {  	_ =	shalt  }
0x3e: {  	_ =	shalt  }
0x3f: {  	_ =	shalt  }
0x40: {  	_ =	shalt  }
0x41: {  	_ =	shalt  }
0x42: {  	_ =	shalt  }
0x43: {  	_ =	shalt  }
0x44: {  	_ =	shalt  }
0x45: {  	_ =	shalt  }
0x46: {  	_ =	shalt  }
0x47: {  	_ =	shalt  }
0x48: {  	_ =	shalt  }
0x49: {  	_ =	shalt  }
0x4a: {  	_ =	shalt  }
0x4b: {  	_ =	shalt  }
0x4c: {  	_ =	shalt  }
0x4d: {  	_ =	shalt  }
0x4e: {  	_ =	shalt  }
0x4f: {  	_ =	shalt  }
0x50: {  	_ =	shalt  }
0x51: {  	_ =	shalt  }
0x52: {  	_ =	shalt  }
0x53: {  	_ =	shalt  }
0x54: {  	_ =	shalt  }
0x55: {  	_ =	shalt  }
0x56: {  	_ =	shalt  }
0x57: {  	_ =	shalt  }
0x58: {  	_ =	shalt  }
0x59: {  	_ =	shalt  }
0x5a: {  	_ =	shalt  }
0x5b: {  	_ =	shalt  }
0x5c: {  	_ =	shalt  }
0x5d: {  	_ =	shalt  }
0x5e: {  	_ =	shalt  }
0x5f: {  	_ =	shalt  }
0x60: {  	_ =	shalt  }
0x61: {  	_ =	shalt  }
0x62: {  	_ =	shalt  }
0x63: {  	_ =	shalt  }
0x64: {  	_ =	shalt  }
0x65: {  	_ =	shalt  }
0x66: {  	_ =	shalt  }
0x67: {  	_ =	shalt  }
0x68: {  	_ =	shalt  }
0x69: {  	_ =	shalt  }
0x6a: {  	_ =	shalt  }
0x6b: {  	_ =	shalt  }
0x6c: {  	_ =	shalt  }
0x6d: {  	_ =	shalt  }
0x6e: {  	_ =	shalt  }
0x6f: {  	_ =	shalt  }
0x70: {  	_ =	shalt  }
0x71: {  	_ =	shalt  }
0x72: {  	_ =	shalt  }
0x73: {  	_ =	shalt  }
0x74: {  	_ =	shalt  }
0x75: {  	_ =	shalt  }
0x76: {  	_ =	shalt  }
0x77: {  	_ =	shalt  }
0x78: {  	_ =	shalt  }
0x79: {  	_ =	shalt  }
0x7a: {  	_ =	shalt  }
0x7b: {  	_ =	shalt  }
0x7c: {  	_ =	shalt  }
0x7d: {  	_ =	shalt  }
0x7e: {  	_ =	shalt  }
0x7f: {  	_ =	shalt  }
0x80: {  	_ =	shalt  }
0x81: {  	_ =	shalt  }
0x82: {  	_ =	shalt  }
0x83: {  	_ =	shalt  }
0x84: {  	_ =	shalt  }
0x85: {  	_ =	shalt  }
0x86: {  	_ =	shalt  }
0x87: {  	_ =	shalt  }
.Lfunc_end0:
.L_simem_size_0:
called_computation.3_lowered:
.L_overlay_start_0:
0x88: {  	s2 =	sld [smem:$0x3FD9]  }
0x89: {  	s3 =	sld [smem:$0x3FFE];
	_ =	sdelay $0x1  }
0x8a: {  	s1 =	srdreg.scid  }
0x8b: {  	s0 =	sand.u32 $0x1, s1  }
0x8c: {  	s16 =	sshll.u32 s0, $0xA;
	s2 =	sadd.s32 s3, s2  }
0x8d: {  	s2 =	sadd.s32 s2, s16  }
0x8e: {  	[smem:$0x3FBE] =	sst s2  }
0x8f: {  	_ = 	snop  }
0x90: {  	(tm) =	ssettm $0x1  }
0x91: {  	s17 =	sld [smem:$0x3FFB];
	_ =	sdelay $0x3  }
0x92: {  	_ =	strace s17  }
0x93: {  	s2 =	sld [smem:$0x3FFC];
	_ =	sdelay $0x3  }
0x94: {  	_ =	strace s2  }
0x95: {  	s2 =	sld [smem:$0x3FFD];
	_ =	sdelay $0x3  }
0x96: {  	_ =	strace s2  }
0x97: {  	_ =	strace $0x8FFFFFFF  }
0x98: {  	s18 =	sld [smem:$0x3FDB];
	_ =	sdelay $0x1  }
0x99: {  	s19 =	simm.s32 $_scs_section_size  }
0x9a: {  	s4 =	simm.s32 $_size__tile_overlayer_lowered;
	s5 =	simm.s32 $_tile_overlayer_lowered  }
0x9b: {  	s22 =	simm.s32 $0x1BFF;
	s21 =	sshll.u32 s5, $0x1;
	s2 =	sadd.s32 s19, s18  }
0x9c: {  	s6 =	simm.s32 $0x0;
	s20 =	sshll.u32 s4, $0x1;
	s4 =	sadd.s32 s21, s2  }
0x9d: {  	[timem:s6], [sflag:s22] =	dma.local [hbm:s4], s20  }
0x9e: {  	_ =	swait.ge [sflag:s22], s20  }
0x9f: {  	s3 =	ssub.s32 $0x0, s20;
	[sflag:s22] =	ssyncset.done $0x0  }
0xa0: {  	[sflag:s22] =	ssyncadd.s32 s3;
	_ =	sdelay $0x1  }
0xa1: {  	s23 =	simm.s32 $0x1B8B  }
0xa2: {  	_ =	swait.ge [sflag:s23], $0x1  }
0xa3: {  	[sflag:s23] =	ssyncset.done $0x0  }
0xa4: {  	s25 =	simm.s32 $0x1B8E;
	s24 =	sld [smem:$0x3FFE];
	[sflag:s23] =	ssyncadd.s32 $0xFFFFFFFF  }
0xa5: {  	s26 =	simm.s32 $execute0_lowered;
	[smem:$0x3FD2] =	sst s25  }
0xa6: {  	s4 =	sshll.u32 s26, $0x1;
	_ =	strace $0x8000004F;
	[dreg:$0x1] =	wrdreg $0xFFFFFFFF  }
0xa7: {  	s28 =	simm.s32 $_size_execute0_lowered;
	s2 =	sadd.s32 s2, s4;
	[dreg:$0x0] =	wrdreg $0x0  }
0xa8: {  	s4 =	sshll.u32 s28, $0x1;
	[dreg:$0x2] =	wrdreg s2  }
0xa9: {  	[dreg:$0x3] =	wrdreg s4  }
0xaa: {  	[dreg:$0x4] =	wrdreg $0xC0  }
0xab: {  	_ =	task [dreg:s6], $0x5FFFF  }
0xac: {  	[dreg:$0x1] =	wrdreg $0xFFFFFFFF  }
0xad: {  	[dreg:$0x0] =	wrdreg $0x60  }
0xae: {  	[dreg:$0x2] =	wrdreg s24  }
0xaf: {  	[dreg:$0x3] =	wrdreg $0xA0000  }
0xb0: {  	[dreg:$0x4] =	wrdreg $0x9  }
0xb1: {  	_ =	task.clear_ibuf [dreg:s6], $0x5FFFF;
	_ =	strace $0x9000004F  }
0xb2: {  	s29 =	simm.s32 $0x9;
	_ =	strace $0x80000051  }
0xb3: {  	_ =	swait.ge [sflag:s29], $0x1  }
0xb4: {  	[sflag:s29] =	ssyncadd.s32 $0xFFFFFFFF  }
0xb5: {  	_ =	strace $0x90000051  }
0xb6: {  	_ =	sfence  }
0xb7: {  	s30 =	sld [smem:$0x0];
	_ =	sdelay $0x2  }
0xb8: {  	s31 =	sshll.u32 s1, $0xD;
	s1 =	sshrl.u32 s1, $0x2  }
0xb9: {  	s3 =	sand.u32 $0x4000, s31;
	s1 =	sadd.s32 s1, s30  }
0xba: {  	s0 =	sor.u32 s3, s0;
	s1 =	sshll.u32 s1, $0x11  }
0xbb: {  	s0 =	sor.u32 s1, s0  }
0xbc: {  	s0 =	sadd.s32 $0x8F2B, s0  }
0xbd: {  	[sflag:s0] =	ssyncadd.remote.s32 $0x1  }
0xbe: {  	_ =	sfence.sel $0xFFFF  }
0xbf: {  	[dreg:$0x0] =	wrdreg $0xFFFFFFFF;
	(pc) =	sbr.abs _section_cstart, $3  }
0xc0: {  	[dreg:$0x1] =	wrdreg $0xFFFFFFFF  }
0xc1: {  	_ =	task.clear_ibuf [dreg:s6], $0x2FFFF;
	_ =	strace $0x9FFFFFFF  }
0xc2: {  	(tm) =	ssettm $0x7FFFFFFF  }
0xc3: {  	_ =	shalt  }
tec
execute0_lowered:
.L_overlay_start_1:
0x0: {  	(tag) =	ssettag $0x1  }
0x1: {  	s0 =	srdreg.scid;
	s5 =	rddreg [dreg:$0x0]  }
0x2: {  	s2 =	rddreg [dreg:$0x1];
	s3 =	simm.s32 $0x0;
	s17 =	simm.s32 $0x3  }
0x3: {  	s18 =	simm.s32 $0x2800;
	s19 =	simm.s32 $0x5000;
	s20 =	simm.s32 $0x50  }
0x4: {  	s21 =	simm.s32 $0x7800;
	s22 =	simm.s32 $0x1;
	s23 =	simm.s32 $0x2  }
0x5: {  	s24 =	simm.s32 $0x4F60;
	s26 =	simm.s32 $0x4FB0;
	s4 =	sand.u32 $0x1, s0  }
0x6: {  	s28 =	simm.s32 $0x0;
	s0 =	stileid.u32;
	s7 =	smul.u32 $0x140000, s4  }
0x7: {  	[smem:$0x7FF] =	sst s3;
	s1 =	sshll.u32 s4, $0x4;
	s8 =	smul.u32 $0x14000, s0  }
0x8: {  	s4 =	ssub.s32 $0x2, s4;
	s10 =	smul.u32 $0x50000, s0;
	s1 =	sor.u32 s0, s1  }
0x9: {  	s30 =	sshrl.u32 s4, $0x1;
	s6 =	smul.u32 $0x500, s1;
	s1 =	rddreg [dreg:$0x2]  }
0xa: {  	_ =	strace $0x80000050;
	s9 =	sshrl.u32 s7, $0x3;
	s7 =	sadd.s32 s8, s7  }
0xb: {  	s11 =	ssub.s32 s4, s30;
	s31 =	sshrl.u32 s10, $0x2;
	s25 =	sadd.s32 s8, s2  }
0xc: {  	s9 =	sadd.s32 s9, s5;
	s7 =	sshrl.u32 s7, $0x3;
	s6 =	sadd.s32 s6, s5  }
0xd: {  	s8 =	smax.u32 s11, $0x1;
	s7 =	sadd.s32 s7, s5;
	s4 =	sadd.s32 $0x3000, s6  }
0xe: {  	s5 =	sadd.s32 $0xD000, s6;
	s6 =	sadd.s32 $0x17000, s9;
	s9 =	sadd.s32 s31, s2  }
0xf: {  	s25 =	sshrl.u32 s25, $0x3;
	s7 =	sadd.s32 $0x67000, s7;
	s10 =	sadd.s32 $0x2800, s9  }
0x10: {  	s11 =	sadd.s32 $0x5000, s9;
	s12 =	sadd.s32 $0x7800, s9;
	s13 =	sadd.s32 $0xA000, s9  }
0x11: {  	v0 =	vimm.f32 $0.0e+00;
	s14 =	sadd.s32 $0xC800, s9;
	s15 =	sadd.s32 $0xF000, s9;
	s16 =	sadd.s32 $0x11800, s9  }
.LBB2_1:
0x12: {  	[tilespmem:s3], [sflag:$0x3] =	stream.linear.gather [hbm4b:s4+s3], $0x2800, $0x38;
	[tilespmem:$0x1E000] =	vst v63  }
0x13: {  	_ =	swait.ge [sflag:s17], $0x2800  }
0x14: {  	[sflag:s17] =	ssyncset.done $0x0  }
0x15: {  	[sflag:s17] =	ssyncadd.s32 $0xFFFFD800  }
0x16: {  	[tilespmem:s18], [sflag:$0x3] =	stream.linear.gather [hbm4b:s5+s3], $0x2800, $0x38;
	[tilespmem:$0x1E000] =	vst v63  }
0x17: {  	_ =	swait.ge [sflag:s17], $0x2800  }
0x18: {  	[sflag:s17] =	ssyncset.done $0x0  }
0x19: {  	s29 =	simm.s32 $0x70;
	s30 =	simm.s32 $0x3C0;
	[sflag:s17] =	ssyncadd.s32 $0xFFFFD800  }
.LBB2_2:
0x1a: {  	p0 =	sne.s32 s30, $0x9FC0;
	[tilespmem:s29+$0x5000] =	vst v0  }
0x1b: {  	[tilespmem:s29+$0x4F90] =	vst v0  }
0x1c: {  	[tilespmem:s29+$0x4FA0] =	vst v0  }
.Ltmp0:
0x1d: {  	[tilespmem:s29+$0x4FB0] =	vst v0;
	(pc) =	sbr.rel @p0 .LBB2_2-.Ltmp0, $4  }
0x1e: {  	[tilespmem:s29+$0x4FC0] =	vst v0  }
0x1f: {  	[tilespmem:s29+$0x4FD0] =	vst v0  }
0x20: {  	[tilespmem:s29+$0x4FE0] =	vst v0  }
0x21: {  	[tilespmem:s29+$0x4FF0] =	vst v0;
	s29 =	sshra.s32 s30, $0x2;
	s30 =	sadd.s32 $0x200, s30  }
0x22: {  	[tilespmem:s29+$0x5000] =	vst v0  }
0x23: {  	[tilespmem:s29+$0x4F90] =	vst v0  }
0x24: {  	[tilespmem:s29+$0x4FA0] =	vst v0  }
0x25: {  	[tilespmem:s29+$0x4FB0] =	vst v0  }
0x26: {  	[tilespmem:s29+$0x4FC0] =	vst v0  }
0x27: {  	[tilespmem:s29+$0x4FD0] =	vst v0  }
0x28: {  	[tilespmem:s29+$0x4FE0] =	vst v0  }
0x29: {  	[tilespmem:s29+$0x4FF0] =	vst v0  }
0x2a: {  	[spmem:s9] =	stream.linear.scatter [tilespmem:s19], [sflag:$0x3], $0x2800, $0x38;
	[tilespmem:$0x1E000] =	vst v63  }
0x2b: {  	_ =	swait.ge [sflag:s17], $0x2800  }
0x2c: {  	[sflag:s17] =	ssyncset.done $0x0  }
0x2d: {  	[sflag:s17] =	ssyncadd.s32 $0xFFFFD800  }
0x2e: {  	[spmem:s10] =	stream.linear.scatter [tilespmem:s19], [sflag:$0x3], $0x2800, $0x38;
	[tilespmem:$0x1E000] =	vst v63  }
0x2f: {  	_ =	swait.ge [sflag:s17], $0x2800  }
0x30: {  	[sflag:s17] =	ssyncset.done $0x0  }
0x31: {  	[sflag:s17] =	ssyncadd.s32 $0xFFFFD800  }
0x32: {  	[spmem:s11] =	stream.linear.scatter [tilespmem:s19], [sflag:$0x3], $0x2800, $0x38;
	[tilespmem:$0x1E000] =	vst v63  }
0x33: {  	_ =	swait.ge [sflag:s17], $0x2800  }
0x34: {  	[sflag:s17] =	ssyncset.done $0x0  }
0x35: {  	[sflag:s17] =	ssyncadd.s32 $0xFFFFD800  }
0x36: {  	[spmem:s12] =	stream.linear.scatter [tilespmem:s19], [sflag:$0x3], $0x2800, $0x38;
	[tilespmem:$0x1E000] =	vst v63  }
0x37: {  	_ =	swait.ge [sflag:s17], $0x2800  }
0x38: {  	[sflag:s17] =	ssyncset.done $0x0  }
0x39: {  	[sflag:s17] =	ssyncadd.s32 $0xFFFFD800  }
0x3a: {  	[spmem:s13] =	stream.linear.scatter [tilespmem:s19], [sflag:$0x3], $0x2800, $0x38;
	[tilespmem:$0x1E000] =	vst v63  }
0x3b: {  	_ =	swait.ge [sflag:s17], $0x2800  }
0x3c: {  	[sflag:s17] =	ssyncset.done $0x0  }
0x3d: {  	[sflag:s17] =	ssyncadd.s32 $0xFFFFD800  }
0x3e: {  	[spmem:s14] =	stream.linear.scatter [tilespmem:s19], [sflag:$0x3], $0x2800, $0x38;
	[tilespmem:$0x1E000] =	vst v63  }
0x3f: {  	_ =	swait.ge [sflag:s17], $0x2800  }
0x40: {  	[sflag:s17] =	ssyncset.done $0x0  }
0x41: {  	[sflag:s17] =	ssyncadd.s32 $0xFFFFD800  }
0x42: {  	[spmem:s15] =	stream.linear.scatter [tilespmem:s19], [sflag:$0x3], $0x2800, $0x38;
	[tilespmem:$0x1E000] =	vst v63  }
0x43: {  	_ =	swait.ge [sflag:s17], $0x2800  }
0x44: {  	[sflag:s17] =	ssyncset.done $0x0  }
0x45: {  	[sflag:s17] =	ssyncadd.s32 $0xFFFFD800  }
0x46: {  	[spmem:s16] =	stream.linear.scatter [tilespmem:s19], [sflag:$0x3], $0x2800, $0x38;
	[tilespmem:$0x1E000] =	vst v63  }
0x47: {  	_ =	swait.ge [sflag:s17], $0x2800  }
0x48: {  	[sflag:s17] =	ssyncset.done $0x0  }
0x49: {  	s29 =	simm.s32 $0x0;
	[sflag:s17] =	ssyncadd.s32 $0xFFFFD800  }
0x4a: {  	[tilespmem:s19], [sflag:$0x1] =	stream.indirect.gather [hbm4b:s6+s20], $0x80, s29, s20, $0xb8;
	[tilespmem:$0x1E000] =	vst v63  }
0x4b: {  	_ = 	snop  }
0x4c: {  	[tilespmem:s21], [sflag:$0x2] =	stream.indirect.gather [hbm4b:s6+s20], $0x80, s20, s20, $0xb8;
	[tilespmem:$0x1E000] =	vst v63  }
0x4d: {  	[bflag:$0x0] =	sbarrier.arrive $0xFFFF  }
0x4e: {  	_ =	swait.ge [sflag:s22], $0x2800  }
0x4f: {  	[sflag:s22] =	ssyncset.done $0x0  }
0x50: {  	s29 =	simm.s32 $0x2800;
	[sflag:s22] =	ssyncadd.s32 $0xFFFFD800  }
0x51: {  	[spmem:s2] =	stream.indirect.scatter.add.f32 [tilespmem:s19], [sflag:$0x3], $0x80, s29, s20, $0xb8;
	[tilespmem:$0x1E000] =	vst v63  }
0x52: {  	_ =	swait.ge [sflag:s17], $0x2800  }
0x53: {  	[sflag:s17] =	ssyncset.done $0x0  }
0x54: {  	s29 =	simm.s32 $0xA0;
	[sflag:s17] =	ssyncadd.s32 $0xFFFFD800  }
0x55: {  	[tilespmem:s19], [sflag:$0x1] =	stream.indirect.gather [hbm4b:s6+s20], $0x80, s29, s20, $0xb8;
	[tilespmem:$0x1E000] =	vst v63  }
0x56: {  	_ =	swait.ge [sflag:s23], $0x2800  }
0x57: {  	[sflag:s23] =	ssyncset.done $0x0  }
0x58: {  	s29 =	simm.s32 $0x2850;
	[sflag:s23] =	ssyncadd.s32 $0xFFFFD800  }
0x59: {  	[spmem:s2] =	stream.indirect.scatter.add.f32 [tilespmem:s21], [sflag:$0x3], $0x80, s29, s20, $0xb8;
	[tilespmem:$0x1E000] =	vst v63  }
0x5a: {  	_ =	swait.ge [sflag:s17], $0x2800  }
0x5b: {  	[sflag:s17] =	ssyncset.done $0x0  }
0x5c: {  	s30 =	simm.s32 $0xF0;
	s29 =	simm.s32 $0x280;
	[sflag:s17] =	ssyncadd.s32 $0xFFFFD800  }
.LBB2_4:
0x5d: {  	[tilespmem:s21], [sflag:$0x2] =	stream.indirect.gather [hbm4b:s6+s20], $0x80, s30, s20, $0xb8;
	[tilespmem:$0x1E000] =	vst v63  }
0x5e: {  	s30 =	smov.u32 s29  }
0x5f: {  	p0 =	sne.s32 s29, $0x9B00;
	s29 =	sadd.s32 $0x280, s29;
	_ =	swait.ge [sflag:s22], $0x2800  }
0x60: {  	s30 =	sshra.s32 s30, $0x2;
	[sflag:s22] =	ssyncset.done $0x0  }
0x61: {  	s31 =	sadd.s32 $0x2800, s30;
	[sflag:s22] =	ssyncadd.s32 $0xFFFFD800  }
0x62: {  	[spmem:s2] =	stream.indirect.scatter.add.f32 [tilespmem:s19], [sflag:$0x3], $0x80, s31, s20, $0xb8;
	[tilespmem:$0x1E000] =	vst v63  }
0x63: {  	_ =	swait.ge [sflag:s17], $0x2800  }
0x64: {  	[sflag:s17] =	ssyncset.done $0x0  }
0x65: {  	s31 =	sadd.s32 $0xA0, s30;
	[sflag:s17] =	ssyncadd.s32 $0xFFFFD800  }
0x66: {  	[tilespmem:s19], [sflag:$0x1] =	stream.indirect.gather [hbm4b:s6+s20], $0x80, s31, s20, $0xb8;
	[tilespmem:$0x1E000] =	vst v63  }
0x67: {  	_ =	swait.ge [sflag:s23], $0x2800  }
0x68: {  	[sflag:s23] =	ssyncset.done $0x0  }
.Ltmp1:
0x69: {  	s31 =	sadd.s32 $0x2850, s30;
	[sflag:s23] =	ssyncadd.s32 $0xFFFFD800;
	(pc) =	sbr.rel @p0 .LBB2_4-.Ltmp1, $4  }
0x6a: {  	[spmem:s2] =	stream.indirect.scatter.add.f32 [tilespmem:s21], [sflag:$0x3], $0x80, s31, s20, $0xb8;
	[tilespmem:$0x1E000] =	vst v63  }
0x6b: {  	_ =	swait.ge [sflag:s17], $0x2800  }
0x6c: {  	[sflag:s17] =	ssyncset.done $0x0  }
0x6d: {  	s30 =	sadd.s32 $0xF0, s30;
	[sflag:s17] =	ssyncadd.s32 $0xFFFFD800  }
0x6e: {  	[tilespmem:s21], [sflag:$0x2] =	stream.indirect.gather [hbm4b:s6+s20], $0x80, s30, s20, $0xb8;
	[tilespmem:$0x1E000] =	vst v63  }
0x6f: {  	_ =	swait.ge [sflag:s22], $0x2800  }
0x70: {  	[sflag:s22] =	ssyncset.done $0x0  }
0x71: {  	[sflag:s22] =	ssyncadd.s32 $0xFFFFD800  }
0x72: {  	[spmem:s2] =	stream.indirect.scatter.add.f32 [tilespmem:s19], [sflag:$0x3], $0x80, s24, s20, $0xb8;
	[tilespmem:$0x1E000] =	vst v63  }
0x73: {  	_ =	swait.ge [sflag:s17], $0x2800  }
0x74: {  	[sflag:s17] =	ssyncset.done $0x0  }
0x75: {  	[sflag:s17] =	ssyncadd.s32 $0xFFFFD800  }
0x76: {  	_ =	swait.ge [sflag:s23], $0x2800  }
0x77: {  	[sflag:s23] =	ssyncset.done $0x0  }
0x78: {  	[sflag:s23] =	ssyncadd.s32 $0xFFFFD800  }
0x79: {  	[spmem:s2] =	stream.indirect.scatter.add.f32 [tilespmem:s21], [sflag:$0x3], $0x80, s26, s20, $0xb8;
	[tilespmem:$0x1E000] =	vst v63  }
0x7a: {  	_ =	swait.ge [sflag:s17], $0x2800  }
0x7b: {  	s28 =	sadd.s32 $0x1, s28;
	[sflag:s17] =	ssyncset.done $0x0  }
0x7c: {  	s29 =	sshll.u32 s0, $0x6;
	p0 =	sne.s32 s28, s8;
	[sflag:s17] =	ssyncadd.s32 $0xFFFFD800  }
.Ltmp2:
0x7d: {  	s29 =	sor.u32 $0x1C03, s29;
	[bflag:$0x0] =	sbarrier.arrive $0xFFFF;
	(pc) =	sbr.rel @p0 .LBB2_1-.Ltmp2, $4  }
0x7e: {  	[hbm:s7], [sflag:s29] =	dma.local [spmem:s25], $0x2800  }
0x7f: {  	_ =	swait.ge [sflag:s17], $0x2800  }
0x80: {  	[sflag:s17] =	ssyncset.done $0x0  }
0x81: {  	[sflag:s17] =	ssyncadd.s32 $0xFFFFD800  }
0x82: {  	_ =	sfence.sel $0x180000  }
0x83: {  	[bflag:$0x0] =	sbarrier.arrive $0xFFFF  }
0x84: {  	p0 =	sne.s32 s0, $0x0;
	_ =	strace $0x90000050  }
0x85: {  	s0 =	sadd.s32 @!p0 $0x100000, s1;
	[bflag:$0x2] =	sbarrier.arrive $0xFFFF  }
0x86: {  	[sflag:s0] =	ssyncadd.tile.s32 @!p0 $0x1;
	_ =	shalt  }
.Lfunc_end2:
_tile_overlayer_lowered:
.L_overlay_start_2:
0x87: {  	(tag) =	ssettag $0x2  }
0x88: {  	s0 =	rddreg [dreg:$0x0];
	s2 =	stileid.u32  }
0x89: {  	s1 =	rddreg [dreg:$0x1];
	p0 =	sne.s32 s2, $0x0  }
0x8a: {  	s3 =	rddreg [dreg:$0x2];
	[bflag:$0x3] =	sbarrier.arrive $0xFFFF;
	s2 =	simm.s32 @!p0 $0x1C03  }
0x8b: {  	[timem:s3], [sflag:s2] =	dma.local @!p0 [hbm:s0], s1  }
0x8c: {  	s0 =	simm.s32 @!p0 $0x3  }
0x8d: {  	_ =	swait.ge @!p0 [sflag:s0], s1  }
0x8e: {  	s1 =	ssub.s32 @!p0 $0x0, s1;
	[sflag:s0] =	ssyncset.done @!p0 $0x0  }
0x8f: {  	[sflag:s0] =	ssyncadd.s32 @!p0 s1  }
0x90: {  	[bflag:$0x3] =	sbarrier.arrive $0xFFFF  }
0x91: {  	_ =	shalt  }

// kernel: kernel.22.cloned.1.call-start
scs
__scs_entry_jumppad:
0x0: {  	(pc) =	sbr.rel $0x88, $3  }
0x1: {  	(tag) =	ssettag $0x0;
	lr =	simm.s32 $0x1  }
0x2: {  	[smem:$0x3F97] =	sst lr;
	_ =	strace $0xD0000000  }
0x3: {  	_ = 	snop  }
0x4: {  	_ = 	snop  }
0x5: {  	_ = 	snop  }
0x6: {  	_ = 	snop  }
0x7: {  	_ = 	snop  }
__scs_overlays_trampoline_lowered:
0x8: {  	[smem:$0x3FA6] =	sst s0  }
0x9: {  	[smem:$0x3FA7] =	sst s1  }
0xa: {  	[smem:$0x3FA8] =	sst s2  }
0xb: {  	[smem:$0x3FA9] =	sst s3  }
0xc: {  	[smem:$0x3FAA] =	sst s4  }
0xd: {  	[smem:$0x3FAB] =	sst s5  }
0xe: {  	[smem:$0x3FAC] =	sst s6  }
0xf: {  	[smem:$0x3FAD] =	sst s7  }
0x10: {  	[smem:$0x3FAE] =	sst s8  }
0x11: {  	[smem:$0x3FAF] =	sst s9;
	s0 =	simm.s32 @!p0 $0x0  }
0x12: {  	s1 =	sld [smem:$0x3F95];
	s0 =	simm.s32 @p0 $0x1  }
0x13: {  	[smem:$0x3FB0] =	sst s0;
	s0 =	simm.s32 @!p1 $0x0  }
0x14: {  	s2 =	sld [smem:$0x3F94];
	s0 =	simm.s32 @p1 $0x1  }
0x15: {  	[smem:$0x3FB1] =	sst s0;
	s0 =	simm.s32 @!p2 $0x0  }
0x16: {  	s3 =	sld [smem:$0x3FDB];
	s0 =	simm.s32 @p2 $0x1  }
0x17: {  	s4 =	simm.s32 $0x1BF5;
	[smem:$0x3FB3] =	sst s0  }
0x18: {  	s0 =	sld [smem:$0x3F96];
	_ =	swait.ge [sflag:s4], $0x0  }
0x19: {  	s7 =	sld [smem:$0x3F97]  }
0x1a: {  	s8 =	sadd.s32 $0xFFFFE003, lr  }
0x1b: {  	s9 =	sadd.s32 $0xFFFFFEF7, lr;
	s5 =	simm.s32 $0xFFFFFFFF;
	p2 =	slt.u32 s8, $0xFFFFF086  }
0x1c: {  	p1 =	slt.u32 s9, $0xF7A;
	s5 =	simm.s32 @!p2 $0x0  }
0x1d: {  	s5 =	simm.s32 @p1 $0x1;
	p0 =	seq.s32 s7, s2  }
0x1e: {  	s7 =	smul.u32 @!p0 $0xF7A, s2;
	p2 =	seq.s32 @!p0 s5, $0x0  }
0x1f: {  	s9 =	smul.u32 $0xF7A, s1;
	s8 =	simm.s32 @!p0 $0x1BF5;
	p2 =	por !p2, p0  }
0x20: {  	[sflag:s8] =	ssyncset.s32 @!p0 $0xFFFFF086;
	s6 =	sadd.s32 @!p0 s3, s7;
	s7 =	simm.s32 @!p0 $0x108  }
0x21: {  	s3 =	sadd.s32 s3, s9;
	s6 =	sadd.s32 @!p0 $0x88, s6;
	s7 =	simm.s32 @p2 $0x1082  }
0x22: {  	[simem:s7], [sflag:s8] =	dma.local @!p0 [hbm:s6], $0xF7A  }
0x23: {  	s9 =	sor.u32 $0xD0000000, s2;
	s6 =	simm.s32 $0x108;
	_ =	swait.ge @!p0 [sflag:s8], $0x0  }
0x24: {  	s3 =	sadd.s32 $0x88, s3;
	s6 =	simm.s32 @!p1 $0x1082;
	[sflag:s4] =	ssyncset.s32 $0xFFFFF086  }
0x25: {  	[simem:s6], [sflag:s4] =	dma.local [hbm:s3], $0xF7A  }
0x26: {  	[smem:$0x3F97] =	sst s1;
	(tag) =	ssettag s2;
	_ =	strace s9  }
0x27: {  	s1 =	sld [smem:$0x3FA7]  }
0x28: {  	s2 =	sld [smem:$0x3FA8]  }
0x29: {  	s4 =	sld [smem:$0x3FAA]  }
0x2a: {  	p0 =	seq.s32 s5, $0x0;
	s5 =	sld [smem:$0x3FAB]  }
0x2b: {  	s6 =	sld [smem:$0x3FAC]  }
0x2c: {  	s7 =	sld [smem:$0x3FAD]  }
0x2d: {  	s3 =	simm.s32 $0x108;
	s8 =	sld [smem:$0x3FAE]  }
0x2e: {  	s3 =	simm.s32 @!p0 $0x1082;
	s9 =	sld [smem:$0x3FAF]  }
0x2f: {  	lr =	sadd.s32 s0, s3;
	s0 =	sld [smem:$0x3FA6]  }
0x30: {  	s3 =	sld [smem:$0x3FA9]  }
0x31: {  	[smem:$0x3FB2] =	sst s10  }
0x32: {  	s10 =	sld [smem:$0x3FB0];
	_ =	sdelay $0x3  }
0x33: {  	p0 =	seq.s32 s10, $0x1;
	s10 =	sld [smem:$0x3FB2];
	_ =	sdelay $0x3  }
0x34: {  	[smem:$0x3FB2] =	sst s10  }
0x35: {  	s10 =	sld [smem:$0x3FB1];
	_ =	sdelay $0x3  }
0x36: {  	p1 =	seq.s32 s10, $0x1;
	s10 =	sld [smem:$0x3FB2];
	_ =	sdelay $0x3  }
0x37: {  	[smem:$0x3FB2] =	sst s10  }
0x38: {  	s10 =	sld [smem:$0x3FB3]  }
0x39: {  	_ = 	snop;
	(pc) =	sbr.ind lr, $3  }
0x3a: {  	_ = 	snop  }
0x3b: {  	_ = 	snop  }
0x3c: {  	p2 =	seq.s32 s10, $0x1;
	s10 =	sld [smem:$0x3FB2]  }
0x3d: {  	_ =	shalt  }
0x3e: {  	_ =	shalt  }
0x3f: {  	_ =	shalt  }
0x40: {  	_ =	shalt  }
0x41: {  	_ =	shalt  }
0x42: {  	_ =	shalt  }
0x43: {  	_ =	shalt  }
0x44: {  	_ =	shalt  }
0x45: {  	_ =	shalt  }
0x46: {  	_ =	shalt  }
0x47: {  	_ =	shalt  }
0x48: {  	_ =	shalt  }
0x49: {  	_ =	shalt  }
0x4a: {  	_ =	shalt  }
0x4b: {  	_ =	shalt  }
0x4c: {  	_ =	shalt  }
0x4d: {  	_ =	shalt  }
0x4e: {  	_ =	shalt  }
0x4f: {  	_ =	shalt  }
0x50: {  	_ =	shalt  }
0x51: {  	_ =	shalt  }
0x52: {  	_ =	shalt  }
0x53: {  	_ =	shalt  }
0x54: {  	_ =	shalt  }
0x55: {  	_ =	shalt  }
0x56: {  	_ =	shalt  }
0x57: {  	_ =	shalt  }
0x58: {  	_ =	shalt  }
0x59: {  	_ =	shalt  }
0x5a: {  	_ =	shalt  }
0x5b: {  	_ =	shalt  }
0x5c: {  	_ =	shalt  }
0x5d: {  	_ =	shalt  }
0x5e: {  	_ =	shalt  }
0x5f: {  	_ =	shalt  }
0x60: {  	_ =	shalt  }
0x61: {  	_ =	shalt  }
0x62: {  	_ =	shalt  }
0x63: {  	_ =	shalt  }
0x64: {  	_ =	shalt  }
0x65: {  	_ =	shalt  }
0x66: {  	_ =	shalt  }
0x67: {  	_ =	shalt  }
0x68: {  	_ =	shalt  }
0x69: {  	_ =	shalt  }
0x6a: {  	_ =	shalt  }
0x6b: {  	_ =	shalt  }
0x6c: {  	_ =	shalt  }
0x6d: {  	_ =	shalt  }
0x6e: {  	_ =	shalt  }
0x6f: {  	_ =	shalt  }
0x70: {  	_ =	shalt  }
0x71: {  	_ =	shalt  }
0x72: {  	_ =	shalt  }
0x73: {  	_ =	shalt  }
0x74: {  	_ =	shalt  }
0x75: {  	_ =	shalt  }
0x76: {  	_ =	shalt  }
0x77: {  	_ =	shalt  }
0x78: {  	_ =	shalt  }
0x79: {  	_ =	shalt  }
0x7a: {  	_ =	shalt  }
0x7b: {  	_ =	shalt  }
0x7c: {  	_ =	shalt  }
0x7d: {  	_ =	shalt  }
0x7e: {  	_ =	shalt  }
0x7f: {  	_ =	shalt  }
0x80: {  	_ =	shalt  }
0x81: {  	_ =	shalt  }
0x82: {  	_ =	shalt  }
0x83: {  	_ =	shalt  }
0x84: {  	_ =	shalt  }
0x85: {  	_ =	shalt  }
0x86: {  	_ =	shalt  }
0x87: {  	_ =	shalt  }
.Lfunc_end0:
.L_simem_size_0:
called_computation.4_lowered:
.L_overlay_start_0:
0x88: {  	s2 =	sld [smem:$0x3FD9]  }
0x89: {  	s3 =	sld [smem:$0x3FFE];
	_ =	sdelay $0x1  }
0x8a: {  	s1 =	srdreg.scid  }
0x8b: {  	s0 =	sand.u32 $0x1, s1  }
0x8c: {  	s17 =	sshll.u32 s0, $0xA;
	s2 =	sadd.s32 s3, s2  }
0x8d: {  	s2 =	sadd.s32 s2, s17  }
0x8e: {  	[smem:$0x3FBE] =	sst s2  }
0x8f: {  	_ = 	snop  }
0x90: {  	s2 =	sld [smem:$0x3FD0];
	(tm) =	ssettm $0x1  }
0x91: {  	s18 =	sld [smem:$0x3FFB];
	_ =	sdelay $0x3  }
0x92: {  	_ =	strace s18  }
0x93: {  	s3 =	sld [smem:$0x3FFC];
	_ =	sdelay $0x3  }
0x94: {  	_ =	strace s3  }
0x95: {  	s3 =	sld [smem:$0x3FFD];
	_ =	sdelay $0x3  }
0x96: {  	_ =	strace s3  }
0x97: {  	_ =	strace $0x8FFFFFFF  }
0x98: {  	s19 =	sld [smem:$0x3FDB];
	_ =	sdelay $0x1  }
0x99: {  	s4 =	simm.s32 $_scs_section_size  }
0x9a: {  	s5 =	simm.s32 $_size__tile_overlayer_lowered;
	s6 =	simm.s32 $_tile_overlayer_lowered  }
0x9b: {  	s22 =	simm.s32 $0x1BFF;
	s21 =	sshll.u32 s6, $0x1;
	s3 =	sadd.s32 s4, s19  }
0x9c: {  	s7 =	simm.s32 $0x0;
	s20 =	sshll.u32 s5, $0x1;
	s5 =	sadd.s32 s21, s3  }
0x9d: {  	[timem:s7], [sflag:s22] =	dma.local [hbm:s5], s20  }
0x9e: {  	_ =	swait.ge [sflag:s22], s20  }
0x9f: {  	s4 =	ssub.s32 $0x0, s20;
	[sflag:s22] =	ssyncset.done $0x0  }
0xa0: {  	[sflag:s22] =	ssyncadd.s32 s4;
	_ =	sdelay $0x1  }
0xa1: {  	s23 =	simm.s32 $0x1B8B  }
0xa2: {  	_ =	swait.ge [sflag:s23], $0x1  }
0xa3: {  	[sflag:s23] =	ssyncset.done $0x0  }
0xa4: {  	s25 =	simm.s32 $0x1B8E;
	s24 =	sld [smem:$0x3FFE];
	[sflag:s23] =	ssyncadd.s32 $0xFFFFFFFF  }
0xa5: {  	s26 =	simm.s32 $execute0_lowered;
	[smem:$0x3FD2] =	sst s25  }
0xa6: {  	s5 =	sshll.u32 s26, $0x1;
	_ =	strace $0x80000052;
	[dreg:$0x1] =	wrdreg $0xFFFFFFFF  }
0xa7: {  	s28 =	simm.s32 $_size_execute0_lowered;
	s3 =	sadd.s32 s3, s5;
	[dreg:$0x0] =	wrdreg $0x0  }
0xa8: {  	s5 =	sshll.u32 s28, $0x1;
	[dreg:$0x2] =	wrdreg s3  }
0xa9: {  	[dreg:$0x3] =	wrdreg s5  }
0xaa: {  	[dreg:$0x4] =	wrdreg $0xC0  }
0xab: {  	_ =	task [dreg:s7], $0x5FFFF  }
0xac: {  	[dreg:$0x1] =	wrdreg $0xFFFFFFFF  }
0xad: {  	[dreg:$0x0] =	wrdreg $0x60  }
0xae: {  	[dreg:$0x2] =	wrdreg s24  }
0xaf: {  	[dreg:$0x3] =	wrdreg s2  }
0xb0: {  	[dreg:$0x4] =	wrdreg $0x9  }
0xb1: {  	_ =	task.clear_ibuf [dreg:s7], $0x5FFFF;
	_ =	strace $0x90000052  }
0xb2: {  	s29 =	simm.s32 $0x9;
	_ =	strace $0x80000054  }
0xb3: {  	_ =	swait.ge [sflag:s29], $0x1  }
0xb4: {  	[sflag:s29] =	ssyncadd.s32 $0xFFFFFFFF  }
0xb5: {  	_ =	strace $0x90000054  }
0xb6: {  	_ =	sfence  }
0xb7: {  	s30 =	sld [smem:$0x0];
	_ =	sdelay $0x2  }
0xb8: {  	s31 =	sshll.u32 s1, $0xD;
	s1 =	sshrl.u32 s1, $0x2  }
0xb9: {  	s3 =	sand.u32 $0x4000, s31;
	s1 =	sadd.s32 s1, s30  }
0xba: {  	s0 =	sor.u32 s3, s0;
	s1 =	sshll.u32 s1, $0x11  }
0xbb: {  	s0 =	sor.u32 s1, s0  }
0xbc: {  	s0 =	sadd.s32 $0x8F2B, s0  }
0xbd: {  	[sflag:s0] =	ssyncadd.remote.s32 $0x1  }
0xbe: {  	_ =	sfence.sel $0xFFFF  }
0xbf: {  	[dreg:$0x0] =	wrdreg $0xFFFFFFFF;
	(pc) =	sbr.abs _section_cstart, $3  }
0xc0: {  	[dreg:$0x1] =	wrdreg $0xFFFFFFFF  }
0xc1: {  	_ =	task.clear_ibuf [dreg:s7], $0x2FFFF;
	_ =	strace $0x9FFFFFFF  }
0xc2: {  	(tm) =	ssettm $0x7FFFFFFF  }
0xc3: {  	_ =	shalt  }
tec
execute0_lowered:
.L_overlay_start_1:
0x0: {  	(tag) =	ssettag $0x1  }
0x1: {  	s0 =	srdreg.scid  }
0x2: {  	s3 =	sand.u32 $0x1, s0  }
0x3: {  	s0 =	stileid.u32;
	s1 =	sshll.u32 s3, $0x4  }
0x4: {  	s4 =	rddreg [dreg:$0x0];
	s6 =	sor.u32 s0, s1  }
0x5: {  	s5 =	rddreg [dreg:$0x1];
	s2 =	simm.s32 $0x0;
	s7 =	smul.u32 $0x1400, s6  }
0x6: {  	s10 =	simm.s32 $0x0;
	s3 =	ssub.s32 $0x2, s3;
	s8 =	smul.u32 $0x1080, s6  }
0x7: {  	[smem:$0x7FF] =	sst s2;
	s31 =	sshrl.u32 s3, $0x1;
	s6 =	smul.u32 $0x28, s6  }
0x8: {  	s1 =	rddreg [dreg:$0x2];
	_ =	strace $0x80000053;
	s9 =	ssub.s32 s3, s31  }
0x9: {  	s7 =	sadd.s32 s7, s4;
	s8 =	sadd.s32 s8, s4;
	s4 =	sadd.s32 s5, s6  }
0xa: {  	s6 =	smax.u32 s9, $0x1;
	s9 =	simm.s32 $0xA140;
	s3 =	sadd.s32 $0x2E00, s7  }
0xb: {  	v0 =	vimm.f32 $0.0e+00;
	s5 =	sadd.s32 $0x2AE00, s8;
	s7 =	simm.s32 $0x1;
	s8 =	simm.s32 $0xA000  }
.LBB2_1:
0xc: {  	[tilespmem:s2], [sflag:$0x1] =	stream.linear.gather [hbm4b:s3+s2], $0xA000, $0x38;
	[tilespmem:$0x12540] =	vst v63  }
0xd: {  	_ =	swait.ge [sflag:s7], $0xA000  }
0xe: {  	[sflag:s7] =	ssyncset.done $0x0  }
0xf: {  	[sflag:s7] =	ssyncadd.s32 $0xFFFF6000  }
0x10: {  	[tilespmem:s8], [sflag:$0x1] =	stream.linear.gather [hbm4b:s4+s2], $0x140, $0x38;
	[tilespmem:$0x12540] =	vst v63  }
0x11: {  	_ =	swait.ge [sflag:s7], $0x140  }
0x12: {  	[sflag:s7] =	ssyncset.done $0x0  }
0x13: {  	s11 =	simm.s32 $0x70;
	s12 =	simm.s32 $0x3C0;
	[sflag:s7] =	ssyncadd.s32 $0xFFFFFEC0  }
.LBB2_2:
0x14: {  	p0 =	sne.s32 s12, $0x20FC0;
	[tilespmem:s11+$0xA140] =	vst v0  }
0x15: {  	[tilespmem:s11+$0xA0D0] =	vst v0  }
0x16: {  	[tilespmem:s11+$0xA0E0] =	vst v0  }
.Ltmp0:
0x17: {  	[tilespmem:s11+$0xA0F0] =	vst v0;
	(pc) =	sbr.rel @p0 .LBB2_2-.Ltmp0, $4  }
0x18: {  	[tilespmem:s11+$0xA100] =	vst v0  }
0x19: {  	[tilespmem:s11+$0xA110] =	vst v0  }
0x1a: {  	[tilespmem:s11+$0xA120] =	vst v0  }
0x1b: {  	[tilespmem:s11+$0xA130] =	vst v0;
	s11 =	sshra.s32 s12, $0x2;
	s12 =	sadd.s32 $0x200, s12  }
0x1c: {  	[tilespmem:s11+$0xA140] =	vst v0  }
0x1d: {  	[tilespmem:s11+$0xA0D0] =	vst v0  }
0x1e: {  	[tilespmem:s11+$0xA0E0] =	vst v0  }
0x1f: {  	[tilespmem:s11+$0xA0F0] =	vst v0  }
0x20: {  	[tilespmem:s11+$0xA100] =	vst v0  }
0x21: {  	[tilespmem:s11+$0xA110] =	vst v0  }
0x22: {  	[tilespmem:s11+$0xA120] =	vst v0  }
0x23: {  	[tilespmem:s11+$0xA130] =	vst v0;
	s11 =	simm.s32 $0x0;
	s12 =	simm.s32 $0x400  }
.LBB2_4:
0x24: {  	s13 =	sshra.s32 s11, $0x2  }
0x25: {  	v1 =	vld [tilespmem:s13+$0xA000];
	_ =	sdelay $0x4  }
0x26: {  	v1 =	vshll.u32 v1, $0x9  }
0x27: {  	v1 =	vshra.s32 v1, $0x2  }
0x28: {  	(v2sf) =	vpush v1, $0x0;
	_ =	sdelay $0xe  }
0x29: {  	v3 =	vld [tilespmem:s12+$0xFFFFFC00];
	s15 =	spop (v2sf)  }
0x2a: {  	v2 =	vld [tilespmem:s15+$0xA140];
	_ =	sdelay $0x4  }
0x2b: {  	v2 =	vmax.f32 v2, v3  }
0x2c: {  	[tilespmem:s15+$0xA140] =	vst v2;
	v2 =	vld [tilespmem:s15+$0xA150]  }
0x2d: {  	v3 =	vld [tilespmem:s12+$0xFFFFFC10];
	_ =	sdelay $0x4  }
0x2e: {  	v2 =	vmax.f32 v2, v3  }
0x2f: {  	[tilespmem:s15+$0xA150] =	vst v2;
	v2 =	vld [tilespmem:s15+$0xA160]  }
0x30: {  	v3 =	vld [tilespmem:s12+$0xFFFFFC20];
	_ =	sdelay $0x4  }
0x31: {  	v2 =	vmax.f32 v2, v3  }
0x32: {  	[tilespmem:s15+$0xA160] =	vst v2;
	v2 =	vld [tilespmem:s15+$0xA170]  }
0x33: {  	v3 =	vld [tilespmem:s12+$0xFFFFFC30];
	_ =	sdelay $0x4  }
0x34: {  	v2 =	vmax.f32 v2, v3  }
0x35: {  	[tilespmem:s15+$0xA170] =	vst v2;
	v2 =	vld [tilespmem:s15+$0xA180]  }
0x36: {  	v3 =	vld [tilespmem:s12+$0xFFFFFC40];
	_ =	sdelay $0x4  }
0x37: {  	v2 =	vmax.f32 v2, v3  }
0x38: {  	[tilespmem:s15+$0xA180] =	vst v2;
	v2 =	vld [tilespmem:s15+$0xA190]  }
0x39: {  	v3 =	vld [tilespmem:s12+$0xFFFFFC50];
	_ =	sdelay $0x4  }
0x3a: {  	(v2sf) =	vpush v1, $0x1;
	v2 =	vmax.f32 v2, v3  }
0x3b: {  	[tilespmem:s15+$0xA190] =	vst v2;
	v2 =	vld [tilespmem:s15+$0xA1A0]  }
0x3c: {  	v3 =	vld [tilespmem:s12+$0xFFFFFC60];
	_ =	sdelay $0x4  }
0x3d: {  	v2 =	vmax.f32 v2, v3  }
0x3e: {  	[tilespmem:s15+$0xA1A0] =	vst v2;
	v2 =	vld [tilespmem:s15+$0xA1B0]  }
0x3f: {  	v3 =	vld [tilespmem:s12+$0xFFFFFC70];
	_ =	sdelay $0x4  }
0x40: {  	v2 =	vmax.f32 v2, v3  }
0x41: {  	s16 =	spop (v2sf);
	[tilespmem:s15+$0xA1B0] =	vst v2  }
0x42: {  	v2 =	vld [tilespmem:s16+$0xA140]  }
0x43: {  	v3 =	vld [tilespmem:s12+$0xFFFFFC80];
	_ =	sdelay $0x4  }
0x44: {  	v2 =	vmax.f32 v2, v3  }
0x45: {  	[tilespmem:s16+$0xA140] =	vst v2;
	v2 =	vld [tilespmem:s16+$0xA150]  }
0x46: {  	v3 =	vld [tilespmem:s12+$0xFFFFFC90];
	_ =	sdelay $0x4  }
0x47: {  	v2 =	vmax.f32 v2, v3  }
0x48: {  	[tilespmem:s16+$0xA150] =	vst v2;
	v2 =	vld [tilespmem:s16+$0xA160]  }
0x49: {  	v3 =	vld [tilespmem:s12+$0xFFFFFCA0];
	_ =	sdelay $0x4  }
0x4a: {  	v2 =	vmax.f32 v2, v3  }
0x4b: {  	[tilespmem:s16+$0xA160] =	vst v2;
	v2 =	vld [tilespmem:s16+$0xA170]  }
0x4c: {  	v3 =	vld [tilespmem:s12+$0xFFFFFCB0];
	_ =	sdelay $0x4  }
0x4d: {  	v2 =	vmax.f32 v2, v3  }
0x4e: {  	[tilespmem:s16+$0xA170] =	vst v2;
	v2 =	vld [tilespmem:s16+$0xA180]  }
0x4f: {  	v3 =	vld [tilespmem:s12+$0xFFFFFCC0];
	_ =	sdelay $0x4  }
0x50: {  	v2 =	vmax.f32 v2, v3  }
0x51: {  	[tilespmem:s16+$0xA180] =	vst v2;
	v2 =	vld [tilespmem:s16+$0xA190]  }
0x52: {  	v3 =	vld [tilespmem:s12+$0xFFFFFCD0];
	_ =	sdelay $0x4  }
0x53: {  	(v2sf) =	vpush v1, $0x2;
	v2 =	vmax.f32 v2, v3  }
0x54: {  	[tilespmem:s16+$0xA190] =	vst v2;
	v2 =	vld [tilespmem:s16+$0xA1A0]  }
0x55: {  	v3 =	vld [tilespmem:s12+$0xFFFFFCE0];
	_ =	sdelay $0x4  }
0x56: {  	v2 =	vmax.f32 v2, v3  }
0x57: {  	[tilespmem:s16+$0xA1A0] =	vst v2;
	v2 =	vld [tilespmem:s16+$0xA1B0]  }
0x58: {  	v3 =	vld [tilespmem:s12+$0xFFFFFCF0];
	_ =	sdelay $0x4  }
0x59: {  	v2 =	vmax.f32 v2, v3  }
0x5a: {  	s17 =	spop (v2sf);
	[tilespmem:s16+$0xA1B0] =	vst v2  }
0x5b: {  	v2 =	vld [tilespmem:s17+$0xA140]  }
0x5c: {  	v3 =	vld [tilespmem:s12+$0xFFFFFD00];
	_ =	sdelay $0x4  }
0x5d: {  	v2 =	vmax.f32 v2, v3  }
0x5e: {  	[tilespmem:s17+$0xA140] =	vst v2;
	v2 =	vld [tilespmem:s17+$0xA150]  }
0x5f: {  	v3 =	vld [tilespmem:s12+$0xFFFFFD10];
	_ =	sdelay $0x4  }
0x60: {  	v2 =	vmax.f32 v2, v3  }
0x61: {  	[tilespmem:s17+$0xA150] =	vst v2;
	v2 =	vld [tilespmem:s17+$0xA160]  }
0x62: {  	v3 =	vld [tilespmem:s12+$0xFFFFFD20];
	_ =	sdelay $0x4  }
0x63: {  	v2 =	vmax.f32 v2, v3  }
0x64: {  	[tilespmem:s17+$0xA160] =	vst v2;
	v2 =	vld [tilespmem:s17+$0xA170]  }
0x65: {  	v3 =	vld [tilespmem:s12+$0xFFFFFD30];
	_ =	sdelay $0x4  }
0x66: {  	v2 =	vmax.f32 v2, v3  }
0x67: {  	[tilespmem:s17+$0xA170] =	vst v2;
	v2 =	vld [tilespmem:s17+$0xA180]  }
0x68: {  	v3 =	vld [tilespmem:s12+$0xFFFFFD40];
	_ =	sdelay $0x4  }
0x69: {  	v2 =	vmax.f32 v2, v3  }
0x6a: {  	[tilespmem:s17+$0xA180] =	vst v2;
	v2 =	vld [tilespmem:s17+$0xA190]  }
0x6b: {  	v3 =	vld [tilespmem:s12+$0xFFFFFD50];
	_ =	sdelay $0x4  }
0x6c: {  	(v2sf) =	vpush v1, $0x3;
	v2 =	vmax.f32 v2, v3  }
0x6d: {  	[tilespmem:s17+$0xA190] =	vst v2;
	v2 =	vld [tilespmem:s17+$0xA1A0]  }
0x6e: {  	v3 =	vld [tilespmem:s12+$0xFFFFFD60];
	_ =	sdelay $0x4  }
0x6f: {  	v2 =	vmax.f32 v2, v3  }
0x70: {  	[tilespmem:s17+$0xA1A0] =	vst v2;
	v2 =	vld [tilespmem:s17+$0xA1B0]  }
0x71: {  	v3 =	vld [tilespmem:s12+$0xFFFFFD70];
	_ =	sdelay $0x4  }
0x72: {  	v2 =	vmax.f32 v2, v3  }
0x73: {  	s18 =	spop (v2sf);
	[tilespmem:s17+$0xA1B0] =	vst v2  }
0x74: {  	v2 =	vld [tilespmem:s18+$0xA140]  }
0x75: {  	v3 =	vld [tilespmem:s12+$0xFFFFFD80];
	_ =	sdelay $0x4  }
0x76: {  	v2 =	vmax.f32 v2, v3  }
0x77: {  	[tilespmem:s18+$0xA140] =	vst v2;
	v2 =	vld [tilespmem:s18+$0xA150]  }
0x78: {  	v3 =	vld [tilespmem:s12+$0xFFFFFD90];
	_ =	sdelay $0x4  }
0x79: {  	v2 =	vmax.f32 v2, v3  }
0x7a: {  	[tilespmem:s18+$0xA150] =	vst v2;
	v2 =	vld [tilespmem:s18+$0xA160]  }
0x7b: {  	v3 =	vld [tilespmem:s12+$0xFFFFFDA0];
	_ =	sdelay $0x4  }
0x7c: {  	v2 =	vmax.f32 v2, v3  }
0x7d: {  	[tilespmem:s18+$0xA160] =	vst v2;
	v2 =	vld [tilespmem:s18+$0xA170]  }
0x7e: {  	v3 =	vld [tilespmem:s12+$0xFFFFFDB0];
	_ =	sdelay $0x4  }
0x7f: {  	v2 =	vmax.f32 v2, v3  }
0x80: {  	[tilespmem:s18+$0xA170] =	vst v2;
	v2 =	vld [tilespmem:s18+$0xA180]  }
0x81: {  	v3 =	vld [tilespmem:s12+$0xFFFFFDC0];
	_ =	sdelay $0x4  }
0x82: {  	v2 =	vmax.f32 v2, v3  }
0x83: {  	[tilespmem:s18+$0xA180] =	vst v2;
	v2 =	vld [tilespmem:s18+$0xA190]  }
0x84: {  	v3 =	vld [tilespmem:s12+$0xFFFFFDD0];
	_ =	sdelay $0x4  }
0x85: {  	(v2sf) =	vpush v1, $0x4;
	v2 =	vmax.f32 v2, v3  }
0x86: {  	[tilespmem:s18+$0xA190] =	vst v2;
	v2 =	vld [tilespmem:s18+$0xA1A0]  }
0x87: {  	v3 =	vld [tilespmem:s12+$0xFFFFFDE0];
	_ =	sdelay $0x4  }
0x88: {  	v2 =	vmax.f32 v2, v3  }
0x89: {  	[tilespmem:s18+$0xA1A0] =	vst v2;
	v2 =	vld [tilespmem:s18+$0xA1B0]  }
0x8a: {  	v3 =	vld [tilespmem:s12+$0xFFFFFDF0];
	_ =	sdelay $0x4  }
0x8b: {  	v2 =	vmax.f32 v2, v3  }
0x8c: {  	s19 =	spop (v2sf);
	[tilespmem:s18+$0xA1B0] =	vst v2  }
0x8d: {  	v2 =	vld [tilespmem:s19+$0xA140]  }
0x8e: {  	v3 =	vld [tilespmem:s12+$0xFFFFFE00];
	_ =	sdelay $0x4  }
0x8f: {  	v2 =	vmax.f32 v2, v3  }
0x90: {  	[tilespmem:s19+$0xA140] =	vst v2;
	v2 =	vld [tilespmem:s19+$0xA150]  }
0x91: {  	v3 =	vld [tilespmem:s12+$0xFFFFFE10];
	_ =	sdelay $0x4  }
0x92: {  	v2 =	vmax.f32 v2, v3  }
0x93: {  	[tilespmem:s19+$0xA150] =	vst v2;
	v2 =	vld [tilespmem:s19+$0xA160]  }
0x94: {  	v3 =	vld [tilespmem:s12+$0xFFFFFE20];
	_ =	sdelay $0x4  }
0x95: {  	v2 =	vmax.f32 v2, v3  }
0x96: {  	[tilespmem:s19+$0xA160] =	vst v2;
	v2 =	vld [tilespmem:s19+$0xA170]  }
0x97: {  	v3 =	vld [tilespmem:s12+$0xFFFFFE30];
	_ =	sdelay $0x4  }
0x98: {  	v2 =	vmax.f32 v2, v3  }
0x99: {  	[tilespmem:s19+$0xA170] =	vst v2;
	v2 =	vld [tilespmem:s19+$0xA180]  }
0x9a: {  	v3 =	vld [tilespmem:s12+$0xFFFFFE40];
	_ =	sdelay $0x4  }
0x9b: {  	v2 =	vmax.f32 v2, v3  }
0x9c: {  	[tilespmem:s19+$0xA180] =	vst v2;
	v2 =	vld [tilespmem:s19+$0xA190]  }
0x9d: {  	v3 =	vld [tilespmem:s12+$0xFFFFFE50];
	_ =	sdelay $0x4  }
0x9e: {  	(v2sf) =	vpush v1, $0x5;
	v2 =	vmax.f32 v2, v3  }
0x9f: {  	[tilespmem:s19+$0xA190] =	vst v2;
	v2 =	vld [tilespmem:s19+$0xA1A0]  }
0xa0: {  	v3 =	vld [tilespmem:s12+$0xFFFFFE60];
	_ =	sdelay $0x4  }
0xa1: {  	v2 =	vmax.f32 v2, v3  }
0xa2: {  	[tilespmem:s19+$0xA1A0] =	vst v2;
	v2 =	vld [tilespmem:s19+$0xA1B0]  }
0xa3: {  	v3 =	vld [tilespmem:s12+$0xFFFFFE70];
	_ =	sdelay $0x4  }
0xa4: {  	v2 =	vmax.f32 v2, v3  }
0xa5: {  	s20 =	spop (v2sf);
	[tilespmem:s19+$0xA1B0] =	vst v2  }
0xa6: {  	v2 =	vld [tilespmem:s20+$0xA140]  }
0xa7: {  	v3 =	vld [tilespmem:s12+$0xFFFFFE80];
	_ =	sdelay $0x4  }
0xa8: {  	v2 =	vmax.f32 v2, v3  }
0xa9: {  	[tilespmem:s20+$0xA140] =	vst v2;
	v2 =	vld [tilespmem:s20+$0xA150]  }
0xaa: {  	v3 =	vld [tilespmem:s12+$0xFFFFFE90];
	_ =	sdelay $0x4  }
0xab: {  	v2 =	vmax.f32 v2, v3  }
0xac: {  	[tilespmem:s20+$0xA150] =	vst v2;
	v2 =	vld [tilespmem:s20+$0xA160]  }
0xad: {  	v3 =	vld [tilespmem:s12+$0xFFFFFEA0];
	_ =	sdelay $0x4  }
0xae: {  	v2 =	vmax.f32 v2, v3  }
0xaf: {  	[tilespmem:s20+$0xA160] =	vst v2;
	v2 =	vld [tilespmem:s20+$0xA170]  }
0xb0: {  	v3 =	vld [tilespmem:s12+$0xFFFFFEB0];
	_ =	sdelay $0x4  }
0xb1: {  	v2 =	vmax.f32 v2, v3  }
0xb2: {  	[tilespmem:s20+$0xA170] =	vst v2;
	v2 =	vld [tilespmem:s20+$0xA180]  }
0xb3: {  	v3 =	vld [tilespmem:s12+$0xFFFFFEC0];
	_ =	sdelay $0x4  }
0xb4: {  	v2 =	vmax.f32 v2, v3  }
0xb5: {  	[tilespmem:s20+$0xA180] =	vst v2;
	v2 =	vld [tilespmem:s20+$0xA190]  }
0xb6: {  	v3 =	vld [tilespmem:s12+$0xFFFFFED0];
	_ =	sdelay $0x4  }
0xb7: {  	(v2sf) =	vpush v1, $0x6;
	v2 =	vmax.f32 v2, v3  }
0xb8: {  	[tilespmem:s20+$0xA190] =	vst v2;
	v2 =	vld [tilespmem:s20+$0xA1A0]  }
0xb9: {  	v3 =	vld [tilespmem:s12+$0xFFFFFEE0];
	_ =	sdelay $0x4  }
0xba: {  	v2 =	vmax.f32 v2, v3  }
0xbb: {  	[tilespmem:s20+$0xA1A0] =	vst v2;
	v2 =	vld [tilespmem:s20+$0xA1B0]  }
0xbc: {  	v3 =	vld [tilespmem:s12+$0xFFFFFEF0];
	_ =	sdelay $0x4  }
0xbd: {  	v2 =	vmax.f32 v2, v3  }
0xbe: {  	s21 =	spop (v2sf);
	[tilespmem:s20+$0xA1B0] =	vst v2  }
0xbf: {  	v2 =	vld [tilespmem:s21+$0xA140]  }
0xc0: {  	v3 =	vld [tilespmem:s12+$0xFFFFFF00];
	_ =	sdelay $0x4  }
0xc1: {  	v2 =	vmax.f32 v2, v3  }
0xc2: {  	[tilespmem:s21+$0xA140] =	vst v2;
	v2 =	vld [tilespmem:s21+$0xA150]  }
0xc3: {  	v3 =	vld [tilespmem:s12+$0xFFFFFF10];
	_ =	sdelay $0x4  }
0xc4: {  	v2 =	vmax.f32 v2, v3  }
0xc5: {  	[tilespmem:s21+$0xA150] =	vst v2;
	v2 =	vld [tilespmem:s21+$0xA160]  }
0xc6: {  	v3 =	vld [tilespmem:s12+$0xFFFFFF20];
	_ =	sdelay $0x4  }
0xc7: {  	v2 =	vmax.f32 v2, v3  }
0xc8: {  	[tilespmem:s21+$0xA160] =	vst v2;
	v2 =	vld [tilespmem:s21+$0xA170]  }
0xc9: {  	v3 =	vld [tilespmem:s12+$0xFFFFFF30];
	_ =	sdelay $0x4  }
0xca: {  	v2 =	vmax.f32 v2, v3  }
0xcb: {  	[tilespmem:s21+$0xA170] =	vst v2;
	v2 =	vld [tilespmem:s21+$0xA180]  }
0xcc: {  	v3 =	vld [tilespmem:s12+$0xFFFFFF40];
	_ =	sdelay $0x4  }
0xcd: {  	v2 =	vmax.f32 v2, v3  }
0xce: {  	[tilespmem:s21+$0xA180] =	vst v2;
	v2 =	vld [tilespmem:s21+$0xA190]  }
0xcf: {  	v3 =	vld [tilespmem:s12+$0xFFFFFF50];
	_ =	sdelay $0x4  }
0xd0: {  	(v2sf) =	vpush v1, $0x7;
	v2 =	vmax.f32 v2, v3  }
0xd1: {  	[tilespmem:s21+$0xA190] =	vst v2;
	v2 =	vld [tilespmem:s21+$0xA1A0]  }
0xd2: {  	v3 =	vld [tilespmem:s12+$0xFFFFFF60];
	_ =	sdelay $0x4  }
0xd3: {  	v2 =	vmax.f32 v2, v3  }
0xd4: {  	[tilespmem:s21+$0xA1A0] =	vst v2;
	v2 =	vld [tilespmem:s21+$0xA1B0]  }
0xd5: {  	v3 =	vld [tilespmem:s12+$0xFFFFFF70];
	_ =	sdelay $0x4  }
0xd6: {  	v2 =	vmax.f32 v2, v3  }
0xd7: {  	s22 =	spop (v2sf);
	[tilespmem:s21+$0xA1B0] =	vst v2  }
0xd8: {  	v2 =	vld [tilespmem:s22+$0xA140]  }
0xd9: {  	v3 =	vld [tilespmem:s12+$0xFFFFFF80];
	_ =	sdelay $0x4  }
0xda: {  	v2 =	vmax.f32 v2, v3  }
0xdb: {  	[tilespmem:s22+$0xA140] =	vst v2;
	v2 =	vld [tilespmem:s22+$0xA150]  }
0xdc: {  	v3 =	vld [tilespmem:s12+$0xFFFFFF90];
	_ =	sdelay $0x4  }
0xdd: {  	v2 =	vmax.f32 v2, v3  }
0xde: {  	[tilespmem:s22+$0xA150] =	vst v2;
	v2 =	vld [tilespmem:s22+$0xA160]  }
0xdf: {  	v3 =	vld [tilespmem:s12+$0xFFFFFFA0];
	_ =	sdelay $0x4  }
0xe0: {  	v2 =	vmax.f32 v2, v3  }
0xe1: {  	[tilespmem:s22+$0xA160] =	vst v2;
	v2 =	vld [tilespmem:s22+$0xA170]  }
0xe2: {  	v3 =	vld [tilespmem:s12+$0xFFFFFFB0];
	_ =	sdelay $0x4  }
0xe3: {  	v2 =	vmax.f32 v2, v3  }
0xe4: {  	[tilespmem:s22+$0xA170] =	vst v2;
	v2 =	vld [tilespmem:s22+$0xA180]  }
0xe5: {  	v3 =	vld [tilespmem:s12+$0xFFFFFFC0];
	_ =	sdelay $0x4  }
0xe6: {  	v2 =	vmax.f32 v2, v3  }
0xe7: {  	[tilespmem:s22+$0xA180] =	vst v2;
	v2 =	vld [tilespmem:s22+$0xA190]  }
0xe8: {  	v3 =	vld [tilespmem:s12+$0xFFFFFFD0];
	_ =	sdelay $0x4  }
0xe9: {  	(v2sf) =	vpush v1, $0x8;
	v2 =	vmax.f32 v2, v3  }
0xea: {  	[tilespmem:s22+$0xA190] =	vst v2;
	v2 =	vld [tilespmem:s22+$0xA1A0]  }
0xeb: {  	v3 =	vld [tilespmem:s12+$0xFFFFFFE0];
	_ =	sdelay $0x4  }
0xec: {  	v2 =	vmax.f32 v2, v3  }
0xed: {  	[tilespmem:s22+$0xA1A0] =	vst v2;
	v2 =	vld [tilespmem:s22+$0xA1B0]  }
0xee: {  	v3 =	vld [tilespmem:s12+$0xFFFFFFF0];
	_ =	sdelay $0x4  }
0xef: {  	v2 =	vmax.f32 v2, v3  }
0xf0: {  	s23 =	spop (v2sf);
	[tilespmem:s22+$0xA1B0] =	vst v2  }
0xf1: {  	v2 =	vld [tilespmem:s23+$0xA140]  }
0xf2: {  	v3 =	vld [tilespmem:s12+$0x0];
	_ =	sdelay $0x4  }
0xf3: {  	v2 =	vmax.f32 v2, v3  }
0xf4: {  	[tilespmem:s23+$0xA140] =	vst v2;
	v2 =	vld [tilespmem:s23+$0xA150]  }
0xf5: {  	v3 =	vld [tilespmem:s12+$0x10];
	_ =	sdelay $0x4  }
0xf6: {  	v2 =	vmax.f32 v2, v3  }
0xf7: {  	[tilespmem:s23+$0xA150] =	vst v2;
	v2 =	vld [tilespmem:s23+$0xA160]  }
0xf8: {  	v3 =	vld [tilespmem:s12+$0x20];
	_ =	sdelay $0x4  }
0xf9: {  	v2 =	vmax.f32 v2, v3  }
0xfa: {  	[tilespmem:s23+$0xA160] =	vst v2;
	v2 =	vld [tilespmem:s23+$0xA170]  }
0xfb: {  	v3 =	vld [tilespmem:s12+$0x30];
	_ =	sdelay $0x4  }
0xfc: {  	v2 =	vmax.f32 v2, v3  }
0xfd: {  	[tilespmem:s23+$0xA170] =	vst v2;
	v2 =	vld [tilespmem:s23+$0xA180]  }
0xfe: {  	v3 =	vld [tilespmem:s12+$0x40];
	_ =	sdelay $0x4  }
0xff: {  	v2 =	vmax.f32 v2, v3  }
0x100: {  	[tilespmem:s23+$0xA180] =	vst v2;
	v2 =	vld [tilespmem:s23+$0xA190]  }
0x101: {  	v3 =	vld [tilespmem:s12+$0x50];
	_ =	sdelay $0x4  }
0x102: {  	(v2sf) =	vpush v1, $0x9;
	v2 =	vmax.f32 v2, v3  }
0x103: {  	[tilespmem:s23+$0xA190] =	vst v2;
	v2 =	vld [tilespmem:s23+$0xA1A0]  }
0x104: {  	v3 =	vld [tilespmem:s12+$0x60];
	_ =	sdelay $0x4  }
0x105: {  	v2 =	vmax.f32 v2, v3  }
0x106: {  	[tilespmem:s23+$0xA1A0] =	vst v2;
	v2 =	vld [tilespmem:s23+$0xA1B0]  }
0x107: {  	v3 =	vld [tilespmem:s12+$0x70];
	_ =	sdelay $0x4  }
0x108: {  	v2 =	vmax.f32 v2, v3  }
0x109: {  	s24 =	spop (v2sf);
	[tilespmem:s23+$0xA1B0] =	vst v2  }
0x10a: {  	v2 =	vld [tilespmem:s24+$0xA140]  }
0x10b: {  	v3 =	vld [tilespmem:s12+$0x80];
	_ =	sdelay $0x4  }
0x10c: {  	v2 =	vmax.f32 v2, v3  }
0x10d: {  	[tilespmem:s24+$0xA140] =	vst v2;
	v2 =	vld [tilespmem:s24+$0xA150]  }
0x10e: {  	v3 =	vld [tilespmem:s12+$0x90];
	_ =	sdelay $0x4  }
0x10f: {  	v2 =	vmax.f32 v2, v3  }
0x110: {  	[tilespmem:s24+$0xA150] =	vst v2;
	v2 =	vld [tilespmem:s24+$0xA160]  }
0x111: {  	v3 =	vld [tilespmem:s12+$0xA0];
	_ =	sdelay $0x4  }
0x112: {  	v2 =	vmax.f32 v2, v3  }
0x113: {  	[tilespmem:s24+$0xA160] =	vst v2;
	v2 =	vld [tilespmem:s24+$0xA170]  }
0x114: {  	v3 =	vld [tilespmem:s12+$0xB0];
	_ =	sdelay $0x4  }
0x115: {  	v2 =	vmax.f32 v2, v3  }
0x116: {  	[tilespmem:s24+$0xA170] =	vst v2;
	v2 =	vld [tilespmem:s24+$0xA180]  }
0x117: {  	v3 =	vld [tilespmem:s12+$0xC0];
	_ =	sdelay $0x4  }
0x118: {  	v2 =	vmax.f32 v2, v3  }
0x119: {  	[tilespmem:s24+$0xA180] =	vst v2;
	v2 =	vld [tilespmem:s24+$0xA190]  }
0x11a: {  	v3 =	vld [tilespmem:s12+$0xD0];
	_ =	sdelay $0x4  }
0x11b: {  	(v2sf) =	vpush v1, $0xA;
	v2 =	vmax.f32 v2, v3  }
0x11c: {  	[tilespmem:s24+$0xA190] =	vst v2;
	v2 =	vld [tilespmem:s24+$0xA1A0]  }
0x11d: {  	v3 =	vld [tilespmem:s12+$0xE0];
	_ =	sdelay $0x4  }
0x11e: {  	v2 =	vmax.f32 v2, v3  }
0x11f: {  	[tilespmem:s24+$0xA1A0] =	vst v2;
	v2 =	vld [tilespmem:s24+$0xA1B0]  }
0x120: {  	v3 =	vld [tilespmem:s12+$0xF0];
	_ =	sdelay $0x4  }
0x121: {  	v2 =	vmax.f32 v2, v3  }
0x122: {  	s25 =	spop (v2sf);
	[tilespmem:s24+$0xA1B0] =	vst v2  }
0x123: {  	v2 =	vld [tilespmem:s25+$0xA140]  }
0x124: {  	v3 =	vld [tilespmem:s12+$0x100];
	_ =	sdelay $0x4  }
0x125: {  	v2 =	vmax.f32 v2, v3  }
0x126: {  	[tilespmem:s25+$0xA140] =	vst v2;
	v2 =	vld [tilespmem:s25+$0xA150]  }
0x127: {  	v3 =	vld [tilespmem:s12+$0x110];
	_ =	sdelay $0x4  }
0x128: {  	v2 =	vmax.f32 v2, v3  }
0x129: {  	[tilespmem:s25+$0xA150] =	vst v2;
	v2 =	vld [tilespmem:s25+$0xA160]  }
0x12a: {  	v3 =	vld [tilespmem:s12+$0x120];
	_ =	sdelay $0x4  }
0x12b: {  	v2 =	vmax.f32 v2, v3  }
0x12c: {  	[tilespmem:s25+$0xA160] =	vst v2;
	v2 =	vld [tilespmem:s25+$0xA170]  }
0x12d: {  	v3 =	vld [tilespmem:s12+$0x130];
	_ =	sdelay $0x4  }
0x12e: {  	v2 =	vmax.f32 v2, v3  }
0x12f: {  	[tilespmem:s25+$0xA170] =	vst v2;
	v2 =	vld [tilespmem:s25+$0xA180]  }
0x130: {  	v3 =	vld [tilespmem:s12+$0x140];
	_ =	sdelay $0x4  }
0x131: {  	v2 =	vmax.f32 v2, v3  }
0x132: {  	[tilespmem:s25+$0xA180] =	vst v2;
	v2 =	vld [tilespmem:s25+$0xA190]  }
0x133: {  	v3 =	vld [tilespmem:s12+$0x150];
	_ =	sdelay $0x4  }
0x134: {  	(v2sf) =	vpush v1, $0xB;
	v2 =	vmax.f32 v2, v3  }
0x135: {  	[tilespmem:s25+$0xA190] =	vst v2;
	v2 =	vld [tilespmem:s25+$0xA1A0]  }
0x136: {  	v3 =	vld [tilespmem:s12+$0x160];
	_ =	sdelay $0x4  }
0x137: {  	v2 =	vmax.f32 v2, v3  }
0x138: {  	[tilespmem:s25+$0xA1A0] =	vst v2;
	v2 =	vld [tilespmem:s25+$0xA1B0]  }
0x139: {  	v3 =	vld [tilespmem:s12+$0x170];
	_ =	sdelay $0x4  }
0x13a: {  	v2 =	vmax.f32 v2, v3  }
0x13b: {  	s26 =	spop (v2sf);
	[tilespmem:s25+$0xA1B0] =	vst v2  }
0x13c: {  	v2 =	vld [tilespmem:s26+$0xA140]  }
0x13d: {  	v3 =	vld [tilespmem:s12+$0x180];
	_ =	sdelay $0x4  }
0x13e: {  	v2 =	vmax.f32 v2, v3  }
0x13f: {  	[tilespmem:s26+$0xA140] =	vst v2;
	v2 =	vld [tilespmem:s26+$0xA150]  }
0x140: {  	v3 =	vld [tilespmem:s12+$0x190];
	_ =	sdelay $0x4  }
0x141: {  	v2 =	vmax.f32 v2, v3  }
0x142: {  	[tilespmem:s26+$0xA150] =	vst v2;
	v2 =	vld [tilespmem:s26+$0xA160]  }
0x143: {  	v3 =	vld [tilespmem:s12+$0x1A0];
	_ =	sdelay $0x4  }
0x144: {  	v2 =	vmax.f32 v2, v3  }
0x145: {  	[tilespmem:s26+$0xA160] =	vst v2;
	v2 =	vld [tilespmem:s26+$0xA170]  }
0x146: {  	v3 =	vld [tilespmem:s12+$0x1B0];
	_ =	sdelay $0x4  }
0x147: {  	v2 =	vmax.f32 v2, v3  }
0x148: {  	[tilespmem:s26+$0xA170] =	vst v2;
	v2 =	vld [tilespmem:s26+$0xA180]  }
0x149: {  	v3 =	vld [tilespmem:s12+$0x1C0];
	_ =	sdelay $0x4  }
0x14a: {  	v2 =	vmax.f32 v2, v3  }
0x14b: {  	[tilespmem:s26+$0xA180] =	vst v2;
	v2 =	vld [tilespmem:s26+$0xA190]  }
0x14c: {  	v3 =	vld [tilespmem:s12+$0x1D0];
	_ =	sdelay $0x4  }
0x14d: {  	(v2sf) =	vpush v1, $0xC;
	v2 =	vmax.f32 v2, v3  }
0x14e: {  	[tilespmem:s26+$0xA190] =	vst v2;
	v2 =	vld [tilespmem:s26+$0xA1A0]  }
0x14f: {  	v3 =	vld [tilespmem:s12+$0x1E0];
	_ =	sdelay $0x4  }
0x150: {  	v2 =	vmax.f32 v2, v3  }
0x151: {  	[tilespmem:s26+$0xA1A0] =	vst v2;
	v2 =	vld [tilespmem:s26+$0xA1B0]  }
0x152: {  	v3 =	vld [tilespmem:s12+$0x1F0];
	_ =	sdelay $0x4  }
0x153: {  	v2 =	vmax.f32 v2, v3  }
0x154: {  	s28 =	spop (v2sf);
	[tilespmem:s26+$0xA1B0] =	vst v2  }
0x155: {  	v2 =	vld [tilespmem:s28+$0xA140]  }
0x156: {  	v3 =	vld [tilespmem:s12+$0x200];
	_ =	sdelay $0x4  }
0x157: {  	v2 =	vmax.f32 v2, v3  }
0x158: {  	[tilespmem:s28+$0xA140] =	vst v2;
	v2 =	vld [tilespmem:s28+$0xA150]  }
0x159: {  	v3 =	vld [tilespmem:s12+$0x210];
	_ =	sdelay $0x4  }
0x15a: {  	v2 =	vmax.f32 v2, v3  }
0x15b: {  	[tilespmem:s28+$0xA150] =	vst v2;
	v2 =	vld [tilespmem:s28+$0xA160]  }
0x15c: {  	v3 =	vld [tilespmem:s12+$0x220];
	_ =	sdelay $0x4  }
0x15d: {  	v2 =	vmax.f32 v2, v3  }
0x15e: {  	[tilespmem:s28+$0xA160] =	vst v2;
	v2 =	vld [tilespmem:s28+$0xA170]  }
0x15f: {  	v3 =	vld [tilespmem:s12+$0x230];
	_ =	sdelay $0x4  }
0x160: {  	v2 =	vmax.f32 v2, v3  }
0x161: {  	[tilespmem:s28+$0xA170] =	vst v2;
	v2 =	vld [tilespmem:s28+$0xA180]  }
0x162: {  	v3 =	vld [tilespmem:s12+$0x240];
	_ =	sdelay $0x4  }
0x163: {  	v2 =	vmax.f32 v2, v3  }
0x164: {  	[tilespmem:s28+$0xA180] =	vst v2;
	v2 =	vld [tilespmem:s28+$0xA190]  }
0x165: {  	v3 =	vld [tilespmem:s12+$0x250];
	_ =	sdelay $0x4  }
0x166: {  	(v2sf) =	vpush v1, $0xD;
	v2 =	vmax.f32 v2, v3  }
0x167: {  	[tilespmem:s28+$0xA190] =	vst v2;
	v2 =	vld [tilespmem:s28+$0xA1A0]  }
0x168: {  	v3 =	vld [tilespmem:s12+$0x260];
	_ =	sdelay $0x4  }
0x169: {  	v2 =	vmax.f32 v2, v3  }
0x16a: {  	[tilespmem:s28+$0xA1A0] =	vst v2;
	v2 =	vld [tilespmem:s28+$0xA1B0]  }
0x16b: {  	v3 =	vld [tilespmem:s12+$0x270];
	_ =	sdelay $0x4  }
0x16c: {  	v2 =	vmax.f32 v2, v3  }
0x16d: {  	s29 =	spop (v2sf);
	[tilespmem:s28+$0xA1B0] =	vst v2  }
0x16e: {  	v2 =	vld [tilespmem:s29+$0xA140]  }
0x16f: {  	v3 =	vld [tilespmem:s12+$0x280];
	_ =	sdelay $0x4  }
0x170: {  	v2 =	vmax.f32 v2, v3  }
0x171: {  	[tilespmem:s29+$0xA140] =	vst v2;
	v2 =	vld [tilespmem:s29+$0xA150]  }
0x172: {  	v3 =	vld [tilespmem:s12+$0x290];
	_ =	sdelay $0x4  }
0x173: {  	v2 =	vmax.f32 v2, v3  }
0x174: {  	[tilespmem:s29+$0xA150] =	vst v2;
	v2 =	vld [tilespmem:s29+$0xA160]  }
0x175: {  	v3 =	vld [tilespmem:s12+$0x2A0];
	_ =	sdelay $0x4  }
0x176: {  	v2 =	vmax.f32 v2, v3  }
0x177: {  	[tilespmem:s29+$0xA160] =	vst v2;
	v2 =	vld [tilespmem:s29+$0xA170]  }
0x178: {  	v3 =	vld [tilespmem:s12+$0x2B0];
	_ =	sdelay $0x4  }
0x179: {  	v2 =	vmax.f32 v2, v3  }
0x17a: {  	[tilespmem:s29+$0xA170] =	vst v2;
	v2 =	vld [tilespmem:s29+$0xA180]  }
0x17b: {  	v3 =	vld [tilespmem:s12+$0x2C0];
	_ =	sdelay $0x4  }
0x17c: {  	v2 =	vmax.f32 v2, v3  }
0x17d: {  	[tilespmem:s29+$0xA180] =	vst v2;
	v2 =	vld [tilespmem:s29+$0xA190]  }
0x17e: {  	v3 =	vld [tilespmem:s12+$0x2D0];
	_ =	sdelay $0x4  }
0x17f: {  	(v2sf) =	vpush v1, $0xE;
	v2 =	vmax.f32 v2, v3  }
0x180: {  	[tilespmem:s29+$0xA190] =	vst v2;
	v2 =	vld [tilespmem:s29+$0xA1A0]  }
0x181: {  	v3 =	vld [tilespmem:s12+$0x2E0];
	_ =	sdelay $0x4  }
0x182: {  	v2 =	vmax.f32 v2, v3  }
0x183: {  	[tilespmem:s29+$0xA1A0] =	vst v2;
	v2 =	vld [tilespmem:s29+$0xA1B0]  }
0x184: {  	v3 =	vld [tilespmem:s12+$0x2F0];
	_ =	sdelay $0x4  }
0x185: {  	v2 =	vmax.f32 v2, v3  }
0x186: {  	s30 =	spop (v2sf);
	[tilespmem:s29+$0xA1B0] =	vst v2  }
0x187: {  	v2 =	vld [tilespmem:s30+$0xA140]  }
0x188: {  	v3 =	vld [tilespmem:s12+$0x300];
	_ =	sdelay $0x4  }
0x189: {  	v2 =	vmax.f32 v2, v3  }
0x18a: {  	[tilespmem:s30+$0xA140] =	vst v2;
	v2 =	vld [tilespmem:s30+$0xA150]  }
0x18b: {  	v3 =	vld [tilespmem:s12+$0x310];
	_ =	sdelay $0x4  }
0x18c: {  	v2 =	vmax.f32 v2, v3  }
0x18d: {  	[tilespmem:s30+$0xA150] =	vst v2;
	v2 =	vld [tilespmem:s30+$0xA160]  }
0x18e: {  	v3 =	vld [tilespmem:s12+$0x320];
	_ =	sdelay $0x4  }
0x18f: {  	v2 =	vmax.f32 v2, v3  }
0x190: {  	[tilespmem:s30+$0xA160] =	vst v2;
	v2 =	vld [tilespmem:s30+$0xA170]  }
0x191: {  	v3 =	vld [tilespmem:s12+$0x330];
	_ =	sdelay $0x4  }
0x192: {  	v2 =	vmax.f32 v2, v3  }
0x193: {  	[tilespmem:s30+$0xA170] =	vst v2;
	v2 =	vld [tilespmem:s30+$0xA180]  }
0x194: {  	v3 =	vld [tilespmem:s12+$0x340];
	_ =	sdelay $0x4  }
0x195: {  	v2 =	vmax.f32 v2, v3  }
0x196: {  	[tilespmem:s30+$0xA180] =	vst v2;
	v2 =	vld [tilespmem:s30+$0xA190]  }
0x197: {  	v3 =	vld [tilespmem:s12+$0x350];
	_ =	sdelay $0x4  }
0x198: {  	(v2sf) =	vpush v1, $0xF;
	v2 =	vmax.f32 v2, v3  }
0x199: {  	v1 =	vld [tilespmem:s30+$0xA1A0];
	[tilespmem:s30+$0xA190] =	vst v2  }
0x19a: {  	v2 =	vld [tilespmem:s12+$0x360];
	_ =	sdelay $0x4  }
0x19b: {  	v1 =	vmax.f32 v1, v2  }
0x19c: {  	[tilespmem:s30+$0xA1A0] =	vst v1;
	v1 =	vld [tilespmem:s30+$0xA1B0]  }
0x19d: {  	v2 =	vld [tilespmem:s12+$0x370];
	_ =	sdelay $0x4  }
0x19e: {  	v1 =	vmax.f32 v1, v2  }
0x19f: {  	s31 =	spop (v2sf);
	[tilespmem:s30+$0xA1B0] =	vst v1  }
0x1a0: {  	v1 =	vld [tilespmem:s31+$0xA140]  }
0x1a1: {  	v2 =	vld [tilespmem:s12+$0x380];
	_ =	sdelay $0x4  }
0x1a2: {  	v1 =	vmax.f32 v1, v2  }
0x1a3: {  	[tilespmem:s31+$0xA140] =	vst v1;
	v1 =	vld [tilespmem:s31+$0xA150]  }
0x1a4: {  	v2 =	vld [tilespmem:s12+$0x390];
	_ =	sdelay $0x4  }
0x1a5: {  	v1 =	vmax.f32 v1, v2  }
0x1a6: {  	[tilespmem:s31+$0xA150] =	vst v1;
	v1 =	vld [tilespmem:s31+$0xA160]  }
0x1a7: {  	v2 =	vld [tilespmem:s12+$0x3A0];
	_ =	sdelay $0x4  }
0x1a8: {  	v1 =	vmax.f32 v1, v2  }
0x1a9: {  	[tilespmem:s31+$0xA160] =	vst v1;
	v1 =	vld [tilespmem:s31+$0xA170]  }
0x1aa: {  	v2 =	vld [tilespmem:s12+$0x3B0];
	_ =	sdelay $0x4  }
0x1ab: {  	v1 =	vmax.f32 v1, v2  }
0x1ac: {  	[tilespmem:s31+$0xA170] =	vst v1;
	v1 =	vld [tilespmem:s31+$0xA180]  }
0x1ad: {  	v2 =	vld [tilespmem:s12+$0x3C0];
	_ =	sdelay $0x4  }
0x1ae: {  	v1 =	vmax.f32 v1, v2  }
0x1af: {  	[tilespmem:s31+$0xA180] =	vst v1;
	v1 =	vld [tilespmem:s31+$0xA190]  }
0x1b0: {  	v2 =	vld [tilespmem:s12+$0x3D0];
	_ =	sdelay $0x4  }
0x1b1: {  	v1 =	vmax.f32 v1, v2  }
0x1b2: {  	[tilespmem:s31+$0xA190] =	vst v1;
	v1 =	vld [tilespmem:s31+$0xA1A0]  }
0x1b3: {  	v2 =	vld [tilespmem:s12+$0x3E0];
	_ =	sdelay $0x4  }
0x1b4: {  	v1 =	vmax.f32 v1, v2  }
0x1b5: {  	[tilespmem:s31+$0xA1A0] =	vst v1;
	v1 =	vld [tilespmem:s31+$0xA1B0]  }
0x1b6: {  	v2 =	vld [tilespmem:s12+$0x3F0]  }
0x1b7: {  	p0 =	sne.s32 s11, $0x4C0  }
.Ltmp1:
0x1b8: {  	_ = 	snop;
	(pc) =	sbr.rel @p0 .LBB2_4-.Ltmp1, $3  }
0x1b9: {  	_ =	sdelay $0x1  }
0x1ba: {  	v1 =	vmax.f32 v1, v2  }
0x1bb: {  	s11 =	sadd.s32 $0x40, s11;
	s12 =	sadd.s32 $0x800, s12;
	[tilespmem:s31+$0xA1B0] =	vst v1  }
0x1bc: {  	s10 =	sadd.s32 $0x1, s10  }
0x1bd: {  	p0 =	sne.s32 s10, s6  }
.Ltmp2:
0x1be: {  	_ = 	snop;
	(pc) =	sbr.rel @p0 .LBB2_1-.Ltmp2, $4  }
0x1bf: {  	[hbm4b:s5+s2] =	stream.linear.scatter [tilespmem:s9], [sflag:$0x1], $0x8400, $0x38;
	[tilespmem:$0x12540] =	vst v63  }
0x1c0: {  	_ =	swait.ge [sflag:s7], $0x8400  }
0x1c1: {  	[sflag:s7] =	ssyncset.done $0x0  }
0x1c2: {  	[sflag:s7] =	ssyncadd.s32 $0xFFFF7C00  }
0x1c3: {  	_ =	sfence.sel $0x180000  }
0x1c4: {  	[bflag:$0x0] =	sbarrier.arrive $0xFFFF  }
0x1c5: {  	p0 =	sne.s32 s0, $0x0;
	_ =	strace $0x90000053  }
0x1c6: {  	s0 =	sadd.s32 @!p0 $0x100000, s1;
	[bflag:$0x2] =	sbarrier.arrive $0xFFFF  }
0x1c7: {  	[sflag:s0] =	ssyncadd.tile.s32 @!p0 $0x1;
	_ =	shalt  }
.Lfunc_end2:
_tile_overlayer_lowered:
.L_overlay_start_2:
0x1c8: {  	(tag) =	ssettag $0x2  }
0x1c9: {  	s0 =	rddreg [dreg:$0x0];
	s2 =	stileid.u32  }
0x1ca: {  	s1 =	rddreg [dreg:$0x1];
	p0 =	sne.s32 s2, $0x0  }
0x1cb: {  	s3 =	rddreg [dreg:$0x2];
	[bflag:$0x3] =	sbarrier.arrive $0xFFFF;
	s2 =	simm.s32 @!p0 $0x1C01  }
0x1cc: {  	[timem:s3], [sflag:s2] =	dma.local @!p0 [hbm:s0], s1  }
0x1cd: {  	s0 =	simm.s32 @!p0 $0x1  }
0x1ce: {  	_ =	swait.ge @!p0 [sflag:s0], s1  }
0x1cf: {  	s1 =	ssub.s32 @!p0 $0x0, s1;
	[sflag:s0] =	ssyncset.done @!p0 $0x0  }
0x1d0: {  	[sflag:s0] =	ssyncadd.s32 @!p0 s1  }
0x1d1: {  	[bflag:$0x3] =	sbarrier.arrive $0xFFFF  }
0x1d2: {  	_ =	shalt  }

</sc_bundles>
